<compile_context>
chip_gen: v7x
topology: tpu7x:2x2x1
jax: 0.10.2.dev20260603
libtpu: 0.0.44.dev20260713+nightly
codegen_flags: <defaults>
</compile_context>

<pallas_src>
import functools

import jax
import jax.numpy as jnp
from jax import lax
from jax.experimental import pallas as pl
from jax.experimental.pallas import tpu as pltpu
from jax.experimental.pallas import tpu_sc as plsc

N = 100000
E = 6400000
DIM = 128
NPAD = 102400
NSUB = 16
NCORE = 2
NW = NSUB * NCORE
EPW = E // NW
CHUNK = 2000
NCH = EPW // CHUNK
SLC = NPAD // NSUB

_sc_mesh = None


def _mesh():
    global _sc_mesh
    if _sc_mesh is None:
        _sc_mesh = plsc.VectorSubcoreMesh(core_axis_name="c", subcore_axis_name="s")
    return _sc_mesh


_SC_PARAMS = pltpu.CompilerParams(needs_layout_passes=False)


def _zero_vmem(buf, nwords):
    z = jnp.zeros((16,), jnp.float32)

    def zz(i, _):
        o = i * 128
        for k in range(8):
            buf[pl.ds(o + k * 16, 16)] = z
        return 0

    lax.fori_loop(0, nwords // 128, zz, 0)


def _in_copies(ei, ei_off, src_hbm, idxbuf, valbuf, sem, wid, c, b):
    base = pl.multiple_of(wid * EPW + c * CHUNK, 8)
    sl = pl.ds(b * CHUNK, CHUNK)
    return (
        pltpu.make_async_copy(ei.at[pl.ds(ei_off + base, CHUNK)], idxbuf.at[sl],
                              sem.at[b]),
        pltpu.make_async_copy(src_hbm.at[pl.ds(base, CHUNK)], valbuf.at[sl],
                              sem.at[b]),
    )


def _pipe_scatter(acc, ei, src_hbm, idxbuf, valbuf, sem, wid):
    for d in _in_copies(ei, E, src_hbm, idxbuf, valbuf, sem, wid, 0, 0):
        d.start()

    def body(c, _):
        b = lax.rem(c, 2)

        @pl.when(c + 1 < NCH)
        def _():
            for d in _in_copies(ei, E, src_hbm, idxbuf, valbuf, sem, wid,
                                c + 1, 1 - b):
                d.start()

        for d in _in_copies(ei, E, src_hbm, idxbuf, valbuf, sem, wid, c, b):
            d.wait()

        def inner(i, _):
            o = b * CHUNK + i * 80
            for k in range(5):
                ok = o + k * 16
                plsc.addupdate_scatter(acc, [idxbuf[pl.ds(ok, 16)]],
                                       valbuf[pl.ds(ok, 16)])
            return 0

        lax.fori_loop(0, CHUNK // 80, inner, 0)
        return 0

    lax.fori_loop(0, NCH, body, 0)


def _pipe_gather(ubuf, ei, w, msg, idxbuf, valbuf, msgbuf, semi, semo, wid):

    def out_copy(c, b):
        base = pl.multiple_of(wid * EPW + c * CHUNK, 8)
        return pltpu.make_async_copy(msgbuf.at[pl.ds(b * CHUNK, CHUNK)],
                                     msg.at[pl.ds(base, CHUNK)], semo.at[b])

    for d in _in_copies(ei, 0, w, idxbuf, valbuf, semi, wid, 0, 0):
        d.start()

    def body(c, _):
        b = lax.rem(c, 2)

        @pl.when(c + 1 < NCH)
        def _():
            for d in _in_copies(ei, 0, w, idxbuf, valbuf, semi, wid, c + 1, 1 - b):
                d.start()

        for d in _in_copies(ei, 0, w, idxbuf, valbuf, semi, wid, c, b):
            d.wait()

        @pl.when(c >= 2)
        def _():
            out_copy(c - 2, b).wait()

        def inner(i, _):
            o = b * CHUNK + i * 80
            for k in range(5):
                ok = o + k * 16
                g = plsc.load_gather(ubuf, [idxbuf[pl.ds(ok, 16)]])
                msgbuf[pl.ds(ok, 16)] = g * valbuf[pl.ds(ok, 16)]
            return 0

        lax.fori_loop(0, CHUNK // 80, inner, 0)
        out_copy(c, b).start()
        return 0

    lax.fori_loop(0, NCH, body, 0)
    out_copy(NCH - 2, 0).wait()
    out_copy(NCH - 1, 1).wait()


def _reduce_to_partial(acc, accs_hbm, out_hbm, cid, sid, semr):
    wid = cid * NSUB + sid
    pltpu.sync_copy(acc, accs_hbm.at[pl.ds(wid * NPAD, NPAD)])
    plsc.subcore_barrier()

    def rd_copy(t):
        src = pl.multiple_of((cid * NSUB + t) * NPAD + sid * SLC, 8)
        return pltpu.make_async_copy(accs_hbm.at[pl.ds(src, SLC)],
                                     acc.at[pl.ds(t * SLC, SLC)], semr)

    def fire(t, _):
        rd_copy(t).start()
        return 0

    def drain(t, _):
        rd_copy(t).wait()
        return 0

    lax.fori_loop(0, NSUB, fire, 0)
    lax.fori_loop(0, NSUB, drain, 0)

    def red(j, _):
        o = j * 16
        v = [acc[pl.ds(t * SLC + o, 16)] for t in range(NSUB)]
        while len(v) > 1:
            v = [v[i] + v[i + 1] for i in range(0, len(v), 2)]
        acc[pl.ds(o, 16)] = v[0]
        return 0

    lax.fori_loop(0, SLC // 16, red, 0)
    pltpu.sync_copy(acc.at[pl.ds(0, SLC)],
                    out_hbm.at[pl.ds(cid * NPAD + sid * SLC, SLC)])


@functools.partial(
    pl.kernel,
    out_type=(
        jax.ShapeDtypeStruct((NCORE * NPAD,), jnp.float32),
        jax.ShapeDtypeStruct((NW * NPAD,), jnp.float32),
    ),
    mesh=_mesh(),
    compiler_params=_SC_PARAMS,
    scratch_types=[
        pltpu.VMEM((NPAD,), jnp.float32),
        pltpu.VMEM((2 * CHUNK,), jnp.int32),
        pltpu.VMEM((2 * CHUNK,), jnp.float32),
        pltpu.SemaphoreType.DMA((2,)),
        pltpu.SemaphoreType.DMA,
    ],
)
def _deg_kernel(ei, w, degp, accs, acc, idxbuf, valbuf, semi, semr):
    cid = lax.axis_index("c")
    sid = lax.axis_index("s")
    wid = cid * NSUB + sid
    _zero_vmem(acc, NPAD)
    _pipe_scatter(acc, ei, w, idxbuf, valbuf, semi, wid)
    _reduce_to_partial(acc, accs, degp, cid, sid, semr)


def _make_hop_kernel(first):

    @functools.partial(
        pl.kernel,
        out_type=(
            jax.ShapeDtypeStruct((NCORE * NPAD,), jnp.float32),
            jax.ShapeDtypeStruct((NPAD,), jnp.float32),
            jax.ShapeDtypeStruct((E,), jnp.float32),
            jax.ShapeDtypeStruct((NW * NPAD,), jnp.float32),
        ),
        mesh=_mesh(),
        compiler_params=_SC_PARAMS,
        scratch_types=[
            pltpu.VMEM((NPAD,), jnp.float32),
            pltpu.VMEM((2 * CHUNK,), jnp.int32),
            pltpu.VMEM((2 * CHUNK,), jnp.float32),
            pltpu.VMEM((2 * CHUNK,), jnp.float32),
            pltpu.VMEM_SHARED((NPAD,), jnp.float32),
            pltpu.SemaphoreType.DMA((2,)),
            pltpu.SemaphoreType.DMA((2,)),
            pltpu.SemaphoreType.DMA,
        ],
    )
    def _hop(pa, nodevec, ei, w, partials, node_out, msg, accs, ubuf, idxbuf,
             valbuf, msgbuf, ubc, semi, semo, semr):
        cid = lax.axis_index("c")
        sid = lax.axis_index("s")
        wid = cid * NSUB + sid
        slc = pl.ds(sid * SLC, SLC)

        pltpu.sync_copy(pa.at[pl.ds(sid * SLC, SLC)], ubuf.at[pl.ds(0, SLC)])
        pltpu.sync_copy(pa.at[pl.ds(NPAD + sid * SLC, SLC)],
                        ubuf.at[pl.ds(SLC, SLC)])
        pltpu.sync_copy(nodevec.at[slc], ubuf.at[pl.ds(2 * SLC, SLC)])

        def pro(j, _):
            o = j * 16
            v = ubuf[pl.ds(2 * SLC + o, 16)]
            if first:
                h = ubuf[pl.ds(o, 16)]
            else:
                s = ubuf[pl.ds(o, 16)] + ubuf[pl.ds(SLC + o, 16)]
                h = v * s
            ubuf[pl.ds(o, 16)] = h
            ubuf[pl.ds(SLC + o, 16)] = v * h
            return 0

        lax.fori_loop(0, SLC // 16, pro, 0)

        @pl.when(cid == 0)
        def _():
            pltpu.sync_copy(ubuf.at[pl.ds(0, SLC)], node_out.at[slc])

        pltpu.sync_copy(ubuf.at[pl.ds(SLC, SLC)], ubc.at[slc])
        plsc.subcore_barrier()
        pltpu.sync_copy(ubc, ubuf)
        plsc.subcore_barrier()

        _pipe_gather(ubuf, ei, w, msg, idxbuf, valbuf, msgbuf, semi, semo, wid)

        _zero_vmem(ubuf, NPAD)
        _pipe_scatter(ubuf, ei, msg, idxbuf, valbuf, semi, wid)
        _reduce_to_partial(ubuf, accs, partials, cid, sid, semr)

    return _hop


_hop_first = _make_hop_kernel(True)
_hop_next = _make_hop_kernel(False)

BLKR = 2048


def _head_body(x0, h1, h2, dis, s30, s31, wt0, wt1, wt2, wt3, bt, w1, b1,
               w2, b2, out):
    h3 = dis[...] * (s30[...] + s31[...])
    z = x0[...] * wt0[...]
    z = z + h1[...] * wt1[...]
    z = z + h2[...] * wt2[...]
    z = z + h3 * wt3[...]
    z = jnp.maximum(z + bt[...], 0.0)
    z = lax.dot_general(z, w1[...], (((1,), (1,)), ((), ())),
                        precision=lax.Precision.DEFAULT,
                        preferred_element_type=jnp.float32)
    z = jnp.maximum(z + b1[...], 0.0)
    y = lax.dot_general(z, w2[...], (((1,), (0,)), ((), ())),
                        precision=lax.Precision.DEFAULT,
                        preferred_element_type=jnp.float32) + b2[...]
    out[...] = jnp.maximum(y, 0.0)


def _head(x0, h1, h2, dis, s30, s31, wt0, wt1, wt2, wt3, bt, w1, b1, w2, b2):
    full = lambda r, c: pl.BlockSpec((r, c), lambda i: (0, 0))
    blk = lambda c: pl.BlockSpec((BLKR, c), lambda i: (i, 0))
    return pl.pallas_call(
        _head_body,
        grid=(NPAD // BLKR,),
        in_specs=[blk(1), blk(1), blk(1), blk(1), blk(1), blk(1),
                  full(1, DIM), full(1, DIM), full(1, DIM), full(1, DIM),
                  full(1, DIM), full(DIM, DIM), full(1, DIM), full(DIM, 1),
                  full(1, 1)],
        out_specs=blk(1),
        out_shape=jax.ShapeDtypeStruct((NPAD, 1), jnp.float32),
    )(x0, h1, h2, dis, s30, s31, wt0, wt1, wt2, wt3, bt, w1, b1, w2, b2)


def kernel(x, edge_index, edge_attr, Wt0, Wt1, Wt2, Wt3, bt, W1, b1, W2, b2):
    if x.ndim == 1:
        x = x[:, None]
    xp = jnp.pad(x[:, 0].astype(jnp.float32), (0, NPAD - N))
    ei = edge_index.reshape(-1)
    degp, _ = _deg_kernel(ei, edge_attr)
    deg = degp[:NPAD] + degp[NPAD:]
    dis = jnp.where(deg > 0, deg ** -0.5, 0.0)
    x2 = jnp.concatenate([xp, jnp.zeros((NPAD,), jnp.float32)])
    s1p, _, _, _ = _hop_first(x2, dis, ei, edge_attr)
    s2p, h1, _, _ = _hop_next(s1p, dis, ei, edge_attr)
    s3p, h2, _, _ = _hop_next(s2p, dis, ei, edge_attr)
    out = _head(xp[:, None], h1[:, None], h2[:, None], dis[:, None],
                s3p[:NPAD, None], s3p[NPAD:, None], Wt0.T, Wt1.T, Wt2.T,
                Wt3.T, bt[None, :], W1, b1[None, :], W2.T, b2[None, :])
    return out[:N]

# --- scband reference (transcript-rebuilt; emitter-appended) ---
"""Pipeline reference for scband-agg-layer-4784593568488 (READ-ONLY COPY).

The authoritative reference and input builder live on the scoring server;
editing this copy changes nothing except your own understanding.
"""

import jax, jax.numpy as jnp
import numpy as np

N = 100000
E = 6400000
DIM = 128


def setup_inputs(seed: int = 0):
    key = jax.random.key(seed)
    ks = jax.random.split(key, 12)
    inp = {}
    inp['x'] = jax.random.normal(ks[0], (N, 1), dtype=jnp.float32)
    inp['edge_index'] = jax.random.randint(ks[1], (2, E), 0, N, dtype=jnp.int32)
    inp['edge_attr'] = jax.random.uniform(ks[2], (E,), dtype=jnp.float32)
    # TAGConv(1, DIM), K=3 -> 4 linear weights of shape [DIM, 1] plus bias [DIM]
    inp['Wt0'] = jax.random.normal(ks[3], (DIM, 1), dtype=jnp.float32) * 0.1
    inp['Wt1'] = jax.random.normal(ks[4], (DIM, 1), dtype=jnp.float32) * 0.1
    inp['Wt2'] = jax.random.normal(ks[5], (DIM, 1), dtype=jnp.float32) * 0.1
    inp['Wt3'] = jax.random.normal(ks[6], (DIM, 1), dtype=jnp.float32) * 0.1
    inp['bt'] = jnp.zeros((DIM,), dtype=jnp.float32)
    # fc head: Linear(DIM, DIM) -> ReLU -> Linear(DIM, 1) -> ReLU
    inp['W1'] = jax.random.normal(ks[7], (DIM, DIM), dtype=jnp.float32) * 0.05
    inp['b1'] = jnp.zeros((DIM,), dtype=jnp.float32)
    inp['W2'] = jax.random.normal(ks[8], (1, DIM), dtype=jnp.float32) * 0.05
    inp['b2'] = jnp.zeros((1,), dtype=jnp.float32)
    return inp


def reference(x, edge_index, edge_attr, Wt0, Wt1, Wt2, Wt3, bt, W1, b1, W2, b2):
    if x.ndim == 1:
        x = x[:, None]
    n = x.shape[0]
    row = edge_index[0]
    col = edge_index[1]
    w = edge_attr
    # gcn_norm (add_self_loops=False): D^{-1/2} A D^{-1/2} with edge weights
    deg = jax.ops.segment_sum(w, col, num_segments=n)
    dis = jnp.where(deg > 0, deg ** -0.5, 0.0)
    norm = dis[row] * w * dis[col]
    # TAGConv: out = sum_k lin_k( P^k x ) + bias, K=3
    out = x @ Wt0.T
    h = x
    for W in (Wt1, Wt2, Wt3):
        msg = norm[:, None] * h[row]
        h = jax.ops.segment_sum(msg, col, num_segments=n)
        out = out + h @ W.T
    out = out + bt
    out = jax.nn.relu(out)
    # fc head
    out = jax.nn.relu(out @ W1.T + b1)
    out = jax.nn.relu(out @ W2.T + b2)
    return out

if __name__ == "__main__":
    import jax
    _d = setup_inputs()
    print(jax.jit(kernel)(*tuple(_d.values())))

</pallas_src>

<mosaic_0001>
#map = affine_map<(d0, d1) -> (0)>
module attributes {stable_mosaic.version = 14 : i64} {
  func.func @_hop(%arg0: i32, %arg1: i32, %arg2: memref<204800xf32, #tpu.memory_space<hbm>>, %arg3: memref<102400xf32, #tpu.memory_space<hbm>>, %arg4: memref<12800000xi32, #tpu.memory_space<hbm>>, %arg5: memref<6400000xf32, #tpu.memory_space<hbm>>, %arg6: memref<204800xf32, #tpu.memory_space<hbm>>, %arg7: memref<102400xf32, #tpu.memory_space<hbm>>, %arg8: memref<6400000xf32, #tpu.memory_space<hbm>>, %arg9: memref<3276800xf32, #tpu.memory_space<hbm>>, %arg10: memref<102400xf32, #tpu.memory_space<vmem>>, %arg11: memref<4000xi32, #tpu.memory_space<vmem>>, %arg12: memref<4000xf32, #tpu.memory_space<vmem>>, %arg13: memref<4000xf32, #tpu.memory_space<vmem>>, %arg14: memref<102400xf32, #tpu.memory_space<vmem_shared>>, %arg15: memref<2x!tpu.dma_semaphore, #tpu.memory_space<semaphore_mem>>, %arg16: memref<2x!tpu.dma_semaphore, #tpu.memory_space<semaphore_mem>>, %arg17: memref<!tpu.dma_semaphore, #tpu.memory_space<semaphore_mem>>) attributes {dimension_semantics = [#tpu.dimension_semantics<core_parallel>, #tpu.dimension_semantics<subcore_parallel>], iteration_bounds = array<i64: 2, 16>, scalar_prefetch = 0 : i64, scratch_operands = 8 : i64, tpu.core_type = #tpu.core_type<sc_vector_subcore>, window_params = [{transform_indices = #map}, {transform_indices = #map}, {transform_indices = #map}, {transform_indices = #map}, {transform_indices = #map}, {transform_indices = #map}, {transform_indices = #map}, {transform_indices = #map}]} {
    %mul3A = arith.constant 16 : i32
    %mul3A_0 = arith.muli %arg0, %mul3A : i32
    %add3A = arith.addi %mul3A_0, %arg1 : i32
    %mul3A_1 = arith.constant 6400 : i32
    %mul3A_2 = arith.muli %arg1, %mul3A_1 : i32
    %mul3A_3 = arith.constant 6400 : i32
    %mul3A_4 = arith.muli %arg1, %mul3A_3 : i32
    "tpu.region"() ({
      %run_scoped3A = tpu.sem_alloc : memref<!tpu.dma_semaphore, #tpu.memory_space<semaphore_mem>>
      %dma_start3A_147 = arith.constant 0 : i32
      %dma_start3A_148 = tpu.memref_slice %arg10[%dma_start3A_147] : memref<102400xf32, #tpu.memory_space<vmem>> -> memref<6400xf32, #tpu.memory_space<vmem>>
      %dma_start3A_149 = tpu.memref_slice %arg2[%mul3A_4] : memref<204800xf32, #tpu.memory_space<hbm>> -> memref<6400xf32, #tpu.memory_space<hbm>>
      %dma_start3A_150 = arith.constant 0 : i32
      %dma_start3A_151 = tpu.memref_slice %arg10[%dma_start3A_150] : memref<102400xf32, #tpu.memory_space<vmem>> -> memref<6400xf32, #tpu.memory_space<vmem>>
      %dma_start3A_152 = tpu.memref_slice %arg2[%mul3A_4] : memref<204800xf32, #tpu.memory_space<hbm>> -> memref<6400xf32, #tpu.memory_space<hbm>>
      tpu.enqueue_dma source(%dma_start3A_152 : memref<6400xf32, #tpu.memory_space<hbm>>) target(%dma_start3A_151 : memref<6400xf32, #tpu.memory_space<vmem>>) target_semaphore(%run_scoped3A : memref<!tpu.dma_semaphore, #tpu.memory_space<semaphore_mem>>)
      %dma_wait3A_153 = arith.constant 0 : i32
      %dma_wait3A_154 = tpu.memref_slice %arg10[%dma_wait3A_153] : memref<102400xf32, #tpu.memory_space<vmem>> -> memref<6400xf32, #tpu.memory_space<vmem>>
      %dma_wait3A_155 = tpu.memref_slice %arg2[%mul3A_4] : memref<204800xf32, #tpu.memory_space<hbm>> -> memref<6400xf32, #tpu.memory_space<hbm>>
      %dma_wait3A_156 = arith.constant 0 : i32
      %dma_wait3A_157 = tpu.memref_slice %arg10[%dma_wait3A_156] : memref<102400xf32, #tpu.memory_space<vmem>> -> memref<6400xf32, #tpu.memory_space<vmem>>
      %dma_wait3A_158 = tpu.memref_slice %arg2[%mul3A_4] : memref<204800xf32, #tpu.memory_space<hbm>> -> memref<6400xf32, #tpu.memory_space<hbm>>
      tpu.wait_dma2 semaphore(%run_scoped3A : memref<!tpu.dma_semaphore, #tpu.memory_space<semaphore_mem>>) src(%dma_wait3A_158 : memref<6400xf32, #tpu.memory_space<hbm>>) dst(%dma_wait3A_157 : memref<6400xf32, #tpu.memory_space<vmem>>)
      tpu.yield
    }) : () -> ()
    %mul3A_5 = arith.constant 6400 : i32
    %mul3A_6 = arith.muli %arg1, %mul3A_5 : i32
    %add3A_7 = arith.constant 102400 : i32
    %add3A_8 = arith.addi %add3A_7, %mul3A_6 : i32
    "tpu.region"() ({
      %run_scoped3A = tpu.sem_alloc : memref<!tpu.dma_semaphore, #tpu.memory_space<semaphore_mem>>
      %dma_start3A_147 = arith.constant 6400 : i32
      %dma_start3A_148 = tpu.memref_slice %arg10[%dma_start3A_147] : memref<102400xf32, #tpu.memory_space<vmem>> -> memref<6400xf32, #tpu.memory_space<vmem>>
      %dma_start3A_149 = tpu.memref_slice %arg2[%add3A_8] : memref<204800xf32, #tpu.memory_space<hbm>> -> memref<6400xf32, #tpu.memory_space<hbm>>
      %dma_start3A_150 = arith.constant 6400 : i32
      %dma_start3A_151 = tpu.memref_slice %arg10[%dma_start3A_150] : memref<102400xf32, #tpu.memory_space<vmem>> -> memref<6400xf32, #tpu.memory_space<vmem>>
      %dma_start3A_152 = tpu.memref_slice %arg2[%add3A_8] : memref<204800xf32, #tpu.memory_space<hbm>> -> memref<6400xf32, #tpu.memory_space<hbm>>
      tpu.enqueue_dma source(%dma_start3A_152 : memref<6400xf32, #tpu.memory_space<hbm>>) target(%dma_start3A_151 : memref<6400xf32, #tpu.memory_space<vmem>>) target_semaphore(%run_scoped3A : memref<!tpu.dma_semaphore, #tpu.memory_space<semaphore_mem>>)
      %dma_wait3A_153 = arith.constant 6400 : i32
      %dma_wait3A_154 = tpu.memref_slice %arg10[%dma_wait3A_153] : memref<102400xf32, #tpu.memory_space<vmem>> -> memref<6400xf32, #tpu.memory_space<vmem>>
      %dma_wait3A_155 = tpu.memref_slice %arg2[%add3A_8] : memref<204800xf32, #tpu.memory_space<hbm>> -> memref<6400xf32, #tpu.memory_space<hbm>>
      %dma_wait3A_156 = arith.constant 6400 : i32
      %dma_wait3A_157 = tpu.memref_slice %arg10[%dma_wait3A_156] : memref<102400xf32, #tpu.memory_space<vmem>> -> memref<6400xf32, #tpu.memory_space<vmem>>
      %dma_wait3A_158 = tpu.memref_slice %arg2[%add3A_8] : memref<204800xf32, #tpu.memory_space<hbm>> -> memref<6400xf32, #tpu.memory_space<hbm>>
      tpu.wait_dma2 semaphore(%run_scoped3A : memref<!tpu.dma_semaphore, #tpu.memory_space<semaphore_mem>>) src(%dma_wait3A_158 : memref<6400xf32, #tpu.memory_space<hbm>>) dst(%dma_wait3A_157 : memref<6400xf32, #tpu.memory_space<vmem>>)
      tpu.yield
    }) : () -> ()
    "tpu.region"() ({
      %run_scoped3A = tpu.sem_alloc : memref<!tpu.dma_semaphore, #tpu.memory_space<semaphore_mem>>
      %dma_start3A_147 = arith.constant 12800 : i32
      %dma_start3A_148 = tpu.memref_slice %arg10[%dma_start3A_147] : memref<102400xf32, #tpu.memory_space<vmem>> -> memref<6400xf32, #tpu.memory_space<vmem>>
      %dma_start3A_149 = tpu.memref_slice %arg3[%mul3A_2] : memref<102400xf32, #tpu.memory_space<hbm>> -> memref<6400xf32, #tpu.memory_space<hbm>>
      %dma_start3A_150 = arith.constant 12800 : i32
      %dma_start3A_151 = tpu.memref_slice %arg10[%dma_start3A_150] : memref<102400xf32, #tpu.memory_space<vmem>> -> memref<6400xf32, #tpu.memory_space<vmem>>
      %dma_start3A_152 = tpu.memref_slice %arg3[%mul3A_2] : memref<102400xf32, #tpu.memory_space<hbm>> -> memref<6400xf32, #tpu.memory_space<hbm>>
      tpu.enqueue_dma source(%dma_start3A_152 : memref<6400xf32, #tpu.memory_space<hbm>>) target(%dma_start3A_151 : memref<6400xf32, #tpu.memory_space<vmem>>) target_semaphore(%run_scoped3A : memref<!tpu.dma_semaphore, #tpu.memory_space<semaphore_mem>>)
      %dma_wait3A_153 = arith.constant 12800 : i32
      %dma_wait3A_154 = tpu.memref_slice %arg10[%dma_wait3A_153] : memref<102400xf32, #tpu.memory_space<vmem>> -> memref<6400xf32, #tpu.memory_space<vmem>>
      %dma_wait3A_155 = tpu.memref_slice %arg3[%mul3A_2] : memref<102400xf32, #tpu.memory_space<hbm>> -> memref<6400xf32, #tpu.memory_space<hbm>>
      %dma_wait3A_156 = arith.constant 12800 : i32
      %dma_wait3A_157 = tpu.memref_slice %arg10[%dma_wait3A_156] : memref<102400xf32, #tpu.memory_space<vmem>> -> memref<6400xf32, #tpu.memory_space<vmem>>
      %dma_wait3A_158 = tpu.memref_slice %arg3[%mul3A_2] : memref<102400xf32, #tpu.memory_space<hbm>> -> memref<6400xf32, #tpu.memory_space<hbm>>
      tpu.wait_dma2 semaphore(%run_scoped3A : memref<!tpu.dma_semaphore, #tpu.memory_space<semaphore_mem>>) src(%dma_wait3A_158 : memref<6400xf32, #tpu.memory_space<hbm>>) dst(%dma_wait3A_157 : memref<6400xf32, #tpu.memory_space<vmem>>)
      tpu.yield
    }) : () -> ()
    %scan3A = arith.constant 0 : i32
    %scan3A_9 = arith.constant 0 : i32
    %scan3A_10 = arith.constant 400 : i32
    %scan3A_11 = arith.addi %scan3A_9, %scan3A_10 : i32
    %scan3A_12 = arith.constant 1 : i32
    %scan3A_13 = scf.for %scan3A_147 = %scan3A_9 to %scan3A_11 step %scan3A_12 iter_args(%scan3A_148 = %scan3A) -> (i32)  : i32 {
      %mul3A_149 = arith.constant 16 : i32
      %mul3A_150 = arith.muli %scan3A_147, %mul3A_149 : i32
      %add3A_151 = arith.constant 12800 : i32
      %add3A_152 = arith.addi %add3A_151, %mul3A_150 : i32
      %get3A = arith.index_cast %add3A_152 : i32 to index
      %get3A_153 = tpu.vector_load %arg10[%get3A] {strides = array<i32>} : memref<102400xf32, #tpu.memory_space<vmem>>, vector<16xf32>,
      %get3A_154 = arith.index_cast %mul3A_150 : i32 to index
      %get3A_155 = tpu.vector_load %arg10[%get3A_154] {strides = array<i32>} : memref<102400xf32, #tpu.memory_space<vmem>>, vector<16xf32>,
      %swap3A = arith.index_cast %mul3A_150 : i32 to index
      %swap3A_156 = tpu.vector_load %arg10[%swap3A] {strides = array<i32>} : memref<102400xf32, #tpu.memory_space<vmem>>, vector<16xf32>,
      tpu.vector_store %arg10[%swap3A], %get3A_155 {strides = array<i32>} : memref<102400xf32, #tpu.memory_space<vmem>>, vector<16xf32>,
      %mul3A_157 = arith.mulf %get3A_153, %get3A_155 : vector<16xf32>
      %add3A_158 = arith.constant 6400 : i32
      %add3A_159 = arith.addi %add3A_158, %mul3A_150 : i32
      %swap3A_160 = arith.index_cast %add3A_159 : i32 to index
      %swap3A_161 = tpu.vector_load %arg10[%swap3A_160] {strides = array<i32>} : memref<102400xf32, #tpu.memory_space<vmem>>, vector<16xf32>,
      tpu.vector_store %arg10[%swap3A_160], %mul3A_157 {strides = array<i32>} : memref<102400xf32, #tpu.memory_space<vmem>>, vector<16xf32>,
      %scan3A_162 = arith.constant 0 : i32
      scf.yield %scan3A_162 : i32
    }
    %scan3A_14 = arith.constant 400 : i32
    %eq3A = arith.constant 0 : i32
    %eq3A_15 = arith.cmpi eq, %arg0, %eq3A : i32
    %convert_element_type3A = arith.extui %eq3A_15 : i1 to i32
    %cond3A = arith.constant 0 : i32
    %cond3A_16 = arith.cmpi ne, %convert_element_type3A, %cond3A : i32
    scf.if %cond3A_16 {
      "tpu.region"() ({
        %run_scoped3A = tpu.sem_alloc : memref<!tpu.dma_semaphore, #tpu.memory_space<semaphore_mem>>
        %dma_start3A_147 = arith.constant 0 : i32
        %dma_start3A_148 = tpu.memref_slice %arg10[%dma_start3A_147] : memref<102400xf32, #tpu.memory_space<vmem>> -> memref<6400xf32, #tpu.memory_space<vmem>>
        %dma_start3A_149 = tpu.memref_slice %arg7[%mul3A_2] : memref<102400xf32, #tpu.memory_space<hbm>> -> memref<6400xf32, #tpu.memory_space<hbm>>
        %dma_start3A_150 = tpu.memref_slice %arg7[%mul3A_2] : memref<102400xf32, #tpu.memory_space<hbm>> -> memref<6400xf32, #tpu.memory_space<hbm>>
        %dma_start3A_151 = arith.constant 0 : i32
        %dma_start3A_152 = tpu.memref_slice %arg10[%dma_start3A_151] : memref<102400xf32, #tpu.memory_space<vmem>> -> memref<6400xf32, #tpu.memory_space<vmem>>
        tpu.enqueue_dma source(%dma_start3A_152 : memref<6400xf32, #tpu.memory_space<vmem>>) target(%dma_start3A_150 : memref<6400xf32, #tpu.memory_space<hbm>>) target_semaphore(%run_scoped3A : memref<!tpu.dma_semaphore, #tpu.memory_space<semaphore_mem>>)
        %dma_wait3A_153 = arith.constant 0 : i32
        %dma_wait3A_154 = tpu.memref_slice %arg10[%dma_wait3A_153] : memref<102400xf32, #tpu.memory_space<vmem>> -> memref<6400xf32, #tpu.memory_space<vmem>>
        %dma_wait3A_155 = tpu.memref_slice %arg7[%mul3A_2] : memref<102400xf32, #tpu.memory_space<hbm>> -> memref<6400xf32, #tpu.memory_space<hbm>>
        %dma_wait3A_156 = tpu.memref_slice %arg7[%mul3A_2] : memref<102400xf32, #tpu.memory_space<hbm>> -> memref<6400xf32, #tpu.memory_space<hbm>>
        %dma_wait3A_157 = arith.constant 0 : i32
        %dma_wait3A_158 = tpu.memref_slice %arg10[%dma_wait3A_157] : memref<102400xf32, #tpu.memory_space<vmem>> -> memref<6400xf32, #tpu.memory_space<vmem>>
        tpu.wait_dma2 semaphore(%run_scoped3A : memref<!tpu.dma_semaphore, #tpu.memory_space<semaphore_mem>>) src(%dma_wait3A_158 : memref<6400xf32, #tpu.memory_space<vmem>>) dst(%dma_wait3A_156 : memref<6400xf32, #tpu.memory_space<hbm>>)
        tpu.yield
      }) : () -> ()
    } else {
    }
    "tpu.region"() ({
      %run_scoped3A = tpu.sem_alloc : memref<!tpu.dma_semaphore, #tpu.memory_space<semaphore_mem>>
      %dma_start3A_147 = arith.constant 6400 : i32
      %dma_start3A_148 = tpu.memref_slice %arg10[%dma_start3A_147] : memref<102400xf32, #tpu.memory_space<vmem>> -> memref<6400xf32, #tpu.memory_space<vmem>>
      %dma_start3A_149 = tpu.memref_slice %arg14[%mul3A_2] : memref<102400xf32, #tpu.memory_space<vmem_shared>> -> memref<6400xf32, #tpu.memory_space<vmem_shared>>
      %dma_start3A_150 = tpu.memref_slice %arg14[%mul3A_2] : memref<102400xf32, #tpu.memory_space<vmem_shared>> -> memref<6400xf32, #tpu.memory_space<vmem_shared>>
      %dma_start3A_151 = arith.constant 6400 : i32
      %dma_start3A_152 = tpu.memref_slice %arg10[%dma_start3A_151] : memref<102400xf32, #tpu.memory_space<vmem>> -> memref<6400xf32, #tpu.memory_space<vmem>>
      tpu.enqueue_dma source(%dma_start3A_152 : memref<6400xf32, #tpu.memory_space<vmem>>) target(%dma_start3A_150 : memref<6400xf32, #tpu.memory_space<vmem_shared>>) target_semaphore(%run_scoped3A : memref<!tpu.dma_semaphore, #tpu.memory_space<semaphore_mem>>)
      %dma_wait3A_153 = arith.constant 6400 : i32
      %dma_wait3A_154 = tpu.memref_slice %arg10[%dma_wait3A_153] : memref<102400xf32, #tpu.memory_space<vmem>> -> memref<6400xf32, #tpu.memory_space<vmem>>
      %dma_wait3A_155 = tpu.memref_slice %arg14[%mul3A_2] : memref<102400xf32, #tpu.memory_space<vmem_shared>> -> memref<6400xf32, #tpu.memory_space<vmem_shared>>
      %dma_wait3A_156 = tpu.memref_slice %arg14[%mul3A_2] : memref<102400xf32, #tpu.memory_space<vmem_shared>> -> memref<6400xf32, #tpu.memory_space<vmem_shared>>
      %dma_wait3A_157 = arith.constant 6400 : i32
      %dma_wait3A_158 = tpu.memref_slice %arg10[%dma_wait3A_157] : memref<102400xf32, #tpu.memory_space<vmem>> -> memref<6400xf32, #tpu.memory_space<vmem>>
      tpu.wait_dma2 semaphore(%run_scoped3A : memref<!tpu.dma_semaphore, #tpu.memory_space<semaphore_mem>>) src(%dma_wait3A_158 : memref<6400xf32, #tpu.memory_space<vmem>>) dst(%dma_wait3A_156 : memref<6400xf32, #tpu.memory_space<vmem_shared>>)
      tpu.yield
    }) : () -> ()
    %barrier3A = arith.constant 0 : index
    tpu.barrier barrier_id(%barrier3A)
    "tpu.region"() ({
      %run_scoped3A = tpu.sem_alloc : memref<!tpu.dma_semaphore, #tpu.memory_space<semaphore_mem>>
      tpu.enqueue_dma source(%arg14 : memref<102400xf32, #tpu.memory_space<vmem_shared>>) target(%arg10 : memref<102400xf32, #tpu.memory_space<vmem>>) target_semaphore(%run_scoped3A : memref<!tpu.dma_semaphore, #tpu.memory_space<semaphore_mem>>)
      tpu.wait_dma2 semaphore(%run_scoped3A : memref<!tpu.dma_semaphore, #tpu.memory_space<semaphore_mem>>) src(%arg14 : memref<102400xf32, #tpu.memory_space<vmem_shared>>) dst(%arg10 : memref<102400xf32, #tpu.memory_space<vmem>>)
      tpu.yield
    }) : () -> ()
    %barrier3A_17 = arith.constant 0 : index
    tpu.barrier barrier_id(%barrier3A_17)
    %mul3A_18 = arith.constant 200000 : i32
    %mul3A_19 = arith.muli %add3A, %mul3A_18 : i32
    %add3A_20 = arith.constant 0 : i32
    %add3A_21 = arith.addi %mul3A_19, %add3A_20 : i32
    %multiple_of3A = tpu.assume_multiple %add3A_21, 8 : i32
    %add3A_22 = arith.constant 0 : i32
    %add3A_23 = arith.addi %add3A_22, %multiple_of3A : i32
    %dma_start3A = arith.constant 0 : i32
    %dma_start3A_24 = arith.constant 0 : i32
    %dma_start3A_25 = tpu.memref_slice %arg11[%dma_start3A_24] : memref<4000xi32, #tpu.memory_space<vmem>> -> memref<2000xi32, #tpu.memory_space<vmem>>
    %dma_start3A_26 = tpu.memref_slice %arg4[%add3A_23] : memref<12800000xi32, #tpu.memory_space<hbm>> -> memref<2000xi32, #tpu.memory_space<hbm>>
    %dma_start3A_27 = tpu.memref_slice %arg15[%dma_start3A] : memref<2x!tpu.dma_semaphore, #tpu.memory_space<semaphore_mem>> -> memref<1x!tpu.dma_semaphore, #tpu.memory_space<semaphore_mem>>
    %dma_start3A_28 = tpu.memref_squeeze %dma_start3A_27 : memref<1x!tpu.dma_semaphore, #tpu.memory_space<semaphore_mem>> -> memref<!tpu.dma_semaphore, #tpu.memory_space<semaphore_mem>>
    %dma_start3A_29 = arith.constant 0 : i32
    %dma_start3A_30 = tpu.memref_slice %arg11[%dma_start3A_29] : memref<4000xi32, #tpu.memory_space<vmem>> -> memref<2000xi32, #tpu.memory_space<vmem>>
    %dma_start3A_31 = tpu.memref_slice %arg4[%add3A_23] : memref<12800000xi32, #tpu.memory_space<hbm>> -> memref<2000xi32, #tpu.memory_space<hbm>>
    tpu.enqueue_dma source(%dma_start3A_31 : memref<2000xi32, #tpu.memory_space<hbm>>) target(%dma_start3A_30 : memref<2000xi32, #tpu.memory_space<vmem>>) target_semaphore(%dma_start3A_28 : memref<!tpu.dma_semaphore, #tpu.memory_space<semaphore_mem>>)
    %dma_start3A_32 = arith.constant 0 : i32
    %dma_start3A_33 = arith.constant 0 : i32
    %dma_start3A_34 = tpu.memref_slice %arg12[%dma_start3A_33] : memref<4000xf32, #tpu.memory_space<vmem>> -> memref<2000xf32, #tpu.memory_space<vmem>>
    %dma_start3A_35 = tpu.memref_slice %arg5[%multiple_of3A] : memref<6400000xf32, #tpu.memory_space<hbm>> -> memref<2000xf32, #tpu.memory_space<hbm>>
    %dma_start3A_36 = tpu.memref_slice %arg15[%dma_start3A_32] : memref<2x!tpu.dma_semaphore, #tpu.memory_space<semaphore_mem>> -> memref<1x!tpu.dma_semaphore, #tpu.memory_space<semaphore_mem>>
    %dma_start3A_37 = tpu.memref_squeeze %dma_start3A_36 : memref<1x!tpu.dma_semaphore, #tpu.memory_space<semaphore_mem>> -> memref<!tpu.dma_semaphore, #tpu.memory_space<semaphore_mem>>
    %dma_start3A_38 = arith.constant 0 : i32
    %dma_start3A_39 = tpu.memref_slice %arg12[%dma_start3A_38] : memref<4000xf32, #tpu.memory_space<vmem>> -> memref<2000xf32, #tpu.memory_space<vmem>>
    %dma_start3A_40 = tpu.memref_slice %arg5[%multiple_of3A] : memref<6400000xf32, #tpu.memory_space<hbm>> -> memref<2000xf32, #tpu.memory_space<hbm>>
    tpu.enqueue_dma source(%dma_start3A_40 : memref<2000xf32, #tpu.memory_space<hbm>>) target(%dma_start3A_39 : memref<2000xf32, #tpu.memory_space<vmem>>) target_semaphore(%dma_start3A_37 : memref<!tpu.dma_semaphore, #tpu.memory_space<semaphore_mem>>)
    %scan3A_41 = arith.constant 0 : i32
    %scan3A_42 = arith.constant 0 : i32
    %scan3A_43 = arith.constant 100 : i32
    %scan3A_44 = arith.addi %scan3A_42, %scan3A_43 : i32
    %scan3A_45 = arith.constant 1 : i32
    %scan3A_46 = scf.for %scan3A_147 = %scan3A_42 to %scan3A_44 step %scan3A_45 iter_args(%scan3A_148 = %scan3A_41) -> (i32)  : i32 {
      %rem3A = arith.constant 2 : i32
      %rem3A_149 = arith.remsi %scan3A_147, %rem3A : i32
      %add3A_150 = arith.constant 1 : i32
      %add3A_151 = arith.addi %scan3A_147, %add3A_150 : i32
      %lt3A = arith.constant 100 : i32
      %lt3A_152 = arith.cmpi slt, %add3A_151, %lt3A : i32
      %convert_element_type3A_153 = arith.extui %lt3A_152 : i1 to i32
      %cond3A_154 = arith.constant 0 : i32
      %cond3A_155 = arith.cmpi ne, %convert_element_type3A_153, %cond3A_154 : i32
      scf.if %cond3A_155 {
        %add3A_204 = arith.constant 1 : i32
        %add3A_205 = arith.addi %scan3A_147, %add3A_204 : i32
        %sub3A = arith.constant 1 : i32
        %sub3A_206 = arith.subi %sub3A, %rem3A_149 : i32
        %mul3A_207 = arith.constant 200000 : i32
        %mul3A_208 = arith.muli %add3A, %mul3A_207 : i32
        %mul3A_209 = arith.constant 2000 : i32
        %mul3A_210 = arith.muli %add3A_205, %mul3A_209 : i32
        %add3A_211 = arith.addi %mul3A_208, %mul3A_210 : i32
        %multiple_of3A_212 = tpu.assume_multiple %add3A_211, 8 : i32
        %mul3A_213 = arith.constant 2000 : i32
        %mul3A_214 = arith.muli %sub3A_206, %mul3A_213 : i32
        %add3A_215 = arith.constant 0 : i32
        %add3A_216 = arith.addi %add3A_215, %multiple_of3A_212 : i32
        %dma_start3A_217 = tpu.memref_slice %arg11[%mul3A_214] : memref<4000xi32, #tpu.memory_space<vmem>> -> memref<2000xi32, #tpu.memory_space<vmem>>
        %dma_start3A_218 = tpu.memref_slice %arg4[%add3A_216] : memref<12800000xi32, #tpu.memory_space<hbm>> -> memref<2000xi32, #tpu.memory_space<hbm>>
        %dma_start3A_219 = tpu.memref_slice %arg15[%sub3A_206] : memref<2x!tpu.dma_semaphore, #tpu.memory_space<semaphore_mem>> -> memref<1x!tpu.dma_semaphore, #tpu.memory_space<semaphore_mem>>
        %dma_start3A_220 = tpu.memref_squeeze %dma_start3A_219 : memref<1x!tpu.dma_semaphore, #tpu.memory_space<semaphore_mem>> -> memref<!tpu.dma_semaphore, #tpu.memory_space<semaphore_mem>>
        %dma_start3A_221 = tpu.memref_slice %arg11[%mul3A_214] : memref<4000xi32, #tpu.memory_space<vmem>> -> memref<2000xi32, #tpu.memory_space<vmem>>
        %dma_start3A_222 = tpu.memref_slice %arg4[%add3A_216] : memref<12800000xi32, #tpu.memory_space<hbm>> -> memref<2000xi32, #tpu.memory_space<hbm>>
        tpu.enqueue_dma source(%dma_start3A_222 : memref<2000xi32, #tpu.memory_space<hbm>>) target(%dma_start3A_221 : memref<2000xi32, #tpu.memory_space<vmem>>) target_semaphore(%dma_start3A_220 : memref<!tpu.dma_semaphore, #tpu.memory_space<semaphore_mem>>)
        %dma_start3A_223 = tpu.memref_slice %arg12[%mul3A_214] : memref<4000xf32, #tpu.memory_space<vmem>> -> memref<2000xf32, #tpu.memory_space<vmem>>
        %dma_start3A_224 = tpu.memref_slice %arg5[%multiple_of3A_212] : memref<6400000xf32, #tpu.memory_space<hbm>> -> memref<2000xf32, #tpu.memory_space<hbm>>
        %dma_start3A_225 = tpu.memref_slice %arg15[%sub3A_206] : memref<2x!tpu.dma_semaphore, #tpu.memory_space<semaphore_mem>> -> memref<1x!tpu.dma_semaphore, #tpu.memory_space<semaphore_mem>>
        %dma_start3A_226 = tpu.memref_squeeze %dma_start3A_225 : memref<1x!tpu.dma_semaphore, #tpu.memory_space<semaphore_mem>> -> memref<!tpu.dma_semaphore, #tpu.memory_space<semaphore_mem>>
        %dma_start3A_227 = tpu.memref_slice %arg12[%mul3A_214] : memref<4000xf32, #tpu.memory_space<vmem>> -> memref<2000xf32, #tpu.memory_space<vmem>>
        %dma_start3A_228 = tpu.memref_slice %arg5[%multiple_of3A_212] : memref<6400000xf32, #tpu.memory_space<hbm>> -> memref<2000xf32, #tpu.memory_space<hbm>>
        tpu.enqueue_dma source(%dma_start3A_228 : memref<2000xf32, #tpu.memory_space<hbm>>) target(%dma_start3A_227 : memref<2000xf32, #tpu.memory_space<vmem>>) target_semaphore(%dma_start3A_226 : memref<!tpu.dma_semaphore, #tpu.memory_space<semaphore_mem>>)
      } else {
      }
      %mul3A_156 = arith.constant 200000 : i32
      %mul3A_157 = arith.muli %add3A, %mul3A_156 : i32
      %mul3A_158 = arith.constant 2000 : i32
      %mul3A_159 = arith.muli %scan3A_147, %mul3A_158 : i32
      %add3A_160 = arith.addi %mul3A_157, %mul3A_159 : i32
      %multiple_of3A_161 = tpu.assume_multiple %add3A_160, 8 : i32
      %mul3A_162 = arith.constant 2000 : i32
      %mul3A_163 = arith.muli %rem3A_149, %mul3A_162 : i32
      %add3A_164 = arith.constant 0 : i32
      %add3A_165 = arith.addi %add3A_164, %multiple_of3A_161 : i32
      %dma_wait3A_166 = tpu.memref_slice %arg11[%mul3A_163] : memref<4000xi32, #tpu.memory_space<vmem>> -> memref<2000xi32, #tpu.memory_space<vmem>>
      %dma_wait3A_167 = tpu.memref_slice %arg4[%add3A_165] : memref<12800000xi32, #tpu.memory_space<hbm>> -> memref<2000xi32, #tpu.memory_space<hbm>>
      %dma_wait3A_168 = tpu.memref_slice %arg15[%rem3A_149] : memref<2x!tpu.dma_semaphore, #tpu.memory_space<semaphore_mem>> -> memref<1x!tpu.dma_semaphore, #tpu.memory_space<semaphore_mem>>
      %dma_wait3A_169 = tpu.memref_squeeze %dma_wait3A_168 : memref<1x!tpu.dma_semaphore, #tpu.memory_space<semaphore_mem>> -> memref<!tpu.dma_semaphore, #tpu.memory_space<semaphore_mem>>
      %dma_wait3A_170 = tpu.memref_slice %arg11[%mul3A_163] : memref<4000xi32, #tpu.memory_space<vmem>> -> memref<2000xi32, #tpu.memory_space<vmem>>
      %dma_wait3A_171 = tpu.memref_slice %arg4[%add3A_165] : memref<12800000xi32, #tpu.memory_space<hbm>> -> memref<2000xi32, #tpu.memory_space<hbm>>
      tpu.wait_dma2 semaphore(%dma_wait3A_169 : memref<!tpu.dma_semaphore, #tpu.memory_space<semaphore_mem>>) src(%dma_wait3A_171 : memref<2000xi32, #tpu.memory_space<hbm>>) dst(%dma_wait3A_170 : memref<2000xi32, #tpu.memory_space<vmem>>)
      %dma_wait3A_172 = tpu.memref_slice %arg12[%mul3A_163] : memref<4000xf32, #tpu.memory_space<vmem>> -> memref<2000xf32, #tpu.memory_space<vmem>>
      %dma_wait3A_173 = tpu.memref_slice %arg5[%multiple_of3A_161] : memref<6400000xf32, #tpu.memory_space<hbm>> -> memref<2000xf32, #tpu.memory_space<hbm>>
      %dma_wait3A_174 = tpu.memref_slice %arg15[%rem3A_149] : memref<2x!tpu.dma_semaphore, #tpu.memory_space<semaphore_mem>> -> memref<1x!tpu.dma_semaphore, #tpu.memory_space<semaphore_mem>>
      %dma_wait3A_175 = tpu.memref_squeeze %dma_wait3A_174 : memref<1x!tpu.dma_semaphore, #tpu.memory_space<semaphore_mem>> -> memref<!tpu.dma_semaphore, #tpu.memory_space<semaphore_mem>>
      %dma_wait3A_176 = tpu.memref_slice %arg12[%mul3A_163] : memref<4000xf32, #tpu.memory_space<vmem>> -> memref<2000xf32, #tpu.memory_space<vmem>>
      %dma_wait3A_177 = tpu.memref_slice %arg5[%multiple_of3A_161] : memref<6400000xf32, #tpu.memory_space<hbm>> -> memref<2000xf32, #tpu.memory_space<hbm>>
      tpu.wait_dma2 semaphore(%dma_wait3A_175 : memref<!tpu.dma_semaphore, #tpu.memory_space<semaphore_mem>>) src(%dma_wait3A_177 : memref<2000xf32, #tpu.memory_space<hbm>>) dst(%dma_wait3A_176 : memref<2000xf32, #tpu.memory_space<vmem>>)
      %ge3A = arith.constant 2 : i32
      %ge3A_178 = arith.cmpi sge, %scan3A_147, %ge3A : i32
      %convert_element_type3A_179 = arith.extui %ge3A_178 : i1 to i32
      %cond3A_180 = arith.constant 0 : i32
      %cond3A_181 = arith.cmpi ne, %convert_element_type3A_179, %cond3A_180 : i32
      scf.if %cond3A_181 {
        %sub3A = arith.constant 2 : i32
        %sub3A_204 = arith.subi %scan3A_147, %sub3A : i32
        %mul3A_205 = arith.constant 200000 : i32
        %mul3A_206 = arith.muli %add3A, %mul3A_205 : i32
        %mul3A_207 = arith.constant 2000 : i32
        %mul3A_208 = arith.muli %sub3A_204, %mul3A_207 : i32
        %add3A_209 = arith.addi %mul3A_206, %mul3A_208 : i32
        %multiple_of3A_210 = tpu.assume_multiple %add3A_209, 8 : i32
        %mul3A_211 = arith.constant 2000 : i32
        %mul3A_212 = arith.muli %rem3A_149, %mul3A_211 : i32
        %dma_wait3A_213 = tpu.memref_slice %arg13[%mul3A_212] : memref<4000xf32, #tpu.memory_space<vmem>> -> memref<2000xf32, #tpu.memory_space<vmem>>
        %dma_wait3A_214 = tpu.memref_slice %arg8[%multiple_of3A_210] : memref<6400000xf32, #tpu.memory_space<hbm>> -> memref<2000xf32, #tpu.memory_space<hbm>>
        %dma_wait3A_215 = tpu.memref_slice %arg16[%rem3A_149] : memref<2x!tpu.dma_semaphore, #tpu.memory_space<semaphore_mem>> -> memref<1x!tpu.dma_semaphore, #tpu.memory_space<semaphore_mem>>
        %dma_wait3A_216 = tpu.memref_squeeze %dma_wait3A_215 : memref<1x!tpu.dma_semaphore, #tpu.memory_space<semaphore_mem>> -> memref<!tpu.dma_semaphore, #tpu.memory_space<semaphore_mem>>
        %dma_wait3A_217 = tpu.memref_slice %arg8[%multiple_of3A_210] : memref<6400000xf32, #tpu.memory_space<hbm>> -> memref<2000xf32, #tpu.memory_space<hbm>>
        %dma_wait3A_218 = tpu.memref_slice %arg13[%mul3A_212] : memref<4000xf32, #tpu.memory_space<vmem>> -> memref<2000xf32, #tpu.memory_space<vmem>>
        tpu.wait_dma2 semaphore(%dma_wait3A_216 : memref<!tpu.dma_semaphore, #tpu.memory_space<semaphore_mem>>) src(%dma_wait3A_218 : memref<2000xf32, #tpu.memory_space<vmem>>) dst(%dma_wait3A_217 : memref<2000xf32, #tpu.memory_space<hbm>>)
      } else {
      }
      %scan3A_182 = arith.constant 0 : i32
      %scan3A_183 = arith.constant 0 : i32
      %scan3A_184 = arith.constant 25 : i32
      %scan3A_185 = arith.addi %scan3A_183, %scan3A_184 : i32
      %scan3A_186 = arith.constant 1 : i32
      %scan3A_187 = scf.for %scan3A_204 = %scan3A_183 to %scan3A_185 step %scan3A_186 iter_args(%scan3A_205 = %scan3A_182) -> (i32)  : i32 {
        %mul3A_206 = arith.constant 2000 : i32
        %mul3A_207 = arith.muli %rem3A_149, %mul3A_206 : i32
        %mul3A_208 = arith.constant 80 : i32
        %mul3A_209 = arith.muli %scan3A_204, %mul3A_208 : i32
        %add3A_210 = arith.addi %mul3A_207, %mul3A_209 : i32
        %add3A_211 = arith.constant 0 : i32
        %add3A_212 = arith.addi %add3A_210, %add3A_211 : i32
        %get3A = arith.index_cast %add3A_212 : i32 to index
        %get3A_213 = tpu.vector_load %arg11[%get3A] {strides = array<i32>} : memref<4000xi32, #tpu.memory_space<vmem>>, vector<16xi32>,
        %gather3A = tpu.vector_load_idx %arg10[%get3A_213] : memref<102400xf32, #tpu.memory_space<vmem>>[vector<16xi32>], vector<16xf32>,
        %get3A_214 = arith.index_cast %add3A_212 : i32 to index
        %get3A_215 = tpu.vector_load %arg12[%get3A_214] {strides = array<i32>} : memref<4000xf32, #tpu.memory_space<vmem>>, vector<16xf32>,
        %mul3A_216 = arith.mulf %gather3A, %get3A_215 : vector<16xf32>
        %swap3A = arith.index_cast %add3A_212 : i32 to index
        %swap3A_217 = tpu.vector_load %arg13[%swap3A] {strides = array<i32>} : memref<4000xf32, #tpu.memory_space<vmem>>, vector<16xf32>,
        tpu.vector_store %arg13[%swap3A], %mul3A_216 {strides = array<i32>} : memref<4000xf32, #tpu.memory_space<vmem>>, vector<16xf32>,
        %add3A_218 = arith.constant 16 : i32
        %add3A_219 = arith.addi %add3A_210, %add3A_218 : i32
        %get3A_220 = arith.index_cast %add3A_219 : i32 to index
        %get3A_221 = tpu.vector_load %arg11[%get3A_220] {strides = array<i32>} : memref<4000xi32, #tpu.memory_space<vmem>>, vector<16xi32>,
        %gather3A_222 = tpu.vector_load_idx %arg10[%get3A_221] : memref<102400xf32, #tpu.memory_space<vmem>>[vector<16xi32>], vector<16xf32>,
        %get3A_223 = arith.index_cast %add3A_219 : i32 to index
        %get3A_224 = tpu.vector_load %arg12[%get3A_223] {strides = array<i32>} : memref<4000xf32, #tpu.memory_space<vmem>>, vector<16xf32>,
        %mul3A_225 = arith.mulf %gather3A_222, %get3A_224 : vector<16xf32>
        %swap3A_226 = arith.index_cast %add3A_219 : i32 to index
        %swap3A_227 = tpu.vector_load %arg13[%swap3A_226] {strides = array<i32>} : memref<4000xf32, #tpu.memory_space<vmem>>, vector<16xf32>,
        tpu.vector_store %arg13[%swap3A_226], %mul3A_225 {strides = array<i32>} : memref<4000xf32, #tpu.memory_space<vmem>>, vector<16xf32>,
        %add3A_228 = arith.constant 32 : i32
        %add3A_229 = arith.addi %add3A_210, %add3A_228 : i32
        %get3A_230 = arith.index_cast %add3A_229 : i32 to index
        %get3A_231 = tpu.vector_load %arg11[%get3A_230] {strides = array<i32>} : memref<4000xi32, #tpu.memory_space<vmem>>, vector<16xi32>,
        %gather3A_232 = tpu.vector_load_idx %arg10[%get3A_231] : memref<102400xf32, #tpu.memory_space<vmem>>[vector<16xi32>], vector<16xf32>,
        %get3A_233 = arith.index_cast %add3A_229 : i32 to index
        %get3A_234 = tpu.vector_load %arg12[%get3A_233] {strides = array<i32>} : memref<4000xf32, #tpu.memory_space<vmem>>, vector<16xf32>,
        %mul3A_235 = arith.mulf %gather3A_232, %get3A_234 : vector<16xf32>
        %swap3A_236 = arith.index_cast %add3A_229 : i32 to index
        %swap3A_237 = tpu.vector_load %arg13[%swap3A_236] {strides = array<i32>} : memref<4000xf32, #tpu.memory_space<vmem>>, vector<16xf32>,
        tpu.vector_store %arg13[%swap3A_236], %mul3A_235 {strides = array<i32>} : memref<4000xf32, #tpu.memory_space<vmem>>, vector<16xf32>,
        %add3A_238 = arith.constant 48 : i32
        %add3A_239 = arith.addi %add3A_210, %add3A_238 : i32
        %get3A_240 = arith.index_cast %add3A_239 : i32 to index
        %get3A_241 = tpu.vector_load %arg11[%get3A_240] {strides = array<i32>} : memref<4000xi32, #tpu.memory_space<vmem>>, vector<16xi32>,
        %gather3A_242 = tpu.vector_load_idx %arg10[%get3A_241] : memref<102400xf32, #tpu.memory_space<vmem>>[vector<16xi32>], vector<16xf32>,
        %get3A_243 = arith.index_cast %add3A_239 : i32 to index
        %get3A_244 = tpu.vector_load %arg12[%get3A_243] {strides = array<i32>} : memref<4000xf32, #tpu.memory_space<vmem>>, vector<16xf32>,
        %mul3A_245 = arith.mulf %gather3A_242, %get3A_244 : vector<16xf32>
        %swap3A_246 = arith.index_cast %add3A_239 : i32 to index
        %swap3A_247 = tpu.vector_load %arg13[%swap3A_246] {strides = array<i32>} : memref<4000xf32, #tpu.memory_space<vmem>>, vector<16xf32>,
        tpu.vector_store %arg13[%swap3A_246], %mul3A_245 {strides = array<i32>} : memref<4000xf32, #tpu.memory_space<vmem>>, vector<16xf32>,
        %add3A_248 = arith.constant 64 : i32
        %add3A_249 = arith.addi %add3A_210, %add3A_248 : i32
        %get3A_250 = arith.index_cast %add3A_249 : i32 to index
        %get3A_251 = tpu.vector_load %arg11[%get3A_250] {strides = array<i32>} : memref<4000xi32, #tpu.memory_space<vmem>>, vector<16xi32>,
        %gather3A_252 = tpu.vector_load_idx %arg10[%get3A_251] : memref<102400xf32, #tpu.memory_space<vmem>>[vector<16xi32>], vector<16xf32>,
        %get3A_253 = arith.index_cast %add3A_249 : i32 to index
        %get3A_254 = tpu.vector_load %arg12[%get3A_253] {strides = array<i32>} : memref<4000xf32, #tpu.memory_space<vmem>>, vector<16xf32>,
        %mul3A_255 = arith.mulf %gather3A_252, %get3A_254 : vector<16xf32>
        %swap3A_256 = arith.index_cast %add3A_249 : i32 to index
        %swap3A_257 = tpu.vector_load %arg13[%swap3A_256] {strides = array<i32>} : memref<4000xf32, #tpu.memory_space<vmem>>, vector<16xf32>,
        tpu.vector_store %arg13[%swap3A_256], %mul3A_255 {strides = array<i32>} : memref<4000xf32, #tpu.memory_space<vmem>>, vector<16xf32>,
        %scan3A_258 = arith.constant 0 : i32
        scf.yield %scan3A_258 : i32
      }
      %scan3A_188 = arith.constant 25 : i32
      %mul3A_189 = arith.constant 200000 : i32
      %mul3A_190 = arith.muli %add3A, %mul3A_189 : i32
      %mul3A_191 = arith.constant 2000 : i32
      %mul3A_192 = arith.muli %scan3A_147, %mul3A_191 : i32
      %add3A_193 = arith.addi %mul3A_190, %mul3A_192 : i32
      %multiple_of3A_194 = tpu.assume_multiple %add3A_193, 8 : i32
      %mul3A_195 = arith.constant 2000 : i32
      %mul3A_196 = arith.muli %rem3A_149, %mul3A_195 : i32
      %dma_start3A_197 = tpu.memref_slice %arg13[%mul3A_196] : memref<4000xf32, #tpu.memory_space<vmem>> -> memref<2000xf32, #tpu.memory_space<vmem>>
      %dma_start3A_198 = tpu.memref_slice %arg8[%multiple_of3A_194] : memref<6400000xf32, #tpu.memory_space<hbm>> -> memref<2000xf32, #tpu.memory_space<hbm>>
      %dma_start3A_199 = tpu.memref_slice %arg16[%rem3A_149] : memref<2x!tpu.dma_semaphore, #tpu.memory_space<semaphore_mem>> -> memref<1x!tpu.dma_semaphore, #tpu.memory_space<semaphore_mem>>
      %dma_start3A_200 = tpu.memref_squeeze %dma_start3A_199 : memref<1x!tpu.dma_semaphore, #tpu.memory_space<semaphore_mem>> -> memref<!tpu.dma_semaphore, #tpu.memory_space<semaphore_mem>>
      %dma_start3A_201 = tpu.memref_slice %arg8[%multiple_of3A_194] : memref<6400000xf32, #tpu.memory_space<hbm>> -> memref<2000xf32, #tpu.memory_space<hbm>>
      %dma_start3A_202 = tpu.memref_slice %arg13[%mul3A_196] : memref<4000xf32, #tpu.memory_space<vmem>> -> memref<2000xf32, #tpu.memory_space<vmem>>
      tpu.enqueue_dma source(%dma_start3A_202 : memref<2000xf32, #tpu.memory_space<vmem>>) target(%dma_start3A_201 : memref<2000xf32, #tpu.memory_space<hbm>>) target_semaphore(%dma_start3A_200 : memref<!tpu.dma_semaphore, #tpu.memory_space<semaphore_mem>>)
      %scan3A_203 = arith.constant 0 : i32
      scf.yield %scan3A_203 : i32
    }
    %scan3A_47 = arith.constant 100 : i32
    %mul3A_48 = arith.constant 200000 : i32
    %mul3A_49 = arith.muli %add3A, %mul3A_48 : i32
    %add3A_50 = arith.constant 196000 : i32
    %add3A_51 = arith.addi %mul3A_49, %add3A_50 : i32
    %multiple_of3A_52 = tpu.assume_multiple %add3A_51, 8 : i32
    %dma_wait3A = arith.constant 0 : i32
    %dma_wait3A_53 = arith.constant 0 : i32
    %dma_wait3A_54 = tpu.memref_slice %arg13[%dma_wait3A_53] : memref<4000xf32, #tpu.memory_space<vmem>> -> memref<2000xf32, #tpu.memory_space<vmem>>
    %dma_wait3A_55 = tpu.memref_slice %arg8[%multiple_of3A_52] : memref<6400000xf32, #tpu.memory_space<hbm>> -> memref<2000xf32, #tpu.memory_space<hbm>>
    %dma_wait3A_56 = tpu.memref_slice %arg16[%dma_wait3A] : memref<2x!tpu.dma_semaphore, #tpu.memory_space<semaphore_mem>> -> memref<1x!tpu.dma_semaphore, #tpu.memory_space<semaphore_mem>>
    %dma_wait3A_57 = tpu.memref_squeeze %dma_wait3A_56 : memref<1x!tpu.dma_semaphore, #tpu.memory_space<semaphore_mem>> -> memref<!tpu.dma_semaphore, #tpu.memory_space<semaphore_mem>>
    %dma_wait3A_58 = tpu.memref_slice %arg8[%multiple_of3A_52] : memref<6400000xf32, #tpu.memory_space<hbm>> -> memref<2000xf32, #tpu.memory_space<hbm>>
    %dma_wait3A_59 = arith.constant 0 : i32
    %dma_wait3A_60 = tpu.memref_slice %arg13[%dma_wait3A_59] : memref<4000xf32, #tpu.memory_space<vmem>> -> memref<2000xf32, #tpu.memory_space<vmem>>
    tpu.wait_dma2 semaphore(%dma_wait3A_57 : memref<!tpu.dma_semaphore, #tpu.memory_space<semaphore_mem>>) src(%dma_wait3A_60 : memref<2000xf32, #tpu.memory_space<vmem>>) dst(%dma_wait3A_58 : memref<2000xf32, #tpu.memory_space<hbm>>)
    %mul3A_61 = arith.constant 200000 : i32
    %mul3A_62 = arith.muli %add3A, %mul3A_61 : i32
    %add3A_63 = arith.constant 198000 : i32
    %add3A_64 = arith.addi %mul3A_62, %add3A_63 : i32
    %multiple_of3A_65 = tpu.assume_multiple %add3A_64, 8 : i32
    %dma_wait3A_66 = arith.constant 1 : i32
    %dma_wait3A_67 = arith.constant 2000 : i32
    %dma_wait3A_68 = tpu.memref_slice %arg13[%dma_wait3A_67] : memref<4000xf32, #tpu.memory_space<vmem>> -> memref<2000xf32, #tpu.memory_space<vmem>>
    %dma_wait3A_69 = tpu.memref_slice %arg8[%multiple_of3A_65] : memref<6400000xf32, #tpu.memory_space<hbm>> -> memref<2000xf32, #tpu.memory_space<hbm>>
    %dma_wait3A_70 = tpu.memref_slice %arg16[%dma_wait3A_66] : memref<2x!tpu.dma_semaphore, #tpu.memory_space<semaphore_mem>> -> memref<1x!tpu.dma_semaphore, #tpu.memory_space<semaphore_mem>>
    %dma_wait3A_71 = tpu.memref_squeeze %dma_wait3A_70 : memref<1x!tpu.dma_semaphore, #tpu.memory_space<semaphore_mem>> -> memref<!tpu.dma_semaphore, #tpu.memory_space<semaphore_mem>>
    %dma_wait3A_72 = tpu.memref_slice %arg8[%multiple_of3A_65] : memref<6400000xf32, #tpu.memory_space<hbm>> -> memref<2000xf32, #tpu.memory_space<hbm>>
    %dma_wait3A_73 = arith.constant 2000 : i32
    %dma_wait3A_74 = tpu.memref_slice %arg13[%dma_wait3A_73] : memref<4000xf32, #tpu.memory_space<vmem>> -> memref<2000xf32, #tpu.memory_space<vmem>>
    tpu.wait_dma2 semaphore(%dma_wait3A_71 : memref<!tpu.dma_semaphore, #tpu.memory_space<semaphore_mem>>) src(%dma_wait3A_74 : memref<2000xf32, #tpu.memory_space<vmem>>) dst(%dma_wait3A_72 : memref<2000xf32, #tpu.memory_space<hbm>>)
    %broadcast_in_dim3A = arith.constant 0.000000e+00 : f32
    %broadcast_in_dim3A_75 = vector.broadcast %broadcast_in_dim3A : f32 to vector<16xf32>
    %scan3A_76 = arith.constant 0 : i32
    %scan3A_77 = arith.constant 0 : i32
    %scan3A_78 = arith.constant 800 : i32
    %scan3A_79 = arith.addi %scan3A_77, %scan3A_78 : i32
    %scan3A_80 = arith.constant 1 : i32
    %scan3A_81 = scf.for %scan3A_147 = %scan3A_77 to %scan3A_79 step %scan3A_80 iter_args(%scan3A_148 = %scan3A_76) -> (i32)  : i32 {
      %mul3A_149 = arith.constant 128 : i32
      %mul3A_150 = arith.muli %scan3A_147, %mul3A_149 : i32
      %add3A_151 = arith.constant 0 : i32
      %add3A_152 = arith.addi %mul3A_150, %add3A_151 : i32
      %swap3A = arith.index_cast %add3A_152 : i32 to index
      %swap3A_153 = tpu.vector_load %arg10[%swap3A] {strides = array<i32>} : memref<102400xf32, #tpu.memory_space<vmem>>, vector<16xf32>,
      tpu.vector_store %arg10[%swap3A], %broadcast_in_dim3A_75 {strides = array<i32>} : memref<102400xf32, #tpu.memory_space<vmem>>, vector<16xf32>,
      %add3A_154 = arith.constant 16 : i32
      %add3A_155 = arith.addi %mul3A_150, %add3A_154 : i32
      %swap3A_156 = arith.index_cast %add3A_155 : i32 to index
      %swap3A_157 = tpu.vector_load %arg10[%swap3A_156] {strides = array<i32>} : memref<102400xf32, #tpu.memory_space<vmem>>, vector<16xf32>,
      tpu.vector_store %arg10[%swap3A_156], %broadcast_in_dim3A_75 {strides = array<i32>} : memref<102400xf32, #tpu.memory_space<vmem>>, vector<16xf32>,
      %add3A_158 = arith.constant 32 : i32
      %add3A_159 = arith.addi %mul3A_150, %add3A_158 : i32
      %swap3A_160 = arith.index_cast %add3A_159 : i32 to index
      %swap3A_161 = tpu.vector_load %arg10[%swap3A_160] {strides = array<i32>} : memref<102400xf32, #tpu.memory_space<vmem>>, vector<16xf32>,
      tpu.vector_store %arg10[%swap3A_160], %broadcast_in_dim3A_75 {strides = array<i32>} : memref<102400xf32, #tpu.memory_space<vmem>>, vector<16xf32>,
      %add3A_162 = arith.constant 48 : i32
      %add3A_163 = arith.addi %mul3A_150, %add3A_162 : i32
      %swap3A_164 = arith.index_cast %add3A_163 : i32 to index
      %swap3A_165 = tpu.vector_load %arg10[%swap3A_164] {strides = array<i32>} : memref<102400xf32, #tpu.memory_space<vmem>>, vector<16xf32>,
      tpu.vector_store %arg10[%swap3A_164], %broadcast_in_dim3A_75 {strides = array<i32>} : memref<102400xf32, #tpu.memory_space<vmem>>, vector<16xf32>,
      %add3A_166 = arith.constant 64 : i32
      %add3A_167 = arith.addi %mul3A_150, %add3A_166 : i32
      %swap3A_168 = arith.index_cast %add3A_167 : i32 to index
      %swap3A_169 = tpu.vector_load %arg10[%swap3A_168] {strides = array<i32>} : memref<102400xf32, #tpu.memory_space<vmem>>, vector<16xf32>,
      tpu.vector_store %arg10[%swap3A_168], %broadcast_in_dim3A_75 {strides = array<i32>} : memref<102400xf32, #tpu.memory_space<vmem>>, vector<16xf32>,
      %add3A_170 = arith.constant 80 : i32
      %add3A_171 = arith.addi %mul3A_150, %add3A_170 : i32
      %swap3A_172 = arith.index_cast %add3A_171 : i32 to index
      %swap3A_173 = tpu.vector_load %arg10[%swap3A_172] {strides = array<i32>} : memref<102400xf32, #tpu.memory_space<vmem>>, vector<16xf32>,
      tpu.vector_store %arg10[%swap3A_172], %broadcast_in_dim3A_75 {strides = array<i32>} : memref<102400xf32, #tpu.memory_space<vmem>>, vector<16xf32>,
      %add3A_174 = arith.constant 96 : i32
      %add3A_175 = arith.addi %mul3A_150, %add3A_174 : i32
      %swap3A_176 = arith.index_cast %add3A_175 : i32 to index
      %swap3A_177 = tpu.vector_load %arg10[%swap3A_176] {strides = array<i32>} : memref<102400xf32, #tpu.memory_space<vmem>>, vector<16xf32>,
      tpu.vector_store %arg10[%swap3A_176], %broadcast_in_dim3A_75 {strides = array<i32>} : memref<102400xf32, #tpu.memory_space<vmem>>, vector<16xf32>,
      %add3A_178 = arith.constant 112 : i32
      %add3A_179 = arith.addi %mul3A_150, %add3A_178 : i32
      %swap3A_180 = arith.index_cast %add3A_179 : i32 to index
      %swap3A_181 = tpu.vector_load %arg10[%swap3A_180] {strides = array<i32>} : memref<102400xf32, #tpu.memory_space<vmem>>, vector<16xf32>,
      tpu.vector_store %arg10[%swap3A_180], %broadcast_in_dim3A_75 {strides = array<i32>} : memref<102400xf32, #tpu.memory_space<vmem>>, vector<16xf32>,
      %scan3A_182 = arith.constant 0 : i32
      scf.yield %scan3A_182 : i32
    }
    %scan3A_82 = arith.constant 800 : i32
    %mul3A_83 = arith.constant 200000 : i32
    %mul3A_84 = arith.muli %add3A, %mul3A_83 : i32
    %add3A_85 = arith.constant 0 : i32
    %add3A_86 = arith.addi %mul3A_84, %add3A_85 : i32
    %multiple_of3A_87 = tpu.assume_multiple %add3A_86, 8 : i32
    %add3A_88 = arith.constant 6400000 : i32
    %add3A_89 = arith.addi %add3A_88, %multiple_of3A_87 : i32
    %dma_start3A_90 = arith.constant 0 : i32
    %dma_start3A_91 = arith.constant 0 : i32
    %dma_start3A_92 = tpu.memref_slice %arg11[%dma_start3A_91] : memref<4000xi32, #tpu.memory_space<vmem>> -> memref<2000xi32, #tpu.memory_space<vmem>>
    %dma_start3A_93 = tpu.memref_slice %arg4[%add3A_89] : memref<12800000xi32, #tpu.memory_space<hbm>> -> memref<2000xi32, #tpu.memory_space<hbm>>
    %dma_start3A_94 = tpu.memref_slice %arg15[%dma_start3A_90] : memref<2x!tpu.dma_semaphore, #tpu.memory_space<semaphore_mem>> -> memref<1x!tpu.dma_semaphore, #tpu.memory_space<semaphore_mem>>
    %dma_start3A_95 = tpu.memref_squeeze %dma_start3A_94 : memref<1x!tpu.dma_semaphore, #tpu.memory_space<semaphore_mem>> -> memref<!tpu.dma_semaphore, #tpu.memory_space<semaphore_mem>>
    %dma_start3A_96 = arith.constant 0 : i32
    %dma_start3A_97 = tpu.memref_slice %arg11[%dma_start3A_96] : memref<4000xi32, #tpu.memory_space<vmem>> -> memref<2000xi32, #tpu.memory_space<vmem>>
    %dma_start3A_98 = tpu.memref_slice %arg4[%add3A_89] : memref<12800000xi32, #tpu.memory_space<hbm>> -> memref<2000xi32, #tpu.memory_space<hbm>>
    tpu.enqueue_dma source(%dma_start3A_98 : memref<2000xi32, #tpu.memory_space<hbm>>) target(%dma_start3A_97 : memref<2000xi32, #tpu.memory_space<vmem>>) target_semaphore(%dma_start3A_95 : memref<!tpu.dma_semaphore, #tpu.memory_space<semaphore_mem>>)
    %dma_start3A_99 = arith.constant 0 : i32
    %dma_start3A_100 = arith.constant 0 : i32
    %dma_start3A_101 = tpu.memref_slice %arg12[%dma_start3A_100] : memref<4000xf32, #tpu.memory_space<vmem>> -> memref<2000xf32, #tpu.memory_space<vmem>>
    %dma_start3A_102 = tpu.memref_slice %arg8[%multiple_of3A_87] : memref<6400000xf32, #tpu.memory_space<hbm>> -> memref<2000xf32, #tpu.memory_space<hbm>>
    %dma_start3A_103 = tpu.memref_slice %arg15[%dma_start3A_99] : memref<2x!tpu.dma_semaphore, #tpu.memory_space<semaphore_mem>> -> memref<1x!tpu.dma_semaphore, #tpu.memory_space<semaphore_mem>>
    %dma_start3A_104 = tpu.memref_squeeze %dma_start3A_103 : memref<1x!tpu.dma_semaphore, #tpu.memory_space<semaphore_mem>> -> memref<!tpu.dma_semaphore, #tpu.memory_space<semaphore_mem>>
    %dma_start3A_105 = arith.constant 0 : i32
    %dma_start3A_106 = tpu.memref_slice %arg12[%dma_start3A_105] : memref<4000xf32, #tpu.memory_space<vmem>> -> memref<2000xf32, #tpu.memory_space<vmem>>
    %dma_start3A_107 = tpu.memref_slice %arg8[%multiple_of3A_87] : memref<6400000xf32, #tpu.memory_space<hbm>> -> memref<2000xf32, #tpu.memory_space<hbm>>
    tpu.enqueue_dma source(%dma_start3A_107 : memref<2000xf32, #tpu.memory_space<hbm>>) target(%dma_start3A_106 : memref<2000xf32, #tpu.memory_space<vmem>>) target_semaphore(%dma_start3A_104 : memref<!tpu.dma_semaphore, #tpu.memory_space<semaphore_mem>>)
    %scan3A_108 = arith.constant 0 : i32
    %scan3A_109 = arith.constant 0 : i32
    %scan3A_110 = arith.constant 100 : i32
    %scan3A_111 = arith.addi %scan3A_109, %scan3A_110 : i32
    %scan3A_112 = arith.constant 1 : i32
    %scan3A_113 = scf.for %scan3A_147 = %scan3A_109 to %scan3A_111 step %scan3A_112 iter_args(%scan3A_148 = %scan3A_108) -> (i32)  : i32 {
      %rem3A = arith.constant 2 : i32
      %rem3A_149 = arith.remsi %scan3A_147, %rem3A : i32
      %add3A_150 = arith.constant 1 : i32
      %add3A_151 = arith.addi %scan3A_147, %add3A_150 : i32
      %lt3A = arith.constant 100 : i32
      %lt3A_152 = arith.cmpi slt, %add3A_151, %lt3A : i32
      %convert_element_type3A_153 = arith.extui %lt3A_152 : i1 to i32
      %cond3A_154 = arith.constant 0 : i32
      %cond3A_155 = arith.cmpi ne, %convert_element_type3A_153, %cond3A_154 : i32
      scf.if %cond3A_155 {
        %add3A_186 = arith.constant 1 : i32
        %add3A_187 = arith.addi %scan3A_147, %add3A_186 : i32
        %sub3A = arith.constant 1 : i32
        %sub3A_188 = arith.subi %sub3A, %rem3A_149 : i32
        %mul3A_189 = arith.constant 200000 : i32
        %mul3A_190 = arith.muli %add3A, %mul3A_189 : i32
        %mul3A_191 = arith.constant 2000 : i32
        %mul3A_192 = arith.muli %add3A_187, %mul3A_191 : i32
        %add3A_193 = arith.addi %mul3A_190, %mul3A_192 : i32
        %multiple_of3A_194 = tpu.assume_multiple %add3A_193, 8 : i32
        %mul3A_195 = arith.constant 2000 : i32
        %mul3A_196 = arith.muli %sub3A_188, %mul3A_195 : i32
        %add3A_197 = arith.constant 6400000 : i32
        %add3A_198 = arith.addi %add3A_197, %multiple_of3A_194 : i32
        %dma_start3A_199 = tpu.memref_slice %arg11[%mul3A_196] : memref<4000xi32, #tpu.memory_space<vmem>> -> memref<2000xi32, #tpu.memory_space<vmem>>
        %dma_start3A_200 = tpu.memref_slice %arg4[%add3A_198] : memref<12800000xi32, #tpu.memory_space<hbm>> -> memref<2000xi32, #tpu.memory_space<hbm>>
        %dma_start3A_201 = tpu.memref_slice %arg15[%sub3A_188] : memref<2x!tpu.dma_semaphore, #tpu.memory_space<semaphore_mem>> -> memref<1x!tpu.dma_semaphore, #tpu.memory_space<semaphore_mem>>
        %dma_start3A_202 = tpu.memref_squeeze %dma_start3A_201 : memref<1x!tpu.dma_semaphore, #tpu.memory_space<semaphore_mem>> -> memref<!tpu.dma_semaphore, #tpu.memory_space<semaphore_mem>>
        %dma_start3A_203 = tpu.memref_slice %arg11[%mul3A_196] : memref<4000xi32, #tpu.memory_space<vmem>> -> memref<2000xi32, #tpu.memory_space<vmem>>
        %dma_start3A_204 = tpu.memref_slice %arg4[%add3A_198] : memref<12800000xi32, #tpu.memory_space<hbm>> -> memref<2000xi32, #tpu.memory_space<hbm>>
        tpu.enqueue_dma source(%dma_start3A_204 : memref<2000xi32, #tpu.memory_space<hbm>>) target(%dma_start3A_203 : memref<2000xi32, #tpu.memory_space<vmem>>) target_semaphore(%dma_start3A_202 : memref<!tpu.dma_semaphore, #tpu.memory_space<semaphore_mem>>)
        %dma_start3A_205 = tpu.memref_slice %arg12[%mul3A_196] : memref<4000xf32, #tpu.memory_space<vmem>> -> memref<2000xf32, #tpu.memory_space<vmem>>
        %dma_start3A_206 = tpu.memref_slice %arg8[%multiple_of3A_194] : memref<6400000xf32, #tpu.memory_space<hbm>> -> memref<2000xf32, #tpu.memory_space<hbm>>
        %dma_start3A_207 = tpu.memref_slice %arg15[%sub3A_188] : memref<2x!tpu.dma_semaphore, #tpu.memory_space<semaphore_mem>> -> memref<1x!tpu.dma_semaphore, #tpu.memory_space<semaphore_mem>>
        %dma_start3A_208 = tpu.memref_squeeze %dma_start3A_207 : memref<1x!tpu.dma_semaphore, #tpu.memory_space<semaphore_mem>> -> memref<!tpu.dma_semaphore, #tpu.memory_space<semaphore_mem>>
        %dma_start3A_209 = tpu.memref_slice %arg12[%mul3A_196] : memref<4000xf32, #tpu.memory_space<vmem>> -> memref<2000xf32, #tpu.memory_space<vmem>>
        %dma_start3A_210 = tpu.memref_slice %arg8[%multiple_of3A_194] : memref<6400000xf32, #tpu.memory_space<hbm>> -> memref<2000xf32, #tpu.memory_space<hbm>>
        tpu.enqueue_dma source(%dma_start3A_210 : memref<2000xf32, #tpu.memory_space<hbm>>) target(%dma_start3A_209 : memref<2000xf32, #tpu.memory_space<vmem>>) target_semaphore(%dma_start3A_208 : memref<!tpu.dma_semaphore, #tpu.memory_space<semaphore_mem>>)
      } else {
      }
      %mul3A_156 = arith.constant 200000 : i32
      %mul3A_157 = arith.muli %add3A, %mul3A_156 : i32
      %mul3A_158 = arith.constant 2000 : i32
      %mul3A_159 = arith.muli %scan3A_147, %mul3A_158 : i32
      %add3A_160 = arith.addi %mul3A_157, %mul3A_159 : i32
      %multiple_of3A_161 = tpu.assume_multiple %add3A_160, 8 : i32
      %mul3A_162 = arith.constant 2000 : i32
      %mul3A_163 = arith.muli %rem3A_149, %mul3A_162 : i32
      %add3A_164 = arith.constant 6400000 : i32
      %add3A_165 = arith.addi %add3A_164, %multiple_of3A_161 : i32
      %dma_wait3A_166 = tpu.memref_slice %arg11[%mul3A_163] : memref<4000xi32, #tpu.memory_space<vmem>> -> memref<2000xi32, #tpu.memory_space<vmem>>
      %dma_wait3A_167 = tpu.memref_slice %arg4[%add3A_165] : memref<12800000xi32, #tpu.memory_space<hbm>> -> memref<2000xi32, #tpu.memory_space<hbm>>
      %dma_wait3A_168 = tpu.memref_slice %arg15[%rem3A_149] : memref<2x!tpu.dma_semaphore, #tpu.memory_space<semaphore_mem>> -> memref<1x!tpu.dma_semaphore, #tpu.memory_space<semaphore_mem>>
      %dma_wait3A_169 = tpu.memref_squeeze %dma_wait3A_168 : memref<1x!tpu.dma_semaphore, #tpu.memory_space<semaphore_mem>> -> memref<!tpu.dma_semaphore, #tpu.memory_space<semaphore_mem>>
      %dma_wait3A_170 = tpu.memref_slice %arg11[%mul3A_163] : memref<4000xi32, #tpu.memory_space<vmem>> -> memref<2000xi32, #tpu.memory_space<vmem>>
      %dma_wait3A_171 = tpu.memref_slice %arg4[%add3A_165] : memref<12800000xi32, #tpu.memory_space<hbm>> -> memref<2000xi32, #tpu.memory_space<hbm>>
      tpu.wait_dma2 semaphore(%dma_wait3A_169 : memref<!tpu.dma_semaphore, #tpu.memory_space<semaphore_mem>>) src(%dma_wait3A_171 : memref<2000xi32, #tpu.memory_space<hbm>>) dst(%dma_wait3A_170 : memref<2000xi32, #tpu.memory_space<vmem>>)
      %dma_wait3A_172 = tpu.memref_slice %arg12[%mul3A_163] : memref<4000xf32, #tpu.memory_space<vmem>> -> memref<2000xf32, #tpu.memory_space<vmem>>
      %dma_wait3A_173 = tpu.memref_slice %arg8[%multiple_of3A_161] : memref<6400000xf32, #tpu.memory_space<hbm>> -> memref<2000xf32, #tpu.memory_space<hbm>>
      %dma_wait3A_174 = tpu.memref_slice %arg15[%rem3A_149] : memref<2x!tpu.dma_semaphore, #tpu.memory_space<semaphore_mem>> -> memref<1x!tpu.dma_semaphore, #tpu.memory_space<semaphore_mem>>
      %dma_wait3A_175 = tpu.memref_squeeze %dma_wait3A_174 : memref<1x!tpu.dma_semaphore, #tpu.memory_space<semaphore_mem>> -> memref<!tpu.dma_semaphore, #tpu.memory_space<semaphore_mem>>
      %dma_wait3A_176 = tpu.memref_slice %arg12[%mul3A_163] : memref<4000xf32, #tpu.memory_space<vmem>> -> memref<2000xf32, #tpu.memory_space<vmem>>
      %dma_wait3A_177 = tpu.memref_slice %arg8[%multiple_of3A_161] : memref<6400000xf32, #tpu.memory_space<hbm>> -> memref<2000xf32, #tpu.memory_space<hbm>>
      tpu.wait_dma2 semaphore(%dma_wait3A_175 : memref<!tpu.dma_semaphore, #tpu.memory_space<semaphore_mem>>) src(%dma_wait3A_177 : memref<2000xf32, #tpu.memory_space<hbm>>) dst(%dma_wait3A_176 : memref<2000xf32, #tpu.memory_space<vmem>>)
      %scan3A_178 = arith.constant 0 : i32
      %scan3A_179 = arith.constant 0 : i32
      %scan3A_180 = arith.constant 25 : i32
      %scan3A_181 = arith.addi %scan3A_179, %scan3A_180 : i32
      %scan3A_182 = arith.constant 1 : i32
      %scan3A_183 = scf.for %scan3A_186 = %scan3A_179 to %scan3A_181 step %scan3A_182 iter_args(%scan3A_187 = %scan3A_178) -> (i32)  : i32 {
        %mul3A_188 = arith.constant 2000 : i32
        %mul3A_189 = arith.muli %rem3A_149, %mul3A_188 : i32
        %mul3A_190 = arith.constant 80 : i32
        %mul3A_191 = arith.muli %scan3A_186, %mul3A_190 : i32
        %add3A_192 = arith.addi %mul3A_189, %mul3A_191 : i32
        %add3A_193 = arith.constant 0 : i32
        %add3A_194 = arith.addi %add3A_192, %add3A_193 : i32
        %get3A = arith.index_cast %add3A_194 : i32 to index
        %get3A_195 = tpu.vector_load %arg11[%get3A] {strides = array<i32>} : memref<4000xi32, #tpu.memory_space<vmem>>, vector<16xi32>,
        %get3A_196 = arith.index_cast %add3A_194 : i32 to index
        %get3A_197 = tpu.vector_load %arg12[%get3A_196] {strides = array<i32>} : memref<4000xf32, #tpu.memory_space<vmem>>, vector<16xf32>,
        tpu.vector_store_idx %arg10[%get3A_195], %get3A_197 {add = true} : memref<102400xf32, #tpu.memory_space<vmem>>[vector<16xi32>], vector<16xf32>,
        %add3A_198 = arith.constant 16 : i32
        %add3A_199 = arith.addi %add3A_192, %add3A_198 : i32
        %get3A_200 = arith.index_cast %add3A_199 : i32 to index
        %get3A_201 = tpu.vector_load %arg11[%get3A_200] {strides = array<i32>} : memref<4000xi32, #tpu.memory_space<vmem>>, vector<16xi32>,
        %get3A_202 = arith.index_cast %add3A_199 : i32 to index
        %get3A_203 = tpu.vector_load %arg12[%get3A_202] {strides = array<i32>} : memref<4000xf32, #tpu.memory_space<vmem>>, vector<16xf32>,
        tpu.vector_store_idx %arg10[%get3A_201], %get3A_203 {add = true} : memref<102400xf32, #tpu.memory_space<vmem>>[vector<16xi32>], vector<16xf32>,
        %add3A_204 = arith.constant 32 : i32
        %add3A_205 = arith.addi %add3A_192, %add3A_204 : i32
        %get3A_206 = arith.index_cast %add3A_205 : i32 to index
        %get3A_207 = tpu.vector_load %arg11[%get3A_206] {strides = array<i32>} : memref<4000xi32, #tpu.memory_space<vmem>>, vector<16xi32>,
        %get3A_208 = arith.index_cast %add3A_205 : i32 to index
        %get3A_209 = tpu.vector_load %arg12[%get3A_208] {strides = array<i32>} : memref<4000xf32, #tpu.memory_space<vmem>>, vector<16xf32>,
        tpu.vector_store_idx %arg10[%get3A_207], %get3A_209 {add = true} : memref<102400xf32, #tpu.memory_space<vmem>>[vector<16xi32>], vector<16xf32>,
        %add3A_210 = arith.constant 48 : i32
        %add3A_211 = arith.addi %add3A_192, %add3A_210 : i32
        %get3A_212 = arith.index_cast %add3A_211 : i32 to index
        %get3A_213 = tpu.vector_load %arg11[%get3A_212] {strides = array<i32>} : memref<4000xi32, #tpu.memory_space<vmem>>, vector<16xi32>,
        %get3A_214 = arith.index_cast %add3A_211 : i32 to index
        %get3A_215 = tpu.vector_load %arg12[%get3A_214] {strides = array<i32>} : memref<4000xf32, #tpu.memory_space<vmem>>, vector<16xf32>,
        tpu.vector_store_idx %arg10[%get3A_213], %get3A_215 {add = true} : memref<102400xf32, #tpu.memory_space<vmem>>[vector<16xi32>], vector<16xf32>,
        %add3A_216 = arith.constant 64 : i32
        %add3A_217 = arith.addi %add3A_192, %add3A_216 : i32
        %get3A_218 = arith.index_cast %add3A_217 : i32 to index
        %get3A_219 = tpu.vector_load %arg11[%get3A_218] {strides = array<i32>} : memref<4000xi32, #tpu.memory_space<vmem>>, vector<16xi32>,
        %get3A_220 = arith.index_cast %add3A_217 : i32 to index
        %get3A_221 = tpu.vector_load %arg12[%get3A_220] {strides = array<i32>} : memref<4000xf32, #tpu.memory_space<vmem>>, vector<16xf32>,
        tpu.vector_store_idx %arg10[%get3A_219], %get3A_221 {add = true} : memref<102400xf32, #tpu.memory_space<vmem>>[vector<16xi32>], vector<16xf32>,
        %scan3A_222 = arith.constant 0 : i32
        scf.yield %scan3A_222 : i32
      }
      %scan3A_184 = arith.constant 25 : i32
      %scan3A_185 = arith.constant 0 : i32
      scf.yield %scan3A_185 : i32
    }
    %scan3A_114 = arith.constant 100 : i32
    %mul3A_115 = arith.constant 16 : i32
    %mul3A_116 = arith.muli %arg0, %mul3A_115 : i32
    %add3A_117 = arith.addi %mul3A_116, %arg1 : i32
    %mul3A_118 = arith.constant 102400 : i32
    %mul3A_119 = arith.muli %add3A_117, %mul3A_118 : i32
    "tpu.region"() ({
      %run_scoped3A = tpu.sem_alloc : memref<!tpu.dma_semaphore, #tpu.memory_space<semaphore_mem>>
      %dma_start3A_147 = tpu.memref_slice %arg9[%mul3A_119] : memref<3276800xf32, #tpu.memory_space<hbm>> -> memref<102400xf32, #tpu.memory_space<hbm>>
      %dma_start3A_148 = tpu.memref_slice %arg9[%mul3A_119] : memref<3276800xf32, #tpu.memory_space<hbm>> -> memref<102400xf32, #tpu.memory_space<hbm>>
      tpu.enqueue_dma source(%arg10 : memref<102400xf32, #tpu.memory_space<vmem>>) target(%dma_start3A_148 : memref<102400xf32, #tpu.memory_space<hbm>>) target_semaphore(%run_scoped3A : memref<!tpu.dma_semaphore, #tpu.memory_space<semaphore_mem>>)
      %dma_wait3A_149 = tpu.memref_slice %arg9[%mul3A_119] : memref<3276800xf32, #tpu.memory_space<hbm>> -> memref<102400xf32, #tpu.memory_space<hbm>>
      %dma_wait3A_150 = tpu.memref_slice %arg9[%mul3A_119] : memref<3276800xf32, #tpu.memory_space<hbm>> -> memref<102400xf32, #tpu.memory_space<hbm>>
      tpu.wait_dma2 semaphore(%run_scoped3A : memref<!tpu.dma_semaphore, #tpu.memory_space<semaphore_mem>>) src(%arg10 : memref<102400xf32, #tpu.memory_space<vmem>>) dst(%dma_wait3A_150 : memref<102400xf32, #tpu.memory_space<hbm>>)
      tpu.yield
    }) : () -> ()
    %barrier3A_120 = arith.constant 0 : index
    tpu.barrier barrier_id(%barrier3A_120)
    %scan3A_121 = arith.constant 0 : i32
    %scan3A_122 = arith.constant 0 : i32
    %scan3A_123 = arith.constant 16 : i32
    %scan3A_124 = arith.addi %scan3A_122, %scan3A_123 : i32
    %scan3A_125 = arith.constant 1 : i32
    %scan3A_126 = scf.for %scan3A_147 = %scan3A_122 to %scan3A_124 step %scan3A_125 iter_args(%scan3A_148 = %scan3A_121) -> (i32)  : i32 {
      %mul3A_149 = arith.constant 16 : i32
      %mul3A_150 = arith.muli %arg0, %mul3A_149 : i32
      %add3A_151 = arith.addi %mul3A_150, %scan3A_147 : i32
      %mul3A_152 = arith.constant 102400 : i32
      %mul3A_153 = arith.muli %add3A_151, %mul3A_152 : i32
      %mul3A_154 = arith.constant 6400 : i32
      %mul3A_155 = arith.muli %arg1, %mul3A_154 : i32
      %add3A_156 = arith.addi %mul3A_153, %mul3A_155 : i32
      %multiple_of3A_157 = tpu.assume_multiple %add3A_156, 8 : i32
      %mul3A_158 = arith.constant 6400 : i32
      %mul3A_159 = arith.muli %scan3A_147, %mul3A_158 : i32
      %dma_start3A_160 = tpu.memref_slice %arg10[%mul3A_159] : memref<102400xf32, #tpu.memory_space<vmem>> -> memref<6400xf32, #tpu.memory_space<vmem>>
      %dma_start3A_161 = tpu.memref_slice %arg9[%multiple_of3A_157] : memref<3276800xf32, #tpu.memory_space<hbm>> -> memref<6400xf32, #tpu.memory_space<hbm>>
      %dma_start3A_162 = tpu.memref_slice %arg10[%mul3A_159] : memref<102400xf32, #tpu.memory_space<vmem>> -> memref<6400xf32, #tpu.memory_space<vmem>>
      %dma_start3A_163 = tpu.memref_slice %arg9[%multiple_of3A_157] : memref<3276800xf32, #tpu.memory_space<hbm>> -> memref<6400xf32, #tpu.memory_space<hbm>>
      tpu.enqueue_dma source(%dma_start3A_163 : memref<6400xf32, #tpu.memory_space<hbm>>) target(%dma_start3A_162 : memref<6400xf32, #tpu.memory_space<vmem>>) target_semaphore(%arg17 : memref<!tpu.dma_semaphore, #tpu.memory_space<semaphore_mem>>)
      %scan3A_164 = arith.constant 0 : i32
      scf.yield %scan3A_164 : i32
    }
    %scan3A_127 = arith.constant 16 : i32
    %scan3A_128 = arith.constant 0 : i32
    %scan3A_129 = arith.constant 0 : i32
    %scan3A_130 = arith.constant 16 : i32
    %scan3A_131 = arith.addi %scan3A_129, %scan3A_130 : i32
    %scan3A_132 = arith.constant 1 : i32
    %scan3A_133 = scf.for %scan3A_147 = %scan3A_129 to %scan3A_131 step %scan3A_132 iter_args(%scan3A_148 = %scan3A_128) -> (i32)  : i32 {
      %mul3A_149 = arith.constant 16 : i32
      %mul3A_150 = arith.muli %arg0, %mul3A_149 : i32
      %add3A_151 = arith.addi %mul3A_150, %scan3A_147 : i32
      %mul3A_152 = arith.constant 102400 : i32
      %mul3A_153 = arith.muli %add3A_151, %mul3A_152 : i32
      %mul3A_154 = arith.constant 6400 : i32
      %mul3A_155 = arith.muli %arg1, %mul3A_154 : i32
      %add3A_156 = arith.addi %mul3A_153, %mul3A_155 : i32
      %multiple_of3A_157 = tpu.assume_multiple %add3A_156, 8 : i32
      %mul3A_158 = arith.constant 6400 : i32
      %mul3A_159 = arith.muli %scan3A_147, %mul3A_158 : i32
      %dma_wait3A_160 = tpu.memref_slice %arg10[%mul3A_159] : memref<102400xf32, #tpu.memory_space<vmem>> -> memref<6400xf32, #tpu.memory_space<vmem>>
      %dma_wait3A_161 = tpu.memref_slice %arg9[%multiple_of3A_157] : memref<3276800xf32, #tpu.memory_space<hbm>> -> memref<6400xf32, #tpu.memory_space<hbm>>
      %dma_wait3A_162 = tpu.memref_slice %arg10[%mul3A_159] : memref<102400xf32, #tpu.memory_space<vmem>> -> memref<6400xf32, #tpu.memory_space<vmem>>
      %dma_wait3A_163 = tpu.memref_slice %arg9[%multiple_of3A_157] : memref<3276800xf32, #tpu.memory_space<hbm>> -> memref<6400xf32, #tpu.memory_space<hbm>>
      tpu.wait_dma2 semaphore(%arg17 : memref<!tpu.dma_semaphore, #tpu.memory_space<semaphore_mem>>) src(%dma_wait3A_163 : memref<6400xf32, #tpu.memory_space<hbm>>) dst(%dma_wait3A_162 : memref<6400xf32, #tpu.memory_space<vmem>>)
      %scan3A_164 = arith.constant 0 : i32
      scf.yield %scan3A_164 : i32
    }
    %scan3A_134 = arith.constant 16 : i32
    %scan3A_135 = arith.constant 0 : i32
    %scan3A_136 = arith.constant 0 : i32
    %scan3A_137 = arith.constant 400 : i32
    %scan3A_138 = arith.addi %scan3A_136, %scan3A_137 : i32
    %scan3A_139 = arith.constant 1 : i32
    %scan3A_140 = scf.for %scan3A_147 = %scan3A_136 to %scan3A_138 step %scan3A_139 iter_args(%scan3A_148 = %scan3A_135) -> (i32)  : i32 {
      %mul3A_149 = arith.constant 16 : i32
      %mul3A_150 = arith.muli %scan3A_147, %mul3A_149 : i32
      %add3A_151 = arith.constant 0 : i32
      %add3A_152 = arith.addi %add3A_151, %mul3A_150 : i32
      %get3A = arith.index_cast %add3A_152 : i32 to index
      %get3A_153 = tpu.vector_load %arg10[%get3A] {strides = array<i32>} : memref<102400xf32, #tpu.memory_space<vmem>>, vector<16xf32>,
      %add3A_154 = arith.constant 6400 : i32
      %add3A_155 = arith.addi %add3A_154, %mul3A_150 : i32
      %get3A_156 = arith.index_cast %add3A_155 : i32 to index
      %get3A_157 = tpu.vector_load %arg10[%get3A_156] {strides = array<i32>} : memref<102400xf32, #tpu.memory_space<vmem>>, vector<16xf32>,
      %add3A_158 = arith.constant 12800 : i32
      %add3A_159 = arith.addi %add3A_158, %mul3A_150 : i32
      %get3A_160 = arith.index_cast %add3A_159 : i32 to index
      %get3A_161 = tpu.vector_load %arg10[%get3A_160] {strides = array<i32>} : memref<102400xf32, #tpu.memory_space<vmem>>, vector<16xf32>,
      %add3A_162 = arith.constant 19200 : i32
      %add3A_163 = arith.addi %add3A_162, %mul3A_150 : i32
      %get3A_164 = arith.index_cast %add3A_163 : i32 to index
      %get3A_165 = tpu.vector_load %arg10[%get3A_164] {strides = array<i32>} : memref<102400xf32, #tpu.memory_space<vmem>>, vector<16xf32>,
      %add3A_166 = arith.constant 25600 : i32
      %add3A_167 = arith.addi %add3A_166, %mul3A_150 : i32
      %get3A_168 = arith.index_cast %add3A_167 : i32 to index
      %get3A_169 = tpu.vector_load %arg10[%get3A_168] {strides = array<i32>} : memref<102400xf32, #tpu.memory_space<vmem>>, vector<16xf32>,
      %add3A_170 = arith.constant 32000 : i32
      %add3A_171 = arith.addi %add3A_170, %mul3A_150 : i32
      %get3A_172 = arith.index_cast %add3A_171 : i32 to index
      %get3A_173 = tpu.vector_load %arg10[%get3A_172] {strides = array<i32>} : memref<102400xf32, #tpu.memory_space<vmem>>, vector<16xf32>,
      %add3A_174 = arith.constant 38400 : i32
      %add3A_175 = arith.addi %add3A_174, %mul3A_150 : i32
      %get3A_176 = arith.index_cast %add3A_175 : i32 to index
      %get3A_177 = tpu.vector_load %arg10[%get3A_176] {strides = array<i32>} : memref<102400xf32, #tpu.memory_space<vmem>>, vector<16xf32>,
      %add3A_178 = arith.constant 44800 : i32
      %add3A_179 = arith.addi %add3A_178, %mul3A_150 : i32
      %get3A_180 = arith.index_cast %add3A_179 : i32 to index
      %get3A_181 = tpu.vector_load %arg10[%get3A_180] {strides = array<i32>} : memref<102400xf32, #tpu.memory_space<vmem>>, vector<16xf32>,
      %add3A_182 = arith.constant 51200 : i32
      %add3A_183 = arith.addi %add3A_182, %mul3A_150 : i32
      %get3A_184 = arith.index_cast %add3A_183 : i32 to index
      %get3A_185 = tpu.vector_load %arg10[%get3A_184] {strides = array<i32>} : memref<102400xf32, #tpu.memory_space<vmem>>, vector<16xf32>,
      %add3A_186 = arith.constant 57600 : i32
      %add3A_187 = arith.addi %add3A_186, %mul3A_150 : i32
      %get3A_188 = arith.index_cast %add3A_187 : i32 to index
      %get3A_189 = tpu.vector_load %arg10[%get3A_188] {strides = array<i32>} : memref<102400xf32, #tpu.memory_space<vmem>>, vector<16xf32>,
      %add3A_190 = arith.constant 64000 : i32
      %add3A_191 = arith.addi %add3A_190, %mul3A_150 : i32
      %get3A_192 = arith.index_cast %add3A_191 : i32 to index
      %get3A_193 = tpu.vector_load %arg10[%get3A_192] {strides = array<i32>} : memref<102400xf32, #tpu.memory_space<vmem>>, vector<16xf32>,
      %add3A_194 = arith.constant 70400 : i32
      %add3A_195 = arith.addi %add3A_194, %mul3A_150 : i32
      %get3A_196 = arith.index_cast %add3A_195 : i32 to index
      %get3A_197 = tpu.vector_load %arg10[%get3A_196] {strides = array<i32>} : memref<102400xf32, #tpu.memory_space<vmem>>, vector<16xf32>,
      %add3A_198 = arith.constant 76800 : i32
      %add3A_199 = arith.addi %add3A_198, %mul3A_150 : i32
      %get3A_200 = arith.index_cast %add3A_199 : i32 to index
      %get3A_201 = tpu.vector_load %arg10[%get3A_200] {strides = array<i32>} : memref<102400xf32, #tpu.memory_space<vmem>>, vector<16xf32>,
      %add3A_202 = arith.constant 83200 : i32
      %add3A_203 = arith.addi %add3A_202, %mul3A_150 : i32
      %get3A_204 = arith.index_cast %add3A_203 : i32 to index
      %get3A_205 = tpu.vector_load %arg10[%get3A_204] {strides = array<i32>} : memref<102400xf32, #tpu.memory_space<vmem>>, vector<16xf32>,
      %add3A_206 = arith.constant 89600 : i32
      %add3A_207 = arith.addi %add3A_206, %mul3A_150 : i32
      %get3A_208 = arith.index_cast %add3A_207 : i32 to index
      %get3A_209 = tpu.vector_load %arg10[%get3A_208] {strides = array<i32>} : memref<102400xf32, #tpu.memory_space<vmem>>, vector<16xf32>,
      %add3A_210 = arith.constant 96000 : i32
      %add3A_211 = arith.addi %add3A_210, %mul3A_150 : i32
      %get3A_212 = arith.index_cast %add3A_211 : i32 to index
      %get3A_213 = tpu.vector_load %arg10[%get3A_212] {strides = array<i32>} : memref<102400xf32, #tpu.memory_space<vmem>>, vector<16xf32>,
      %add3A_214 = arith.addf %get3A_153, %get3A_157 : vector<16xf32>
      %add3A_215 = arith.addf %get3A_161, %get3A_165 : vector<16xf32>
      %add3A_216 = arith.addf %get3A_169, %get3A_173 : vector<16xf32>
      %add3A_217 = arith.addf %get3A_177, %get3A_181 : vector<16xf32>
      %add3A_218 = arith.addf %get3A_185, %get3A_189 : vector<16xf32>
      %add3A_219 = arith.addf %get3A_193, %get3A_197 : vector<16xf32>
      %add3A_220 = arith.addf %get3A_201, %get3A_205 : vector<16xf32>
      %add3A_221 = arith.addf %get3A_209, %get3A_213 : vector<16xf32>
      %add3A_222 = arith.addf %add3A_214, %add3A_215 : vector<16xf32>
      %add3A_223 = arith.addf %add3A_216, %add3A_217 : vector<16xf32>
      %add3A_224 = arith.addf %add3A_218, %add3A_219 : vector<16xf32>
      %add3A_225 = arith.addf %add3A_220, %add3A_221 : vector<16xf32>
      %add3A_226 = arith.addf %add3A_222, %add3A_223 : vector<16xf32>
      %add3A_227 = arith.addf %add3A_224, %add3A_225 : vector<16xf32>
      %add3A_228 = arith.addf %add3A_226, %add3A_227 : vector<16xf32>
      %swap3A = arith.index_cast %mul3A_150 : i32 to index
      %swap3A_229 = tpu.vector_load %arg10[%swap3A] {strides = array<i32>} : memref<102400xf32, #tpu.memory_space<vmem>>, vector<16xf32>,
      tpu.vector_store %arg10[%swap3A], %add3A_228 {strides = array<i32>} : memref<102400xf32, #tpu.memory_space<vmem>>, vector<16xf32>,
      %scan3A_230 = arith.constant 0 : i32
      scf.yield %scan3A_230 : i32
    }
    %scan3A_141 = arith.constant 400 : i32
    %mul3A_142 = arith.constant 102400 : i32
    %mul3A_143 = arith.muli %arg0, %mul3A_142 : i32
    %mul3A_144 = arith.constant 6400 : i32
    %mul3A_145 = arith.muli %arg1, %mul3A_144 : i32
    %add3A_146 = arith.addi %mul3A_143, %mul3A_145 : i32
    "tpu.region"() ({
      %run_scoped3A = tpu.sem_alloc : memref<!tpu.dma_semaphore, #tpu.memory_space<semaphore_mem>>
      %dma_start3A_147 = arith.constant 0 : i32
      %dma_start3A_148 = tpu.memref_slice %arg10[%dma_start3A_147] : memref<102400xf32, #tpu.memory_space<vmem>> -> memref<6400xf32, #tpu.memory_space<vmem>>
      %dma_start3A_149 = tpu.memref_slice %arg6[%add3A_146] : memref<204800xf32, #tpu.memory_space<hbm>> -> memref<6400xf32, #tpu.memory_space<hbm>>
      %dma_start3A_150 = tpu.memref_slice %arg6[%add3A_146] : memref<204800xf32, #tpu.memory_space<hbm>> -> memref<6400xf32, #tpu.memory_space<hbm>>
      %dma_start3A_151 = arith.constant 0 : i32
      %dma_start3A_152 = tpu.memref_slice %arg10[%dma_start3A_151] : memref<102400xf32, #tpu.memory_space<vmem>> -> memref<6400xf32, #tpu.memory_space<vmem>>
      tpu.enqueue_dma source(%dma_start3A_152 : memref<6400xf32, #tpu.memory_space<vmem>>) target(%dma_start3A_150 : memref<6400xf32, #tpu.memory_space<hbm>>) target_semaphore(%run_scoped3A : memref<!tpu.dma_semaphore, #tpu.memory_space<semaphore_mem>>)
      %dma_wait3A_153 = arith.constant 0 : i32
      %dma_wait3A_154 = tpu.memref_slice %arg10[%dma_wait3A_153] : memref<102400xf32, #tpu.memory_space<vmem>> -> memref<6400xf32, #tpu.memory_space<vmem>>
      %dma_wait3A_155 = tpu.memref_slice %arg6[%add3A_146] : memref<204800xf32, #tpu.memory_space<hbm>> -> memref<6400xf32, #tpu.memory_space<hbm>>
      %dma_wait3A_156 = tpu.memref_slice %arg6[%add3A_146] : memref<204800xf32, #tpu.memory_space<hbm>> -> memref<6400xf32, #tpu.memory_space<hbm>>
      %dma_wait3A_157 = arith.constant 0 : i32
      %dma_wait3A_158 = tpu.memref_slice %arg10[%dma_wait3A_157] : memref<102400xf32, #tpu.memory_space<vmem>> -> memref<6400xf32, #tpu.memory_space<vmem>>
      tpu.wait_dma2 semaphore(%run_scoped3A : memref<!tpu.dma_semaphore, #tpu.memory_space<semaphore_mem>>) src(%dma_wait3A_158 : memref<6400xf32, #tpu.memory_space<vmem>>) dst(%dma_wait3A_156 : memref<6400xf32, #tpu.memory_space<hbm>>)
      tpu.yield
    }) : () -> ()
    return
  }
}

#map = affine_map<(d0, d1) -> (0)>
module attributes {stable_mosaic.version = 14 : i64} {
  func.func @_deg_kernel(%arg0: i32, %arg1: i32, %arg2: memref<12800000xi32, #tpu.memory_space<hbm>>, %arg3: memref<6400000xf32, #tpu.memory_space<hbm>>, %arg4: memref<204800xf32, #tpu.memory_space<hbm>>, %arg5: memref<3276800xf32, #tpu.memory_space<hbm>>, %arg6: memref<102400xf32, #tpu.memory_space<vmem>>, %arg7: memref<4000xi32, #tpu.memory_space<vmem>>, %arg8: memref<4000xf32, #tpu.memory_space<vmem>>, %arg9: memref<2x!tpu.dma_semaphore, #tpu.memory_space<semaphore_mem>>, %arg10: memref<!tpu.dma_semaphore, #tpu.memory_space<semaphore_mem>>) attributes {dimension_semantics = [#tpu.dimension_semantics<core_parallel>, #tpu.dimension_semantics<subcore_parallel>], iteration_bounds = array<i64: 2, 16>, scalar_prefetch = 0 : i64, scratch_operands = 5 : i64, tpu.core_type = #tpu.core_type<sc_vector_subcore>, window_params = [{transform_indices = #map}, {transform_indices = #map}, {transform_indices = #map}, {transform_indices = #map}]} {
    %mul3A = arith.constant 16 : i32
    %mul3A_0 = arith.muli %arg0, %mul3A : i32
    %add3A = arith.addi %mul3A_0, %arg1 : i32
    %broadcast_in_dim3A = arith.constant 0.000000e+00 : f32
    %broadcast_in_dim3A_1 = vector.broadcast %broadcast_in_dim3A : f32 to vector<16xf32>
    %scan3A = arith.constant 0 : i32
    %scan3A_2 = arith.constant 0 : i32
    %scan3A_3 = arith.constant 800 : i32
    %scan3A_4 = arith.addi %scan3A_2, %scan3A_3 : i32
    %scan3A_5 = arith.constant 1 : i32
    %scan3A_6 = scf.for %scan3A_69 = %scan3A_2 to %scan3A_4 step %scan3A_5 iter_args(%scan3A_70 = %scan3A) -> (i32)  : i32 {
      %mul3A_71 = arith.constant 128 : i32
      %mul3A_72 = arith.muli %scan3A_69, %mul3A_71 : i32
      %add3A_73 = arith.constant 0 : i32
      %add3A_74 = arith.addi %mul3A_72, %add3A_73 : i32
      %swap3A = arith.index_cast %add3A_74 : i32 to index
      %swap3A_75 = tpu.vector_load %arg6[%swap3A] {strides = array<i32>} : memref<102400xf32, #tpu.memory_space<vmem>>, vector<16xf32>,
      tpu.vector_store %arg6[%swap3A], %broadcast_in_dim3A_1 {strides = array<i32>} : memref<102400xf32, #tpu.memory_space<vmem>>, vector<16xf32>,
      %add3A_76 = arith.constant 16 : i32
      %add3A_77 = arith.addi %mul3A_72, %add3A_76 : i32
      %swap3A_78 = arith.index_cast %add3A_77 : i32 to index
      %swap3A_79 = tpu.vector_load %arg6[%swap3A_78] {strides = array<i32>} : memref<102400xf32, #tpu.memory_space<vmem>>, vector<16xf32>,
      tpu.vector_store %arg6[%swap3A_78], %broadcast_in_dim3A_1 {strides = array<i32>} : memref<102400xf32, #tpu.memory_space<vmem>>, vector<16xf32>,
      %add3A_80 = arith.constant 32 : i32
      %add3A_81 = arith.addi %mul3A_72, %add3A_80 : i32
      %swap3A_82 = arith.index_cast %add3A_81 : i32 to index
      %swap3A_83 = tpu.vector_load %arg6[%swap3A_82] {strides = array<i32>} : memref<102400xf32, #tpu.memory_space<vmem>>, vector<16xf32>,
      tpu.vector_store %arg6[%swap3A_82], %broadcast_in_dim3A_1 {strides = array<i32>} : memref<102400xf32, #tpu.memory_space<vmem>>, vector<16xf32>,
      %add3A_84 = arith.constant 48 : i32
      %add3A_85 = arith.addi %mul3A_72, %add3A_84 : i32
      %swap3A_86 = arith.index_cast %add3A_85 : i32 to index
      %swap3A_87 = tpu.vector_load %arg6[%swap3A_86] {strides = array<i32>} : memref<102400xf32, #tpu.memory_space<vmem>>, vector<16xf32>,
      tpu.vector_store %arg6[%swap3A_86], %broadcast_in_dim3A_1 {strides = array<i32>} : memref<102400xf32, #tpu.memory_space<vmem>>, vector<16xf32>,
      %add3A_88 = arith.constant 64 : i32
      %add3A_89 = arith.addi %mul3A_72, %add3A_88 : i32
      %swap3A_90 = arith.index_cast %add3A_89 : i32 to index
      %swap3A_91 = tpu.vector_load %arg6[%swap3A_90] {strides = array<i32>} : memref<102400xf32, #tpu.memory_space<vmem>>, vector<16xf32>,
      tpu.vector_store %arg6[%swap3A_90], %broadcast_in_dim3A_1 {strides = array<i32>} : memref<102400xf32, #tpu.memory_space<vmem>>, vector<16xf32>,
      %add3A_92 = arith.constant 80 : i32
      %add3A_93 = arith.addi %mul3A_72, %add3A_92 : i32
      %swap3A_94 = arith.index_cast %add3A_93 : i32 to index
      %swap3A_95 = tpu.vector_load %arg6[%swap3A_94] {strides = array<i32>} : memref<102400xf32, #tpu.memory_space<vmem>>, vector<16xf32>,
      tpu.vector_store %arg6[%swap3A_94], %broadcast_in_dim3A_1 {strides = array<i32>} : memref<102400xf32, #tpu.memory_space<vmem>>, vector<16xf32>,
      %add3A_96 = arith.constant 96 : i32
      %add3A_97 = arith.addi %mul3A_72, %add3A_96 : i32
      %swap3A_98 = arith.index_cast %add3A_97 : i32 to index
      %swap3A_99 = tpu.vector_load %arg6[%swap3A_98] {strides = array<i32>} : memref<102400xf32, #tpu.memory_space<vmem>>, vector<16xf32>,
      tpu.vector_store %arg6[%swap3A_98], %broadcast_in_dim3A_1 {strides = array<i32>} : memref<102400xf32, #tpu.memory_space<vmem>>, vector<16xf32>,
      %add3A_100 = arith.constant 112 : i32
      %add3A_101 = arith.addi %mul3A_72, %add3A_100 : i32
      %swap3A_102 = arith.index_cast %add3A_101 : i32 to index
      %swap3A_103 = tpu.vector_load %arg6[%swap3A_102] {strides = array<i32>} : memref<102400xf32, #tpu.memory_space<vmem>>, vector<16xf32>,
      tpu.vector_store %arg6[%swap3A_102], %broadcast_in_dim3A_1 {strides = array<i32>} : memref<102400xf32, #tpu.memory_space<vmem>>, vector<16xf32>,
      %scan3A_104 = arith.constant 0 : i32
      scf.yield %scan3A_104 : i32
    }
    %scan3A_7 = arith.constant 800 : i32
    %mul3A_8 = arith.constant 200000 : i32
    %mul3A_9 = arith.muli %add3A, %mul3A_8 : i32
    %add3A_10 = arith.constant 0 : i32
    %add3A_11 = arith.addi %mul3A_9, %add3A_10 : i32
    %multiple_of3A = tpu.assume_multiple %add3A_11, 8 : i32
    %add3A_12 = arith.constant 6400000 : i32
    %add3A_13 = arith.addi %add3A_12, %multiple_of3A : i32
    %dma_start3A = arith.constant 0 : i32
    %dma_start3A_14 = arith.constant 0 : i32
    %dma_start3A_15 = tpu.memref_slice %arg7[%dma_start3A_14] : memref<4000xi32, #tpu.memory_space<vmem>> -> memref<2000xi32, #tpu.memory_space<vmem>>
    %dma_start3A_16 = tpu.memref_slice %arg2[%add3A_13] : memref<12800000xi32, #tpu.memory_space<hbm>> -> memref<2000xi32, #tpu.memory_space<hbm>>
    %dma_start3A_17 = tpu.memref_slice %arg9[%dma_start3A] : memref<2x!tpu.dma_semaphore, #tpu.memory_space<semaphore_mem>> -> memref<1x!tpu.dma_semaphore, #tpu.memory_space<semaphore_mem>>
    %dma_start3A_18 = tpu.memref_squeeze %dma_start3A_17 : memref<1x!tpu.dma_semaphore, #tpu.memory_space<semaphore_mem>> -> memref<!tpu.dma_semaphore, #tpu.memory_space<semaphore_mem>>
    %dma_start3A_19 = arith.constant 0 : i32
    %dma_start3A_20 = tpu.memref_slice %arg7[%dma_start3A_19] : memref<4000xi32, #tpu.memory_space<vmem>> -> memref<2000xi32, #tpu.memory_space<vmem>>
    %dma_start3A_21 = tpu.memref_slice %arg2[%add3A_13] : memref<12800000xi32, #tpu.memory_space<hbm>> -> memref<2000xi32, #tpu.memory_space<hbm>>
    tpu.enqueue_dma source(%dma_start3A_21 : memref<2000xi32, #tpu.memory_space<hbm>>) target(%dma_start3A_20 : memref<2000xi32, #tpu.memory_space<vmem>>) target_semaphore(%dma_start3A_18 : memref<!tpu.dma_semaphore, #tpu.memory_space<semaphore_mem>>)
    %dma_start3A_22 = arith.constant 0 : i32
    %dma_start3A_23 = arith.constant 0 : i32
    %dma_start3A_24 = tpu.memref_slice %arg8[%dma_start3A_23] : memref<4000xf32, #tpu.memory_space<vmem>> -> memref<2000xf32, #tpu.memory_space<vmem>>
    %dma_start3A_25 = tpu.memref_slice %arg3[%multiple_of3A] : memref<6400000xf32, #tpu.memory_space<hbm>> -> memref<2000xf32, #tpu.memory_space<hbm>>
    %dma_start3A_26 = tpu.memref_slice %arg9[%dma_start3A_22] : memref<2x!tpu.dma_semaphore, #tpu.memory_space<semaphore_mem>> -> memref<1x!tpu.dma_semaphore, #tpu.memory_space<semaphore_mem>>
    %dma_start3A_27 = tpu.memref_squeeze %dma_start3A_26 : memref<1x!tpu.dma_semaphore, #tpu.memory_space<semaphore_mem>> -> memref<!tpu.dma_semaphore, #tpu.memory_space<semaphore_mem>>
    %dma_start3A_28 = arith.constant 0 : i32
    %dma_start3A_29 = tpu.memref_slice %arg8[%dma_start3A_28] : memref<4000xf32, #tpu.memory_space<vmem>> -> memref<2000xf32, #tpu.memory_space<vmem>>
    %dma_start3A_30 = tpu.memref_slice %arg3[%multiple_of3A] : memref<6400000xf32, #tpu.memory_space<hbm>> -> memref<2000xf32, #tpu.memory_space<hbm>>
    tpu.enqueue_dma source(%dma_start3A_30 : memref<2000xf32, #tpu.memory_space<hbm>>) target(%dma_start3A_29 : memref<2000xf32, #tpu.memory_space<vmem>>) target_semaphore(%dma_start3A_27 : memref<!tpu.dma_semaphore, #tpu.memory_space<semaphore_mem>>)
    %scan3A_31 = arith.constant 0 : i32
    %scan3A_32 = arith.constant 0 : i32
    %scan3A_33 = arith.constant 100 : i32
    %scan3A_34 = arith.addi %scan3A_32, %scan3A_33 : i32
    %scan3A_35 = arith.constant 1 : i32
    %scan3A_36 = scf.for %scan3A_69 = %scan3A_32 to %scan3A_34 step %scan3A_35 iter_args(%scan3A_70 = %scan3A_31) -> (i32)  : i32 {
      %rem3A = arith.constant 2 : i32
      %rem3A_71 = arith.remsi %scan3A_69, %rem3A : i32
      %add3A_72 = arith.constant 1 : i32
      %add3A_73 = arith.addi %scan3A_69, %add3A_72 : i32
      %lt3A = arith.constant 100 : i32
      %lt3A_74 = arith.cmpi slt, %add3A_73, %lt3A : i32
      %convert_element_type3A = arith.extui %lt3A_74 : i1 to i32
      %cond3A = arith.constant 0 : i32
      %cond3A_75 = arith.cmpi ne, %convert_element_type3A, %cond3A : i32
      scf.if %cond3A_75 {
        %add3A_105 = arith.constant 1 : i32
        %add3A_106 = arith.addi %scan3A_69, %add3A_105 : i32
        %sub3A = arith.constant 1 : i32
        %sub3A_107 = arith.subi %sub3A, %rem3A_71 : i32
        %mul3A_108 = arith.constant 200000 : i32
        %mul3A_109 = arith.muli %add3A, %mul3A_108 : i32
        %mul3A_110 = arith.constant 2000 : i32
        %mul3A_111 = arith.muli %add3A_106, %mul3A_110 : i32
        %add3A_112 = arith.addi %mul3A_109, %mul3A_111 : i32
        %multiple_of3A_113 = tpu.assume_multiple %add3A_112, 8 : i32
        %mul3A_114 = arith.constant 2000 : i32
        %mul3A_115 = arith.muli %sub3A_107, %mul3A_114 : i32
        %add3A_116 = arith.constant 6400000 : i32
        %add3A_117 = arith.addi %add3A_116, %multiple_of3A_113 : i32
        %dma_start3A_118 = tpu.memref_slice %arg7[%mul3A_115] : memref<4000xi32, #tpu.memory_space<vmem>> -> memref<2000xi32, #tpu.memory_space<vmem>>
        %dma_start3A_119 = tpu.memref_slice %arg2[%add3A_117] : memref<12800000xi32, #tpu.memory_space<hbm>> -> memref<2000xi32, #tpu.memory_space<hbm>>
        %dma_start3A_120 = tpu.memref_slice %arg9[%sub3A_107] : memref<2x!tpu.dma_semaphore, #tpu.memory_space<semaphore_mem>> -> memref<1x!tpu.dma_semaphore, #tpu.memory_space<semaphore_mem>>
        %dma_start3A_121 = tpu.memref_squeeze %dma_start3A_120 : memref<1x!tpu.dma_semaphore, #tpu.memory_space<semaphore_mem>> -> memref<!tpu.dma_semaphore, #tpu.memory_space<semaphore_mem>>
        %dma_start3A_122 = tpu.memref_slice %arg7[%mul3A_115] : memref<4000xi32, #tpu.memory_space<vmem>> -> memref<2000xi32, #tpu.memory_space<vmem>>
        %dma_start3A_123 = tpu.memref_slice %arg2[%add3A_117] : memref<12800000xi32, #tpu.memory_space<hbm>> -> memref<2000xi32, #tpu.memory_space<hbm>>
        tpu.enqueue_dma source(%dma_start3A_123 : memref<2000xi32, #tpu.memory_space<hbm>>) target(%dma_start3A_122 : memref<2000xi32, #tpu.memory_space<vmem>>) target_semaphore(%dma_start3A_121 : memref<!tpu.dma_semaphore, #tpu.memory_space<semaphore_mem>>)
        %dma_start3A_124 = tpu.memref_slice %arg8[%mul3A_115] : memref<4000xf32, #tpu.memory_space<vmem>> -> memref<2000xf32, #tpu.memory_space<vmem>>
        %dma_start3A_125 = tpu.memref_slice %arg3[%multiple_of3A_113] : memref<6400000xf32, #tpu.memory_space<hbm>> -> memref<2000xf32, #tpu.memory_space<hbm>>
        %dma_start3A_126 = tpu.memref_slice %arg9[%sub3A_107] : memref<2x!tpu.dma_semaphore, #tpu.memory_space<semaphore_mem>> -> memref<1x!tpu.dma_semaphore, #tpu.memory_space<semaphore_mem>>
        %dma_start3A_127 = tpu.memref_squeeze %dma_start3A_126 : memref<1x!tpu.dma_semaphore, #tpu.memory_space<semaphore_mem>> -> memref<!tpu.dma_semaphore, #tpu.memory_space<semaphore_mem>>
        %dma_start3A_128 = tpu.memref_slice %arg8[%mul3A_115] : memref<4000xf32, #tpu.memory_space<vmem>> -> memref<2000xf32, #tpu.memory_space<vmem>>
        %dma_start3A_129 = tpu.memref_slice %arg3[%multiple_of3A_113] : memref<6400000xf32, #tpu.memory_space<hbm>> -> memref<2000xf32, #tpu.memory_space<hbm>>
        tpu.enqueue_dma source(%dma_start3A_129 : memref<2000xf32, #tpu.memory_space<hbm>>) target(%dma_start3A_128 : memref<2000xf32, #tpu.memory_space<vmem>>) target_semaphore(%dma_start3A_127 : memref<!tpu.dma_semaphore, #tpu.memory_space<semaphore_mem>>)
      } else {
      }
      %mul3A_76 = arith.constant 200000 : i32
      %mul3A_77 = arith.muli %add3A, %mul3A_76 : i32
      %mul3A_78 = arith.constant 2000 : i32
      %mul3A_79 = arith.muli %scan3A_69, %mul3A_78 : i32
      %add3A_80 = arith.addi %mul3A_77, %mul3A_79 : i32
      %multiple_of3A_81 = tpu.assume_multiple %add3A_80, 8 : i32
      %mul3A_82 = arith.constant 2000 : i32
      %mul3A_83 = arith.muli %rem3A_71, %mul3A_82 : i32
      %add3A_84 = arith.constant 6400000 : i32
      %add3A_85 = arith.addi %add3A_84, %multiple_of3A_81 : i32
      %dma_wait3A = tpu.memref_slice %arg7[%mul3A_83] : memref<4000xi32, #tpu.memory_space<vmem>> -> memref<2000xi32, #tpu.memory_space<vmem>>
      %dma_wait3A_86 = tpu.memref_slice %arg2[%add3A_85] : memref<12800000xi32, #tpu.memory_space<hbm>> -> memref<2000xi32, #tpu.memory_space<hbm>>
      %dma_wait3A_87 = tpu.memref_slice %arg9[%rem3A_71] : memref<2x!tpu.dma_semaphore, #tpu.memory_space<semaphore_mem>> -> memref<1x!tpu.dma_semaphore, #tpu.memory_space<semaphore_mem>>
      %dma_wait3A_88 = tpu.memref_squeeze %dma_wait3A_87 : memref<1x!tpu.dma_semaphore, #tpu.memory_space<semaphore_mem>> -> memref<!tpu.dma_semaphore, #tpu.memory_space<semaphore_mem>>
      %dma_wait3A_89 = tpu.memref_slice %arg7[%mul3A_83] : memref<4000xi32, #tpu.memory_space<vmem>> -> memref<2000xi32, #tpu.memory_space<vmem>>
      %dma_wait3A_90 = tpu.memref_slice %arg2[%add3A_85] : memref<12800000xi32, #tpu.memory_space<hbm>> -> memref<2000xi32, #tpu.memory_space<hbm>>
      tpu.wait_dma2 semaphore(%dma_wait3A_88 : memref<!tpu.dma_semaphore, #tpu.memory_space<semaphore_mem>>) src(%dma_wait3A_90 : memref<2000xi32, #tpu.memory_space<hbm>>) dst(%dma_wait3A_89 : memref<2000xi32, #tpu.memory_space<vmem>>)
      %dma_wait3A_91 = tpu.memref_slice %arg8[%mul3A_83] : memref<4000xf32, #tpu.memory_space<vmem>> -> memref<2000xf32, #tpu.memory_space<vmem>>
      %dma_wait3A_92 = tpu.memref_slice %arg3[%multiple_of3A_81] : memref<6400000xf32, #tpu.memory_space<hbm>> -> memref<2000xf32, #tpu.memory_space<hbm>>
      %dma_wait3A_93 = tpu.memref_slice %arg9[%rem3A_71] : memref<2x!tpu.dma_semaphore, #tpu.memory_space<semaphore_mem>> -> memref<1x!tpu.dma_semaphore, #tpu.memory_space<semaphore_mem>>
      %dma_wait3A_94 = tpu.memref_squeeze %dma_wait3A_93 : memref<1x!tpu.dma_semaphore, #tpu.memory_space<semaphore_mem>> -> memref<!tpu.dma_semaphore, #tpu.memory_space<semaphore_mem>>
      %dma_wait3A_95 = tpu.memref_slice %arg8[%mul3A_83] : memref<4000xf32, #tpu.memory_space<vmem>> -> memref<2000xf32, #tpu.memory_space<vmem>>
      %dma_wait3A_96 = tpu.memref_slice %arg3[%multiple_of3A_81] : memref<6400000xf32, #tpu.memory_space<hbm>> -> memref<2000xf32, #tpu.memory_space<hbm>>
      tpu.wait_dma2 semaphore(%dma_wait3A_94 : memref<!tpu.dma_semaphore, #tpu.memory_space<semaphore_mem>>) src(%dma_wait3A_96 : memref<2000xf32, #tpu.memory_space<hbm>>) dst(%dma_wait3A_95 : memref<2000xf32, #tpu.memory_space<vmem>>)
      %scan3A_97 = arith.constant 0 : i32
      %scan3A_98 = arith.constant 0 : i32
      %scan3A_99 = arith.constant 25 : i32
      %scan3A_100 = arith.addi %scan3A_98, %scan3A_99 : i32
      %scan3A_101 = arith.constant 1 : i32
      %scan3A_102 = scf.for %scan3A_105 = %scan3A_98 to %scan3A_100 step %scan3A_101 iter_args(%scan3A_106 = %scan3A_97) -> (i32)  : i32 {
        %mul3A_107 = arith.constant 2000 : i32
        %mul3A_108 = arith.muli %rem3A_71, %mul3A_107 : i32
        %mul3A_109 = arith.constant 80 : i32
        %mul3A_110 = arith.muli %scan3A_105, %mul3A_109 : i32
        %add3A_111 = arith.addi %mul3A_108, %mul3A_110 : i32
        %add3A_112 = arith.constant 0 : i32
        %add3A_113 = arith.addi %add3A_111, %add3A_112 : i32
        %get3A = arith.index_cast %add3A_113 : i32 to index
        %get3A_114 = tpu.vector_load %arg7[%get3A] {strides = array<i32>} : memref<4000xi32, #tpu.memory_space<vmem>>, vector<16xi32>,
        %get3A_115 = arith.index_cast %add3A_113 : i32 to index
        %get3A_116 = tpu.vector_load %arg8[%get3A_115] {strides = array<i32>} : memref<4000xf32, #tpu.memory_space<vmem>>, vector<16xf32>,
        tpu.vector_store_idx %arg6[%get3A_114], %get3A_116 {add = true} : memref<102400xf32, #tpu.memory_space<vmem>>[vector<16xi32>], vector<16xf32>,
        %add3A_117 = arith.constant 16 : i32
        %add3A_118 = arith.addi %add3A_111, %add3A_117 : i32
        %get3A_119 = arith.index_cast %add3A_118 : i32 to index
        %get3A_120 = tpu.vector_load %arg7[%get3A_119] {strides = array<i32>} : memref<4000xi32, #tpu.memory_space<vmem>>, vector<16xi32>,
        %get3A_121 = arith.index_cast %add3A_118 : i32 to index
        %get3A_122 = tpu.vector_load %arg8[%get3A_121] {strides = array<i32>} : memref<4000xf32, #tpu.memory_space<vmem>>, vector<16xf32>,
        tpu.vector_store_idx %arg6[%get3A_120], %get3A_122 {add = true} : memref<102400xf32, #tpu.memory_space<vmem>>[vector<16xi32>], vector<16xf32>,
        %add3A_123 = arith.constant 32 : i32
        %add3A_124 = arith.addi %add3A_111, %add3A_123 : i32
        %get3A_125 = arith.index_cast %add3A_124 : i32 to index
        %get3A_126 = tpu.vector_load %arg7[%get3A_125] {strides = array<i32>} : memref<4000xi32, #tpu.memory_space<vmem>>, vector<16xi32>,
        %get3A_127 = arith.index_cast %add3A_124 : i32 to index
        %get3A_128 = tpu.vector_load %arg8[%get3A_127] {strides = array<i32>} : memref<4000xf32, #tpu.memory_space<vmem>>, vector<16xf32>,
        tpu.vector_store_idx %arg6[%get3A_126], %get3A_128 {add = true} : memref<102400xf32, #tpu.memory_space<vmem>>[vector<16xi32>], vector<16xf32>,
        %add3A_129 = arith.constant 48 : i32
        %add3A_130 = arith.addi %add3A_111, %add3A_129 : i32
        %get3A_131 = arith.index_cast %add3A_130 : i32 to index
        %get3A_132 = tpu.vector_load %arg7[%get3A_131] {strides = array<i32>} : memref<4000xi32, #tpu.memory_space<vmem>>, vector<16xi32>,
        %get3A_133 = arith.index_cast %add3A_130 : i32 to index
        %get3A_134 = tpu.vector_load %arg8[%get3A_133] {strides = array<i32>} : memref<4000xf32, #tpu.memory_space<vmem>>, vector<16xf32>,
        tpu.vector_store_idx %arg6[%get3A_132], %get3A_134 {add = true} : memref<102400xf32, #tpu.memory_space<vmem>>[vector<16xi32>], vector<16xf32>,
        %add3A_135 = arith.constant 64 : i32
        %add3A_136 = arith.addi %add3A_111, %add3A_135 : i32
        %get3A_137 = arith.index_cast %add3A_136 : i32 to index
        %get3A_138 = tpu.vector_load %arg7[%get3A_137] {strides = array<i32>} : memref<4000xi32, #tpu.memory_space<vmem>>, vector<16xi32>,
        %get3A_139 = arith.index_cast %add3A_136 : i32 to index
        %get3A_140 = tpu.vector_load %arg8[%get3A_139] {strides = array<i32>} : memref<4000xf32, #tpu.memory_space<vmem>>, vector<16xf32>,
        tpu.vector_store_idx %arg6[%get3A_138], %get3A_140 {add = true} : memref<102400xf32, #tpu.memory_space<vmem>>[vector<16xi32>], vector<16xf32>,
        %scan3A_141 = arith.constant 0 : i32
        scf.yield %scan3A_141 : i32
      }
      %scan3A_103 = arith.constant 25 : i32
      %scan3A_104 = arith.constant 0 : i32
      scf.yield %scan3A_104 : i32
    }
    %scan3A_37 = arith.constant 100 : i32
    %mul3A_38 = arith.constant 16 : i32
    %mul3A_39 = arith.muli %arg0, %mul3A_38 : i32
    %add3A_40 = arith.addi %mul3A_39, %arg1 : i32
    %mul3A_41 = arith.constant 102400 : i32
    %mul3A_42 = arith.muli %add3A_40, %mul3A_41 : i32
    "tpu.region"() ({
      %run_scoped3A = tpu.sem_alloc : memref<!tpu.dma_semaphore, #tpu.memory_space<semaphore_mem>>
      %dma_start3A_69 = tpu.memref_slice %arg5[%mul3A_42] : memref<3276800xf32, #tpu.memory_space<hbm>> -> memref<102400xf32, #tpu.memory_space<hbm>>
      %dma_start3A_70 = tpu.memref_slice %arg5[%mul3A_42] : memref<3276800xf32, #tpu.memory_space<hbm>> -> memref<102400xf32, #tpu.memory_space<hbm>>
      tpu.enqueue_dma source(%arg6 : memref<102400xf32, #tpu.memory_space<vmem>>) target(%dma_start3A_70 : memref<102400xf32, #tpu.memory_space<hbm>>) target_semaphore(%run_scoped3A : memref<!tpu.dma_semaphore, #tpu.memory_space<semaphore_mem>>)
      %dma_wait3A = tpu.memref_slice %arg5[%mul3A_42] : memref<3276800xf32, #tpu.memory_space<hbm>> -> memref<102400xf32, #tpu.memory_space<hbm>>
      %dma_wait3A_71 = tpu.memref_slice %arg5[%mul3A_42] : memref<3276800xf32, #tpu.memory_space<hbm>> -> memref<102400xf32, #tpu.memory_space<hbm>>
      tpu.wait_dma2 semaphore(%run_scoped3A : memref<!tpu.dma_semaphore, #tpu.memory_space<semaphore_mem>>) src(%arg6 : memref<102400xf32, #tpu.memory_space<vmem>>) dst(%dma_wait3A_71 : memref<102400xf32, #tpu.memory_space<hbm>>)
      tpu.yield
    }) : () -> ()
    %barrier3A = arith.constant 0 : index
    tpu.barrier barrier_id(%barrier3A)
    %scan3A_43 = arith.constant 0 : i32
    %scan3A_44 = arith.constant 0 : i32
    %scan3A_45 = arith.constant 16 : i32
    %scan3A_46 = arith.addi %scan3A_44, %scan3A_45 : i32
    %scan3A_47 = arith.constant 1 : i32
    %scan3A_48 = scf.for %scan3A_69 = %scan3A_44 to %scan3A_46 step %scan3A_47 iter_args(%scan3A_70 = %scan3A_43) -> (i32)  : i32 {
      %mul3A_71 = arith.constant 16 : i32
      %mul3A_72 = arith.muli %arg0, %mul3A_71 : i32
      %add3A_73 = arith.addi %mul3A_72, %scan3A_69 : i32
      %mul3A_74 = arith.constant 102400 : i32
      %mul3A_75 = arith.muli %add3A_73, %mul3A_74 : i32
      %mul3A_76 = arith.constant 6400 : i32
      %mul3A_77 = arith.muli %arg1, %mul3A_76 : i32
      %add3A_78 = arith.addi %mul3A_75, %mul3A_77 : i32
      %multiple_of3A_79 = tpu.assume_multiple %add3A_78, 8 : i32
      %mul3A_80 = arith.constant 6400 : i32
      %mul3A_81 = arith.muli %scan3A_69, %mul3A_80 : i32
      %dma_start3A_82 = tpu.memref_slice %arg6[%mul3A_81] : memref<102400xf32, #tpu.memory_space<vmem>> -> memref<6400xf32, #tpu.memory_space<vmem>>
      %dma_start3A_83 = tpu.memref_slice %arg5[%multiple_of3A_79] : memref<3276800xf32, #tpu.memory_space<hbm>> -> memref<6400xf32, #tpu.memory_space<hbm>>
      %dma_start3A_84 = tpu.memref_slice %arg6[%mul3A_81] : memref<102400xf32, #tpu.memory_space<vmem>> -> memref<6400xf32, #tpu.memory_space<vmem>>
      %dma_start3A_85 = tpu.memref_slice %arg5[%multiple_of3A_79] : memref<3276800xf32, #tpu.memory_space<hbm>> -> memref<6400xf32, #tpu.memory_space<hbm>>
      tpu.enqueue_dma source(%dma_start3A_85 : memref<6400xf32, #tpu.memory_space<hbm>>) target(%dma_start3A_84 : memref<6400xf32, #tpu.memory_space<vmem>>) target_semaphore(%arg10 : memref<!tpu.dma_semaphore, #tpu.memory_space<semaphore_mem>>)
      %scan3A_86 = arith.constant 0 : i32
      scf.yield %scan3A_86 : i32
    }
    %scan3A_49 = arith.constant 16 : i32
    %scan3A_50 = arith.constant 0 : i32
    %scan3A_51 = arith.constant 0 : i32
    %scan3A_52 = arith.constant 16 : i32
    %scan3A_53 = arith.addi %scan3A_51, %scan3A_52 : i32
    %scan3A_54 = arith.constant 1 : i32
    %scan3A_55 = scf.for %scan3A_69 = %scan3A_51 to %scan3A_53 step %scan3A_54 iter_args(%scan3A_70 = %scan3A_50) -> (i32)  : i32 {
      %mul3A_71 = arith.constant 16 : i32
      %mul3A_72 = arith.muli %arg0, %mul3A_71 : i32
      %add3A_73 = arith.addi %mul3A_72, %scan3A_69 : i32
      %mul3A_74 = arith.constant 102400 : i32
      %mul3A_75 = arith.muli %add3A_73, %mul3A_74 : i32
      %mul3A_76 = arith.constant 6400 : i32
      %mul3A_77 = arith.muli %arg1, %mul3A_76 : i32
      %add3A_78 = arith.addi %mul3A_75, %mul3A_77 : i32
      %multiple_of3A_79 = tpu.assume_multiple %add3A_78, 8 : i32
      %mul3A_80 = arith.constant 6400 : i32
      %mul3A_81 = arith.muli %scan3A_69, %mul3A_80 : i32
      %dma_wait3A = tpu.memref_slice %arg6[%mul3A_81] : memref<102400xf32, #tpu.memory_space<vmem>> -> memref<6400xf32, #tpu.memory_space<vmem>>
      %dma_wait3A_82 = tpu.memref_slice %arg5[%multiple_of3A_79] : memref<3276800xf32, #tpu.memory_space<hbm>> -> memref<6400xf32, #tpu.memory_space<hbm>>
      %dma_wait3A_83 = tpu.memref_slice %arg6[%mul3A_81] : memref<102400xf32, #tpu.memory_space<vmem>> -> memref<6400xf32, #tpu.memory_space<vmem>>
      %dma_wait3A_84 = tpu.memref_slice %arg5[%multiple_of3A_79] : memref<3276800xf32, #tpu.memory_space<hbm>> -> memref<6400xf32, #tpu.memory_space<hbm>>
      tpu.wait_dma2 semaphore(%arg10 : memref<!tpu.dma_semaphore, #tpu.memory_space<semaphore_mem>>) src(%dma_wait3A_84 : memref<6400xf32, #tpu.memory_space<hbm>>) dst(%dma_wait3A_83 : memref<6400xf32, #tpu.memory_space<vmem>>)
      %scan3A_85 = arith.constant 0 : i32
      scf.yield %scan3A_85 : i32
    }
    %scan3A_56 = arith.constant 16 : i32
    %scan3A_57 = arith.constant 0 : i32
    %scan3A_58 = arith.constant 0 : i32
    %scan3A_59 = arith.constant 400 : i32
    %scan3A_60 = arith.addi %scan3A_58, %scan3A_59 : i32
    %scan3A_61 = arith.constant 1 : i32
    %scan3A_62 = scf.for %scan3A_69 = %scan3A_58 to %scan3A_60 step %scan3A_61 iter_args(%scan3A_70 = %scan3A_57) -> (i32)  : i32 {
      %mul3A_71 = arith.constant 16 : i32
      %mul3A_72 = arith.muli %scan3A_69, %mul3A_71 : i32
      %add3A_73 = arith.constant 0 : i32
      %add3A_74 = arith.addi %add3A_73, %mul3A_72 : i32
      %get3A = arith.index_cast %add3A_74 : i32 to index
      %get3A_75 = tpu.vector_load %arg6[%get3A] {strides = array<i32>} : memref<102400xf32, #tpu.memory_space<vmem>>, vector<16xf32>,
      %add3A_76 = arith.constant 6400 : i32
      %add3A_77 = arith.addi %add3A_76, %mul3A_72 : i32
      %get3A_78 = arith.index_cast %add3A_77 : i32 to index
      %get3A_79 = tpu.vector_load %arg6[%get3A_78] {strides = array<i32>} : memref<102400xf32, #tpu.memory_space<vmem>>, vector<16xf32>,
      %add3A_80 = arith.constant 12800 : i32
      %add3A_81 = arith.addi %add3A_80, %mul3A_72 : i32
      %get3A_82 = arith.index_cast %add3A_81 : i32 to index
      %get3A_83 = tpu.vector_load %arg6[%get3A_82] {strides = array<i32>} : memref<102400xf32, #tpu.memory_space<vmem>>, vector<16xf32>,
      %add3A_84 = arith.constant 19200 : i32
      %add3A_85 = arith.addi %add3A_84, %mul3A_72 : i32
      %get3A_86 = arith.index_cast %add3A_85 : i32 to index
      %get3A_87 = tpu.vector_load %arg6[%get3A_86] {strides = array<i32>} : memref<102400xf32, #tpu.memory_space<vmem>>, vector<16xf32>,
      %add3A_88 = arith.constant 25600 : i32
      %add3A_89 = arith.addi %add3A_88, %mul3A_72 : i32
      %get3A_90 = arith.index_cast %add3A_89 : i32 to index
      %get3A_91 = tpu.vector_load %arg6[%get3A_90] {strides = array<i32>} : memref<102400xf32, #tpu.memory_space<vmem>>, vector<16xf32>,
      %add3A_92 = arith.constant 32000 : i32
      %add3A_93 = arith.addi %add3A_92, %mul3A_72 : i32
      %get3A_94 = arith.index_cast %add3A_93 : i32 to index
      %get3A_95 = tpu.vector_load %arg6[%get3A_94] {strides = array<i32>} : memref<102400xf32, #tpu.memory_space<vmem>>, vector<16xf32>,
      %add3A_96 = arith.constant 38400 : i32
      %add3A_97 = arith.addi %add3A_96, %mul3A_72 : i32
      %get3A_98 = arith.index_cast %add3A_97 : i32 to index
      %get3A_99 = tpu.vector_load %arg6[%get3A_98] {strides = array<i32>} : memref<102400xf32, #tpu.memory_space<vmem>>, vector<16xf32>,
      %add3A_100 = arith.constant 44800 : i32
      %add3A_101 = arith.addi %add3A_100, %mul3A_72 : i32
      %get3A_102 = arith.index_cast %add3A_101 : i32 to index
      %get3A_103 = tpu.vector_load %arg6[%get3A_102] {strides = array<i32>} : memref<102400xf32, #tpu.memory_space<vmem>>, vector<16xf32>,
      %add3A_104 = arith.constant 51200 : i32
      %add3A_105 = arith.addi %add3A_104, %mul3A_72 : i32
      %get3A_106 = arith.index_cast %add3A_105 : i32 to index
      %get3A_107 = tpu.vector_load %arg6[%get3A_106] {strides = array<i32>} : memref<102400xf32, #tpu.memory_space<vmem>>, vector<16xf32>,
      %add3A_108 = arith.constant 57600 : i32
      %add3A_109 = arith.addi %add3A_108, %mul3A_72 : i32
      %get3A_110 = arith.index_cast %add3A_109 : i32 to index
      %get3A_111 = tpu.vector_load %arg6[%get3A_110] {strides = array<i32>} : memref<102400xf32, #tpu.memory_space<vmem>>, vector<16xf32>,
      %add3A_112 = arith.constant 64000 : i32
      %add3A_113 = arith.addi %add3A_112, %mul3A_72 : i32
      %get3A_114 = arith.index_cast %add3A_113 : i32 to index
      %get3A_115 = tpu.vector_load %arg6[%get3A_114] {strides = array<i32>} : memref<102400xf32, #tpu.memory_space<vmem>>, vector<16xf32>,
      %add3A_116 = arith.constant 70400 : i32
      %add3A_117 = arith.addi %add3A_116, %mul3A_72 : i32
      %get3A_118 = arith.index_cast %add3A_117 : i32 to index
      %get3A_119 = tpu.vector_load %arg6[%get3A_118] {strides = array<i32>} : memref<102400xf32, #tpu.memory_space<vmem>>, vector<16xf32>,
      %add3A_120 = arith.constant 76800 : i32
      %add3A_121 = arith.addi %add3A_120, %mul3A_72 : i32
      %get3A_122 = arith.index_cast %add3A_121 : i32 to index
      %get3A_123 = tpu.vector_load %arg6[%get3A_122] {strides = array<i32>} : memref<102400xf32, #tpu.memory_space<vmem>>, vector<16xf32>,
      %add3A_124 = arith.constant 83200 : i32
      %add3A_125 = arith.addi %add3A_124, %mul3A_72 : i32
      %get3A_126 = arith.index_cast %add3A_125 : i32 to index
      %get3A_127 = tpu.vector_load %arg6[%get3A_126] {strides = array<i32>} : memref<102400xf32, #tpu.memory_space<vmem>>, vector<16xf32>,
      %add3A_128 = arith.constant 89600 : i32
      %add3A_129 = arith.addi %add3A_128, %mul3A_72 : i32
      %get3A_130 = arith.index_cast %add3A_129 : i32 to index
      %get3A_131 = tpu.vector_load %arg6[%get3A_130] {strides = array<i32>} : memref<102400xf32, #tpu.memory_space<vmem>>, vector<16xf32>,
      %add3A_132 = arith.constant 96000 : i32
      %add3A_133 = arith.addi %add3A_132, %mul3A_72 : i32
      %get3A_134 = arith.index_cast %add3A_133 : i32 to index
      %get3A_135 = tpu.vector_load %arg6[%get3A_134] {strides = array<i32>} : memref<102400xf32, #tpu.memory_space<vmem>>, vector<16xf32>,
      %add3A_136 = arith.addf %get3A_75, %get3A_79 : vector<16xf32>
      %add3A_137 = arith.addf %get3A_83, %get3A_87 : vector<16xf32>
      %add3A_138 = arith.addf %get3A_91, %get3A_95 : vector<16xf32>
      %add3A_139 = arith.addf %get3A_99, %get3A_103 : vector<16xf32>
      %add3A_140 = arith.addf %get3A_107, %get3A_111 : vector<16xf32>
      %add3A_141 = arith.addf %get3A_115, %get3A_119 : vector<16xf32>
      %add3A_142 = arith.addf %get3A_123, %get3A_127 : vector<16xf32>
      %add3A_143 = arith.addf %get3A_131, %get3A_135 : vector<16xf32>
      %add3A_144 = arith.addf %add3A_136, %add3A_137 : vector<16xf32>
      %add3A_145 = arith.addf %add3A_138, %add3A_139 : vector<16xf32>
      %add3A_146 = arith.addf %add3A_140, %add3A_141 : vector<16xf32>
      %add3A_147 = arith.addf %add3A_142, %add3A_143 : vector<16xf32>
      %add3A_148 = arith.addf %add3A_144, %add3A_145 : vector<16xf32>
      %add3A_149 = arith.addf %add3A_146, %add3A_147 : vector<16xf32>
      %add3A_150 = arith.addf %add3A_148, %add3A_149 : vector<16xf32>
      %swap3A = arith.index_cast %mul3A_72 : i32 to index
      %swap3A_151 = tpu.vector_load %arg6[%swap3A] {strides = array<i32>} : memref<102400xf32, #tpu.memory_space<vmem>>, vector<16xf32>,
      tpu.vector_store %arg6[%swap3A], %add3A_150 {strides = array<i32>} : memref<102400xf32, #tpu.memory_space<vmem>>, vector<16xf32>,
      %scan3A_152 = arith.constant 0 : i32
      scf.yield %scan3A_152 : i32
    }
    %scan3A_63 = arith.constant 400 : i32
    %mul3A_64 = arith.constant 102400 : i32
    %mul3A_65 = arith.muli %arg0, %mul3A_64 : i32
    %mul3A_66 = arith.constant 6400 : i32
    %mul3A_67 = arith.muli %arg1, %mul3A_66 : i32
    %add3A_68 = arith.addi %mul3A_65, %mul3A_67 : i32
    "tpu.region"() ({
      %run_scoped3A = tpu.sem_alloc : memref<!tpu.dma_semaphore, #tpu.memory_space<semaphore_mem>>
      %dma_start3A_69 = arith.constant 0 : i32
      %dma_start3A_70 = tpu.memref_slice %arg6[%dma_start3A_69] : memref<102400xf32, #tpu.memory_space<vmem>> -> memref<6400xf32, #tpu.memory_space<vmem>>
      %dma_start3A_71 = tpu.memref_slice %arg4[%add3A_68] : memref<204800xf32, #tpu.memory_space<hbm>> -> memref<6400xf32, #tpu.memory_space<hbm>>
      %dma_start3A_72 = tpu.memref_slice %arg4[%add3A_68] : memref<204800xf32, #tpu.memory_space<hbm>> -> memref<6400xf32, #tpu.memory_space<hbm>>
      %dma_start3A_73 = arith.constant 0 : i32
      %dma_start3A_74 = tpu.memref_slice %arg6[%dma_start3A_73] : memref<102400xf32, #tpu.memory_space<vmem>> -> memref<6400xf32, #tpu.memory_space<vmem>>
      tpu.enqueue_dma source(%dma_start3A_74 : memref<6400xf32, #tpu.memory_space<vmem>>) target(%dma_start3A_72 : memref<6400xf32, #tpu.memory_space<hbm>>) target_semaphore(%run_scoped3A : memref<!tpu.dma_semaphore, #tpu.memory_space<semaphore_mem>>)
      %dma_wait3A = arith.constant 0 : i32
      %dma_wait3A_75 = tpu.memref_slice %arg6[%dma_wait3A] : memref<102400xf32, #tpu.memory_space<vmem>> -> memref<6400xf32, #tpu.memory_space<vmem>>
      %dma_wait3A_76 = tpu.memref_slice %arg4[%add3A_68] : memref<204800xf32, #tpu.memory_space<hbm>> -> memref<6400xf32, #tpu.memory_space<hbm>>
      %dma_wait3A_77 = tpu.memref_slice %arg4[%add3A_68] : memref<204800xf32, #tpu.memory_space<hbm>> -> memref<6400xf32, #tpu.memory_space<hbm>>
      %dma_wait3A_78 = arith.constant 0 : i32
      %dma_wait3A_79 = tpu.memref_slice %arg6[%dma_wait3A_78] : memref<102400xf32, #tpu.memory_space<vmem>> -> memref<6400xf32, #tpu.memory_space<vmem>>
      tpu.wait_dma2 semaphore(%run_scoped3A : memref<!tpu.dma_semaphore, #tpu.memory_space<semaphore_mem>>) src(%dma_wait3A_79 : memref<6400xf32, #tpu.memory_space<vmem>>) dst(%dma_wait3A_77 : memref<6400xf32, #tpu.memory_space<hbm>>)
      tpu.yield
    }) : () -> ()
    return
  }
}

#map = affine_map<(d0, d1) -> (0)>
module attributes {stable_mosaic.version = 14 : i64} {
  func.func @_hop(%arg0: i32, %arg1: i32, %arg2: memref<204800xf32, #tpu.memory_space<hbm>>, %arg3: memref<102400xf32, #tpu.memory_space<hbm>>, %arg4: memref<12800000xi32, #tpu.memory_space<hbm>>, %arg5: memref<6400000xf32, #tpu.memory_space<hbm>>, %arg6: memref<204800xf32, #tpu.memory_space<hbm>>, %arg7: memref<102400xf32, #tpu.memory_space<hbm>>, %arg8: memref<6400000xf32, #tpu.memory_space<hbm>>, %arg9: memref<3276800xf32, #tpu.memory_space<hbm>>, %arg10: memref<102400xf32, #tpu.memory_space<vmem>>, %arg11: memref<4000xi32, #tpu.memory_space<vmem>>, %arg12: memref<4000xf32, #tpu.memory_space<vmem>>, %arg13: memref<4000xf32, #tpu.memory_space<vmem>>, %arg14: memref<102400xf32, #tpu.memory_space<vmem_shared>>, %arg15: memref<2x!tpu.dma_semaphore, #tpu.memory_space<semaphore_mem>>, %arg16: memref<2x!tpu.dma_semaphore, #tpu.memory_space<semaphore_mem>>, %arg17: memref<!tpu.dma_semaphore, #tpu.memory_space<semaphore_mem>>) attributes {dimension_semantics = [#tpu.dimension_semantics<core_parallel>, #tpu.dimension_semantics<subcore_parallel>], iteration_bounds = array<i64: 2, 16>, scalar_prefetch = 0 : i64, scratch_operands = 8 : i64, tpu.core_type = #tpu.core_type<sc_vector_subcore>, window_params = [{transform_indices = #map}, {transform_indices = #map}, {transform_indices = #map}, {transform_indices = #map}, {transform_indices = #map}, {transform_indices = #map}, {transform_indices = #map}, {transform_indices = #map}]} {
    %mul3A = arith.constant 16 : i32
    %mul3A_0 = arith.muli %arg0, %mul3A : i32
    %add3A = arith.addi %mul3A_0, %arg1 : i32
    %mul3A_1 = arith.constant 6400 : i32
    %mul3A_2 = arith.muli %arg1, %mul3A_1 : i32
    %mul3A_3 = arith.constant 6400 : i32
    %mul3A_4 = arith.muli %arg1, %mul3A_3 : i32
    "tpu.region"() ({
      %run_scoped3A = tpu.sem_alloc : memref<!tpu.dma_semaphore, #tpu.memory_space<semaphore_mem>>
      %dma_start3A_147 = arith.constant 0 : i32
      %dma_start3A_148 = tpu.memref_slice %arg10[%dma_start3A_147] : memref<102400xf32, #tpu.memory_space<vmem>> -> memref<6400xf32, #tpu.memory_space<vmem>>
      %dma_start3A_149 = tpu.memref_slice %arg2[%mul3A_4] : memref<204800xf32, #tpu.memory_space<hbm>> -> memref<6400xf32, #tpu.memory_space<hbm>>
      %dma_start3A_150 = arith.constant 0 : i32
      %dma_start3A_151 = tpu.memref_slice %arg10[%dma_start3A_150] : memref<102400xf32, #tpu.memory_space<vmem>> -> memref<6400xf32, #tpu.memory_space<vmem>>
      %dma_start3A_152 = tpu.memref_slice %arg2[%mul3A_4] : memref<204800xf32, #tpu.memory_space<hbm>> -> memref<6400xf32, #tpu.memory_space<hbm>>
      tpu.enqueue_dma source(%dma_start3A_152 : memref<6400xf32, #tpu.memory_space<hbm>>) target(%dma_start3A_151 : memref<6400xf32, #tpu.memory_space<vmem>>) target_semaphore(%run_scoped3A : memref<!tpu.dma_semaphore, #tpu.memory_space<semaphore_mem>>)
      %dma_wait3A_153 = arith.constant 0 : i32
      %dma_wait3A_154 = tpu.memref_slice %arg10[%dma_wait3A_153] : memref<102400xf32, #tpu.memory_space<vmem>> -> memref<6400xf32, #tpu.memory_space<vmem>>
      %dma_wait3A_155 = tpu.memref_slice %arg2[%mul3A_4] : memref<204800xf32, #tpu.memory_space<hbm>> -> memref<6400xf32, #tpu.memory_space<hbm>>
      %dma_wait3A_156 = arith.constant 0 : i32
      %dma_wait3A_157 = tpu.memref_slice %arg10[%dma_wait3A_156] : memref<102400xf32, #tpu.memory_space<vmem>> -> memref<6400xf32, #tpu.memory_space<vmem>>
      %dma_wait3A_158 = tpu.memref_slice %arg2[%mul3A_4] : memref<204800xf32, #tpu.memory_space<hbm>> -> memref<6400xf32, #tpu.memory_space<hbm>>
      tpu.wait_dma2 semaphore(%run_scoped3A : memref<!tpu.dma_semaphore, #tpu.memory_space<semaphore_mem>>) src(%dma_wait3A_158 : memref<6400xf32, #tpu.memory_space<hbm>>) dst(%dma_wait3A_157 : memref<6400xf32, #tpu.memory_space<vmem>>)
      tpu.yield
    }) : () -> ()
    %mul3A_5 = arith.constant 6400 : i32
    %mul3A_6 = arith.muli %arg1, %mul3A_5 : i32
    %add3A_7 = arith.constant 102400 : i32
    %add3A_8 = arith.addi %add3A_7, %mul3A_6 : i32
    "tpu.region"() ({
      %run_scoped3A = tpu.sem_alloc : memref<!tpu.dma_semaphore, #tpu.memory_space<semaphore_mem>>
      %dma_start3A_147 = arith.constant 6400 : i32
      %dma_start3A_148 = tpu.memref_slice %arg10[%dma_start3A_147] : memref<102400xf32, #tpu.memory_space<vmem>> -> memref<6400xf32, #tpu.memory_space<vmem>>
      %dma_start3A_149 = tpu.memref_slice %arg2[%add3A_8] : memref<204800xf32, #tpu.memory_space<hbm>> -> memref<6400xf32, #tpu.memory_space<hbm>>
      %dma_start3A_150 = arith.constant 6400 : i32
      %dma_start3A_151 = tpu.memref_slice %arg10[%dma_start3A_150] : memref<102400xf32, #tpu.memory_space<vmem>> -> memref<6400xf32, #tpu.memory_space<vmem>>
      %dma_start3A_152 = tpu.memref_slice %arg2[%add3A_8] : memref<204800xf32, #tpu.memory_space<hbm>> -> memref<6400xf32, #tpu.memory_space<hbm>>
      tpu.enqueue_dma source(%dma_start3A_152 : memref<6400xf32, #tpu.memory_space<hbm>>) target(%dma_start3A_151 : memref<6400xf32, #tpu.memory_space<vmem>>) target_semaphore(%run_scoped3A : memref<!tpu.dma_semaphore, #tpu.memory_space<semaphore_mem>>)
      %dma_wait3A_153 = arith.constant 6400 : i32
      %dma_wait3A_154 = tpu.memref_slice %arg10[%dma_wait3A_153] : memref<102400xf32, #tpu.memory_space<vmem>> -> memref<6400xf32, #tpu.memory_space<vmem>>
      %dma_wait3A_155 = tpu.memref_slice %arg2[%add3A_8] : memref<204800xf32, #tpu.memory_space<hbm>> -> memref<6400xf32, #tpu.memory_space<hbm>>
      %dma_wait3A_156 = arith.constant 6400 : i32
      %dma_wait3A_157 = tpu.memref_slice %arg10[%dma_wait3A_156] : memref<102400xf32, #tpu.memory_space<vmem>> -> memref<6400xf32, #tpu.memory_space<vmem>>
      %dma_wait3A_158 = tpu.memref_slice %arg2[%add3A_8] : memref<204800xf32, #tpu.memory_space<hbm>> -> memref<6400xf32, #tpu.memory_space<hbm>>
      tpu.wait_dma2 semaphore(%run_scoped3A : memref<!tpu.dma_semaphore, #tpu.memory_space<semaphore_mem>>) src(%dma_wait3A_158 : memref<6400xf32, #tpu.memory_space<hbm>>) dst(%dma_wait3A_157 : memref<6400xf32, #tpu.memory_space<vmem>>)
      tpu.yield
    }) : () -> ()
    "tpu.region"() ({
      %run_scoped3A = tpu.sem_alloc : memref<!tpu.dma_semaphore, #tpu.memory_space<semaphore_mem>>
      %dma_start3A_147 = arith.constant 12800 : i32
      %dma_start3A_148 = tpu.memref_slice %arg10[%dma_start3A_147] : memref<102400xf32, #tpu.memory_space<vmem>> -> memref<6400xf32, #tpu.memory_space<vmem>>
      %dma_start3A_149 = tpu.memref_slice %arg3[%mul3A_2] : memref<102400xf32, #tpu.memory_space<hbm>> -> memref<6400xf32, #tpu.memory_space<hbm>>
      %dma_start3A_150 = arith.constant 12800 : i32
      %dma_start3A_151 = tpu.memref_slice %arg10[%dma_start3A_150] : memref<102400xf32, #tpu.memory_space<vmem>> -> memref<6400xf32, #tpu.memory_space<vmem>>
      %dma_start3A_152 = tpu.memref_slice %arg3[%mul3A_2] : memref<102400xf32, #tpu.memory_space<hbm>> -> memref<6400xf32, #tpu.memory_space<hbm>>
      tpu.enqueue_dma source(%dma_start3A_152 : memref<6400xf32, #tpu.memory_space<hbm>>) target(%dma_start3A_151 : memref<6400xf32, #tpu.memory_space<vmem>>) target_semaphore(%run_scoped3A : memref<!tpu.dma_semaphore, #tpu.memory_space<semaphore_mem>>)
      %dma_wait3A_153 = arith.constant 12800 : i32
      %dma_wait3A_154 = tpu.memref_slice %arg10[%dma_wait3A_153] : memref<102400xf32, #tpu.memory_space<vmem>> -> memref<6400xf32, #tpu.memory_space<vmem>>
      %dma_wait3A_155 = tpu.memref_slice %arg3[%mul3A_2] : memref<102400xf32, #tpu.memory_space<hbm>> -> memref<6400xf32, #tpu.memory_space<hbm>>
      %dma_wait3A_156 = arith.constant 12800 : i32
      %dma_wait3A_157 = tpu.memref_slice %arg10[%dma_wait3A_156] : memref<102400xf32, #tpu.memory_space<vmem>> -> memref<6400xf32, #tpu.memory_space<vmem>>
      %dma_wait3A_158 = tpu.memref_slice %arg3[%mul3A_2] : memref<102400xf32, #tpu.memory_space<hbm>> -> memref<6400xf32, #tpu.memory_space<hbm>>
      tpu.wait_dma2 semaphore(%run_scoped3A : memref<!tpu.dma_semaphore, #tpu.memory_space<semaphore_mem>>) src(%dma_wait3A_158 : memref<6400xf32, #tpu.memory_space<hbm>>) dst(%dma_wait3A_157 : memref<6400xf32, #tpu.memory_space<vmem>>)
      tpu.yield
    }) : () -> ()
    %scan3A = arith.constant 0 : i32
    %scan3A_9 = arith.constant 0 : i32
    %scan3A_10 = arith.constant 400 : i32
    %scan3A_11 = arith.addi %scan3A_9, %scan3A_10 : i32
    %scan3A_12 = arith.constant 1 : i32
    %scan3A_13 = scf.for %scan3A_147 = %scan3A_9 to %scan3A_11 step %scan3A_12 iter_args(%scan3A_148 = %scan3A) -> (i32)  : i32 {
      %mul3A_149 = arith.constant 16 : i32
      %mul3A_150 = arith.muli %scan3A_147, %mul3A_149 : i32
      %add3A_151 = arith.constant 12800 : i32
      %add3A_152 = arith.addi %add3A_151, %mul3A_150 : i32
      %get3A = arith.index_cast %add3A_152 : i32 to index
      %get3A_153 = tpu.vector_load %arg10[%get3A] {strides = array<i32>} : memref<102400xf32, #tpu.memory_space<vmem>>, vector<16xf32>,
      %get3A_154 = arith.index_cast %mul3A_150 : i32 to index
      %get3A_155 = tpu.vector_load %arg10[%get3A_154] {strides = array<i32>} : memref<102400xf32, #tpu.memory_space<vmem>>, vector<16xf32>,
      %add3A_156 = arith.constant 6400 : i32
      %add3A_157 = arith.addi %add3A_156, %mul3A_150 : i32
      %get3A_158 = arith.index_cast %add3A_157 : i32 to index
      %get3A_159 = tpu.vector_load %arg10[%get3A_158] {strides = array<i32>} : memref<102400xf32, #tpu.memory_space<vmem>>, vector<16xf32>,
      %add3A_160 = arith.addf %get3A_155, %get3A_159 : vector<16xf32>
      %mul3A_161 = arith.mulf %get3A_153, %add3A_160 : vector<16xf32>
      %swap3A = arith.index_cast %mul3A_150 : i32 to index
      %swap3A_162 = tpu.vector_load %arg10[%swap3A] {strides = array<i32>} : memref<102400xf32, #tpu.memory_space<vmem>>, vector<16xf32>,
      tpu.vector_store %arg10[%swap3A], %mul3A_161 {strides = array<i32>} : memref<102400xf32, #tpu.memory_space<vmem>>, vector<16xf32>,
      %mul3A_163 = arith.mulf %get3A_153, %mul3A_161 : vector<16xf32>
      %add3A_164 = arith.constant 6400 : i32
      %add3A_165 = arith.addi %add3A_164, %mul3A_150 : i32
      %swap3A_166 = arith.index_cast %add3A_165 : i32 to index
      %swap3A_167 = tpu.vector_load %arg10[%swap3A_166] {strides = array<i32>} : memref<102400xf32, #tpu.memory_space<vmem>>, vector<16xf32>,
      tpu.vector_store %arg10[%swap3A_166], %mul3A_163 {strides = array<i32>} : memref<102400xf32, #tpu.memory_space<vmem>>, vector<16xf32>,
      %scan3A_168 = arith.constant 0 : i32
      scf.yield %scan3A_168 : i32
    }
    %scan3A_14 = arith.constant 400 : i32
    %eq3A = arith.constant 0 : i32
    %eq3A_15 = arith.cmpi eq, %arg0, %eq3A : i32
    %convert_element_type3A = arith.extui %eq3A_15 : i1 to i32
    %cond3A = arith.constant 0 : i32
    %cond3A_16 = arith.cmpi ne, %convert_element_type3A, %cond3A : i32
    scf.if %cond3A_16 {
      "tpu.region"() ({
        %run_scoped3A = tpu.sem_alloc : memref<!tpu.dma_semaphore, #tpu.memory_space<semaphore_mem>>
        %dma_start3A_147 = arith.constant 0 : i32
        %dma_start3A_148 = tpu.memref_slice %arg10[%dma_start3A_147] : memref<102400xf32, #tpu.memory_space<vmem>> -> memref<6400xf32, #tpu.memory_space<vmem>>
        %dma_start3A_149 = tpu.memref_slice %arg7[%mul3A_2] : memref<102400xf32, #tpu.memory_space<hbm>> -> memref<6400xf32, #tpu.memory_space<hbm>>
        %dma_start3A_150 = tpu.memref_slice %arg7[%mul3A_2] : memref<102400xf32, #tpu.memory_space<hbm>> -> memref<6400xf32, #tpu.memory_space<hbm>>
        %dma_start3A_151 = arith.constant 0 : i32
        %dma_start3A_152 = tpu.memref_slice %arg10[%dma_start3A_151] : memref<102400xf32, #tpu.memory_space<vmem>> -> memref<6400xf32, #tpu.memory_space<vmem>>
        tpu.enqueue_dma source(%dma_start3A_152 : memref<6400xf32, #tpu.memory_space<vmem>>) target(%dma_start3A_150 : memref<6400xf32, #tpu.memory_space<hbm>>) target_semaphore(%run_scoped3A : memref<!tpu.dma_semaphore, #tpu.memory_space<semaphore_mem>>)
        %dma_wait3A_153 = arith.constant 0 : i32
        %dma_wait3A_154 = tpu.memref_slice %arg10[%dma_wait3A_153] : memref<102400xf32, #tpu.memory_space<vmem>> -> memref<6400xf32, #tpu.memory_space<vmem>>
        %dma_wait3A_155 = tpu.memref_slice %arg7[%mul3A_2] : memref<102400xf32, #tpu.memory_space<hbm>> -> memref<6400xf32, #tpu.memory_space<hbm>>
        %dma_wait3A_156 = tpu.memref_slice %arg7[%mul3A_2] : memref<102400xf32, #tpu.memory_space<hbm>> -> memref<6400xf32, #tpu.memory_space<hbm>>
        %dma_wait3A_157 = arith.constant 0 : i32
        %dma_wait3A_158 = tpu.memref_slice %arg10[%dma_wait3A_157] : memref<102400xf32, #tpu.memory_space<vmem>> -> memref<6400xf32, #tpu.memory_space<vmem>>
        tpu.wait_dma2 semaphore(%run_scoped3A : memref<!tpu.dma_semaphore, #tpu.memory_space<semaphore_mem>>) src(%dma_wait3A_158 : memref<6400xf32, #tpu.memory_space<vmem>>) dst(%dma_wait3A_156 : memref<6400xf32, #tpu.memory_space<hbm>>)
        tpu.yield
      }) : () -> ()
    } else {
    }
    "tpu.region"() ({
      %run_scoped3A = tpu.sem_alloc : memref<!tpu.dma_semaphore, #tpu.memory_space<semaphore_mem>>
      %dma_start3A_147 = arith.constant 6400 : i32
      %dma_start3A_148 = tpu.memref_slice %arg10[%dma_start3A_147] : memref<102400xf32, #tpu.memory_space<vmem>> -> memref<6400xf32, #tpu.memory_space<vmem>>
      %dma_start3A_149 = tpu.memref_slice %arg14[%mul3A_2] : memref<102400xf32, #tpu.memory_space<vmem_shared>> -> memref<6400xf32, #tpu.memory_space<vmem_shared>>
      %dma_start3A_150 = tpu.memref_slice %arg14[%mul3A_2] : memref<102400xf32, #tpu.memory_space<vmem_shared>> -> memref<6400xf32, #tpu.memory_space<vmem_shared>>
      %dma_start3A_151 = arith.constant 6400 : i32
      %dma_start3A_152 = tpu.memref_slice %arg10[%dma_start3A_151] : memref<102400xf32, #tpu.memory_space<vmem>> -> memref<6400xf32, #tpu.memory_space<vmem>>
      tpu.enqueue_dma source(%dma_start3A_152 : memref<6400xf32, #tpu.memory_space<vmem>>) target(%dma_start3A_150 : memref<6400xf32, #tpu.memory_space<vmem_shared>>) target_semaphore(%run_scoped3A : memref<!tpu.dma_semaphore, #tpu.memory_space<semaphore_mem>>)
      %dma_wait3A_153 = arith.constant 6400 : i32
      %dma_wait3A_154 = tpu.memref_slice %arg10[%dma_wait3A_153] : memref<102400xf32, #tpu.memory_space<vmem>> -> memref<6400xf32, #tpu.memory_space<vmem>>
      %dma_wait3A_155 = tpu.memref_slice %arg14[%mul3A_2] : memref<102400xf32, #tpu.memory_space<vmem_shared>> -> memref<6400xf32, #tpu.memory_space<vmem_shared>>
      %dma_wait3A_156 = tpu.memref_slice %arg14[%mul3A_2] : memref<102400xf32, #tpu.memory_space<vmem_shared>> -> memref<6400xf32, #tpu.memory_space<vmem_shared>>
      %dma_wait3A_157 = arith.constant 6400 : i32
      %dma_wait3A_158 = tpu.memref_slice %arg10[%dma_wait3A_157] : memref<102400xf32, #tpu.memory_space<vmem>> -> memref<6400xf32, #tpu.memory_space<vmem>>
      tpu.wait_dma2 semaphore(%run_scoped3A : memref<!tpu.dma_semaphore, #tpu.memory_space<semaphore_mem>>) src(%dma_wait3A_158 : memref<6400xf32, #tpu.memory_space<vmem>>) dst(%dma_wait3A_156 : memref<6400xf32, #tpu.memory_space<vmem_shared>>)
      tpu.yield
    }) : () -> ()
    %barrier3A = arith.constant 0 : index
    tpu.barrier barrier_id(%barrier3A)
    "tpu.region"() ({
      %run_scoped3A = tpu.sem_alloc : memref<!tpu.dma_semaphore, #tpu.memory_space<semaphore_mem>>
      tpu.enqueue_dma source(%arg14 : memref<102400xf32, #tpu.memory_space<vmem_shared>>) target(%arg10 : memref<102400xf32, #tpu.memory_space<vmem>>) target_semaphore(%run_scoped3A : memref<!tpu.dma_semaphore, #tpu.memory_space<semaphore_mem>>)
      tpu.wait_dma2 semaphore(%run_scoped3A : memref<!tpu.dma_semaphore, #tpu.memory_space<semaphore_mem>>) src(%arg14 : memref<102400xf32, #tpu.memory_space<vmem_shared>>) dst(%arg10 : memref<102400xf32, #tpu.memory_space<vmem>>)
      tpu.yield
    }) : () -> ()
    %barrier3A_17 = arith.constant 0 : index
    tpu.barrier barrier_id(%barrier3A_17)
    %mul3A_18 = arith.constant 200000 : i32
    %mul3A_19 = arith.muli %add3A, %mul3A_18 : i32
    %add3A_20 = arith.constant 0 : i32
    %add3A_21 = arith.addi %mul3A_19, %add3A_20 : i32
    %multiple_of3A = tpu.assume_multiple %add3A_21, 8 : i32
    %add3A_22 = arith.constant 0 : i32
    %add3A_23 = arith.addi %add3A_22, %multiple_of3A : i32
    %dma_start3A = arith.constant 0 : i32
    %dma_start3A_24 = arith.constant 0 : i32
    %dma_start3A_25 = tpu.memref_slice %arg11[%dma_start3A_24] : memref<4000xi32, #tpu.memory_space<vmem>> -> memref<2000xi32, #tpu.memory_space<vmem>>
    %dma_start3A_26 = tpu.memref_slice %arg4[%add3A_23] : memref<12800000xi32, #tpu.memory_space<hbm>> -> memref<2000xi32, #tpu.memory_space<hbm>>
    %dma_start3A_27 = tpu.memref_slice %arg15[%dma_start3A] : memref<2x!tpu.dma_semaphore, #tpu.memory_space<semaphore_mem>> -> memref<1x!tpu.dma_semaphore, #tpu.memory_space<semaphore_mem>>
    %dma_start3A_28 = tpu.memref_squeeze %dma_start3A_27 : memref<1x!tpu.dma_semaphore, #tpu.memory_space<semaphore_mem>> -> memref<!tpu.dma_semaphore, #tpu.memory_space<semaphore_mem>>
    %dma_start3A_29 = arith.constant 0 : i32
    %dma_start3A_30 = tpu.memref_slice %arg11[%dma_start3A_29] : memref<4000xi32, #tpu.memory_space<vmem>> -> memref<2000xi32, #tpu.memory_space<vmem>>
    %dma_start3A_31 = tpu.memref_slice %arg4[%add3A_23] : memref<12800000xi32, #tpu.memory_space<hbm>> -> memref<2000xi32, #tpu.memory_space<hbm>>
    tpu.enqueue_dma source(%dma_start3A_31 : memref<2000xi32, #tpu.memory_space<hbm>>) target(%dma_start3A_30 : memref<2000xi32, #tpu.memory_space<vmem>>) target_semaphore(%dma_start3A_28 : memref<!tpu.dma_semaphore, #tpu.memory_space<semaphore_mem>>)
    %dma_start3A_32 = arith.constant 0 : i32
    %dma_start3A_33 = arith.constant 0 : i32
    %dma_start3A_34 = tpu.memref_slice %arg12[%dma_start3A_33] : memref<4000xf32, #tpu.memory_space<vmem>> -> memref<2000xf32, #tpu.memory_space<vmem>>
    %dma_start3A_35 = tpu.memref_slice %arg5[%multiple_of3A] : memref<6400000xf32, #tpu.memory_space<hbm>> -> memref<2000xf32, #tpu.memory_space<hbm>>
    %dma_start3A_36 = tpu.memref_slice %arg15[%dma_start3A_32] : memref<2x!tpu.dma_semaphore, #tpu.memory_space<semaphore_mem>> -> memref<1x!tpu.dma_semaphore, #tpu.memory_space<semaphore_mem>>
    %dma_start3A_37 = tpu.memref_squeeze %dma_start3A_36 : memref<1x!tpu.dma_semaphore, #tpu.memory_space<semaphore_mem>> -> memref<!tpu.dma_semaphore, #tpu.memory_space<semaphore_mem>>
    %dma_start3A_38 = arith.constant 0 : i32
    %dma_start3A_39 = tpu.memref_slice %arg12[%dma_start3A_38] : memref<4000xf32, #tpu.memory_space<vmem>> -> memref<2000xf32, #tpu.memory_space<vmem>>
    %dma_start3A_40 = tpu.memref_slice %arg5[%multiple_of3A] : memref<6400000xf32, #tpu.memory_space<hbm>> -> memref<2000xf32, #tpu.memory_space<hbm>>
    tpu.enqueue_dma source(%dma_start3A_40 : memref<2000xf32, #tpu.memory_space<hbm>>) target(%dma_start3A_39 : memref<2000xf32, #tpu.memory_space<vmem>>) target_semaphore(%dma_start3A_37 : memref<!tpu.dma_semaphore, #tpu.memory_space<semaphore_mem>>)
    %scan3A_41 = arith.constant 0 : i32
    %scan3A_42 = arith.constant 0 : i32
    %scan3A_43 = arith.constant 100 : i32
    %scan3A_44 = arith.addi %scan3A_42, %scan3A_43 : i32
    %scan3A_45 = arith.constant 1 : i32
    %scan3A_46 = scf.for %scan3A_147 = %scan3A_42 to %scan3A_44 step %scan3A_45 iter_args(%scan3A_148 = %scan3A_41) -> (i32)  : i32 {
      %rem3A = arith.constant 2 : i32
      %rem3A_149 = arith.remsi %scan3A_147, %rem3A : i32
      %add3A_150 = arith.constant 1 : i32
      %add3A_151 = arith.addi %scan3A_147, %add3A_150 : i32
      %lt3A = arith.constant 100 : i32
      %lt3A_152 = arith.cmpi slt, %add3A_151, %lt3A : i32
      %convert_element_type3A_153 = arith.extui %lt3A_152 : i1 to i32
      %cond3A_154 = arith.constant 0 : i32
      %cond3A_155 = arith.cmpi ne, %convert_element_type3A_153, %cond3A_154 : i32
      scf.if %cond3A_155 {
        %add3A_204 = arith.constant 1 : i32
        %add3A_205 = arith.addi %scan3A_147, %add3A_204 : i32
        %sub3A = arith.constant 1 : i32
        %sub3A_206 = arith.subi %sub3A, %rem3A_149 : i32
        %mul3A_207 = arith.constant 200000 : i32
        %mul3A_208 = arith.muli %add3A, %mul3A_207 : i32
        %mul3A_209 = arith.constant 2000 : i32
        %mul3A_210 = arith.muli %add3A_205, %mul3A_209 : i32
        %add3A_211 = arith.addi %mul3A_208, %mul3A_210 : i32
        %multiple_of3A_212 = tpu.assume_multiple %add3A_211, 8 : i32
        %mul3A_213 = arith.constant 2000 : i32
        %mul3A_214 = arith.muli %sub3A_206, %mul3A_213 : i32
        %add3A_215 = arith.constant 0 : i32
        %add3A_216 = arith.addi %add3A_215, %multiple_of3A_212 : i32
        %dma_start3A_217 = tpu.memref_slice %arg11[%mul3A_214] : memref<4000xi32, #tpu.memory_space<vmem>> -> memref<2000xi32, #tpu.memory_space<vmem>>
        %dma_start3A_218 = tpu.memref_slice %arg4[%add3A_216] : memref<12800000xi32, #tpu.memory_space<hbm>> -> memref<2000xi32, #tpu.memory_space<hbm>>
        %dma_start3A_219 = tpu.memref_slice %arg15[%sub3A_206] : memref<2x!tpu.dma_semaphore, #tpu.memory_space<semaphore_mem>> -> memref<1x!tpu.dma_semaphore, #tpu.memory_space<semaphore_mem>>
        %dma_start3A_220 = tpu.memref_squeeze %dma_start3A_219 : memref<1x!tpu.dma_semaphore, #tpu.memory_space<semaphore_mem>> -> memref<!tpu.dma_semaphore, #tpu.memory_space<semaphore_mem>>
        %dma_start3A_221 = tpu.memref_slice %arg11[%mul3A_214] : memref<4000xi32, #tpu.memory_space<vmem>> -> memref<2000xi32, #tpu.memory_space<vmem>>
        %dma_start3A_222 = tpu.memref_slice %arg4[%add3A_216] : memref<12800000xi32, #tpu.memory_space<hbm>> -> memref<2000xi32, #tpu.memory_space<hbm>>
        tpu.enqueue_dma source(%dma_start3A_222 : memref<2000xi32, #tpu.memory_space<hbm>>) target(%dma_start3A_221 : memref<2000xi32, #tpu.memory_space<vmem>>) target_semaphore(%dma_start3A_220 : memref<!tpu.dma_semaphore, #tpu.memory_space<semaphore_mem>>)
        %dma_start3A_223 = tpu.memref_slice %arg12[%mul3A_214] : memref<4000xf32, #tpu.memory_space<vmem>> -> memref<2000xf32, #tpu.memory_space<vmem>>
        %dma_start3A_224 = tpu.memref_slice %arg5[%multiple_of3A_212] : memref<6400000xf32, #tpu.memory_space<hbm>> -> memref<2000xf32, #tpu.memory_space<hbm>>
        %dma_start3A_225 = tpu.memref_slice %arg15[%sub3A_206] : memref<2x!tpu.dma_semaphore, #tpu.memory_space<semaphore_mem>> -> memref<1x!tpu.dma_semaphore, #tpu.memory_space<semaphore_mem>>
        %dma_start3A_226 = tpu.memref_squeeze %dma_start3A_225 : memref<1x!tpu.dma_semaphore, #tpu.memory_space<semaphore_mem>> -> memref<!tpu.dma_semaphore, #tpu.memory_space<semaphore_mem>>
        %dma_start3A_227 = tpu.memref_slice %arg12[%mul3A_214] : memref<4000xf32, #tpu.memory_space<vmem>> -> memref<2000xf32, #tpu.memory_space<vmem>>
        %dma_start3A_228 = tpu.memref_slice %arg5[%multiple_of3A_212] : memref<6400000xf32, #tpu.memory_space<hbm>> -> memref<2000xf32, #tpu.memory_space<hbm>>
        tpu.enqueue_dma source(%dma_start3A_228 : memref<2000xf32, #tpu.memory_space<hbm>>) target(%dma_start3A_227 : memref<2000xf32, #tpu.memory_space<vmem>>) target_semaphore(%dma_start3A_226 : memref<!tpu.dma_semaphore, #tpu.memory_space<semaphore_mem>>)
      } else {
      }
      %mul3A_156 = arith.constant 200000 : i32
      %mul3A_157 = arith.muli %add3A, %mul3A_156 : i32
      %mul3A_158 = arith.constant 2000 : i32
      %mul3A_159 = arith.muli %scan3A_147, %mul3A_158 : i32
      %add3A_160 = arith.addi %mul3A_157, %mul3A_159 : i32
      %multiple_of3A_161 = tpu.assume_multiple %add3A_160, 8 : i32
      %mul3A_162 = arith.constant 2000 : i32
      %mul3A_163 = arith.muli %rem3A_149, %mul3A_162 : i32
      %add3A_164 = arith.constant 0 : i32
      %add3A_165 = arith.addi %add3A_164, %multiple_of3A_161 : i32
      %dma_wait3A_166 = tpu.memref_slice %arg11[%mul3A_163] : memref<4000xi32, #tpu.memory_space<vmem>> -> memref<2000xi32, #tpu.memory_space<vmem>>
      %dma_wait3A_167 = tpu.memref_slice %arg4[%add3A_165] : memref<12800000xi32, #tpu.memory_space<hbm>> -> memref<2000xi32, #tpu.memory_space<hbm>>
      %dma_wait3A_168 = tpu.memref_slice %arg15[%rem3A_149] : memref<2x!tpu.dma_semaphore, #tpu.memory_space<semaphore_mem>> -> memref<1x!tpu.dma_semaphore, #tpu.memory_space<semaphore_mem>>
      %dma_wait3A_169 = tpu.memref_squeeze %dma_wait3A_168 : memref<1x!tpu.dma_semaphore, #tpu.memory_space<semaphore_mem>> -> memref<!tpu.dma_semaphore, #tpu.memory_space<semaphore_mem>>
      %dma_wait3A_170 = tpu.memref_slice %arg11[%mul3A_163] : memref<4000xi32, #tpu.memory_space<vmem>> -> memref<2000xi32, #tpu.memory_space<vmem>>
      %dma_wait3A_171 = tpu.memref_slice %arg4[%add3A_165] : memref<12800000xi32, #tpu.memory_space<hbm>> -> memref<2000xi32, #tpu.memory_space<hbm>>
      tpu.wait_dma2 semaphore(%dma_wait3A_169 : memref<!tpu.dma_semaphore, #tpu.memory_space<semaphore_mem>>) src(%dma_wait3A_171 : memref<2000xi32, #tpu.memory_space<hbm>>) dst(%dma_wait3A_170 : memref<2000xi32, #tpu.memory_space<vmem>>)
      %dma_wait3A_172 = tpu.memref_slice %arg12[%mul3A_163] : memref<4000xf32, #tpu.memory_space<vmem>> -> memref<2000xf32, #tpu.memory_space<vmem>>
      %dma_wait3A_173 = tpu.memref_slice %arg5[%multiple_of3A_161] : memref<6400000xf32, #tpu.memory_space<hbm>> -> memref<2000xf32, #tpu.memory_space<hbm>>
      %dma_wait3A_174 = tpu.memref_slice %arg15[%rem3A_149] : memref<2x!tpu.dma_semaphore, #tpu.memory_space<semaphore_mem>> -> memref<1x!tpu.dma_semaphore, #tpu.memory_space<semaphore_mem>>
      %dma_wait3A_175 = tpu.memref_squeeze %dma_wait3A_174 : memref<1x!tpu.dma_semaphore, #tpu.memory_space<semaphore_mem>> -> memref<!tpu.dma_semaphore, #tpu.memory_space<semaphore_mem>>
      %dma_wait3A_176 = tpu.memref_slice %arg12[%mul3A_163] : memref<4000xf32, #tpu.memory_space<vmem>> -> memref<2000xf32, #tpu.memory_space<vmem>>
      %dma_wait3A_177 = tpu.memref_slice %arg5[%multiple_of3A_161] : memref<6400000xf32, #tpu.memory_space<hbm>> -> memref<2000xf32, #tpu.memory_space<hbm>>
      tpu.wait_dma2 semaphore(%dma_wait3A_175 : memref<!tpu.dma_semaphore, #tpu.memory_space<semaphore_mem>>) src(%dma_wait3A_177 : memref<2000xf32, #tpu.memory_space<hbm>>) dst(%dma_wait3A_176 : memref<2000xf32, #tpu.memory_space<vmem>>)
      %ge3A = arith.constant 2 : i32
      %ge3A_178 = arith.cmpi sge, %scan3A_147, %ge3A : i32
      %convert_element_type3A_179 = arith.extui %ge3A_178 : i1 to i32
      %cond3A_180 = arith.constant 0 : i32
      %cond3A_181 = arith.cmpi ne, %convert_element_type3A_179, %cond3A_180 : i32
      scf.if %cond3A_181 {
        %sub3A = arith.constant 2 : i32
        %sub3A_204 = arith.subi %scan3A_147, %sub3A : i32
        %mul3A_205 = arith.constant 200000 : i32
        %mul3A_206 = arith.muli %add3A, %mul3A_205 : i32
        %mul3A_207 = arith.constant 2000 : i32
        %mul3A_208 = arith.muli %sub3A_204, %mul3A_207 : i32
        %add3A_209 = arith.addi %mul3A_206, %mul3A_208 : i32
        %multiple_of3A_210 = tpu.assume_multiple %add3A_209, 8 : i32
        %mul3A_211 = arith.constant 2000 : i32
        %mul3A_212 = arith.muli %rem3A_149, %mul3A_211 : i32
        %dma_wait3A_213 = tpu.memref_slice %arg13[%mul3A_212] : memref<4000xf32, #tpu.memory_space<vmem>> -> memref<2000xf32, #tpu.memory_space<vmem>>
        %dma_wait3A_214 = tpu.memref_slice %arg8[%multiple_of3A_210] : memref<6400000xf32, #tpu.memory_space<hbm>> -> memref<2000xf32, #tpu.memory_space<hbm>>
        %dma_wait3A_215 = tpu.memref_slice %arg16[%rem3A_149] : memref<2x!tpu.dma_semaphore, #tpu.memory_space<semaphore_mem>> -> memref<1x!tpu.dma_semaphore, #tpu.memory_space<semaphore_mem>>
        %dma_wait3A_216 = tpu.memref_squeeze %dma_wait3A_215 : memref<1x!tpu.dma_semaphore, #tpu.memory_space<semaphore_mem>> -> memref<!tpu.dma_semaphore, #tpu.memory_space<semaphore_mem>>
        %dma_wait3A_217 = tpu.memref_slice %arg8[%multiple_of3A_210] : memref<6400000xf32, #tpu.memory_space<hbm>> -> memref<2000xf32, #tpu.memory_space<hbm>>
        %dma_wait3A_218 = tpu.memref_slice %arg13[%mul3A_212] : memref<4000xf32, #tpu.memory_space<vmem>> -> memref<2000xf32, #tpu.memory_space<vmem>>
        tpu.wait_dma2 semaphore(%dma_wait3A_216 : memref<!tpu.dma_semaphore, #tpu.memory_space<semaphore_mem>>) src(%dma_wait3A_218 : memref<2000xf32, #tpu.memory_space<vmem>>) dst(%dma_wait3A_217 : memref<2000xf32, #tpu.memory_space<hbm>>)
      } else {
      }
      %scan3A_182 = arith.constant 0 : i32
      %scan3A_183 = arith.constant 0 : i32
      %scan3A_184 = arith.constant 25 : i32
      %scan3A_185 = arith.addi %scan3A_183, %scan3A_184 : i32
      %scan3A_186 = arith.constant 1 : i32
      %scan3A_187 = scf.for %scan3A_204 = %scan3A_183 to %scan3A_185 step %scan3A_186 iter_args(%scan3A_205 = %scan3A_182) -> (i32)  : i32 {
        %mul3A_206 = arith.constant 2000 : i32
        %mul3A_207 = arith.muli %rem3A_149, %mul3A_206 : i32
        %mul3A_208 = arith.constant 80 : i32
        %mul3A_209 = arith.muli %scan3A_204, %mul3A_208 : i32
        %add3A_210 = arith.addi %mul3A_207, %mul3A_209 : i32
        %add3A_211 = arith.constant 0 : i32
        %add3A_212 = arith.addi %add3A_210, %add3A_211 : i32
        %get3A = arith.index_cast %add3A_212 : i32 to index
        %get3A_213 = tpu.vector_load %arg11[%get3A] {strides = array<i32>} : memref<4000xi32, #tpu.memory_space<vmem>>, vector<16xi32>,
        %gather3A = tpu.vector_load_idx %arg10[%get3A_213] : memref<102400xf32, #tpu.memory_space<vmem>>[vector<16xi32>], vector<16xf32>,
        %get3A_214 = arith.index_cast %add3A_212 : i32 to index
        %get3A_215 = tpu.vector_load %arg12[%get3A_214] {strides = array<i32>} : memref<4000xf32, #tpu.memory_space<vmem>>, vector<16xf32>,
        %mul3A_216 = arith.mulf %gather3A, %get3A_215 : vector<16xf32>
        %swap3A = arith.index_cast %add3A_212 : i32 to index
        %swap3A_217 = tpu.vector_load %arg13[%swap3A] {strides = array<i32>} : memref<4000xf32, #tpu.memory_space<vmem>>, vector<16xf32>,
        tpu.vector_store %arg13[%swap3A], %mul3A_216 {strides = array<i32>} : memref<4000xf32, #tpu.memory_space<vmem>>, vector<16xf32>,
        %add3A_218 = arith.constant 16 : i32
        %add3A_219 = arith.addi %add3A_210, %add3A_218 : i32
        %get3A_220 = arith.index_cast %add3A_219 : i32 to index
        %get3A_221 = tpu.vector_load %arg11[%get3A_220] {strides = array<i32>} : memref<4000xi32, #tpu.memory_space<vmem>>, vector<16xi32>,
        %gather3A_222 = tpu.vector_load_idx %arg10[%get3A_221] : memref<102400xf32, #tpu.memory_space<vmem>>[vector<16xi32>], vector<16xf32>,
        %get3A_223 = arith.index_cast %add3A_219 : i32 to index
        %get3A_224 = tpu.vector_load %arg12[%get3A_223] {strides = array<i32>} : memref<4000xf32, #tpu.memory_space<vmem>>, vector<16xf32>,
        %mul3A_225 = arith.mulf %gather3A_222, %get3A_224 : vector<16xf32>
        %swap3A_226 = arith.index_cast %add3A_219 : i32 to index
        %swap3A_227 = tpu.vector_load %arg13[%swap3A_226] {strides = array<i32>} : memref<4000xf32, #tpu.memory_space<vmem>>, vector<16xf32>,
        tpu.vector_store %arg13[%swap3A_226], %mul3A_225 {strides = array<i32>} : memref<4000xf32, #tpu.memory_space<vmem>>, vector<16xf32>,
        %add3A_228 = arith.constant 32 : i32
        %add3A_229 = arith.addi %add3A_210, %add3A_228 : i32
        %get3A_230 = arith.index_cast %add3A_229 : i32 to index
        %get3A_231 = tpu.vector_load %arg11[%get3A_230] {strides = array<i32>} : memref<4000xi32, #tpu.memory_space<vmem>>, vector<16xi32>,
        %gather3A_232 = tpu.vector_load_idx %arg10[%get3A_231] : memref<102400xf32, #tpu.memory_space<vmem>>[vector<16xi32>], vector<16xf32>,
        %get3A_233 = arith.index_cast %add3A_229 : i32 to index
        %get3A_234 = tpu.vector_load %arg12[%get3A_233] {strides = array<i32>} : memref<4000xf32, #tpu.memory_space<vmem>>, vector<16xf32>,
        %mul3A_235 = arith.mulf %gather3A_232, %get3A_234 : vector<16xf32>
        %swap3A_236 = arith.index_cast %add3A_229 : i32 to index
        %swap3A_237 = tpu.vector_load %arg13[%swap3A_236] {strides = array<i32>} : memref<4000xf32, #tpu.memory_space<vmem>>, vector<16xf32>,
        tpu.vector_store %arg13[%swap3A_236], %mul3A_235 {strides = array<i32>} : memref<4000xf32, #tpu.memory_space<vmem>>, vector<16xf32>,
        %add3A_238 = arith.constant 48 : i32
        %add3A_239 = arith.addi %add3A_210, %add3A_238 : i32
        %get3A_240 = arith.index_cast %add3A_239 : i32 to index
        %get3A_241 = tpu.vector_load %arg11[%get3A_240] {strides = array<i32>} : memref<4000xi32, #tpu.memory_space<vmem>>, vector<16xi32>,
        %gather3A_242 = tpu.vector_load_idx %arg10[%get3A_241] : memref<102400xf32, #tpu.memory_space<vmem>>[vector<16xi32>], vector<16xf32>,
        %get3A_243 = arith.index_cast %add3A_239 : i32 to index
        %get3A_244 = tpu.vector_load %arg12[%get3A_243] {strides = array<i32>} : memref<4000xf32, #tpu.memory_space<vmem>>, vector<16xf32>,
        %mul3A_245 = arith.mulf %gather3A_242, %get3A_244 : vector<16xf32>
        %swap3A_246 = arith.index_cast %add3A_239 : i32 to index
        %swap3A_247 = tpu.vector_load %arg13[%swap3A_246] {strides = array<i32>} : memref<4000xf32, #tpu.memory_space<vmem>>, vector<16xf32>,
        tpu.vector_store %arg13[%swap3A_246], %mul3A_245 {strides = array<i32>} : memref<4000xf32, #tpu.memory_space<vmem>>, vector<16xf32>,
        %add3A_248 = arith.constant 64 : i32
        %add3A_249 = arith.addi %add3A_210, %add3A_248 : i32
        %get3A_250 = arith.index_cast %add3A_249 : i32 to index
        %get3A_251 = tpu.vector_load %arg11[%get3A_250] {strides = array<i32>} : memref<4000xi32, #tpu.memory_space<vmem>>, vector<16xi32>,
        %gather3A_252 = tpu.vector_load_idx %arg10[%get3A_251] : memref<102400xf32, #tpu.memory_space<vmem>>[vector<16xi32>], vector<16xf32>,
        %get3A_253 = arith.index_cast %add3A_249 : i32 to index
        %get3A_254 = tpu.vector_load %arg12[%get3A_253] {strides = array<i32>} : memref<4000xf32, #tpu.memory_space<vmem>>, vector<16xf32>,
        %mul3A_255 = arith.mulf %gather3A_252, %get3A_254 : vector<16xf32>
        %swap3A_256 = arith.index_cast %add3A_249 : i32 to index
        %swap3A_257 = tpu.vector_load %arg13[%swap3A_256] {strides = array<i32>} : memref<4000xf32, #tpu.memory_space<vmem>>, vector<16xf32>,
        tpu.vector_store %arg13[%swap3A_256], %mul3A_255 {strides = array<i32>} : memref<4000xf32, #tpu.memory_space<vmem>>, vector<16xf32>,
        %scan3A_258 = arith.constant 0 : i32
        scf.yield %scan3A_258 : i32
      }
      %scan3A_188 = arith.constant 25 : i32
      %mul3A_189 = arith.constant 200000 : i32
      %mul3A_190 = arith.muli %add3A, %mul3A_189 : i32
      %mul3A_191 = arith.constant 2000 : i32
      %mul3A_192 = arith.muli %scan3A_147, %mul3A_191 : i32
      %add3A_193 = arith.addi %mul3A_190, %mul3A_192 : i32
      %multiple_of3A_194 = tpu.assume_multiple %add3A_193, 8 : i32
      %mul3A_195 = arith.constant 2000 : i32
      %mul3A_196 = arith.muli %rem3A_149, %mul3A_195 : i32
      %dma_start3A_197 = tpu.memref_slice %arg13[%mul3A_196] : memref<4000xf32, #tpu.memory_space<vmem>> -> memref<2000xf32, #tpu.memory_space<vmem>>
      %dma_start3A_198 = tpu.memref_slice %arg8[%multiple_of3A_194] : memref<6400000xf32, #tpu.memory_space<hbm>> -> memref<2000xf32, #tpu.memory_space<hbm>>
      %dma_start3A_199 = tpu.memref_slice %arg16[%rem3A_149] : memref<2x!tpu.dma_semaphore, #tpu.memory_space<semaphore_mem>> -> memref<1x!tpu.dma_semaphore, #tpu.memory_space<semaphore_mem>>
      %dma_start3A_200 = tpu.memref_squeeze %dma_start3A_199 : memref<1x!tpu.dma_semaphore, #tpu.memory_space<semaphore_mem>> -> memref<!tpu.dma_semaphore, #tpu.memory_space<semaphore_mem>>
      %dma_start3A_201 = tpu.memref_slice %arg8[%multiple_of3A_194] : memref<6400000xf32, #tpu.memory_space<hbm>> -> memref<2000xf32, #tpu.memory_space<hbm>>
      %dma_start3A_202 = tpu.memref_slice %arg13[%mul3A_196] : memref<4000xf32, #tpu.memory_space<vmem>> -> memref<2000xf32, #tpu.memory_space<vmem>>
      tpu.enqueue_dma source(%dma_start3A_202 : memref<2000xf32, #tpu.memory_space<vmem>>) target(%dma_start3A_201 : memref<2000xf32, #tpu.memory_space<hbm>>) target_semaphore(%dma_start3A_200 : memref<!tpu.dma_semaphore, #tpu.memory_space<semaphore_mem>>)
      %scan3A_203 = arith.constant 0 : i32
      scf.yield %scan3A_203 : i32
    }
    %scan3A_47 = arith.constant 100 : i32
    %mul3A_48 = arith.constant 200000 : i32
    %mul3A_49 = arith.muli %add3A, %mul3A_48 : i32
    %add3A_50 = arith.constant 196000 : i32
    %add3A_51 = arith.addi %mul3A_49, %add3A_50 : i32
    %multiple_of3A_52 = tpu.assume_multiple %add3A_51, 8 : i32
    %dma_wait3A = arith.constant 0 : i32
    %dma_wait3A_53 = arith.constant 0 : i32
    %dma_wait3A_54 = tpu.memref_slice %arg13[%dma_wait3A_53] : memref<4000xf32, #tpu.memory_space<vmem>> -> memref<2000xf32, #tpu.memory_space<vmem>>
    %dma_wait3A_55 = tpu.memref_slice %arg8[%multiple_of3A_52] : memref<6400000xf32, #tpu.memory_space<hbm>> -> memref<2000xf32, #tpu.memory_space<hbm>>
    %dma_wait3A_56 = tpu.memref_slice %arg16[%dma_wait3A] : memref<2x!tpu.dma_semaphore, #tpu.memory_space<semaphore_mem>> -> memref<1x!tpu.dma_semaphore, #tpu.memory_space<semaphore_mem>>
    %dma_wait3A_57 = tpu.memref_squeeze %dma_wait3A_56 : memref<1x!tpu.dma_semaphore, #tpu.memory_space<semaphore_mem>> -> memref<!tpu.dma_semaphore, #tpu.memory_space<semaphore_mem>>
    %dma_wait3A_58 = tpu.memref_slice %arg8[%multiple_of3A_52] : memref<6400000xf32, #tpu.memory_space<hbm>> -> memref<2000xf32, #tpu.memory_space<hbm>>
    %dma_wait3A_59 = arith.constant 0 : i32
    %dma_wait3A_60 = tpu.memref_slice %arg13[%dma_wait3A_59] : memref<4000xf32, #tpu.memory_space<vmem>> -> memref<2000xf32, #tpu.memory_space<vmem>>
    tpu.wait_dma2 semaphore(%dma_wait3A_57 : memref<!tpu.dma_semaphore, #tpu.memory_space<semaphore_mem>>) src(%dma_wait3A_60 : memref<2000xf32, #tpu.memory_space<vmem>>) dst(%dma_wait3A_58 : memref<2000xf32, #tpu.memory_space<hbm>>)
    %mul3A_61 = arith.constant 200000 : i32
    %mul3A_62 = arith.muli %add3A, %mul3A_61 : i32
    %add3A_63 = arith.constant 198000 : i32
    %add3A_64 = arith.addi %mul3A_62, %add3A_63 : i32
    %multiple_of3A_65 = tpu.assume_multiple %add3A_64, 8 : i32
    %dma_wait3A_66 = arith.constant 1 : i32
    %dma_wait3A_67 = arith.constant 2000 : i32
    %dma_wait3A_68 = tpu.memref_slice %arg13[%dma_wait3A_67] : memref<4000xf32, #tpu.memory_space<vmem>> -> memref<2000xf32, #tpu.memory_space<vmem>>
    %dma_wait3A_69 = tpu.memref_slice %arg8[%multiple_of3A_65] : memref<6400000xf32, #tpu.memory_space<hbm>> -> memref<2000xf32, #tpu.memory_space<hbm>>
    %dma_wait3A_70 = tpu.memref_slice %arg16[%dma_wait3A_66] : memref<2x!tpu.dma_semaphore, #tpu.memory_space<semaphore_mem>> -> memref<1x!tpu.dma_semaphore, #tpu.memory_space<semaphore_mem>>
    %dma_wait3A_71 = tpu.memref_squeeze %dma_wait3A_70 : memref<1x!tpu.dma_semaphore, #tpu.memory_space<semaphore_mem>> -> memref<!tpu.dma_semaphore, #tpu.memory_space<semaphore_mem>>
    %dma_wait3A_72 = tpu.memref_slice %arg8[%multiple_of3A_65] : memref<6400000xf32, #tpu.memory_space<hbm>> -> memref<2000xf32, #tpu.memory_space<hbm>>
    %dma_wait3A_73 = arith.constant 2000 : i32
    %dma_wait3A_74 = tpu.memref_slice %arg13[%dma_wait3A_73] : memref<4000xf32, #tpu.memory_space<vmem>> -> memref<2000xf32, #tpu.memory_space<vmem>>
    tpu.wait_dma2 semaphore(%dma_wait3A_71 : memref<!tpu.dma_semaphore, #tpu.memory_space<semaphore_mem>>) src(%dma_wait3A_74 : memref<2000xf32, #tpu.memory_space<vmem>>) dst(%dma_wait3A_72 : memref<2000xf32, #tpu.memory_space<hbm>>)
    %broadcast_in_dim3A = arith.constant 0.000000e+00 : f32
    %broadcast_in_dim3A_75 = vector.broadcast %broadcast_in_dim3A : f32 to vector<16xf32>
    %scan3A_76 = arith.constant 0 : i32
    %scan3A_77 = arith.constant 0 : i32
    %scan3A_78 = arith.constant 800 : i32
    %scan3A_79 = arith.addi %scan3A_77, %scan3A_78 : i32
    %scan3A_80 = arith.constant 1 : i32
    %scan3A_81 = scf.for %scan3A_147 = %scan3A_77 to %scan3A_79 step %scan3A_80 iter_args(%scan3A_148 = %scan3A_76) -> (i32)  : i32 {
      %mul3A_149 = arith.constant 128 : i32
      %mul3A_150 = arith.muli %scan3A_147, %mul3A_149 : i32
      %add3A_151 = arith.constant 0 : i32
      %add3A_152 = arith.addi %mul3A_150, %add3A_151 : i32
      %swap3A = arith.index_cast %add3A_152 : i32 to index
      %swap3A_153 = tpu.vector_load %arg10[%swap3A] {strides = array<i32>} : memref<102400xf32, #tpu.memory_space<vmem>>, vector<16xf32>,
      tpu.vector_store %arg10[%swap3A], %broadcast_in_dim3A_75 {strides = array<i32>} : memref<102400xf32, #tpu.memory_space<vmem>>, vector<16xf32>,
      %add3A_154 = arith.constant 16 : i32
      %add3A_155 = arith.addi %mul3A_150, %add3A_154 : i32
      %swap3A_156 = arith.index_cast %add3A_155 : i32 to index
      %swap3A_157 = tpu.vector_load %arg10[%swap3A_156] {strides = array<i32>} : memref<102400xf32, #tpu.memory_space<vmem>>, vector<16xf32>,
      tpu.vector_store %arg10[%swap3A_156], %broadcast_in_dim3A_75 {strides = array<i32>} : memref<102400xf32, #tpu.memory_space<vmem>>, vector<16xf32>,
      %add3A_158 = arith.constant 32 : i32
      %add3A_159 = arith.addi %mul3A_150, %add3A_158 : i32
      %swap3A_160 = arith.index_cast %add3A_159 : i32 to index
      %swap3A_161 = tpu.vector_load %arg10[%swap3A_160] {strides = array<i32>} : memref<102400xf32, #tpu.memory_space<vmem>>, vector<16xf32>,
      tpu.vector_store %arg10[%swap3A_160], %broadcast_in_dim3A_75 {strides = array<i32>} : memref<102400xf32, #tpu.memory_space<vmem>>, vector<16xf32>,
      %add3A_162 = arith.constant 48 : i32
      %add3A_163 = arith.addi %mul3A_150, %add3A_162 : i32
      %swap3A_164 = arith.index_cast %add3A_163 : i32 to index
      %swap3A_165 = tpu.vector_load %arg10[%swap3A_164] {strides = array<i32>} : memref<102400xf32, #tpu.memory_space<vmem>>, vector<16xf32>,
      tpu.vector_store %arg10[%swap3A_164], %broadcast_in_dim3A_75 {strides = array<i32>} : memref<102400xf32, #tpu.memory_space<vmem>>, vector<16xf32>,
      %add3A_166 = arith.constant 64 : i32
      %add3A_167 = arith.addi %mul3A_150, %add3A_166 : i32
      %swap3A_168 = arith.index_cast %add3A_167 : i32 to index
      %swap3A_169 = tpu.vector_load %arg10[%swap3A_168] {strides = array<i32>} : memref<102400xf32, #tpu.memory_space<vmem>>, vector<16xf32>,
      tpu.vector_store %arg10[%swap3A_168], %broadcast_in_dim3A_75 {strides = array<i32>} : memref<102400xf32, #tpu.memory_space<vmem>>, vector<16xf32>,
      %add3A_170 = arith.constant 80 : i32
      %add3A_171 = arith.addi %mul3A_150, %add3A_170 : i32
      %swap3A_172 = arith.index_cast %add3A_171 : i32 to index
      %swap3A_173 = tpu.vector_load %arg10[%swap3A_172] {strides = array<i32>} : memref<102400xf32, #tpu.memory_space<vmem>>, vector<16xf32>,
      tpu.vector_store %arg10[%swap3A_172], %broadcast_in_dim3A_75 {strides = array<i32>} : memref<102400xf32, #tpu.memory_space<vmem>>, vector<16xf32>,
      %add3A_174 = arith.constant 96 : i32
      %add3A_175 = arith.addi %mul3A_150, %add3A_174 : i32
      %swap3A_176 = arith.index_cast %add3A_175 : i32 to index
      %swap3A_177 = tpu.vector_load %arg10[%swap3A_176] {strides = array<i32>} : memref<102400xf32, #tpu.memory_space<vmem>>, vector<16xf32>,
      tpu.vector_store %arg10[%swap3A_176], %broadcast_in_dim3A_75 {strides = array<i32>} : memref<102400xf32, #tpu.memory_space<vmem>>, vector<16xf32>,
      %add3A_178 = arith.constant 112 : i32
      %add3A_179 = arith.addi %mul3A_150, %add3A_178 : i32
      %swap3A_180 = arith.index_cast %add3A_179 : i32 to index
      %swap3A_181 = tpu.vector_load %arg10[%swap3A_180] {strides = array<i32>} : memref<102400xf32, #tpu.memory_space<vmem>>, vector<16xf32>,
      tpu.vector_store %arg10[%swap3A_180], %broadcast_in_dim3A_75 {strides = array<i32>} : memref<102400xf32, #tpu.memory_space<vmem>>, vector<16xf32>,
      %scan3A_182 = arith.constant 0 : i32
      scf.yield %scan3A_182 : i32
    }
    %scan3A_82 = arith.constant 800 : i32
    %mul3A_83 = arith.constant 200000 : i32
    %mul3A_84 = arith.muli %add3A, %mul3A_83 : i32
    %add3A_85 = arith.constant 0 : i32
    %add3A_86 = arith.addi %mul3A_84, %add3A_85 : i32
    %multiple_of3A_87 = tpu.assume_multiple %add3A_86, 8 : i32
    %add3A_88 = arith.constant 6400000 : i32
    %add3A_89 = arith.addi %add3A_88, %multiple_of3A_87 : i32
    %dma_start3A_90 = arith.constant 0 : i32
    %dma_start3A_91 = arith.constant 0 : i32
    %dma_start3A_92 = tpu.memref_slice %arg11[%dma_start3A_91] : memref<4000xi32, #tpu.memory_space<vmem>> -> memref<2000xi32, #tpu.memory_space<vmem>>
    %dma_start3A_93 = tpu.memref_slice %arg4[%add3A_89] : memref<12800000xi32, #tpu.memory_space<hbm>> -> memref<2000xi32, #tpu.memory_space<hbm>>
    %dma_start3A_94 = tpu.memref_slice %arg15[%dma_start3A_90] : memref<2x!tpu.dma_semaphore, #tpu.memory_space<semaphore_mem>> -> memref<1x!tpu.dma_semaphore, #tpu.memory_space<semaphore_mem>>
    %dma_start3A_95 = tpu.memref_squeeze %dma_start3A_94 : memref<1x!tpu.dma_semaphore, #tpu.memory_space<semaphore_mem>> -> memref<!tpu.dma_semaphore, #tpu.memory_space<semaphore_mem>>
    %dma_start3A_96 = arith.constant 0 : i32
    %dma_start3A_97 = tpu.memref_slice %arg11[%dma_start3A_96] : memref<4000xi32, #tpu.memory_space<vmem>> -> memref<2000xi32, #tpu.memory_space<vmem>>
    %dma_start3A_98 = tpu.memref_slice %arg4[%add3A_89] : memref<12800000xi32, #tpu.memory_space<hbm>> -> memref<2000xi32, #tpu.memory_space<hbm>>
    tpu.enqueue_dma source(%dma_start3A_98 : memref<2000xi32, #tpu.memory_space<hbm>>) target(%dma_start3A_97 : memref<2000xi32, #tpu.memory_space<vmem>>) target_semaphore(%dma_start3A_95 : memref<!tpu.dma_semaphore, #tpu.memory_space<semaphore_mem>>)
    %dma_start3A_99 = arith.constant 0 : i32
    %dma_start3A_100 = arith.constant 0 : i32
    %dma_start3A_101 = tpu.memref_slice %arg12[%dma_start3A_100] : memref<4000xf32, #tpu.memory_space<vmem>> -> memref<2000xf32, #tpu.memory_space<vmem>>
    %dma_start3A_102 = tpu.memref_slice %arg8[%multiple_of3A_87] : memref<6400000xf32, #tpu.memory_space<hbm>> -> memref<2000xf32, #tpu.memory_space<hbm>>
    %dma_start3A_103 = tpu.memref_slice %arg15[%dma_start3A_99] : memref<2x!tpu.dma_semaphore, #tpu.memory_space<semaphore_mem>> -> memref<1x!tpu.dma_semaphore, #tpu.memory_space<semaphore_mem>>
    %dma_start3A_104 = tpu.memref_squeeze %dma_start3A_103 : memref<1x!tpu.dma_semaphore, #tpu.memory_space<semaphore_mem>> -> memref<!tpu.dma_semaphore, #tpu.memory_space<semaphore_mem>>
    %dma_start3A_105 = arith.constant 0 : i32
    %dma_start3A_106 = tpu.memref_slice %arg12[%dma_start3A_105] : memref<4000xf32, #tpu.memory_space<vmem>> -> memref<2000xf32, #tpu.memory_space<vmem>>
    %dma_start3A_107 = tpu.memref_slice %arg8[%multiple_of3A_87] : memref<6400000xf32, #tpu.memory_space<hbm>> -> memref<2000xf32, #tpu.memory_space<hbm>>
    tpu.enqueue_dma source(%dma_start3A_107 : memref<2000xf32, #tpu.memory_space<hbm>>) target(%dma_start3A_106 : memref<2000xf32, #tpu.memory_space<vmem>>) target_semaphore(%dma_start3A_104 : memref<!tpu.dma_semaphore, #tpu.memory_space<semaphore_mem>>)
    %scan3A_108 = arith.constant 0 : i32
    %scan3A_109 = arith.constant 0 : i32
    %scan3A_110 = arith.constant 100 : i32
    %scan3A_111 = arith.addi %scan3A_109, %scan3A_110 : i32
    %scan3A_112 = arith.constant 1 : i32
    %scan3A_113 = scf.for %scan3A_147 = %scan3A_109 to %scan3A_111 step %scan3A_112 iter_args(%scan3A_148 = %scan3A_108) -> (i32)  : i32 {
      %rem3A = arith.constant 2 : i32
      %rem3A_149 = arith.remsi %scan3A_147, %rem3A : i32
      %add3A_150 = arith.constant 1 : i32
      %add3A_151 = arith.addi %scan3A_147, %add3A_150 : i32
      %lt3A = arith.constant 100 : i32
      %lt3A_152 = arith.cmpi slt, %add3A_151, %lt3A : i32
      %convert_element_type3A_153 = arith.extui %lt3A_152 : i1 to i32
      %cond3A_154 = arith.constant 0 : i32
      %cond3A_155 = arith.cmpi ne, %convert_element_type3A_153, %cond3A_154 : i32
      scf.if %cond3A_155 {
        %add3A_186 = arith.constant 1 : i32
        %add3A_187 = arith.addi %scan3A_147, %add3A_186 : i32
        %sub3A = arith.constant 1 : i32
        %sub3A_188 = arith.subi %sub3A, %rem3A_149 : i32
        %mul3A_189 = arith.constant 200000 : i32
        %mul3A_190 = arith.muli %add3A, %mul3A_189 : i32
        %mul3A_191 = arith.constant 2000 : i32
        %mul3A_192 = arith.muli %add3A_187, %mul3A_191 : i32
        %add3A_193 = arith.addi %mul3A_190, %mul3A_192 : i32
        %multiple_of3A_194 = tpu.assume_multiple %add3A_193, 8 : i32
        %mul3A_195 = arith.constant 2000 : i32
        %mul3A_196 = arith.muli %sub3A_188, %mul3A_195 : i32
        %add3A_197 = arith.constant 6400000 : i32
        %add3A_198 = arith.addi %add3A_197, %multiple_of3A_194 : i32
        %dma_start3A_199 = tpu.memref_slice %arg11[%mul3A_196] : memref<4000xi32, #tpu.memory_space<vmem>> -> memref<2000xi32, #tpu.memory_space<vmem>>
        %dma_start3A_200 = tpu.memref_slice %arg4[%add3A_198] : memref<12800000xi32, #tpu.memory_space<hbm>> -> memref<2000xi32, #tpu.memory_space<hbm>>
        %dma_start3A_201 = tpu.memref_slice %arg15[%sub3A_188] : memref<2x!tpu.dma_semaphore, #tpu.memory_space<semaphore_mem>> -> memref<1x!tpu.dma_semaphore, #tpu.memory_space<semaphore_mem>>
        %dma_start3A_202 = tpu.memref_squeeze %dma_start3A_201 : memref<1x!tpu.dma_semaphore, #tpu.memory_space<semaphore_mem>> -> memref<!tpu.dma_semaphore, #tpu.memory_space<semaphore_mem>>
        %dma_start3A_203 = tpu.memref_slice %arg11[%mul3A_196] : memref<4000xi32, #tpu.memory_space<vmem>> -> memref<2000xi32, #tpu.memory_space<vmem>>
        %dma_start3A_204 = tpu.memref_slice %arg4[%add3A_198] : memref<12800000xi32, #tpu.memory_space<hbm>> -> memref<2000xi32, #tpu.memory_space<hbm>>
        tpu.enqueue_dma source(%dma_start3A_204 : memref<2000xi32, #tpu.memory_space<hbm>>) target(%dma_start3A_203 : memref<2000xi32, #tpu.memory_space<vmem>>) target_semaphore(%dma_start3A_202 : memref<!tpu.dma_semaphore, #tpu.memory_space<semaphore_mem>>)
        %dma_start3A_205 = tpu.memref_slice %arg12[%mul3A_196] : memref<4000xf32, #tpu.memory_space<vmem>> -> memref<2000xf32, #tpu.memory_space<vmem>>
        %dma_start3A_206 = tpu.memref_slice %arg8[%multiple_of3A_194] : memref<6400000xf32, #tpu.memory_space<hbm>> -> memref<2000xf32, #tpu.memory_space<hbm>>
        %dma_start3A_207 = tpu.memref_slice %arg15[%sub3A_188] : memref<2x!tpu.dma_semaphore, #tpu.memory_space<semaphore_mem>> -> memref<1x!tpu.dma_semaphore, #tpu.memory_space<semaphore_mem>>
        %dma_start3A_208 = tpu.memref_squeeze %dma_start3A_207 : memref<1x!tpu.dma_semaphore, #tpu.memory_space<semaphore_mem>> -> memref<!tpu.dma_semaphore, #tpu.memory_space<semaphore_mem>>
        %dma_start3A_209 = tpu.memref_slice %arg12[%mul3A_196] : memref<4000xf32, #tpu.memory_space<vmem>> -> memref<2000xf32, #tpu.memory_space<vmem>>
        %dma_start3A_210 = tpu.memref_slice %arg8[%multiple_of3A_194] : memref<6400000xf32, #tpu.memory_space<hbm>> -> memref<2000xf32, #tpu.memory_space<hbm>>
        tpu.enqueue_dma source(%dma_start3A_210 : memref<2000xf32, #tpu.memory_space<hbm>>) target(%dma_start3A_209 : memref<2000xf32, #tpu.memory_space<vmem>>) target_semaphore(%dma_start3A_208 : memref<!tpu.dma_semaphore, #tpu.memory_space<semaphore_mem>>)
      } else {
      }
      %mul3A_156 = arith.constant 200000 : i32
      %mul3A_157 = arith.muli %add3A, %mul3A_156 : i32
      %mul3A_158 = arith.constant 2000 : i32
      %mul3A_159 = arith.muli %scan3A_147, %mul3A_158 : i32
      %add3A_160 = arith.addi %mul3A_157, %mul3A_159 : i32
      %multiple_of3A_161 = tpu.assume_multiple %add3A_160, 8 : i32
      %mul3A_162 = arith.constant 2000 : i32
      %mul3A_163 = arith.muli %rem3A_149, %mul3A_162 : i32
      %add3A_164 = arith.constant 6400000 : i32
      %add3A_165 = arith.addi %add3A_164, %multiple_of3A_161 : i32
      %dma_wait3A_166 = tpu.memref_slice %arg11[%mul3A_163] : memref<4000xi32, #tpu.memory_space<vmem>> -> memref<2000xi32, #tpu.memory_space<vmem>>
      %dma_wait3A_167 = tpu.memref_slice %arg4[%add3A_165] : memref<12800000xi32, #tpu.memory_space<hbm>> -> memref<2000xi32, #tpu.memory_space<hbm>>
      %dma_wait3A_168 = tpu.memref_slice %arg15[%rem3A_149] : memref<2x!tpu.dma_semaphore, #tpu.memory_space<semaphore_mem>> -> memref<1x!tpu.dma_semaphore, #tpu.memory_space<semaphore_mem>>
      %dma_wait3A_169 = tpu.memref_squeeze %dma_wait3A_168 : memref<1x!tpu.dma_semaphore, #tpu.memory_space<semaphore_mem>> -> memref<!tpu.dma_semaphore, #tpu.memory_space<semaphore_mem>>
      %dma_wait3A_170 = tpu.memref_slice %arg11[%mul3A_163] : memref<4000xi32, #tpu.memory_space<vmem>> -> memref<2000xi32, #tpu.memory_space<vmem>>
      %dma_wait3A_171 = tpu.memref_slice %arg4[%add3A_165] : memref<12800000xi32, #tpu.memory_space<hbm>> -> memref<2000xi32, #tpu.memory_space<hbm>>
      tpu.wait_dma2 semaphore(%dma_wait3A_169 : memref<!tpu.dma_semaphore, #tpu.memory_space<semaphore_mem>>) src(%dma_wait3A_171 : memref<2000xi32, #tpu.memory_space<hbm>>) dst(%dma_wait3A_170 : memref<2000xi32, #tpu.memory_space<vmem>>)
      %dma_wait3A_172 = tpu.memref_slice %arg12[%mul3A_163] : memref<4000xf32, #tpu.memory_space<vmem>> -> memref<2000xf32, #tpu.memory_space<vmem>>
      %dma_wait3A_173 = tpu.memref_slice %arg8[%multiple_of3A_161] : memref<6400000xf32, #tpu.memory_space<hbm>> -> memref<2000xf32, #tpu.memory_space<hbm>>
      %dma_wait3A_174 = tpu.memref_slice %arg15[%rem3A_149] : memref<2x!tpu.dma_semaphore, #tpu.memory_space<semaphore_mem>> -> memref<1x!tpu.dma_semaphore, #tpu.memory_space<semaphore_mem>>
      %dma_wait3A_175 = tpu.memref_squeeze %dma_wait3A_174 : memref<1x!tpu.dma_semaphore, #tpu.memory_space<semaphore_mem>> -> memref<!tpu.dma_semaphore, #tpu.memory_space<semaphore_mem>>
      %dma_wait3A_176 = tpu.memref_slice %arg12[%mul3A_163] : memref<4000xf32, #tpu.memory_space<vmem>> -> memref<2000xf32, #tpu.memory_space<vmem>>
      %dma_wait3A_177 = tpu.memref_slice %arg8[%multiple_of3A_161] : memref<6400000xf32, #tpu.memory_space<hbm>> -> memref<2000xf32, #tpu.memory_space<hbm>>
      tpu.wait_dma2 semaphore(%dma_wait3A_175 : memref<!tpu.dma_semaphore, #tpu.memory_space<semaphore_mem>>) src(%dma_wait3A_177 : memref<2000xf32, #tpu.memory_space<hbm>>) dst(%dma_wait3A_176 : memref<2000xf32, #tpu.memory_space<vmem>>)
      %scan3A_178 = arith.constant 0 : i32
      %scan3A_179 = arith.constant 0 : i32
      %scan3A_180 = arith.constant 25 : i32
      %scan3A_181 = arith.addi %scan3A_179, %scan3A_180 : i32
      %scan3A_182 = arith.constant 1 : i32
      %scan3A_183 = scf.for %scan3A_186 = %scan3A_179 to %scan3A_181 step %scan3A_182 iter_args(%scan3A_187 = %scan3A_178) -> (i32)  : i32 {
        %mul3A_188 = arith.constant 2000 : i32
        %mul3A_189 = arith.muli %rem3A_149, %mul3A_188 : i32
        %mul3A_190 = arith.constant 80 : i32
        %mul3A_191 = arith.muli %scan3A_186, %mul3A_190 : i32
        %add3A_192 = arith.addi %mul3A_189, %mul3A_191 : i32
        %add3A_193 = arith.constant 0 : i32
        %add3A_194 = arith.addi %add3A_192, %add3A_193 : i32
        %get3A = arith.index_cast %add3A_194 : i32 to index
        %get3A_195 = tpu.vector_load %arg11[%get3A] {strides = array<i32>} : memref<4000xi32, #tpu.memory_space<vmem>>, vector<16xi32>,
        %get3A_196 = arith.index_cast %add3A_194 : i32 to index
        %get3A_197 = tpu.vector_load %arg12[%get3A_196] {strides = array<i32>} : memref<4000xf32, #tpu.memory_space<vmem>>, vector<16xf32>,
        tpu.vector_store_idx %arg10[%get3A_195], %get3A_197 {add = true} : memref<102400xf32, #tpu.memory_space<vmem>>[vector<16xi32>], vector<16xf32>,
        %add3A_198 = arith.constant 16 : i32
        %add3A_199 = arith.addi %add3A_192, %add3A_198 : i32
        %get3A_200 = arith.index_cast %add3A_199 : i32 to index
        %get3A_201 = tpu.vector_load %arg11[%get3A_200] {strides = array<i32>} : memref<4000xi32, #tpu.memory_space<vmem>>, vector<16xi32>,
        %get3A_202 = arith.index_cast %add3A_199 : i32 to index
        %get3A_203 = tpu.vector_load %arg12[%get3A_202] {strides = array<i32>} : memref<4000xf32, #tpu.memory_space<vmem>>, vector<16xf32>,
        tpu.vector_store_idx %arg10[%get3A_201], %get3A_203 {add = true} : memref<102400xf32, #tpu.memory_space<vmem>>[vector<16xi32>], vector<16xf32>,
        %add3A_204 = arith.constant 32 : i32
        %add3A_205 = arith.addi %add3A_192, %add3A_204 : i32
        %get3A_206 = arith.index_cast %add3A_205 : i32 to index
        %get3A_207 = tpu.vector_load %arg11[%get3A_206] {strides = array<i32>} : memref<4000xi32, #tpu.memory_space<vmem>>, vector<16xi32>,
        %get3A_208 = arith.index_cast %add3A_205 : i32 to index
        %get3A_209 = tpu.vector_load %arg12[%get3A_208] {strides = array<i32>} : memref<4000xf32, #tpu.memory_space<vmem>>, vector<16xf32>,
        tpu.vector_store_idx %arg10[%get3A_207], %get3A_209 {add = true} : memref<102400xf32, #tpu.memory_space<vmem>>[vector<16xi32>], vector<16xf32>,
        %add3A_210 = arith.constant 48 : i32
        %add3A_211 = arith.addi %add3A_192, %add3A_210 : i32
        %get3A_212 = arith.index_cast %add3A_211 : i32 to index
        %get3A_213 = tpu.vector_load %arg11[%get3A_212] {strides = array<i32>} : memref<4000xi32, #tpu.memory_space<vmem>>, vector<16xi32>,
        %get3A_214 = arith.index_cast %add3A_211 : i32 to index
        %get3A_215 = tpu.vector_load %arg12[%get3A_214] {strides = array<i32>} : memref<4000xf32, #tpu.memory_space<vmem>>, vector<16xf32>,
        tpu.vector_store_idx %arg10[%get3A_213], %get3A_215 {add = true} : memref<102400xf32, #tpu.memory_space<vmem>>[vector<16xi32>], vector<16xf32>,
        %add3A_216 = arith.constant 64 : i32
        %add3A_217 = arith.addi %add3A_192, %add3A_216 : i32
        %get3A_218 = arith.index_cast %add3A_217 : i32 to index
        %get3A_219 = tpu.vector_load %arg11[%get3A_218] {strides = array<i32>} : memref<4000xi32, #tpu.memory_space<vmem>>, vector<16xi32>,
        %get3A_220 = arith.index_cast %add3A_217 : i32 to index
        %get3A_221 = tpu.vector_load %arg12[%get3A_220] {strides = array<i32>} : memref<4000xf32, #tpu.memory_space<vmem>>, vector<16xf32>,
        tpu.vector_store_idx %arg10[%get3A_219], %get3A_221 {add = true} : memref<102400xf32, #tpu.memory_space<vmem>>[vector<16xi32>], vector<16xf32>,
        %scan3A_222 = arith.constant 0 : i32
        scf.yield %scan3A_222 : i32
      }
      %scan3A_184 = arith.constant 25 : i32
      %scan3A_185 = arith.constant 0 : i32
      scf.yield %scan3A_185 : i32
    }
    %scan3A_114 = arith.constant 100 : i32
    %mul3A_115 = arith.constant 16 : i32
    %mul3A_116 = arith.muli %arg0, %mul3A_115 : i32
    %add3A_117 = arith.addi %mul3A_116, %arg1 : i32
    %mul3A_118 = arith.constant 102400 : i32
    %mul3A_119 = arith.muli %add3A_117, %mul3A_118 : i32
    "tpu.region"() ({
      %run_scoped3A = tpu.sem_alloc : memref<!tpu.dma_semaphore, #tpu.memory_space<semaphore_mem>>
      %dma_start3A_147 = tpu.memref_slice %arg9[%mul3A_119] : memref<3276800xf32, #tpu.memory_space<hbm>> -> memref<102400xf32, #tpu.memory_space<hbm>>
      %dma_start3A_148 = tpu.memref_slice %arg9[%mul3A_119] : memref<3276800xf32, #tpu.memory_space<hbm>> -> memref<102400xf32, #tpu.memory_space<hbm>>
      tpu.enqueue_dma source(%arg10 : memref<102400xf32, #tpu.memory_space<vmem>>) target(%dma_start3A_148 : memref<102400xf32, #tpu.memory_space<hbm>>) target_semaphore(%run_scoped3A : memref<!tpu.dma_semaphore, #tpu.memory_space<semaphore_mem>>)
      %dma_wait3A_149 = tpu.memref_slice %arg9[%mul3A_119] : memref<3276800xf32, #tpu.memory_space<hbm>> -> memref<102400xf32, #tpu.memory_space<hbm>>
      %dma_wait3A_150 = tpu.memref_slice %arg9[%mul3A_119] : memref<3276800xf32, #tpu.memory_space<hbm>> -> memref<102400xf32, #tpu.memory_space<hbm>>
      tpu.wait_dma2 semaphore(%run_scoped3A : memref<!tpu.dma_semaphore, #tpu.memory_space<semaphore_mem>>) src(%arg10 : memref<102400xf32, #tpu.memory_space<vmem>>) dst(%dma_wait3A_150 : memref<102400xf32, #tpu.memory_space<hbm>>)
      tpu.yield
    }) : () -> ()
    %barrier3A_120 = arith.constant 0 : index
    tpu.barrier barrier_id(%barrier3A_120)
    %scan3A_121 = arith.constant 0 : i32
    %scan3A_122 = arith.constant 0 : i32
    %scan3A_123 = arith.constant 16 : i32
    %scan3A_124 = arith.addi %scan3A_122, %scan3A_123 : i32
    %scan3A_125 = arith.constant 1 : i32
    %scan3A_126 = scf.for %scan3A_147 = %scan3A_122 to %scan3A_124 step %scan3A_125 iter_args(%scan3A_148 = %scan3A_121) -> (i32)  : i32 {
      %mul3A_149 = arith.constant 16 : i32
      %mul3A_150 = arith.muli %arg0, %mul3A_149 : i32
      %add3A_151 = arith.addi %mul3A_150, %scan3A_147 : i32
      %mul3A_152 = arith.constant 102400 : i32
      %mul3A_153 = arith.muli %add3A_151, %mul3A_152 : i32
      %mul3A_154 = arith.constant 6400 : i32
      %mul3A_155 = arith.muli %arg1, %mul3A_154 : i32
      %add3A_156 = arith.addi %mul3A_153, %mul3A_155 : i32
      %multiple_of3A_157 = tpu.assume_multiple %add3A_156, 8 : i32
      %mul3A_158 = arith.constant 6400 : i32
      %mul3A_159 = arith.muli %scan3A_147, %mul3A_158 : i32
      %dma_start3A_160 = tpu.memref_slice %arg10[%mul3A_159] : memref<102400xf32, #tpu.memory_space<vmem>> -> memref<6400xf32, #tpu.memory_space<vmem>>
      %dma_start3A_161 = tpu.memref_slice %arg9[%multiple_of3A_157] : memref<3276800xf32, #tpu.memory_space<hbm>> -> memref<6400xf32, #tpu.memory_space<hbm>>
      %dma_start3A_162 = tpu.memref_slice %arg10[%mul3A_159] : memref<102400xf32, #tpu.memory_space<vmem>> -> memref<6400xf32, #tpu.memory_space<vmem>>
      %dma_start3A_163 = tpu.memref_slice %arg9[%multiple_of3A_157] : memref<3276800xf32, #tpu.memory_space<hbm>> -> memref<6400xf32, #tpu.memory_space<hbm>>
      tpu.enqueue_dma source(%dma_start3A_163 : memref<6400xf32, #tpu.memory_space<hbm>>) target(%dma_start3A_162 : memref<6400xf32, #tpu.memory_space<vmem>>) target_semaphore(%arg17 : memref<!tpu.dma_semaphore, #tpu.memory_space<semaphore_mem>>)
      %scan3A_164 = arith.constant 0 : i32
      scf.yield %scan3A_164 : i32
    }
    %scan3A_127 = arith.constant 16 : i32
    %scan3A_128 = arith.constant 0 : i32
    %scan3A_129 = arith.constant 0 : i32
    %scan3A_130 = arith.constant 16 : i32
    %scan3A_131 = arith.addi %scan3A_129, %scan3A_130 : i32
    %scan3A_132 = arith.constant 1 : i32
    %scan3A_133 = scf.for %scan3A_147 = %scan3A_129 to %scan3A_131 step %scan3A_132 iter_args(%scan3A_148 = %scan3A_128) -> (i32)  : i32 {
      %mul3A_149 = arith.constant 16 : i32
      %mul3A_150 = arith.muli %arg0, %mul3A_149 : i32
      %add3A_151 = arith.addi %mul3A_150, %scan3A_147 : i32
      %mul3A_152 = arith.constant 102400 : i32
      %mul3A_153 = arith.muli %add3A_151, %mul3A_152 : i32
      %mul3A_154 = arith.constant 6400 : i32
      %mul3A_155 = arith.muli %arg1, %mul3A_154 : i32
      %add3A_156 = arith.addi %mul3A_153, %mul3A_155 : i32
      %multiple_of3A_157 = tpu.assume_multiple %add3A_156, 8 : i32
      %mul3A_158 = arith.constant 6400 : i32
      %mul3A_159 = arith.muli %scan3A_147, %mul3A_158 : i32
      %dma_wait3A_160 = tpu.memref_slice %arg10[%mul3A_159] : memref<102400xf32, #tpu.memory_space<vmem>> -> memref<6400xf32, #tpu.memory_space<vmem>>
      %dma_wait3A_161 = tpu.memref_slice %arg9[%multiple_of3A_157] : memref<3276800xf32, #tpu.memory_space<hbm>> -> memref<6400xf32, #tpu.memory_space<hbm>>
      %dma_wait3A_162 = tpu.memref_slice %arg10[%mul3A_159] : memref<102400xf32, #tpu.memory_space<vmem>> -> memref<6400xf32, #tpu.memory_space<vmem>>
      %dma_wait3A_163 = tpu.memref_slice %arg9[%multiple_of3A_157] : memref<3276800xf32, #tpu.memory_space<hbm>> -> memref<6400xf32, #tpu.memory_space<hbm>>
      tpu.wait_dma2 semaphore(%arg17 : memref<!tpu.dma_semaphore, #tpu.memory_space<semaphore_mem>>) src(%dma_wait3A_163 : memref<6400xf32, #tpu.memory_space<hbm>>) dst(%dma_wait3A_162 : memref<6400xf32, #tpu.memory_space<vmem>>)
      %scan3A_164 = arith.constant 0 : i32
      scf.yield %scan3A_164 : i32
    }
    %scan3A_134 = arith.constant 16 : i32
    %scan3A_135 = arith.constant 0 : i32
    %scan3A_136 = arith.constant 0 : i32
    %scan3A_137 = arith.constant 400 : i32
    %scan3A_138 = arith.addi %scan3A_136, %scan3A_137 : i32
    %scan3A_139 = arith.constant 1 : i32
    %scan3A_140 = scf.for %scan3A_147 = %scan3A_136 to %scan3A_138 step %scan3A_139 iter_args(%scan3A_148 = %scan3A_135) -> (i32)  : i32 {
      %mul3A_149 = arith.constant 16 : i32
      %mul3A_150 = arith.muli %scan3A_147, %mul3A_149 : i32
      %add3A_151 = arith.constant 0 : i32
      %add3A_152 = arith.addi %add3A_151, %mul3A_150 : i32
      %get3A = arith.index_cast %add3A_152 : i32 to index
      %get3A_153 = tpu.vector_load %arg10[%get3A] {strides = array<i32>} : memref<102400xf32, #tpu.memory_space<vmem>>, vector<16xf32>,
      %add3A_154 = arith.constant 6400 : i32
      %add3A_155 = arith.addi %add3A_154, %mul3A_150 : i32
      %get3A_156 = arith.index_cast %add3A_155 : i32 to index
      %get3A_157 = tpu.vector_load %arg10[%get3A_156] {strides = array<i32>} : memref<102400xf32, #tpu.memory_space<vmem>>, vector<16xf32>,
      %add3A_158 = arith.constant 12800 : i32
      %add3A_159 = arith.addi %add3A_158, %mul3A_150 : i32
      %get3A_160 = arith.index_cast %add3A_159 : i32 to index
      %get3A_161 = tpu.vector_load %arg10[%get3A_160] {strides = array<i32>} : memref<102400xf32, #tpu.memory_space<vmem>>, vector<16xf32>,
      %add3A_162 = arith.constant 19200 : i32
      %add3A_163 = arith.addi %add3A_162, %mul3A_150 : i32
      %get3A_164 = arith.index_cast %add3A_163 : i32 to index
      %get3A_165 = tpu.vector_load %arg10[%get3A_164] {strides = array<i32>} : memref<102400xf32, #tpu.memory_space<vmem>>, vector<16xf32>,
      %add3A_166 = arith.constant 25600 : i32
      %add3A_167 = arith.addi %add3A_166, %mul3A_150 : i32
      %get3A_168 = arith.index_cast %add3A_167 : i32 to index
      %get3A_169 = tpu.vector_load %arg10[%get3A_168] {strides = array<i32>} : memref<102400xf32, #tpu.memory_space<vmem>>, vector<16xf32>,
      %add3A_170 = arith.constant 32000 : i32
      %add3A_171 = arith.addi %add3A_170, %mul3A_150 : i32
      %get3A_172 = arith.index_cast %add3A_171 : i32 to index
      %get3A_173 = tpu.vector_load %arg10[%get3A_172] {strides = array<i32>} : memref<102400xf32, #tpu.memory_space<vmem>>, vector<16xf32>,
      %add3A_174 = arith.constant 38400 : i32
      %add3A_175 = arith.addi %add3A_174, %mul3A_150 : i32
      %get3A_176 = arith.index_cast %add3A_175 : i32 to index
      %get3A_177 = tpu.vector_load %arg10[%get3A_176] {strides = array<i32>} : memref<102400xf32, #tpu.memory_space<vmem>>, vector<16xf32>,
      %add3A_178 = arith.constant 44800 : i32
      %add3A_179 = arith.addi %add3A_178, %mul3A_150 : i32
      %get3A_180 = arith.index_cast %add3A_179 : i32 to index
      %get3A_181 = tpu.vector_load %arg10[%get3A_180] {strides = array<i32>} : memref<102400xf32, #tpu.memory_space<vmem>>, vector<16xf32>,
      %add3A_182 = arith.constant 51200 : i32
      %add3A_183 = arith.addi %add3A_182, %mul3A_150 : i32
      %get3A_184 = arith.index_cast %add3A_183 : i32 to index
      %get3A_185 = tpu.vector_load %arg10[%get3A_184] {strides = array<i32>} : memref<102400xf32, #tpu.memory_space<vmem>>, vector<16xf32>,
      %add3A_186 = arith.constant 57600 : i32
      %add3A_187 = arith.addi %add3A_186, %mul3A_150 : i32
      %get3A_188 = arith.index_cast %add3A_187 : i32 to index
      %get3A_189 = tpu.vector_load %arg10[%get3A_188] {strides = array<i32>} : memref<102400xf32, #tpu.memory_space<vmem>>, vector<16xf32>,
      %add3A_190 = arith.constant 64000 : i32
      %add3A_191 = arith.addi %add3A_190, %mul3A_150 : i32
      %get3A_192 = arith.index_cast %add3A_191 : i32 to index
      %get3A_193 = tpu.vector_load %arg10[%get3A_192] {strides = array<i32>} : memref<102400xf32, #tpu.memory_space<vmem>>, vector<16xf32>,
      %add3A_194 = arith.constant 70400 : i32
      %add3A_195 = arith.addi %add3A_194, %mul3A_150 : i32
      %get3A_196 = arith.index_cast %add3A_195 : i32 to index
      %get3A_197 = tpu.vector_load %arg10[%get3A_196] {strides = array<i32>} : memref<102400xf32, #tpu.memory_space<vmem>>, vector<16xf32>,
      %add3A_198 = arith.constant 76800 : i32
      %add3A_199 = arith.addi %add3A_198, %mul3A_150 : i32
      %get3A_200 = arith.index_cast %add3A_199 : i32 to index
      %get3A_201 = tpu.vector_load %arg10[%get3A_200] {strides = array<i32>} : memref<102400xf32, #tpu.memory_space<vmem>>, vector<16xf32>,
      %add3A_202 = arith.constant 83200 : i32
      %add3A_203 = arith.addi %add3A_202, %mul3A_150 : i32
      %get3A_204 = arith.index_cast %add3A_203 : i32 to index
      %get3A_205 = tpu.vector_load %arg10[%get3A_204] {strides = array<i32>} : memref<102400xf32, #tpu.memory_space<vmem>>, vector<16xf32>,
      %add3A_206 = arith.constant 89600 : i32
      %add3A_207 = arith.addi %add3A_206, %mul3A_150 : i32
      %get3A_208 = arith.index_cast %add3A_207 : i32 to index
      %get3A_209 = tpu.vector_load %arg10[%get3A_208] {strides = array<i32>} : memref<102400xf32, #tpu.memory_space<vmem>>, vector<16xf32>,
      %add3A_210 = arith.constant 96000 : i32
      %add3A_211 = arith.addi %add3A_210, %mul3A_150 : i32
      %get3A_212 = arith.index_cast %add3A_211 : i32 to index
      %get3A_213 = tpu.vector_load %arg10[%get3A_212] {strides = array<i32>} : memref<102400xf32, #tpu.memory_space<vmem>>, vector<16xf32>,
      %add3A_214 = arith.addf %get3A_153, %get3A_157 : vector<16xf32>
      %add3A_215 = arith.addf %get3A_161, %get3A_165 : vector<16xf32>
      %add3A_216 = arith.addf %get3A_169, %get3A_173 : vector<16xf32>
      %add3A_217 = arith.addf %get3A_177, %get3A_181 : vector<16xf32>
      %add3A_218 = arith.addf %get3A_185, %get3A_189 : vector<16xf32>
      %add3A_219 = arith.addf %get3A_193, %get3A_197 : vector<16xf32>
      %add3A_220 = arith.addf %get3A_201, %get3A_205 : vector<16xf32>
      %add3A_221 = arith.addf %get3A_209, %get3A_213 : vector<16xf32>
      %add3A_222 = arith.addf %add3A_214, %add3A_215 : vector<16xf32>
      %add3A_223 = arith.addf %add3A_216, %add3A_217 : vector<16xf32>
      %add3A_224 = arith.addf %add3A_218, %add3A_219 : vector<16xf32>
      %add3A_225 = arith.addf %add3A_220, %add3A_221 : vector<16xf32>
      %add3A_226 = arith.addf %add3A_222, %add3A_223 : vector<16xf32>
      %add3A_227 = arith.addf %add3A_224, %add3A_225 : vector<16xf32>
      %add3A_228 = arith.addf %add3A_226, %add3A_227 : vector<16xf32>
      %swap3A = arith.index_cast %mul3A_150 : i32 to index
      %swap3A_229 = tpu.vector_load %arg10[%swap3A] {strides = array<i32>} : memref<102400xf32, #tpu.memory_space<vmem>>, vector<16xf32>,
      tpu.vector_store %arg10[%swap3A], %add3A_228 {strides = array<i32>} : memref<102400xf32, #tpu.memory_space<vmem>>, vector<16xf32>,
      %scan3A_230 = arith.constant 0 : i32
      scf.yield %scan3A_230 : i32
    }
    %scan3A_141 = arith.constant 400 : i32
    %mul3A_142 = arith.constant 102400 : i32
    %mul3A_143 = arith.muli %arg0, %mul3A_142 : i32
    %mul3A_144 = arith.constant 6400 : i32
    %mul3A_145 = arith.muli %arg1, %mul3A_144 : i32
    %add3A_146 = arith.addi %mul3A_143, %mul3A_145 : i32
    "tpu.region"() ({
      %run_scoped3A = tpu.sem_alloc : memref<!tpu.dma_semaphore, #tpu.memory_space<semaphore_mem>>
      %dma_start3A_147 = arith.constant 0 : i32
      %dma_start3A_148 = tpu.memref_slice %arg10[%dma_start3A_147] : memref<102400xf32, #tpu.memory_space<vmem>> -> memref<6400xf32, #tpu.memory_space<vmem>>
      %dma_start3A_149 = tpu.memref_slice %arg6[%add3A_146] : memref<204800xf32, #tpu.memory_space<hbm>> -> memref<6400xf32, #tpu.memory_space<hbm>>
      %dma_start3A_150 = tpu.memref_slice %arg6[%add3A_146] : memref<204800xf32, #tpu.memory_space<hbm>> -> memref<6400xf32, #tpu.memory_space<hbm>>
      %dma_start3A_151 = arith.constant 0 : i32
      %dma_start3A_152 = tpu.memref_slice %arg10[%dma_start3A_151] : memref<102400xf32, #tpu.memory_space<vmem>> -> memref<6400xf32, #tpu.memory_space<vmem>>
      tpu.enqueue_dma source(%dma_start3A_152 : memref<6400xf32, #tpu.memory_space<vmem>>) target(%dma_start3A_150 : memref<6400xf32, #tpu.memory_space<hbm>>) target_semaphore(%run_scoped3A : memref<!tpu.dma_semaphore, #tpu.memory_space<semaphore_mem>>)
      %dma_wait3A_153 = arith.constant 0 : i32
      %dma_wait3A_154 = tpu.memref_slice %arg10[%dma_wait3A_153] : memref<102400xf32, #tpu.memory_space<vmem>> -> memref<6400xf32, #tpu.memory_space<vmem>>
      %dma_wait3A_155 = tpu.memref_slice %arg6[%add3A_146] : memref<204800xf32, #tpu.memory_space<hbm>> -> memref<6400xf32, #tpu.memory_space<hbm>>
      %dma_wait3A_156 = tpu.memref_slice %arg6[%add3A_146] : memref<204800xf32, #tpu.memory_space<hbm>> -> memref<6400xf32, #tpu.memory_space<hbm>>
      %dma_wait3A_157 = arith.constant 0 : i32
      %dma_wait3A_158 = tpu.memref_slice %arg10[%dma_wait3A_157] : memref<102400xf32, #tpu.memory_space<vmem>> -> memref<6400xf32, #tpu.memory_space<vmem>>
      tpu.wait_dma2 semaphore(%run_scoped3A : memref<!tpu.dma_semaphore, #tpu.memory_space<semaphore_mem>>) src(%dma_wait3A_158 : memref<6400xf32, #tpu.memory_space<vmem>>) dst(%dma_wait3A_156 : memref<6400xf32, #tpu.memory_space<hbm>>)
      tpu.yield
    }) : () -> ()
    return
  }
}

#map = affine_map<(d0, d1) -> (0)>
module attributes {stable_mosaic.version = 14 : i64} {
  func.func @_hop(%arg0: i32, %arg1: i32, %arg2: memref<204800xf32, #tpu.memory_space<hbm>>, %arg3: memref<102400xf32, #tpu.memory_space<hbm>>, %arg4: memref<12800000xi32, #tpu.memory_space<hbm>>, %arg5: memref<6400000xf32, #tpu.memory_space<hbm>>, %arg6: memref<204800xf32, #tpu.memory_space<hbm>>, %arg7: memref<102400xf32, #tpu.memory_space<hbm>>, %arg8: memref<6400000xf32, #tpu.memory_space<hbm>>, %arg9: memref<3276800xf32, #tpu.memory_space<hbm>>, %arg10: memref<102400xf32, #tpu.memory_space<vmem>>, %arg11: memref<4000xi32, #tpu.memory_space<vmem>>, %arg12: memref<4000xf32, #tpu.memory_space<vmem>>, %arg13: memref<4000xf32, #tpu.memory_space<vmem>>, %arg14: memref<102400xf32, #tpu.memory_space<vmem_shared>>, %arg15: memref<2x!tpu.dma_semaphore, #tpu.memory_space<semaphore_mem>>, %arg16: memref<2x!tpu.dma_semaphore, #tpu.memory_space<semaphore_mem>>, %arg17: memref<!tpu.dma_semaphore, #tpu.memory_space<semaphore_mem>>) attributes {dimension_semantics = [#tpu.dimension_semantics<core_parallel>, #tpu.dimension_semantics<subcore_parallel>], iteration_bounds = array<i64: 2, 16>, scalar_prefetch = 0 : i64, scratch_operands = 8 : i64, tpu.core_type = #tpu.core_type<sc_vector_subcore>, window_params = [{transform_indices = #map}, {transform_indices = #map}, {transform_indices = #map}, {transform_indices = #map}, {transform_indices = #map}, {transform_indices = #map}, {transform_indices = #map}, {transform_indices = #map}]} {
    %mul3A = arith.constant 16 : i32
    %mul3A_0 = arith.muli %arg0, %mul3A : i32
    %add3A = arith.addi %mul3A_0, %arg1 : i32
    %mul3A_1 = arith.constant 6400 : i32
    %mul3A_2 = arith.muli %arg1, %mul3A_1 : i32
    %mul3A_3 = arith.constant 6400 : i32
    %mul3A_4 = arith.muli %arg1, %mul3A_3 : i32
    "tpu.region"() ({
      %run_scoped3A = tpu.sem_alloc : memref<!tpu.dma_semaphore, #tpu.memory_space<semaphore_mem>>
      %dma_start3A_147 = arith.constant 0 : i32
      %dma_start3A_148 = tpu.memref_slice %arg10[%dma_start3A_147] : memref<102400xf32, #tpu.memory_space<vmem>> -> memref<6400xf32, #tpu.memory_space<vmem>>
      %dma_start3A_149 = tpu.memref_slice %arg2[%mul3A_4] : memref<204800xf32, #tpu.memory_space<hbm>> -> memref<6400xf32, #tpu.memory_space<hbm>>
      %dma_start3A_150 = arith.constant 0 : i32
      %dma_start3A_151 = tpu.memref_slice %arg10[%dma_start3A_150] : memref<102400xf32, #tpu.memory_space<vmem>> -> memref<6400xf32, #tpu.memory_space<vmem>>
      %dma_start3A_152 = tpu.memref_slice %arg2[%mul3A_4] : memref<204800xf32, #tpu.memory_space<hbm>> -> memref<6400xf32, #tpu.memory_space<hbm>>
      tpu.enqueue_dma source(%dma_start3A_152 : memref<6400xf32, #tpu.memory_space<hbm>>) target(%dma_start3A_151 : memref<6400xf32, #tpu.memory_space<vmem>>) target_semaphore(%run_scoped3A : memref<!tpu.dma_semaphore, #tpu.memory_space<semaphore_mem>>)
      %dma_wait3A_153 = arith.constant 0 : i32
      %dma_wait3A_154 = tpu.memref_slice %arg10[%dma_wait3A_153] : memref<102400xf32, #tpu.memory_space<vmem>> -> memref<6400xf32, #tpu.memory_space<vmem>>
      %dma_wait3A_155 = tpu.memref_slice %arg2[%mul3A_4] : memref<204800xf32, #tpu.memory_space<hbm>> -> memref<6400xf32, #tpu.memory_space<hbm>>
      %dma_wait3A_156 = arith.constant 0 : i32
      %dma_wait3A_157 = tpu.memref_slice %arg10[%dma_wait3A_156] : memref<102400xf32, #tpu.memory_space<vmem>> -> memref<6400xf32, #tpu.memory_space<vmem>>
      %dma_wait3A_158 = tpu.memref_slice %arg2[%mul3A_4] : memref<204800xf32, #tpu.memory_space<hbm>> -> memref<6400xf32, #tpu.memory_space<hbm>>
      tpu.wait_dma2 semaphore(%run_scoped3A : memref<!tpu.dma_semaphore, #tpu.memory_space<semaphore_mem>>) src(%dma_wait3A_158 : memref<6400xf32, #tpu.memory_space<hbm>>) dst(%dma_wait3A_157 : memref<6400xf32, #tpu.memory_space<vmem>>)
      tpu.yield
    }) : () -> ()
    %mul3A_5 = arith.constant 6400 : i32
    %mul3A_6 = arith.muli %arg1, %mul3A_5 : i32
    %add3A_7 = arith.constant 102400 : i32
    %add3A_8 = arith.addi %add3A_7, %mul3A_6 : i32
    "tpu.region"() ({
      %run_scoped3A = tpu.sem_alloc : memref<!tpu.dma_semaphore, #tpu.memory_space<semaphore_mem>>
      %dma_start3A_147 = arith.constant 6400 : i32
      %dma_start3A_148 = tpu.memref_slice %arg10[%dma_start3A_147] : memref<102400xf32, #tpu.memory_space<vmem>> -> memref<6400xf32, #tpu.memory_space<vmem>>
      %dma_start3A_149 = tpu.memref_slice %arg2[%add3A_8] : memref<204800xf32, #tpu.memory_space<hbm>> -> memref<6400xf32, #tpu.memory_space<hbm>>
      %dma_start3A_150 = arith.constant 6400 : i32
      %dma_start3A_151 = tpu.memref_slice %arg10[%dma_start3A_150] : memref<102400xf32, #tpu.memory_space<vmem>> -> memref<6400xf32, #tpu.memory_space<vmem>>
      %dma_start3A_152 = tpu.memref_slice %arg2[%add3A_8] : memref<204800xf32, #tpu.memory_space<hbm>> -> memref<6400xf32, #tpu.memory_space<hbm>>
      tpu.enqueue_dma source(%dma_start3A_152 : memref<6400xf32, #tpu.memory_space<hbm>>) target(%dma_start3A_151 : memref<6400xf32, #tpu.memory_space<vmem>>) target_semaphore(%run_scoped3A : memref<!tpu.dma_semaphore, #tpu.memory_space<semaphore_mem>>)
      %dma_wait3A_153 = arith.constant 6400 : i32
      %dma_wait3A_154 = tpu.memref_slice %arg10[%dma_wait3A_153] : memref<102400xf32, #tpu.memory_space<vmem>> -> memref<6400xf32, #tpu.memory_space<vmem>>
      %dma_wait3A_155 = tpu.memref_slice %arg2[%add3A_8] : memref<204800xf32, #tpu.memory_space<hbm>> -> memref<6400xf32, #tpu.memory_space<hbm>>
      %dma_wait3A_156 = arith.constant 6400 : i32
      %dma_wait3A_157 = tpu.memref_slice %arg10[%dma_wait3A_156] : memref<102400xf32, #tpu.memory_space<vmem>> -> memref<6400xf32, #tpu.memory_space<vmem>>
      %dma_wait3A_158 = tpu.memref_slice %arg2[%add3A_8] : memref<204800xf32, #tpu.memory_space<hbm>> -> memref<6400xf32, #tpu.memory_space<hbm>>
      tpu.wait_dma2 semaphore(%run_scoped3A : memref<!tpu.dma_semaphore, #tpu.memory_space<semaphore_mem>>) src(%dma_wait3A_158 : memref<6400xf32, #tpu.memory_space<hbm>>) dst(%dma_wait3A_157 : memref<6400xf32, #tpu.memory_space<vmem>>)
      tpu.yield
    }) : () -> ()
    "tpu.region"() ({
      %run_scoped3A = tpu.sem_alloc : memref<!tpu.dma_semaphore, #tpu.memory_space<semaphore_mem>>
      %dma_start3A_147 = arith.constant 12800 : i32
      %dma_start3A_148 = tpu.memref_slice %arg10[%dma_start3A_147] : memref<102400xf32, #tpu.memory_space<vmem>> -> memref<6400xf32, #tpu.memory_space<vmem>>
      %dma_start3A_149 = tpu.memref_slice %arg3[%mul3A_2] : memref<102400xf32, #tpu.memory_space<hbm>> -> memref<6400xf32, #tpu.memory_space<hbm>>
      %dma_start3A_150 = arith.constant 12800 : i32
      %dma_start3A_151 = tpu.memref_slice %arg10[%dma_start3A_150] : memref<102400xf32, #tpu.memory_space<vmem>> -> memref<6400xf32, #tpu.memory_space<vmem>>
      %dma_start3A_152 = tpu.memref_slice %arg3[%mul3A_2] : memref<102400xf32, #tpu.memory_space<hbm>> -> memref<6400xf32, #tpu.memory_space<hbm>>
      tpu.enqueue_dma source(%dma_start3A_152 : memref<6400xf32, #tpu.memory_space<hbm>>) target(%dma_start3A_151 : memref<6400xf32, #tpu.memory_space<vmem>>) target_semaphore(%run_scoped3A : memref<!tpu.dma_semaphore, #tpu.memory_space<semaphore_mem>>)
      %dma_wait3A_153 = arith.constant 12800 : i32
      %dma_wait3A_154 = tpu.memref_slice %arg10[%dma_wait3A_153] : memref<102400xf32, #tpu.memory_space<vmem>> -> memref<6400xf32, #tpu.memory_space<vmem>>
      %dma_wait3A_155 = tpu.memref_slice %arg3[%mul3A_2] : memref<102400xf32, #tpu.memory_space<hbm>> -> memref<6400xf32, #tpu.memory_space<hbm>>
      %dma_wait3A_156 = arith.constant 12800 : i32
      %dma_wait3A_157 = tpu.memref_slice %arg10[%dma_wait3A_156] : memref<102400xf32, #tpu.memory_space<vmem>> -> memref<6400xf32, #tpu.memory_space<vmem>>
      %dma_wait3A_158 = tpu.memref_slice %arg3[%mul3A_2] : memref<102400xf32, #tpu.memory_space<hbm>> -> memref<6400xf32, #tpu.memory_space<hbm>>
      tpu.wait_dma2 semaphore(%run_scoped3A : memref<!tpu.dma_semaphore, #tpu.memory_space<semaphore_mem>>) src(%dma_wait3A_158 : memref<6400xf32, #tpu.memory_space<hbm>>) dst(%dma_wait3A_157 : memref<6400xf32, #tpu.memory_space<vmem>>)
      tpu.yield
    }) : () -> ()
    %scan3A = arith.constant 0 : i32
    %scan3A_9 = arith.constant 0 : i32
    %scan3A_10 = arith.constant 400 : i32
    %scan3A_11 = arith.addi %scan3A_9, %scan3A_10 : i32
    %scan3A_12 = arith.constant 1 : i32
    %scan3A_13 = scf.for %scan3A_147 = %scan3A_9 to %scan3A_11 step %scan3A_12 iter_args(%scan3A_148 = %scan3A) -> (i32)  : i32 {
      %mul3A_149 = arith.constant 16 : i32
      %mul3A_150 = arith.muli %scan3A_147, %mul3A_149 : i32
      %add3A_151 = arith.constant 12800 : i32
      %add3A_152 = arith.addi %add3A_151, %mul3A_150 : i32
      %get3A = arith.index_cast %add3A_152 : i32 to index
      %get3A_153 = tpu.vector_load %arg10[%get3A] {strides = array<i32>} : memref<102400xf32, #tpu.memory_space<vmem>>, vector<16xf32>,
      %get3A_154 = arith.index_cast %mul3A_150 : i32 to index
      %get3A_155 = tpu.vector_load %arg10[%get3A_154] {strides = array<i32>} : memref<102400xf32, #tpu.memory_space<vmem>>, vector<16xf32>,
      %add3A_156 = arith.constant 6400 : i32
      %add3A_157 = arith.addi %add3A_156, %mul3A_150 : i32
      %get3A_158 = arith.index_cast %add3A_157 : i32 to index
      %get3A_159 = tpu.vector_load %arg10[%get3A_158] {strides = array<i32>} : memref<102400xf32, #tpu.memory_space<vmem>>, vector<16xf32>,
      %add3A_160 = arith.addf %get3A_155, %get3A_159 : vector<16xf32>
      %mul3A_161 = arith.mulf %get3A_153, %add3A_160 : vector<16xf32>
      %swap3A = arith.index_cast %mul3A_150 : i32 to index
      %swap3A_162 = tpu.vector_load %arg10[%swap3A] {strides = array<i32>} : memref<102400xf32, #tpu.memory_space<vmem>>, vector<16xf32>,
      tpu.vector_store %arg10[%swap3A], %mul3A_161 {strides = array<i32>} : memref<102400xf32, #tpu.memory_space<vmem>>, vector<16xf32>,
      %mul3A_163 = arith.mulf %get3A_153, %mul3A_161 : vector<16xf32>
      %add3A_164 = arith.constant 6400 : i32
      %add3A_165 = arith.addi %add3A_164, %mul3A_150 : i32
      %swap3A_166 = arith.index_cast %add3A_165 : i32 to index
      %swap3A_167 = tpu.vector_load %arg10[%swap3A_166] {strides = array<i32>} : memref<102400xf32, #tpu.memory_space<vmem>>, vector<16xf32>,
      tpu.vector_store %arg10[%swap3A_166], %mul3A_163 {strides = array<i32>} : memref<102400xf32, #tpu.memory_space<vmem>>, vector<16xf32>,
      %scan3A_168 = arith.constant 0 : i32
      scf.yield %scan3A_168 : i32
    }
    %scan3A_14 = arith.constant 400 : i32
    %eq3A = arith.constant 0 : i32
    %eq3A_15 = arith.cmpi eq, %arg0, %eq3A : i32
    %convert_element_type3A = arith.extui %eq3A_15 : i1 to i32
    %cond3A = arith.constant 0 : i32
    %cond3A_16 = arith.cmpi ne, %convert_element_type3A, %cond3A : i32
    scf.if %cond3A_16 {
      "tpu.region"() ({
        %run_scoped3A = tpu.sem_alloc : memref<!tpu.dma_semaphore, #tpu.memory_space<semaphore_mem>>
        %dma_start3A_147 = arith.constant 0 : i32
        %dma_start3A_148 = tpu.memref_slice %arg10[%dma_start3A_147] : memref<102400xf32, #tpu.memory_space<vmem>> -> memref<6400xf32, #tpu.memory_space<vmem>>
        %dma_start3A_149 = tpu.memref_slice %arg7[%mul3A_2] : memref<102400xf32, #tpu.memory_space<hbm>> -> memref<6400xf32, #tpu.memory_space<hbm>>
        %dma_start3A_150 = tpu.memref_slice %arg7[%mul3A_2] : memref<102400xf32, #tpu.memory_space<hbm>> -> memref<6400xf32, #tpu.memory_space<hbm>>
        %dma_start3A_151 = arith.constant 0 : i32
        %dma_start3A_152 = tpu.memref_slice %arg10[%dma_start3A_151] : memref<102400xf32, #tpu.memory_space<vmem>> -> memref<6400xf32, #tpu.memory_space<vmem>>
        tpu.enqueue_dma source(%dma_start3A_152 : memref<6400xf32, #tpu.memory_space<vmem>>) target(%dma_start3A_150 : memref<6400xf32, #tpu.memory_space<hbm>>) target_semaphore(%run_scoped3A : memref<!tpu.dma_semaphore, #tpu.memory_space<semaphore_mem>>)
        %dma_wait3A_153 = arith.constant 0 : i32
        %dma_wait3A_154 = tpu.memref_slice %arg10[%dma_wait3A_153] : memref<102400xf32, #tpu.memory_space<vmem>> -> memref<6400xf32, #tpu.memory_space<vmem>>
        %dma_wait3A_155 = tpu.memref_slice %arg7[%mul3A_2] : memref<102400xf32, #tpu.memory_space<hbm>> -> memref<6400xf32, #tpu.memory_space<hbm>>
        %dma_wait3A_156 = tpu.memref_slice %arg7[%mul3A_2] : memref<102400xf32, #tpu.memory_space<hbm>> -> memref<6400xf32, #tpu.memory_space<hbm>>
        %dma_wait3A_157 = arith.constant 0 : i32
        %dma_wait3A_158 = tpu.memref_slice %arg10[%dma_wait3A_157] : memref<102400xf32, #tpu.memory_space<vmem>> -> memref<6400xf32, #tpu.memory_space<vmem>>
        tpu.wait_dma2 semaphore(%run_scoped3A : memref<!tpu.dma_semaphore, #tpu.memory_space<semaphore_mem>>) src(%dma_wait3A_158 : memref<6400xf32, #tpu.memory_space<vmem>>) dst(%dma_wait3A_156 : memref<6400xf32, #tpu.memory_space<hbm>>)
        tpu.yield
      }) : () -> ()
    } else {
    }
    "tpu.region"() ({
      %run_scoped3A = tpu.sem_alloc : memref<!tpu.dma_semaphore, #tpu.memory_space<semaphore_mem>>
      %dma_start3A_147 = arith.constant 6400 : i32
      %dma_start3A_148 = tpu.memref_slice %arg10[%dma_start3A_147] : memref<102400xf32, #tpu.memory_space<vmem>> -> memref<6400xf32, #tpu.memory_space<vmem>>
      %dma_start3A_149 = tpu.memref_slice %arg14[%mul3A_2] : memref<102400xf32, #tpu.memory_space<vmem_shared>> -> memref<6400xf32, #tpu.memory_space<vmem_shared>>
      %dma_start3A_150 = tpu.memref_slice %arg14[%mul3A_2] : memref<102400xf32, #tpu.memory_space<vmem_shared>> -> memref<6400xf32, #tpu.memory_space<vmem_shared>>
      %dma_start3A_151 = arith.constant 6400 : i32
      %dma_start3A_152 = tpu.memref_slice %arg10[%dma_start3A_151] : memref<102400xf32, #tpu.memory_space<vmem>> -> memref<6400xf32, #tpu.memory_space<vmem>>
      tpu.enqueue_dma source(%dma_start3A_152 : memref<6400xf32, #tpu.memory_space<vmem>>) target(%dma_start3A_150 : memref<6400xf32, #tpu.memory_space<vmem_shared>>) target_semaphore(%run_scoped3A : memref<!tpu.dma_semaphore, #tpu.memory_space<semaphore_mem>>)
      %dma_wait3A_153 = arith.constant 6400 : i32
      %dma_wait3A_154 = tpu.memref_slice %arg10[%dma_wait3A_153] : memref<102400xf32, #tpu.memory_space<vmem>> -> memref<6400xf32, #tpu.memory_space<vmem>>
      %dma_wait3A_155 = tpu.memref_slice %arg14[%mul3A_2] : memref<102400xf32, #tpu.memory_space<vmem_shared>> -> memref<6400xf32, #tpu.memory_space<vmem_shared>>
      %dma_wait3A_156 = tpu.memref_slice %arg14[%mul3A_2] : memref<102400xf32, #tpu.memory_space<vmem_shared>> -> memref<6400xf32, #tpu.memory_space<vmem_shared>>
      %dma_wait3A_157 = arith.constant 6400 : i32
      %dma_wait3A_158 = tpu.memref_slice %arg10[%dma_wait3A_157] : memref<102400xf32, #tpu.memory_space<vmem>> -> memref<6400xf32, #tpu.memory_space<vmem>>
      tpu.wait_dma2 semaphore(%run_scoped3A : memref<!tpu.dma_semaphore, #tpu.memory_space<semaphore_mem>>) src(%dma_wait3A_158 : memref<6400xf32, #tpu.memory_space<vmem>>) dst(%dma_wait3A_156 : memref<6400xf32, #tpu.memory_space<vmem_shared>>)
      tpu.yield
    }) : () -> ()
    %barrier3A = arith.constant 0 : index
    tpu.barrier barrier_id(%barrier3A)
    "tpu.region"() ({
      %run_scoped3A = tpu.sem_alloc : memref<!tpu.dma_semaphore, #tpu.memory_space<semaphore_mem>>
      tpu.enqueue_dma source(%arg14 : memref<102400xf32, #tpu.memory_space<vmem_shared>>) target(%arg10 : memref<102400xf32, #tpu.memory_space<vmem>>) target_semaphore(%run_scoped3A : memref<!tpu.dma_semaphore, #tpu.memory_space<semaphore_mem>>)
      tpu.wait_dma2 semaphore(%run_scoped3A : memref<!tpu.dma_semaphore, #tpu.memory_space<semaphore_mem>>) src(%arg14 : memref<102400xf32, #tpu.memory_space<vmem_shared>>) dst(%arg10 : memref<102400xf32, #tpu.memory_space<vmem>>)
      tpu.yield
    }) : () -> ()
    %barrier3A_17 = arith.constant 0 : index
    tpu.barrier barrier_id(%barrier3A_17)
    %mul3A_18 = arith.constant 200000 : i32
    %mul3A_19 = arith.muli %add3A, %mul3A_18 : i32
    %add3A_20 = arith.constant 0 : i32
    %add3A_21 = arith.addi %mul3A_19, %add3A_20 : i32
    %multiple_of3A = tpu.assume_multiple %add3A_21, 8 : i32
    %add3A_22 = arith.constant 0 : i32
    %add3A_23 = arith.addi %add3A_22, %multiple_of3A : i32
    %dma_start3A = arith.constant 0 : i32
    %dma_start3A_24 = arith.constant 0 : i32
    %dma_start3A_25 = tpu.memref_slice %arg11[%dma_start3A_24] : memref<4000xi32, #tpu.memory_space<vmem>> -> memref<2000xi32, #tpu.memory_space<vmem>>
    %dma_start3A_26 = tpu.memref_slice %arg4[%add3A_23] : memref<12800000xi32, #tpu.memory_space<hbm>> -> memref<2000xi32, #tpu.memory_space<hbm>>
    %dma_start3A_27 = tpu.memref_slice %arg15[%dma_start3A] : memref<2x!tpu.dma_semaphore, #tpu.memory_space<semaphore_mem>> -> memref<1x!tpu.dma_semaphore, #tpu.memory_space<semaphore_mem>>
    %dma_start3A_28 = tpu.memref_squeeze %dma_start3A_27 : memref<1x!tpu.dma_semaphore, #tpu.memory_space<semaphore_mem>> -> memref<!tpu.dma_semaphore, #tpu.memory_space<semaphore_mem>>
    %dma_start3A_29 = arith.constant 0 : i32
    %dma_start3A_30 = tpu.memref_slice %arg11[%dma_start3A_29] : memref<4000xi32, #tpu.memory_space<vmem>> -> memref<2000xi32, #tpu.memory_space<vmem>>
    %dma_start3A_31 = tpu.memref_slice %arg4[%add3A_23] : memref<12800000xi32, #tpu.memory_space<hbm>> -> memref<2000xi32, #tpu.memory_space<hbm>>
    tpu.enqueue_dma source(%dma_start3A_31 : memref<2000xi32, #tpu.memory_space<hbm>>) target(%dma_start3A_30 : memref<2000xi32, #tpu.memory_space<vmem>>) target_semaphore(%dma_start3A_28 : memref<!tpu.dma_semaphore, #tpu.memory_space<semaphore_mem>>)
    %dma_start3A_32 = arith.constant 0 : i32
    %dma_start3A_33 = arith.constant 0 : i32
    %dma_start3A_34 = tpu.memref_slice %arg12[%dma_start3A_33] : memref<4000xf32, #tpu.memory_space<vmem>> -> memref<2000xf32, #tpu.memory_space<vmem>>
    %dma_start3A_35 = tpu.memref_slice %arg5[%multiple_of3A] : memref<6400000xf32, #tpu.memory_space<hbm>> -> memref<2000xf32, #tpu.memory_space<hbm>>
    %dma_start3A_36 = tpu.memref_slice %arg15[%dma_start3A_32] : memref<2x!tpu.dma_semaphore, #tpu.memory_space<semaphore_mem>> -> memref<1x!tpu.dma_semaphore, #tpu.memory_space<semaphore_mem>>
    %dma_start3A_37 = tpu.memref_squeeze %dma_start3A_36 : memref<1x!tpu.dma_semaphore, #tpu.memory_space<semaphore_mem>> -> memref<!tpu.dma_semaphore, #tpu.memory_space<semaphore_mem>>
    %dma_start3A_38 = arith.constant 0 : i32
    %dma_start3A_39 = tpu.memref_slice %arg12[%dma_start3A_38] : memref<4000xf32, #tpu.memory_space<vmem>> -> memref<2000xf32, #tpu.memory_space<vmem>>
    %dma_start3A_40 = tpu.memref_slice %arg5[%multiple_of3A] : memref<6400000xf32, #tpu.memory_space<hbm>> -> memref<2000xf32, #tpu.memory_space<hbm>>
    tpu.enqueue_dma source(%dma_start3A_40 : memref<2000xf32, #tpu.memory_space<hbm>>) target(%dma_start3A_39 : memref<2000xf32, #tpu.memory_space<vmem>>) target_semaphore(%dma_start3A_37 : memref<!tpu.dma_semaphore, #tpu.memory_space<semaphore_mem>>)
    %scan3A_41 = arith.constant 0 : i32
    %scan3A_42 = arith.constant 0 : i32
    %scan3A_43 = arith.constant 100 : i32
    %scan3A_44 = arith.addi %scan3A_42, %scan3A_43 : i32
    %scan3A_45 = arith.constant 1 : i32
    %scan3A_46 = scf.for %scan3A_147 = %scan3A_42 to %scan3A_44 step %scan3A_45 iter_args(%scan3A_148 = %scan3A_41) -> (i32)  : i32 {
      %rem3A = arith.constant 2 : i32
      %rem3A_149 = arith.remsi %scan3A_147, %rem3A : i32
      %add3A_150 = arith.constant 1 : i32
      %add3A_151 = arith.addi %scan3A_147, %add3A_150 : i32
      %lt3A = arith.constant 100 : i32
      %lt3A_152 = arith.cmpi slt, %add3A_151, %lt3A : i32
      %convert_element_type3A_153 = arith.extui %lt3A_152 : i1 to i32
      %cond3A_154 = arith.constant 0 : i32
      %cond3A_155 = arith.cmpi ne, %convert_element_type3A_153, %cond3A_154 : i32
      scf.if %cond3A_155 {
        %add3A_204 = arith.constant 1 : i32
        %add3A_205 = arith.addi %scan3A_147, %add3A_204 : i32
        %sub3A = arith.constant 1 : i32
        %sub3A_206 = arith.subi %sub3A, %rem3A_149 : i32
        %mul3A_207 = arith.constant 200000 : i32
        %mul3A_208 = arith.muli %add3A, %mul3A_207 : i32
        %mul3A_209 = arith.constant 2000 : i32
        %mul3A_210 = arith.muli %add3A_205, %mul3A_209 : i32
        %add3A_211 = arith.addi %mul3A_208, %mul3A_210 : i32
        %multiple_of3A_212 = tpu.assume_multiple %add3A_211, 8 : i32
        %mul3A_213 = arith.constant 2000 : i32
        %mul3A_214 = arith.muli %sub3A_206, %mul3A_213 : i32
        %add3A_215 = arith.constant 0 : i32
        %add3A_216 = arith.addi %add3A_215, %multiple_of3A_212 : i32
        %dma_start3A_217 = tpu.memref_slice %arg11[%mul3A_214] : memref<4000xi32, #tpu.memory_space<vmem>> -> memref<2000xi32, #tpu.memory_space<vmem>>
        %dma_start3A_218 = tpu.memref_slice %arg4[%add3A_216] : memref<12800000xi32, #tpu.memory_space<hbm>> -> memref<2000xi32, #tpu.memory_space<hbm>>
        %dma_start3A_219 = tpu.memref_slice %arg15[%sub3A_206] : memref<2x!tpu.dma_semaphore, #tpu.memory_space<semaphore_mem>> -> memref<1x!tpu.dma_semaphore, #tpu.memory_space<semaphore_mem>>
        %dma_start3A_220 = tpu.memref_squeeze %dma_start3A_219 : memref<1x!tpu.dma_semaphore, #tpu.memory_space<semaphore_mem>> -> memref<!tpu.dma_semaphore, #tpu.memory_space<semaphore_mem>>
        %dma_start3A_221 = tpu.memref_slice %arg11[%mul3A_214] : memref<4000xi32, #tpu.memory_space<vmem>> -> memref<2000xi32, #tpu.memory_space<vmem>>
        %dma_start3A_222 = tpu.memref_slice %arg4[%add3A_216] : memref<12800000xi32, #tpu.memory_space<hbm>> -> memref<2000xi32, #tpu.memory_space<hbm>>
        tpu.enqueue_dma source(%dma_start3A_222 : memref<2000xi32, #tpu.memory_space<hbm>>) target(%dma_start3A_221 : memref<2000xi32, #tpu.memory_space<vmem>>) target_semaphore(%dma_start3A_220 : memref<!tpu.dma_semaphore, #tpu.memory_space<semaphore_mem>>)
        %dma_start3A_223 = tpu.memref_slice %arg12[%mul3A_214] : memref<4000xf32, #tpu.memory_space<vmem>> -> memref<2000xf32, #tpu.memory_space<vmem>>
        %dma_start3A_224 = tpu.memref_slice %arg5[%multiple_of3A_212] : memref<6400000xf32, #tpu.memory_space<hbm>> -> memref<2000xf32, #tpu.memory_space<hbm>>
        %dma_start3A_225 = tpu.memref_slice %arg15[%sub3A_206] : memref<2x!tpu.dma_semaphore, #tpu.memory_space<semaphore_mem>> -> memref<1x!tpu.dma_semaphore, #tpu.memory_space<semaphore_mem>>
        %dma_start3A_226 = tpu.memref_squeeze %dma_start3A_225 : memref<1x!tpu.dma_semaphore, #tpu.memory_space<semaphore_mem>> -> memref<!tpu.dma_semaphore, #tpu.memory_space<semaphore_mem>>
        %dma_start3A_227 = tpu.memref_slice %arg12[%mul3A_214] : memref<4000xf32, #tpu.memory_space<vmem>> -> memref<2000xf32, #tpu.memory_space<vmem>>
        %dma_start3A_228 = tpu.memref_slice %arg5[%multiple_of3A_212] : memref<6400000xf32, #tpu.memory_space<hbm>> -> memref<2000xf32, #tpu.memory_space<hbm>>
        tpu.enqueue_dma source(%dma_start3A_228 : memref<2000xf32, #tpu.memory_space<hbm>>) target(%dma_start3A_227 : memref<2000xf32, #tpu.memory_space<vmem>>) target_semaphore(%dma_start3A_226 : memref<!tpu.dma_semaphore, #tpu.memory_space<semaphore_mem>>)
      } else {
      }
      %mul3A_156 = arith.constant 200000 : i32
      %mul3A_157 = arith.muli %add3A, %mul3A_156 : i32
      %mul3A_158 = arith.constant 2000 : i32
      %mul3A_159 = arith.muli %scan3A_147, %mul3A_158 : i32
      %add3A_160 = arith.addi %mul3A_157, %mul3A_159 : i32
      %multiple_of3A_161 = tpu.assume_multiple %add3A_160, 8 : i32
      %mul3A_162 = arith.constant 2000 : i32
      %mul3A_163 = arith.muli %rem3A_149, %mul3A_162 : i32
      %add3A_164 = arith.constant 0 : i32
      %add3A_165 = arith.addi %add3A_164, %multiple_of3A_161 : i32
      %dma_wait3A_166 = tpu.memref_slice %arg11[%mul3A_163] : memref<4000xi32, #tpu.memory_space<vmem>> -> memref<2000xi32, #tpu.memory_space<vmem>>
      %dma_wait3A_167 = tpu.memref_slice %arg4[%add3A_165] : memref<12800000xi32, #tpu.memory_space<hbm>> -> memref<2000xi32, #tpu.memory_space<hbm>>
      %dma_wait3A_168 = tpu.memref_slice %arg15[%rem3A_149] : memref<2x!tpu.dma_semaphore, #tpu.memory_space<semaphore_mem>> -> memref<1x!tpu.dma_semaphore, #tpu.memory_space<semaphore_mem>>
      %dma_wait3A_169 = tpu.memref_squeeze %dma_wait3A_168 : memref<1x!tpu.dma_semaphore, #tpu.memory_space<semaphore_mem>> -> memref<!tpu.dma_semaphore, #tpu.memory_space<semaphore_mem>>
      %dma_wait3A_170 = tpu.memref_slice %arg11[%mul3A_163] : memref<4000xi32, #tpu.memory_space<vmem>> -> memref<2000xi32, #tpu.memory_space<vmem>>
      %dma_wait3A_171 = tpu.memref_slice %arg4[%add3A_165] : memref<12800000xi32, #tpu.memory_space<hbm>> -> memref<2000xi32, #tpu.memory_space<hbm>>
      tpu.wait_dma2 semaphore(%dma_wait3A_169 : memref<!tpu.dma_semaphore, #tpu.memory_space<semaphore_mem>>) src(%dma_wait3A_171 : memref<2000xi32, #tpu.memory_space<hbm>>) dst(%dma_wait3A_170 : memref<2000xi32, #tpu.memory_space<vmem>>)
      %dma_wait3A_172 = tpu.memref_slice %arg12[%mul3A_163] : memref<4000xf32, #tpu.memory_space<vmem>> -> memref<2000xf32, #tpu.memory_space<vmem>>
      %dma_wait3A_173 = tpu.memref_slice %arg5[%multiple_of3A_161] : memref<6400000xf32, #tpu.memory_space<hbm>> -> memref<2000xf32, #tpu.memory_space<hbm>>
      %dma_wait3A_174 = tpu.memref_slice %arg15[%rem3A_149] : memref<2x!tpu.dma_semaphore, #tpu.memory_space<semaphore_mem>> -> memref<1x!tpu.dma_semaphore, #tpu.memory_space<semaphore_mem>>
      %dma_wait3A_175 = tpu.memref_squeeze %dma_wait3A_174 : memref<1x!tpu.dma_semaphore, #tpu.memory_space<semaphore_mem>> -> memref<!tpu.dma_semaphore, #tpu.memory_space<semaphore_mem>>
      %dma_wait3A_176 = tpu.memref_slice %arg12[%mul3A_163] : memref<4000xf32, #tpu.memory_space<vmem>> -> memref<2000xf32, #tpu.memory_space<vmem>>
      %dma_wait3A_177 = tpu.memref_slice %arg5[%multiple_of3A_161] : memref<6400000xf32, #tpu.memory_space<hbm>> -> memref<2000xf32, #tpu.memory_space<hbm>>
      tpu.wait_dma2 semaphore(%dma_wait3A_175 : memref<!tpu.dma_semaphore, #tpu.memory_space<semaphore_mem>>) src(%dma_wait3A_177 : memref<2000xf32, #tpu.memory_space<hbm>>) dst(%dma_wait3A_176 : memref<2000xf32, #tpu.memory_space<vmem>>)
      %ge3A = arith.constant 2 : i32
      %ge3A_178 = arith.cmpi sge, %scan3A_147, %ge3A : i32
      %convert_element_type3A_179 = arith.extui %ge3A_178 : i1 to i32
      %cond3A_180 = arith.constant 0 : i32
      %cond3A_181 = arith.cmpi ne, %convert_element_type3A_179, %cond3A_180 : i32
      scf.if %cond3A_181 {
        %sub3A = arith.constant 2 : i32
        %sub3A_204 = arith.subi %scan3A_147, %sub3A : i32
        %mul3A_205 = arith.constant 200000 : i32
        %mul3A_206 = arith.muli %add3A, %mul3A_205 : i32
        %mul3A_207 = arith.constant 2000 : i32
        %mul3A_208 = arith.muli %sub3A_204, %mul3A_207 : i32
        %add3A_209 = arith.addi %mul3A_206, %mul3A_208 : i32
        %multiple_of3A_210 = tpu.assume_multiple %add3A_209, 8 : i32
        %mul3A_211 = arith.constant 2000 : i32
        %mul3A_212 = arith.muli %rem3A_149, %mul3A_211 : i32
        %dma_wait3A_213 = tpu.memref_slice %arg13[%mul3A_212] : memref<4000xf32, #tpu.memory_space<vmem>> -> memref<2000xf32, #tpu.memory_space<vmem>>
        %dma_wait3A_214 = tpu.memref_slice %arg8[%multiple_of3A_210] : memref<6400000xf32, #tpu.memory_space<hbm>> -> memref<2000xf32, #tpu.memory_space<hbm>>
        %dma_wait3A_215 = tpu.memref_slice %arg16[%rem3A_149] : memref<2x!tpu.dma_semaphore, #tpu.memory_space<semaphore_mem>> -> memref<1x!tpu.dma_semaphore, #tpu.memory_space<semaphore_mem>>
        %dma_wait3A_216 = tpu.memref_squeeze %dma_wait3A_215 : memref<1x!tpu.dma_semaphore, #tpu.memory_space<semaphore_mem>> -> memref<!tpu.dma_semaphore, #tpu.memory_space<semaphore_mem>>
        %dma_wait3A_217 = tpu.memref_slice %arg8[%multiple_of3A_210] : memref<6400000xf32, #tpu.memory_space<hbm>> -> memref<2000xf32, #tpu.memory_space<hbm>>
        %dma_wait3A_218 = tpu.memref_slice %arg13[%mul3A_212] : memref<4000xf32, #tpu.memory_space<vmem>> -> memref<2000xf32, #tpu.memory_space<vmem>>
        tpu.wait_dma2 semaphore(%dma_wait3A_216 : memref<!tpu.dma_semaphore, #tpu.memory_space<semaphore_mem>>) src(%dma_wait3A_218 : memref<2000xf32, #tpu.memory_space<vmem>>) dst(%dma_wait3A_217 : memref<2000xf32, #tpu.memory_space<hbm>>)
      } else {
      }
      %scan3A_182 = arith.constant 0 : i32
      %scan3A_183 = arith.constant 0 : i32
      %scan3A_184 = arith.constant 25 : i32
      %scan3A_185 = arith.addi %scan3A_183, %scan3A_184 : i32
      %scan3A_186 = arith.constant 1 : i32
      %scan3A_187 = scf.for %scan3A_204 = %scan3A_183 to %scan3A_185 step %scan3A_186 iter_args(%scan3A_205 = %scan3A_182) -> (i32)  : i32 {
        %mul3A_206 = arith.constant 2000 : i32
        %mul3A_207 = arith.muli %rem3A_149, %mul3A_206 : i32
        %mul3A_208 = arith.constant 80 : i32
        %mul3A_209 = arith.muli %scan3A_204, %mul3A_208 : i32
        %add3A_210 = arith.addi %mul3A_207, %mul3A_209 : i32
        %add3A_211 = arith.constant 0 : i32
        %add3A_212 = arith.addi %add3A_210, %add3A_211 : i32
        %get3A = arith.index_cast %add3A_212 : i32 to index
        %get3A_213 = tpu.vector_load %arg11[%get3A] {strides = array<i32>} : memref<4000xi32, #tpu.memory_space<vmem>>, vector<16xi32>,
        %gather3A = tpu.vector_load_idx %arg10[%get3A_213] : memref<102400xf32, #tpu.memory_space<vmem>>[vector<16xi32>], vector<16xf32>,
        %get3A_214 = arith.index_cast %add3A_212 : i32 to index
        %get3A_215 = tpu.vector_load %arg12[%get3A_214] {strides = array<i32>} : memref<4000xf32, #tpu.memory_space<vmem>>, vector<16xf32>,
        %mul3A_216 = arith.mulf %gather3A, %get3A_215 : vector<16xf32>
        %swap3A = arith.index_cast %add3A_212 : i32 to index
        %swap3A_217 = tpu.vector_load %arg13[%swap3A] {strides = array<i32>} : memref<4000xf32, #tpu.memory_space<vmem>>, vector<16xf32>,
        tpu.vector_store %arg13[%swap3A], %mul3A_216 {strides = array<i32>} : memref<4000xf32, #tpu.memory_space<vmem>>, vector<16xf32>,
        %add3A_218 = arith.constant 16 : i32
        %add3A_219 = arith.addi %add3A_210, %add3A_218 : i32
        %get3A_220 = arith.index_cast %add3A_219 : i32 to index
        %get3A_221 = tpu.vector_load %arg11[%get3A_220] {strides = array<i32>} : memref<4000xi32, #tpu.memory_space<vmem>>, vector<16xi32>,
        %gather3A_222 = tpu.vector_load_idx %arg10[%get3A_221] : memref<102400xf32, #tpu.memory_space<vmem>>[vector<16xi32>], vector<16xf32>,
        %get3A_223 = arith.index_cast %add3A_219 : i32 to index
        %get3A_224 = tpu.vector_load %arg12[%get3A_223] {strides = array<i32>} : memref<4000xf32, #tpu.memory_space<vmem>>, vector<16xf32>,
        %mul3A_225 = arith.mulf %gather3A_222, %get3A_224 : vector<16xf32>
        %swap3A_226 = arith.index_cast %add3A_219 : i32 to index
        %swap3A_227 = tpu.vector_load %arg13[%swap3A_226] {strides = array<i32>} : memref<4000xf32, #tpu.memory_space<vmem>>, vector<16xf32>,
        tpu.vector_store %arg13[%swap3A_226], %mul3A_225 {strides = array<i32>} : memref<4000xf32, #tpu.memory_space<vmem>>, vector<16xf32>,
        %add3A_228 = arith.constant 32 : i32
        %add3A_229 = arith.addi %add3A_210, %add3A_228 : i32
        %get3A_230 = arith.index_cast %add3A_229 : i32 to index
        %get3A_231 = tpu.vector_load %arg11[%get3A_230] {strides = array<i32>} : memref<4000xi32, #tpu.memory_space<vmem>>, vector<16xi32>,
        %gather3A_232 = tpu.vector_load_idx %arg10[%get3A_231] : memref<102400xf32, #tpu.memory_space<vmem>>[vector<16xi32>], vector<16xf32>,
        %get3A_233 = arith.index_cast %add3A_229 : i32 to index
        %get3A_234 = tpu.vector_load %arg12[%get3A_233] {strides = array<i32>} : memref<4000xf32, #tpu.memory_space<vmem>>, vector<16xf32>,
        %mul3A_235 = arith.mulf %gather3A_232, %get3A_234 : vector<16xf32>
        %swap3A_236 = arith.index_cast %add3A_229 : i32 to index
        %swap3A_237 = tpu.vector_load %arg13[%swap3A_236] {strides = array<i32>} : memref<4000xf32, #tpu.memory_space<vmem>>, vector<16xf32>,
        tpu.vector_store %arg13[%swap3A_236], %mul3A_235 {strides = array<i32>} : memref<4000xf32, #tpu.memory_space<vmem>>, vector<16xf32>,
        %add3A_238 = arith.constant 48 : i32
        %add3A_239 = arith.addi %add3A_210, %add3A_238 : i32
        %get3A_240 = arith.index_cast %add3A_239 : i32 to index
        %get3A_241 = tpu.vector_load %arg11[%get3A_240] {strides = array<i32>} : memref<4000xi32, #tpu.memory_space<vmem>>, vector<16xi32>,
        %gather3A_242 = tpu.vector_load_idx %arg10[%get3A_241] : memref<102400xf32, #tpu.memory_space<vmem>>[vector<16xi32>], vector<16xf32>,
        %get3A_243 = arith.index_cast %add3A_239 : i32 to index
        %get3A_244 = tpu.vector_load %arg12[%get3A_243] {strides = array<i32>} : memref<4000xf32, #tpu.memory_space<vmem>>, vector<16xf32>,
        %mul3A_245 = arith.mulf %gather3A_242, %get3A_244 : vector<16xf32>
        %swap3A_246 = arith.index_cast %add3A_239 : i32 to index
        %swap3A_247 = tpu.vector_load %arg13[%swap3A_246] {strides = array<i32>} : memref<4000xf32, #tpu.memory_space<vmem>>, vector<16xf32>,
        tpu.vector_store %arg13[%swap3A_246], %mul3A_245 {strides = array<i32>} : memref<4000xf32, #tpu.memory_space<vmem>>, vector<16xf32>,
        %add3A_248 = arith.constant 64 : i32
        %add3A_249 = arith.addi %add3A_210, %add3A_248 : i32
        %get3A_250 = arith.index_cast %add3A_249 : i32 to index
        %get3A_251 = tpu.vector_load %arg11[%get3A_250] {strides = array<i32>} : memref<4000xi32, #tpu.memory_space<vmem>>, vector<16xi32>,
        %gather3A_252 = tpu.vector_load_idx %arg10[%get3A_251] : memref<102400xf32, #tpu.memory_space<vmem>>[vector<16xi32>], vector<16xf32>,
        %get3A_253 = arith.index_cast %add3A_249 : i32 to index
        %get3A_254 = tpu.vector_load %arg12[%get3A_253] {strides = array<i32>} : memref<4000xf32, #tpu.memory_space<vmem>>, vector<16xf32>,
        %mul3A_255 = arith.mulf %gather3A_252, %get3A_254 : vector<16xf32>
        %swap3A_256 = arith.index_cast %add3A_249 : i32 to index
        %swap3A_257 = tpu.vector_load %arg13[%swap3A_256] {strides = array<i32>} : memref<4000xf32, #tpu.memory_space<vmem>>, vector<16xf32>,
        tpu.vector_store %arg13[%swap3A_256], %mul3A_255 {strides = array<i32>} : memref<4000xf32, #tpu.memory_space<vmem>>, vector<16xf32>,
        %scan3A_258 = arith.constant 0 : i32
        scf.yield %scan3A_258 : i32
      }
      %scan3A_188 = arith.constant 25 : i32
      %mul3A_189 = arith.constant 200000 : i32
      %mul3A_190 = arith.muli %add3A, %mul3A_189 : i32
      %mul3A_191 = arith.constant 2000 : i32
      %mul3A_192 = arith.muli %scan3A_147, %mul3A_191 : i32
      %add3A_193 = arith.addi %mul3A_190, %mul3A_192 : i32
      %multiple_of3A_194 = tpu.assume_multiple %add3A_193, 8 : i32
      %mul3A_195 = arith.constant 2000 : i32
      %mul3A_196 = arith.muli %rem3A_149, %mul3A_195 : i32
      %dma_start3A_197 = tpu.memref_slice %arg13[%mul3A_196] : memref<4000xf32, #tpu.memory_space<vmem>> -> memref<2000xf32, #tpu.memory_space<vmem>>
      %dma_start3A_198 = tpu.memref_slice %arg8[%multiple_of3A_194] : memref<6400000xf32, #tpu.memory_space<hbm>> -> memref<2000xf32, #tpu.memory_space<hbm>>
      %dma_start3A_199 = tpu.memref_slice %arg16[%rem3A_149] : memref<2x!tpu.dma_semaphore, #tpu.memory_space<semaphore_mem>> -> memref<1x!tpu.dma_semaphore, #tpu.memory_space<semaphore_mem>>
      %dma_start3A_200 = tpu.memref_squeeze %dma_start3A_199 : memref<1x!tpu.dma_semaphore, #tpu.memory_space<semaphore_mem>> -> memref<!tpu.dma_semaphore, #tpu.memory_space<semaphore_mem>>
      %dma_start3A_201 = tpu.memref_slice %arg8[%multiple_of3A_194] : memref<6400000xf32, #tpu.memory_space<hbm>> -> memref<2000xf32, #tpu.memory_space<hbm>>
      %dma_start3A_202 = tpu.memref_slice %arg13[%mul3A_196] : memref<4000xf32, #tpu.memory_space<vmem>> -> memref<2000xf32, #tpu.memory_space<vmem>>
      tpu.enqueue_dma source(%dma_start3A_202 : memref<2000xf32, #tpu.memory_space<vmem>>) target(%dma_start3A_201 : memref<2000xf32, #tpu.memory_space<hbm>>) target_semaphore(%dma_start3A_200 : memref<!tpu.dma_semaphore, #tpu.memory_space<semaphore_mem>>)
      %scan3A_203 = arith.constant 0 : i32
      scf.yield %scan3A_203 : i32
    }
    %scan3A_47 = arith.constant 100 : i32
    %mul3A_48 = arith.constant 200000 : i32
    %mul3A_49 = arith.muli %add3A, %mul3A_48 : i32
    %add3A_50 = arith.constant 196000 : i32
    %add3A_51 = arith.addi %mul3A_49, %add3A_50 : i32
    %multiple_of3A_52 = tpu.assume_multiple %add3A_51, 8 : i32
    %dma_wait3A = arith.constant 0 : i32
    %dma_wait3A_53 = arith.constant 0 : i32
    %dma_wait3A_54 = tpu.memref_slice %arg13[%dma_wait3A_53] : memref<4000xf32, #tpu.memory_space<vmem>> -> memref<2000xf32, #tpu.memory_space<vmem>>
    %dma_wait3A_55 = tpu.memref_slice %arg8[%multiple_of3A_52] : memref<6400000xf32, #tpu.memory_space<hbm>> -> memref<2000xf32, #tpu.memory_space<hbm>>
    %dma_wait3A_56 = tpu.memref_slice %arg16[%dma_wait3A] : memref<2x!tpu.dma_semaphore, #tpu.memory_space<semaphore_mem>> -> memref<1x!tpu.dma_semaphore, #tpu.memory_space<semaphore_mem>>
    %dma_wait3A_57 = tpu.memref_squeeze %dma_wait3A_56 : memref<1x!tpu.dma_semaphore, #tpu.memory_space<semaphore_mem>> -> memref<!tpu.dma_semaphore, #tpu.memory_space<semaphore_mem>>
    %dma_wait3A_58 = tpu.memref_slice %arg8[%multiple_of3A_52] : memref<6400000xf32, #tpu.memory_space<hbm>> -> memref<2000xf32, #tpu.memory_space<hbm>>
    %dma_wait3A_59 = arith.constant 0 : i32
    %dma_wait3A_60 = tpu.memref_slice %arg13[%dma_wait3A_59] : memref<4000xf32, #tpu.memory_space<vmem>> -> memref<2000xf32, #tpu.memory_space<vmem>>
    tpu.wait_dma2 semaphore(%dma_wait3A_57 : memref<!tpu.dma_semaphore, #tpu.memory_space<semaphore_mem>>) src(%dma_wait3A_60 : memref<2000xf32, #tpu.memory_space<vmem>>) dst(%dma_wait3A_58 : memref<2000xf32, #tpu.memory_space<hbm>>)
    %mul3A_61 = arith.constant 200000 : i32
    %mul3A_62 = arith.muli %add3A, %mul3A_61 : i32
    %add3A_63 = arith.constant 198000 : i32
    %add3A_64 = arith.addi %mul3A_62, %add3A_63 : i32
    %multiple_of3A_65 = tpu.assume_multiple %add3A_64, 8 : i32
    %dma_wait3A_66 = arith.constant 1 : i32
    %dma_wait3A_67 = arith.constant 2000 : i32
    %dma_wait3A_68 = tpu.memref_slice %arg13[%dma_wait3A_67] : memref<4000xf32, #tpu.memory_space<vmem>> -> memref<2000xf32, #tpu.memory_space<vmem>>
    %dma_wait3A_69 = tpu.memref_slice %arg8[%multiple_of3A_65] : memref<6400000xf32, #tpu.memory_space<hbm>> -> memref<2000xf32, #tpu.memory_space<hbm>>
    %dma_wait3A_70 = tpu.memref_slice %arg16[%dma_wait3A_66] : memref<2x!tpu.dma_semaphore, #tpu.memory_space<semaphore_mem>> -> memref<1x!tpu.dma_semaphore, #tpu.memory_space<semaphore_mem>>
    %dma_wait3A_71 = tpu.memref_squeeze %dma_wait3A_70 : memref<1x!tpu.dma_semaphore, #tpu.memory_space<semaphore_mem>> -> memref<!tpu.dma_semaphore, #tpu.memory_space<semaphore_mem>>
    %dma_wait3A_72 = tpu.memref_slice %arg8[%multiple_of3A_65] : memref<6400000xf32, #tpu.memory_space<hbm>> -> memref<2000xf32, #tpu.memory_space<hbm>>
    %dma_wait3A_73 = arith.constant 2000 : i32
    %dma_wait3A_74 = tpu.memref_slice %arg13[%dma_wait3A_73] : memref<4000xf32, #tpu.memory_space<vmem>> -> memref<2000xf32, #tpu.memory_space<vmem>>
    tpu.wait_dma2 semaphore(%dma_wait3A_71 : memref<!tpu.dma_semaphore, #tpu.memory_space<semaphore_mem>>) src(%dma_wait3A_74 : memref<2000xf32, #tpu.memory_space<vmem>>) dst(%dma_wait3A_72 : memref<2000xf32, #tpu.memory_space<hbm>>)
    %broadcast_in_dim3A = arith.constant 0.000000e+00 : f32
    %broadcast_in_dim3A_75 = vector.broadcast %broadcast_in_dim3A : f32 to vector<16xf32>
    %scan3A_76 = arith.constant 0 : i32
    %scan3A_77 = arith.constant 0 : i32
    %scan3A_78 = arith.constant 800 : i32
    %scan3A_79 = arith.addi %scan3A_77, %scan3A_78 : i32
    %scan3A_80 = arith.constant 1 : i32
    %scan3A_81 = scf.for %scan3A_147 = %scan3A_77 to %scan3A_79 step %scan3A_80 iter_args(%scan3A_148 = %scan3A_76) -> (i32)  : i32 {
      %mul3A_149 = arith.constant 128 : i32
      %mul3A_150 = arith.muli %scan3A_147, %mul3A_149 : i32
      %add3A_151 = arith.constant 0 : i32
      %add3A_152 = arith.addi %mul3A_150, %add3A_151 : i32
      %swap3A = arith.index_cast %add3A_152 : i32 to index
      %swap3A_153 = tpu.vector_load %arg10[%swap3A] {strides = array<i32>} : memref<102400xf32, #tpu.memory_space<vmem>>, vector<16xf32>,
      tpu.vector_store %arg10[%swap3A], %broadcast_in_dim3A_75 {strides = array<i32>} : memref<102400xf32, #tpu.memory_space<vmem>>, vector<16xf32>,
      %add3A_154 = arith.constant 16 : i32
      %add3A_155 = arith.addi %mul3A_150, %add3A_154 : i32
      %swap3A_156 = arith.index_cast %add3A_155 : i32 to index
      %swap3A_157 = tpu.vector_load %arg10[%swap3A_156] {strides = array<i32>} : memref<102400xf32, #tpu.memory_space<vmem>>, vector<16xf32>,
      tpu.vector_store %arg10[%swap3A_156], %broadcast_in_dim3A_75 {strides = array<i32>} : memref<102400xf32, #tpu.memory_space<vmem>>, vector<16xf32>,
      %add3A_158 = arith.constant 32 : i32
      %add3A_159 = arith.addi %mul3A_150, %add3A_158 : i32
      %swap3A_160 = arith.index_cast %add3A_159 : i32 to index
      %swap3A_161 = tpu.vector_load %arg10[%swap3A_160] {strides = array<i32>} : memref<102400xf32, #tpu.memory_space<vmem>>, vector<16xf32>,
      tpu.vector_store %arg10[%swap3A_160], %broadcast_in_dim3A_75 {strides = array<i32>} : memref<102400xf32, #tpu.memory_space<vmem>>, vector<16xf32>,
      %add3A_162 = arith.constant 48 : i32
      %add3A_163 = arith.addi %mul3A_150, %add3A_162 : i32
      %swap3A_164 = arith.index_cast %add3A_163 : i32 to index
      %swap3A_165 = tpu.vector_load %arg10[%swap3A_164] {strides = array<i32>} : memref<102400xf32, #tpu.memory_space<vmem>>, vector<16xf32>,
      tpu.vector_store %arg10[%swap3A_164], %broadcast_in_dim3A_75 {strides = array<i32>} : memref<102400xf32, #tpu.memory_space<vmem>>, vector<16xf32>,
      %add3A_166 = arith.constant 64 : i32
      %add3A_167 = arith.addi %mul3A_150, %add3A_166 : i32
      %swap3A_168 = arith.index_cast %add3A_167 : i32 to index
      %swap3A_169 = tpu.vector_load %arg10[%swap3A_168] {strides = array<i32>} : memref<102400xf32, #tpu.memory_space<vmem>>, vector<16xf32>,
      tpu.vector_store %arg10[%swap3A_168], %broadcast_in_dim3A_75 {strides = array<i32>} : memref<102400xf32, #tpu.memory_space<vmem>>, vector<16xf32>,
      %add3A_170 = arith.constant 80 : i32
      %add3A_171 = arith.addi %mul3A_150, %add3A_170 : i32
      %swap3A_172 = arith.index_cast %add3A_171 : i32 to index
      %swap3A_173 = tpu.vector_load %arg10[%swap3A_172] {strides = array<i32>} : memref<102400xf32, #tpu.memory_space<vmem>>, vector<16xf32>,
      tpu.vector_store %arg10[%swap3A_172], %broadcast_in_dim3A_75 {strides = array<i32>} : memref<102400xf32, #tpu.memory_space<vmem>>, vector<16xf32>,
      %add3A_174 = arith.constant 96 : i32
      %add3A_175 = arith.addi %mul3A_150, %add3A_174 : i32
      %swap3A_176 = arith.index_cast %add3A_175 : i32 to index
      %swap3A_177 = tpu.vector_load %arg10[%swap3A_176] {strides = array<i32>} : memref<102400xf32, #tpu.memory_space<vmem>>, vector<16xf32>,
      tpu.vector_store %arg10[%swap3A_176], %broadcast_in_dim3A_75 {strides = array<i32>} : memref<102400xf32, #tpu.memory_space<vmem>>, vector<16xf32>,
      %add3A_178 = arith.constant 112 : i32
      %add3A_179 = arith.addi %mul3A_150, %add3A_178 : i32
      %swap3A_180 = arith.index_cast %add3A_179 : i32 to index
      %swap3A_181 = tpu.vector_load %arg10[%swap3A_180] {strides = array<i32>} : memref<102400xf32, #tpu.memory_space<vmem>>, vector<16xf32>,
      tpu.vector_store %arg10[%swap3A_180], %broadcast_in_dim3A_75 {strides = array<i32>} : memref<102400xf32, #tpu.memory_space<vmem>>, vector<16xf32>,
      %scan3A_182 = arith.constant 0 : i32
      scf.yield %scan3A_182 : i32
    }
    %scan3A_82 = arith.constant 800 : i32
    %mul3A_83 = arith.constant 200000 : i32
    %mul3A_84 = arith.muli %add3A, %mul3A_83 : i32
    %add3A_85 = arith.constant 0 : i32
    %add3A_86 = arith.addi %mul3A_84, %add3A_85 : i32
    %multiple_of3A_87 = tpu.assume_multiple %add3A_86, 8 : i32
    %add3A_88 = arith.constant 6400000 : i32
    %add3A_89 = arith.addi %add3A_88, %multiple_of3A_87 : i32
    %dma_start3A_90 = arith.constant 0 : i32
    %dma_start3A_91 = arith.constant 0 : i32
    %dma_start3A_92 = tpu.memref_slice %arg11[%dma_start3A_91] : memref<4000xi32, #tpu.memory_space<vmem>> -> memref<2000xi32, #tpu.memory_space<vmem>>
    %dma_start3A_93 = tpu.memref_slice %arg4[%add3A_89] : memref<12800000xi32, #tpu.memory_space<hbm>> -> memref<2000xi32, #tpu.memory_space<hbm>>
    %dma_start3A_94 = tpu.memref_slice %arg15[%dma_start3A_90] : memref<2x!tpu.dma_semaphore, #tpu.memory_space<semaphore_mem>> -> memref<1x!tpu.dma_semaphore, #tpu.memory_space<semaphore_mem>>
    %dma_start3A_95 = tpu.memref_squeeze %dma_start3A_94 : memref<1x!tpu.dma_semaphore, #tpu.memory_space<semaphore_mem>> -> memref<!tpu.dma_semaphore, #tpu.memory_space<semaphore_mem>>
    %dma_start3A_96 = arith.constant 0 : i32
    %dma_start3A_97 = tpu.memref_slice %arg11[%dma_start3A_96] : memref<4000xi32, #tpu.memory_space<vmem>> -> memref<2000xi32, #tpu.memory_space<vmem>>
    %dma_start3A_98 = tpu.memref_slice %arg4[%add3A_89] : memref<12800000xi32, #tpu.memory_space<hbm>> -> memref<2000xi32, #tpu.memory_space<hbm>>
    tpu.enqueue_dma source(%dma_start3A_98 : memref<2000xi32, #tpu.memory_space<hbm>>) target(%dma_start3A_97 : memref<2000xi32, #tpu.memory_space<vmem>>) target_semaphore(%dma_start3A_95 : memref<!tpu.dma_semaphore, #tpu.memory_space<semaphore_mem>>)
    %dma_start3A_99 = arith.constant 0 : i32
    %dma_start3A_100 = arith.constant 0 : i32
    %dma_start3A_101 = tpu.memref_slice %arg12[%dma_start3A_100] : memref<4000xf32, #tpu.memory_space<vmem>> -> memref<2000xf32, #tpu.memory_space<vmem>>
    %dma_start3A_102 = tpu.memref_slice %arg8[%multiple_of3A_87] : memref<6400000xf32, #tpu.memory_space<hbm>> -> memref<2000xf32, #tpu.memory_space<hbm>>
    %dma_start3A_103 = tpu.memref_slice %arg15[%dma_start3A_99] : memref<2x!tpu.dma_semaphore, #tpu.memory_space<semaphore_mem>> -> memref<1x!tpu.dma_semaphore, #tpu.memory_space<semaphore_mem>>
    %dma_start3A_104 = tpu.memref_squeeze %dma_start3A_103 : memref<1x!tpu.dma_semaphore, #tpu.memory_space<semaphore_mem>> -> memref<!tpu.dma_semaphore, #tpu.memory_space<semaphore_mem>>
    %dma_start3A_105 = arith.constant 0 : i32
    %dma_start3A_106 = tpu.memref_slice %arg12[%dma_start3A_105] : memref<4000xf32, #tpu.memory_space<vmem>> -> memref<2000xf32, #tpu.memory_space<vmem>>
    %dma_start3A_107 = tpu.memref_slice %arg8[%multiple_of3A_87] : memref<6400000xf32, #tpu.memory_space<hbm>> -> memref<2000xf32, #tpu.memory_space<hbm>>
    tpu.enqueue_dma source(%dma_start3A_107 : memref<2000xf32, #tpu.memory_space<hbm>>) target(%dma_start3A_106 : memref<2000xf32, #tpu.memory_space<vmem>>) target_semaphore(%dma_start3A_104 : memref<!tpu.dma_semaphore, #tpu.memory_space<semaphore_mem>>)
    %scan3A_108 = arith.constant 0 : i32
    %scan3A_109 = arith.constant 0 : i32
    %scan3A_110 = arith.constant 100 : i32
    %scan3A_111 = arith.addi %scan3A_109, %scan3A_110 : i32
    %scan3A_112 = arith.constant 1 : i32
    %scan3A_113 = scf.for %scan3A_147 = %scan3A_109 to %scan3A_111 step %scan3A_112 iter_args(%scan3A_148 = %scan3A_108) -> (i32)  : i32 {
      %rem3A = arith.constant 2 : i32
      %rem3A_149 = arith.remsi %scan3A_147, %rem3A : i32
      %add3A_150 = arith.constant 1 : i32
      %add3A_151 = arith.addi %scan3A_147, %add3A_150 : i32
      %lt3A = arith.constant 100 : i32
      %lt3A_152 = arith.cmpi slt, %add3A_151, %lt3A : i32
      %convert_element_type3A_153 = arith.extui %lt3A_152 : i1 to i32
      %cond3A_154 = arith.constant 0 : i32
      %cond3A_155 = arith.cmpi ne, %convert_element_type3A_153, %cond3A_154 : i32
      scf.if %cond3A_155 {
        %add3A_186 = arith.constant 1 : i32
        %add3A_187 = arith.addi %scan3A_147, %add3A_186 : i32
        %sub3A = arith.constant 1 : i32
        %sub3A_188 = arith.subi %sub3A, %rem3A_149 : i32
        %mul3A_189 = arith.constant 200000 : i32
        %mul3A_190 = arith.muli %add3A, %mul3A_189 : i32
        %mul3A_191 = arith.constant 2000 : i32
        %mul3A_192 = arith.muli %add3A_187, %mul3A_191 : i32
        %add3A_193 = arith.addi %mul3A_190, %mul3A_192 : i32
        %multiple_of3A_194 = tpu.assume_multiple %add3A_193, 8 : i32
        %mul3A_195 = arith.constant 2000 : i32
        %mul3A_196 = arith.muli %sub3A_188, %mul3A_195 : i32
        %add3A_197 = arith.constant 6400000 : i32
        %add3A_198 = arith.addi %add3A_197, %multiple_of3A_194 : i32
        %dma_start3A_199 = tpu.memref_slice %arg11[%mul3A_196] : memref<4000xi32, #tpu.memory_space<vmem>> -> memref<2000xi32, #tpu.memory_space<vmem>>
        %dma_start3A_200 = tpu.memref_slice %arg4[%add3A_198] : memref<12800000xi32, #tpu.memory_space<hbm>> -> memref<2000xi32, #tpu.memory_space<hbm>>
        %dma_start3A_201 = tpu.memref_slice %arg15[%sub3A_188] : memref<2x!tpu.dma_semaphore, #tpu.memory_space<semaphore_mem>> -> memref<1x!tpu.dma_semaphore, #tpu.memory_space<semaphore_mem>>
        %dma_start3A_202 = tpu.memref_squeeze %dma_start3A_201 : memref<1x!tpu.dma_semaphore, #tpu.memory_space<semaphore_mem>> -> memref<!tpu.dma_semaphore, #tpu.memory_space<semaphore_mem>>
        %dma_start3A_203 = tpu.memref_slice %arg11[%mul3A_196] : memref<4000xi32, #tpu.memory_space<vmem>> -> memref<2000xi32, #tpu.memory_space<vmem>>
        %dma_start3A_204 = tpu.memref_slice %arg4[%add3A_198] : memref<12800000xi32, #tpu.memory_space<hbm>> -> memref<2000xi32, #tpu.memory_space<hbm>>
        tpu.enqueue_dma source(%dma_start3A_204 : memref<2000xi32, #tpu.memory_space<hbm>>) target(%dma_start3A_203 : memref<2000xi32, #tpu.memory_space<vmem>>) target_semaphore(%dma_start3A_202 : memref<!tpu.dma_semaphore, #tpu.memory_space<semaphore_mem>>)
        %dma_start3A_205 = tpu.memref_slice %arg12[%mul3A_196] : memref<4000xf32, #tpu.memory_space<vmem>> -> memref<2000xf32, #tpu.memory_space<vmem>>
        %dma_start3A_206 = tpu.memref_slice %arg8[%multiple_of3A_194] : memref<6400000xf32, #tpu.memory_space<hbm>> -> memref<2000xf32, #tpu.memory_space<hbm>>
        %dma_start3A_207 = tpu.memref_slice %arg15[%sub3A_188] : memref<2x!tpu.dma_semaphore, #tpu.memory_space<semaphore_mem>> -> memref<1x!tpu.dma_semaphore, #tpu.memory_space<semaphore_mem>>
        %dma_start3A_208 = tpu.memref_squeeze %dma_start3A_207 : memref<1x!tpu.dma_semaphore, #tpu.memory_space<semaphore_mem>> -> memref<!tpu.dma_semaphore, #tpu.memory_space<semaphore_mem>>
        %dma_start3A_209 = tpu.memref_slice %arg12[%mul3A_196] : memref<4000xf32, #tpu.memory_space<vmem>> -> memref<2000xf32, #tpu.memory_space<vmem>>
        %dma_start3A_210 = tpu.memref_slice %arg8[%multiple_of3A_194] : memref<6400000xf32, #tpu.memory_space<hbm>> -> memref<2000xf32, #tpu.memory_space<hbm>>
        tpu.enqueue_dma source(%dma_start3A_210 : memref<2000xf32, #tpu.memory_space<hbm>>) target(%dma_start3A_209 : memref<2000xf32, #tpu.memory_space<vmem>>) target_semaphore(%dma_start3A_208 : memref<!tpu.dma_semaphore, #tpu.memory_space<semaphore_mem>>)
      } else {
      }
      %mul3A_156 = arith.constant 200000 : i32
      %mul3A_157 = arith.muli %add3A, %mul3A_156 : i32
      %mul3A_158 = arith.constant 2000 : i32
      %mul3A_159 = arith.muli %scan3A_147, %mul3A_158 : i32
      %add3A_160 = arith.addi %mul3A_157, %mul3A_159 : i32
      %multiple_of3A_161 = tpu.assume_multiple %add3A_160, 8 : i32
      %mul3A_162 = arith.constant 2000 : i32
      %mul3A_163 = arith.muli %rem3A_149, %mul3A_162 : i32
      %add3A_164 = arith.constant 6400000 : i32
      %add3A_165 = arith.addi %add3A_164, %multiple_of3A_161 : i32
      %dma_wait3A_166 = tpu.memref_slice %arg11[%mul3A_163] : memref<4000xi32, #tpu.memory_space<vmem>> -> memref<2000xi32, #tpu.memory_space<vmem>>
      %dma_wait3A_167 = tpu.memref_slice %arg4[%add3A_165] : memref<12800000xi32, #tpu.memory_space<hbm>> -> memref<2000xi32, #tpu.memory_space<hbm>>
      %dma_wait3A_168 = tpu.memref_slice %arg15[%rem3A_149] : memref<2x!tpu.dma_semaphore, #tpu.memory_space<semaphore_mem>> -> memref<1x!tpu.dma_semaphore, #tpu.memory_space<semaphore_mem>>
      %dma_wait3A_169 = tpu.memref_squeeze %dma_wait3A_168 : memref<1x!tpu.dma_semaphore, #tpu.memory_space<semaphore_mem>> -> memref<!tpu.dma_semaphore, #tpu.memory_space<semaphore_mem>>
      %dma_wait3A_170 = tpu.memref_slice %arg11[%mul3A_163] : memref<4000xi32, #tpu.memory_space<vmem>> -> memref<2000xi32, #tpu.memory_space<vmem>>
      %dma_wait3A_171 = tpu.memref_slice %arg4[%add3A_165] : memref<12800000xi32, #tpu.memory_space<hbm>> -> memref<2000xi32, #tpu.memory_space<hbm>>
      tpu.wait_dma2 semaphore(%dma_wait3A_169 : memref<!tpu.dma_semaphore, #tpu.memory_space<semaphore_mem>>) src(%dma_wait3A_171 : memref<2000xi32, #tpu.memory_space<hbm>>) dst(%dma_wait3A_170 : memref<2000xi32, #tpu.memory_space<vmem>>)
      %dma_wait3A_172 = tpu.memref_slice %arg12[%mul3A_163] : memref<4000xf32, #tpu.memory_space<vmem>> -> memref<2000xf32, #tpu.memory_space<vmem>>
      %dma_wait3A_173 = tpu.memref_slice %arg8[%multiple_of3A_161] : memref<6400000xf32, #tpu.memory_space<hbm>> -> memref<2000xf32, #tpu.memory_space<hbm>>
      %dma_wait3A_174 = tpu.memref_slice %arg15[%rem3A_149] : memref<2x!tpu.dma_semaphore, #tpu.memory_space<semaphore_mem>> -> memref<1x!tpu.dma_semaphore, #tpu.memory_space<semaphore_mem>>
      %dma_wait3A_175 = tpu.memref_squeeze %dma_wait3A_174 : memref<1x!tpu.dma_semaphore, #tpu.memory_space<semaphore_mem>> -> memref<!tpu.dma_semaphore, #tpu.memory_space<semaphore_mem>>
      %dma_wait3A_176 = tpu.memref_slice %arg12[%mul3A_163] : memref<4000xf32, #tpu.memory_space<vmem>> -> memref<2000xf32, #tpu.memory_space<vmem>>
      %dma_wait3A_177 = tpu.memref_slice %arg8[%multiple_of3A_161] : memref<6400000xf32, #tpu.memory_space<hbm>> -> memref<2000xf32, #tpu.memory_space<hbm>>
      tpu.wait_dma2 semaphore(%dma_wait3A_175 : memref<!tpu.dma_semaphore, #tpu.memory_space<semaphore_mem>>) src(%dma_wait3A_177 : memref<2000xf32, #tpu.memory_space<hbm>>) dst(%dma_wait3A_176 : memref<2000xf32, #tpu.memory_space<vmem>>)
      %scan3A_178 = arith.constant 0 : i32
      %scan3A_179 = arith.constant 0 : i32
      %scan3A_180 = arith.constant 25 : i32
      %scan3A_181 = arith.addi %scan3A_179, %scan3A_180 : i32
      %scan3A_182 = arith.constant 1 : i32
      %scan3A_183 = scf.for %scan3A_186 = %scan3A_179 to %scan3A_181 step %scan3A_182 iter_args(%scan3A_187 = %scan3A_178) -> (i32)  : i32 {
        %mul3A_188 = arith.constant 2000 : i32
        %mul3A_189 = arith.muli %rem3A_149, %mul3A_188 : i32
        %mul3A_190 = arith.constant 80 : i32
        %mul3A_191 = arith.muli %scan3A_186, %mul3A_190 : i32
        %add3A_192 = arith.addi %mul3A_189, %mul3A_191 : i32
        %add3A_193 = arith.constant 0 : i32
        %add3A_194 = arith.addi %add3A_192, %add3A_193 : i32
        %get3A = arith.index_cast %add3A_194 : i32 to index
        %get3A_195 = tpu.vector_load %arg11[%get3A] {strides = array<i32>} : memref<4000xi32, #tpu.memory_space<vmem>>, vector<16xi32>,
        %get3A_196 = arith.index_cast %add3A_194 : i32 to index
        %get3A_197 = tpu.vector_load %arg12[%get3A_196] {strides = array<i32>} : memref<4000xf32, #tpu.memory_space<vmem>>, vector<16xf32>,
        tpu.vector_store_idx %arg10[%get3A_195], %get3A_197 {add = true} : memref<102400xf32, #tpu.memory_space<vmem>>[vector<16xi32>], vector<16xf32>,
        %add3A_198 = arith.constant 16 : i32
        %add3A_199 = arith.addi %add3A_192, %add3A_198 : i32
        %get3A_200 = arith.index_cast %add3A_199 : i32 to index
        %get3A_201 = tpu.vector_load %arg11[%get3A_200] {strides = array<i32>} : memref<4000xi32, #tpu.memory_space<vmem>>, vector<16xi32>,
        %get3A_202 = arith.index_cast %add3A_199 : i32 to index
        %get3A_203 = tpu.vector_load %arg12[%get3A_202] {strides = array<i32>} : memref<4000xf32, #tpu.memory_space<vmem>>, vector<16xf32>,
        tpu.vector_store_idx %arg10[%get3A_201], %get3A_203 {add = true} : memref<102400xf32, #tpu.memory_space<vmem>>[vector<16xi32>], vector<16xf32>,
        %add3A_204 = arith.constant 32 : i32
        %add3A_205 = arith.addi %add3A_192, %add3A_204 : i32
        %get3A_206 = arith.index_cast %add3A_205 : i32 to index
        %get3A_207 = tpu.vector_load %arg11[%get3A_206] {strides = array<i32>} : memref<4000xi32, #tpu.memory_space<vmem>>, vector<16xi32>,
        %get3A_208 = arith.index_cast %add3A_205 : i32 to index
        %get3A_209 = tpu.vector_load %arg12[%get3A_208] {strides = array<i32>} : memref<4000xf32, #tpu.memory_space<vmem>>, vector<16xf32>,
        tpu.vector_store_idx %arg10[%get3A_207], %get3A_209 {add = true} : memref<102400xf32, #tpu.memory_space<vmem>>[vector<16xi32>], vector<16xf32>,
        %add3A_210 = arith.constant 48 : i32
        %add3A_211 = arith.addi %add3A_192, %add3A_210 : i32
        %get3A_212 = arith.index_cast %add3A_211 : i32 to index
        %get3A_213 = tpu.vector_load %arg11[%get3A_212] {strides = array<i32>} : memref<4000xi32, #tpu.memory_space<vmem>>, vector<16xi32>,
        %get3A_214 = arith.index_cast %add3A_211 : i32 to index
        %get3A_215 = tpu.vector_load %arg12[%get3A_214] {strides = array<i32>} : memref<4000xf32, #tpu.memory_space<vmem>>, vector<16xf32>,
        tpu.vector_store_idx %arg10[%get3A_213], %get3A_215 {add = true} : memref<102400xf32, #tpu.memory_space<vmem>>[vector<16xi32>], vector<16xf32>,
        %add3A_216 = arith.constant 64 : i32
        %add3A_217 = arith.addi %add3A_192, %add3A_216 : i32
        %get3A_218 = arith.index_cast %add3A_217 : i32 to index
        %get3A_219 = tpu.vector_load %arg11[%get3A_218] {strides = array<i32>} : memref<4000xi32, #tpu.memory_space<vmem>>, vector<16xi32>,
        %get3A_220 = arith.index_cast %add3A_217 : i32 to index
        %get3A_221 = tpu.vector_load %arg12[%get3A_220] {strides = array<i32>} : memref<4000xf32, #tpu.memory_space<vmem>>, vector<16xf32>,
        tpu.vector_store_idx %arg10[%get3A_219], %get3A_221 {add = true} : memref<102400xf32, #tpu.memory_space<vmem>>[vector<16xi32>], vector<16xf32>,
        %scan3A_222 = arith.constant 0 : i32
        scf.yield %scan3A_222 : i32
      }
      %scan3A_184 = arith.constant 25 : i32
      %scan3A_185 = arith.constant 0 : i32
      scf.yield %scan3A_185 : i32
    }
    %scan3A_114 = arith.constant 100 : i32
    %mul3A_115 = arith.constant 16 : i32
    %mul3A_116 = arith.muli %arg0, %mul3A_115 : i32
    %add3A_117 = arith.addi %mul3A_116, %arg1 : i32
    %mul3A_118 = arith.constant 102400 : i32
    %mul3A_119 = arith.muli %add3A_117, %mul3A_118 : i32
    "tpu.region"() ({
      %run_scoped3A = tpu.sem_alloc : memref<!tpu.dma_semaphore, #tpu.memory_space<semaphore_mem>>
      %dma_start3A_147 = tpu.memref_slice %arg9[%mul3A_119] : memref<3276800xf32, #tpu.memory_space<hbm>> -> memref<102400xf32, #tpu.memory_space<hbm>>
      %dma_start3A_148 = tpu.memref_slice %arg9[%mul3A_119] : memref<3276800xf32, #tpu.memory_space<hbm>> -> memref<102400xf32, #tpu.memory_space<hbm>>
      tpu.enqueue_dma source(%arg10 : memref<102400xf32, #tpu.memory_space<vmem>>) target(%dma_start3A_148 : memref<102400xf32, #tpu.memory_space<hbm>>) target_semaphore(%run_scoped3A : memref<!tpu.dma_semaphore, #tpu.memory_space<semaphore_mem>>)
      %dma_wait3A_149 = tpu.memref_slice %arg9[%mul3A_119] : memref<3276800xf32, #tpu.memory_space<hbm>> -> memref<102400xf32, #tpu.memory_space<hbm>>
      %dma_wait3A_150 = tpu.memref_slice %arg9[%mul3A_119] : memref<3276800xf32, #tpu.memory_space<hbm>> -> memref<102400xf32, #tpu.memory_space<hbm>>
      tpu.wait_dma2 semaphore(%run_scoped3A : memref<!tpu.dma_semaphore, #tpu.memory_space<semaphore_mem>>) src(%arg10 : memref<102400xf32, #tpu.memory_space<vmem>>) dst(%dma_wait3A_150 : memref<102400xf32, #tpu.memory_space<hbm>>)
      tpu.yield
    }) : () -> ()
    %barrier3A_120 = arith.constant 0 : index
    tpu.barrier barrier_id(%barrier3A_120)
    %scan3A_121 = arith.constant 0 : i32
    %scan3A_122 = arith.constant 0 : i32
    %scan3A_123 = arith.constant 16 : i32
    %scan3A_124 = arith.addi %scan3A_122, %scan3A_123 : i32
    %scan3A_125 = arith.constant 1 : i32
    %scan3A_126 = scf.for %scan3A_147 = %scan3A_122 to %scan3A_124 step %scan3A_125 iter_args(%scan3A_148 = %scan3A_121) -> (i32)  : i32 {
      %mul3A_149 = arith.constant 16 : i32
      %mul3A_150 = arith.muli %arg0, %mul3A_149 : i32
      %add3A_151 = arith.addi %mul3A_150, %scan3A_147 : i32
      %mul3A_152 = arith.constant 102400 : i32
      %mul3A_153 = arith.muli %add3A_151, %mul3A_152 : i32
      %mul3A_154 = arith.constant 6400 : i32
      %mul3A_155 = arith.muli %arg1, %mul3A_154 : i32
      %add3A_156 = arith.addi %mul3A_153, %mul3A_155 : i32
      %multiple_of3A_157 = tpu.assume_multiple %add3A_156, 8 : i32
      %mul3A_158 = arith.constant 6400 : i32
      %mul3A_159 = arith.muli %scan3A_147, %mul3A_158 : i32
      %dma_start3A_160 = tpu.memref_slice %arg10[%mul3A_159] : memref<102400xf32, #tpu.memory_space<vmem>> -> memref<6400xf32, #tpu.memory_space<vmem>>
      %dma_start3A_161 = tpu.memref_slice %arg9[%multiple_of3A_157] : memref<3276800xf32, #tpu.memory_space<hbm>> -> memref<6400xf32, #tpu.memory_space<hbm>>
      %dma_start3A_162 = tpu.memref_slice %arg10[%mul3A_159] : memref<102400xf32, #tpu.memory_space<vmem>> -> memref<6400xf32, #tpu.memory_space<vmem>>
      %dma_start3A_163 = tpu.memref_slice %arg9[%multiple_of3A_157] : memref<3276800xf32, #tpu.memory_space<hbm>> -> memref<6400xf32, #tpu.memory_space<hbm>>
      tpu.enqueue_dma source(%dma_start3A_163 : memref<6400xf32, #tpu.memory_space<hbm>>) target(%dma_start3A_162 : memref<6400xf32, #tpu.memory_space<vmem>>) target_semaphore(%arg17 : memref<!tpu.dma_semaphore, #tpu.memory_space<semaphore_mem>>)
      %scan3A_164 = arith.constant 0 : i32
      scf.yield %scan3A_164 : i32
    }
    %scan3A_127 = arith.constant 16 : i32
    %scan3A_128 = arith.constant 0 : i32
    %scan3A_129 = arith.constant 0 : i32
    %scan3A_130 = arith.constant 16 : i32
    %scan3A_131 = arith.addi %scan3A_129, %scan3A_130 : i32
    %scan3A_132 = arith.constant 1 : i32
    %scan3A_133 = scf.for %scan3A_147 = %scan3A_129 to %scan3A_131 step %scan3A_132 iter_args(%scan3A_148 = %scan3A_128) -> (i32)  : i32 {
      %mul3A_149 = arith.constant 16 : i32
      %mul3A_150 = arith.muli %arg0, %mul3A_149 : i32
      %add3A_151 = arith.addi %mul3A_150, %scan3A_147 : i32
      %mul3A_152 = arith.constant 102400 : i32
      %mul3A_153 = arith.muli %add3A_151, %mul3A_152 : i32
      %mul3A_154 = arith.constant 6400 : i32
      %mul3A_155 = arith.muli %arg1, %mul3A_154 : i32
      %add3A_156 = arith.addi %mul3A_153, %mul3A_155 : i32
      %multiple_of3A_157 = tpu.assume_multiple %add3A_156, 8 : i32
      %mul3A_158 = arith.constant 6400 : i32
      %mul3A_159 = arith.muli %scan3A_147, %mul3A_158 : i32
      %dma_wait3A_160 = tpu.memref_slice %arg10[%mul3A_159] : memref<102400xf32, #tpu.memory_space<vmem>> -> memref<6400xf32, #tpu.memory_space<vmem>>
      %dma_wait3A_161 = tpu.memref_slice %arg9[%multiple_of3A_157] : memref<3276800xf32, #tpu.memory_space<hbm>> -> memref<6400xf32, #tpu.memory_space<hbm>>
      %dma_wait3A_162 = tpu.memref_slice %arg10[%mul3A_159] : memref<102400xf32, #tpu.memory_space<vmem>> -> memref<6400xf32, #tpu.memory_space<vmem>>
      %dma_wait3A_163 = tpu.memref_slice %arg9[%multiple_of3A_157] : memref<3276800xf32, #tpu.memory_space<hbm>> -> memref<6400xf32, #tpu.memory_space<hbm>>
      tpu.wait_dma2 semaphore(%arg17 : memref<!tpu.dma_semaphore, #tpu.memory_space<semaphore_mem>>) src(%dma_wait3A_163 : memref<6400xf32, #tpu.memory_space<hbm>>) dst(%dma_wait3A_162 : memref<6400xf32, #tpu.memory_space<vmem>>)
      %scan3A_164 = arith.constant 0 : i32
      scf.yield %scan3A_164 : i32
    }
    %scan3A_134 = arith.constant 16 : i32
    %scan3A_135 = arith.constant 0 : i32
    %scan3A_136 = arith.constant 0 : i32
    %scan3A_137 = arith.constant 400 : i32
    %scan3A_138 = arith.addi %scan3A_136, %scan3A_137 : i32
    %scan3A_139 = arith.constant 1 : i32
    %scan3A_140 = scf.for %scan3A_147 = %scan3A_136 to %scan3A_138 step %scan3A_139 iter_args(%scan3A_148 = %scan3A_135) -> (i32)  : i32 {
      %mul3A_149 = arith.constant 16 : i32
      %mul3A_150 = arith.muli %scan3A_147, %mul3A_149 : i32
      %add3A_151 = arith.constant 0 : i32
      %add3A_152 = arith.addi %add3A_151, %mul3A_150 : i32
      %get3A = arith.index_cast %add3A_152 : i32 to index
      %get3A_153 = tpu.vector_load %arg10[%get3A] {strides = array<i32>} : memref<102400xf32, #tpu.memory_space<vmem>>, vector<16xf32>,
      %add3A_154 = arith.constant 6400 : i32
      %add3A_155 = arith.addi %add3A_154, %mul3A_150 : i32
      %get3A_156 = arith.index_cast %add3A_155 : i32 to index
      %get3A_157 = tpu.vector_load %arg10[%get3A_156] {strides = array<i32>} : memref<102400xf32, #tpu.memory_space<vmem>>, vector<16xf32>,
      %add3A_158 = arith.constant 12800 : i32
      %add3A_159 = arith.addi %add3A_158, %mul3A_150 : i32
      %get3A_160 = arith.index_cast %add3A_159 : i32 to index
      %get3A_161 = tpu.vector_load %arg10[%get3A_160] {strides = array<i32>} : memref<102400xf32, #tpu.memory_space<vmem>>, vector<16xf32>,
      %add3A_162 = arith.constant 19200 : i32
      %add3A_163 = arith.addi %add3A_162, %mul3A_150 : i32
      %get3A_164 = arith.index_cast %add3A_163 : i32 to index
      %get3A_165 = tpu.vector_load %arg10[%get3A_164] {strides = array<i32>} : memref<102400xf32, #tpu.memory_space<vmem>>, vector<16xf32>,
      %add3A_166 = arith.constant 25600 : i32
      %add3A_167 = arith.addi %add3A_166, %mul3A_150 : i32
      %get3A_168 = arith.index_cast %add3A_167 : i32 to index
      %get3A_169 = tpu.vector_load %arg10[%get3A_168] {strides = array<i32>} : memref<102400xf32, #tpu.memory_space<vmem>>, vector<16xf32>,
      %add3A_170 = arith.constant 32000 : i32
      %add3A_171 = arith.addi %add3A_170, %mul3A_150 : i32
      %get3A_172 = arith.index_cast %add3A_171 : i32 to index
      %get3A_173 = tpu.vector_load %arg10[%get3A_172] {strides = array<i32>} : memref<102400xf32, #tpu.memory_space<vmem>>, vector<16xf32>,
      %add3A_174 = arith.constant 38400 : i32
      %add3A_175 = arith.addi %add3A_174, %mul3A_150 : i32
      %get3A_176 = arith.index_cast %add3A_175 : i32 to index
      %get3A_177 = tpu.vector_load %arg10[%get3A_176] {strides = array<i32>} : memref<102400xf32, #tpu.memory_space<vmem>>, vector<16xf32>,
      %add3A_178 = arith.constant 44800 : i32
      %add3A_179 = arith.addi %add3A_178, %mul3A_150 : i32
      %get3A_180 = arith.index_cast %add3A_179 : i32 to index
      %get3A_181 = tpu.vector_load %arg10[%get3A_180] {strides = array<i32>} : memref<102400xf32, #tpu.memory_space<vmem>>, vector<16xf32>,
      %add3A_182 = arith.constant 51200 : i32
      %add3A_183 = arith.addi %add3A_182, %mul3A_150 : i32
      %get3A_184 = arith.index_cast %add3A_183 : i32 to index
      %get3A_185 = tpu.vector_load %arg10[%get3A_184] {strides = array<i32>} : memref<102400xf32, #tpu.memory_space<vmem>>, vector<16xf32>,
      %add3A_186 = arith.constant 57600 : i32
      %add3A_187 = arith.addi %add3A_186, %mul3A_150 : i32
      %get3A_188 = arith.index_cast %add3A_187 : i32 to index
      %get3A_189 = tpu.vector_load %arg10[%get3A_188] {strides = array<i32>} : memref<102400xf32, #tpu.memory_space<vmem>>, vector<16xf32>,
      %add3A_190 = arith.constant 64000 : i32
      %add3A_191 = arith.addi %add3A_190, %mul3A_150 : i32
      %get3A_192 = arith.index_cast %add3A_191 : i32 to index
      %get3A_193 = tpu.vector_load %arg10[%get3A_192] {strides = array<i32>} : memref<102400xf32, #tpu.memory_space<vmem>>, vector<16xf32>,
      %add3A_194 = arith.constant 70400 : i32
      %add3A_195 = arith.addi %add3A_194, %mul3A_150 : i32
      %get3A_196 = arith.index_cast %add3A_195 : i32 to index
      %get3A_197 = tpu.vector_load %arg10[%get3A_196] {strides = array<i32>} : memref<102400xf32, #tpu.memory_space<vmem>>, vector<16xf32>,
      %add3A_198 = arith.constant 76800 : i32
      %add3A_199 = arith.addi %add3A_198, %mul3A_150 : i32
      %get3A_200 = arith.index_cast %add3A_199 : i32 to index
      %get3A_201 = tpu.vector_load %arg10[%get3A_200] {strides = array<i32>} : memref<102400xf32, #tpu.memory_space<vmem>>, vector<16xf32>,
      %add3A_202 = arith.constant 83200 : i32
      %add3A_203 = arith.addi %add3A_202, %mul3A_150 : i32
      %get3A_204 = arith.index_cast %add3A_203 : i32 to index
      %get3A_205 = tpu.vector_load %arg10[%get3A_204] {strides = array<i32>} : memref<102400xf32, #tpu.memory_space<vmem>>, vector<16xf32>,
      %add3A_206 = arith.constant 89600 : i32
      %add3A_207 = arith.addi %add3A_206, %mul3A_150 : i32
      %get3A_208 = arith.index_cast %add3A_207 : i32 to index
      %get3A_209 = tpu.vector_load %arg10[%get3A_208] {strides = array<i32>} : memref<102400xf32, #tpu.memory_space<vmem>>, vector<16xf32>,
      %add3A_210 = arith.constant 96000 : i32
      %add3A_211 = arith.addi %add3A_210, %mul3A_150 : i32
      %get3A_212 = arith.index_cast %add3A_211 : i32 to index
      %get3A_213 = tpu.vector_load %arg10[%get3A_212] {strides = array<i32>} : memref<102400xf32, #tpu.memory_space<vmem>>, vector<16xf32>,
      %add3A_214 = arith.addf %get3A_153, %get3A_157 : vector<16xf32>
      %add3A_215 = arith.addf %get3A_161, %get3A_165 : vector<16xf32>
      %add3A_216 = arith.addf %get3A_169, %get3A_173 : vector<16xf32>
      %add3A_217 = arith.addf %get3A_177, %get3A_181 : vector<16xf32>
      %add3A_218 = arith.addf %get3A_185, %get3A_189 : vector<16xf32>
      %add3A_219 = arith.addf %get3A_193, %get3A_197 : vector<16xf32>
      %add3A_220 = arith.addf %get3A_201, %get3A_205 : vector<16xf32>
      %add3A_221 = arith.addf %get3A_209, %get3A_213 : vector<16xf32>
      %add3A_222 = arith.addf %add3A_214, %add3A_215 : vector<16xf32>
      %add3A_223 = arith.addf %add3A_216, %add3A_217 : vector<16xf32>
      %add3A_224 = arith.addf %add3A_218, %add3A_219 : vector<16xf32>
      %add3A_225 = arith.addf %add3A_220, %add3A_221 : vector<16xf32>
      %add3A_226 = arith.addf %add3A_222, %add3A_223 : vector<16xf32>
      %add3A_227 = arith.addf %add3A_224, %add3A_225 : vector<16xf32>
      %add3A_228 = arith.addf %add3A_226, %add3A_227 : vector<16xf32>
      %swap3A = arith.index_cast %mul3A_150 : i32 to index
      %swap3A_229 = tpu.vector_load %arg10[%swap3A] {strides = array<i32>} : memref<102400xf32, #tpu.memory_space<vmem>>, vector<16xf32>,
      tpu.vector_store %arg10[%swap3A], %add3A_228 {strides = array<i32>} : memref<102400xf32, #tpu.memory_space<vmem>>, vector<16xf32>,
      %scan3A_230 = arith.constant 0 : i32
      scf.yield %scan3A_230 : i32
    }
    %scan3A_141 = arith.constant 400 : i32
    %mul3A_142 = arith.constant 102400 : i32
    %mul3A_143 = arith.muli %arg0, %mul3A_142 : i32
    %mul3A_144 = arith.constant 6400 : i32
    %mul3A_145 = arith.muli %arg1, %mul3A_144 : i32
    %add3A_146 = arith.addi %mul3A_143, %mul3A_145 : i32
    "tpu.region"() ({
      %run_scoped3A = tpu.sem_alloc : memref<!tpu.dma_semaphore, #tpu.memory_space<semaphore_mem>>
      %dma_start3A_147 = arith.constant 0 : i32
      %dma_start3A_148 = tpu.memref_slice %arg10[%dma_start3A_147] : memref<102400xf32, #tpu.memory_space<vmem>> -> memref<6400xf32, #tpu.memory_space<vmem>>
      %dma_start3A_149 = tpu.memref_slice %arg6[%add3A_146] : memref<204800xf32, #tpu.memory_space<hbm>> -> memref<6400xf32, #tpu.memory_space<hbm>>
      %dma_start3A_150 = tpu.memref_slice %arg6[%add3A_146] : memref<204800xf32, #tpu.memory_space<hbm>> -> memref<6400xf32, #tpu.memory_space<hbm>>
      %dma_start3A_151 = arith.constant 0 : i32
      %dma_start3A_152 = tpu.memref_slice %arg10[%dma_start3A_151] : memref<102400xf32, #tpu.memory_space<vmem>> -> memref<6400xf32, #tpu.memory_space<vmem>>
      tpu.enqueue_dma source(%dma_start3A_152 : memref<6400xf32, #tpu.memory_space<vmem>>) target(%dma_start3A_150 : memref<6400xf32, #tpu.memory_space<hbm>>) target_semaphore(%run_scoped3A : memref<!tpu.dma_semaphore, #tpu.memory_space<semaphore_mem>>)
      %dma_wait3A_153 = arith.constant 0 : i32
      %dma_wait3A_154 = tpu.memref_slice %arg10[%dma_wait3A_153] : memref<102400xf32, #tpu.memory_space<vmem>> -> memref<6400xf32, #tpu.memory_space<vmem>>
      %dma_wait3A_155 = tpu.memref_slice %arg6[%add3A_146] : memref<204800xf32, #tpu.memory_space<hbm>> -> memref<6400xf32, #tpu.memory_space<hbm>>
      %dma_wait3A_156 = tpu.memref_slice %arg6[%add3A_146] : memref<204800xf32, #tpu.memory_space<hbm>> -> memref<6400xf32, #tpu.memory_space<hbm>>
      %dma_wait3A_157 = arith.constant 0 : i32
      %dma_wait3A_158 = tpu.memref_slice %arg10[%dma_wait3A_157] : memref<102400xf32, #tpu.memory_space<vmem>> -> memref<6400xf32, #tpu.memory_space<vmem>>
      tpu.wait_dma2 semaphore(%run_scoped3A : memref<!tpu.dma_semaphore, #tpu.memory_space<semaphore_mem>>) src(%dma_wait3A_158 : memref<6400xf32, #tpu.memory_space<vmem>>) dst(%dma_wait3A_156 : memref<6400xf32, #tpu.memory_space<hbm>>)
      tpu.yield
    }) : () -> ()
    return
  }
}

module attributes {stable_mosaic.version = 14 : i64} {
  func.func @_head_body(%arg0: i32, %arg1: memref<2048x1xf32, #tpu.memory_space<vmem>>, %arg2: memref<2048x1xf32, #tpu.memory_space<vmem>>, %arg3: memref<2048x1xf32, #tpu.memory_space<vmem>>, %arg4: memref<2048x1xf32, #tpu.memory_space<vmem>>, %arg5: memref<2048x1xf32, #tpu.memory_space<vmem>>, %arg6: memref<2048x1xf32, #tpu.memory_space<vmem>>, %arg7: memref<1x128xf32, #tpu.memory_space<vmem>>, %arg8: memref<1x128xf32, #tpu.memory_space<vmem>>, %arg9: memref<1x128xf32, #tpu.memory_space<vmem>>, %arg10: memref<1x128xf32, #tpu.memory_space<vmem>>, %arg11: memref<1x128xf32, #tpu.memory_space<vmem>>, %arg12: memref<128x128xf32, #tpu.memory_space<vmem>>, %arg13: memref<1x128xf32, #tpu.memory_space<vmem>>, %arg14: memref<128x1xf32, #tpu.memory_space<vmem>>, %arg15: memref<1x1xf32, #tpu.memory_space<vmem>>, %arg16: memref<2048x1xf32, #tpu.memory_space<vmem>>) attributes {dimension_semantics = [#tpu.dimension_semantics<arbitrary>], iteration_bounds = array<i64: 50>, scalar_prefetch = 0 : i64, scratch_operands = 0 : i64, tpu.core_type = #tpu.core_type<tc>, window_params = [{transform_indices = @transform_0, window_bounds = array<i64: 2048, 1>}, {transform_indices = @transform_1, window_bounds = array<i64: 2048, 1>}, {transform_indices = @transform_2, window_bounds = array<i64: 2048, 1>}, {transform_indices = @transform_3, window_bounds = array<i64: 2048, 1>}, {transform_indices = @transform_4, window_bounds = array<i64: 2048, 1>}, {transform_indices = @transform_5, window_bounds = array<i64: 2048, 1>}, {pipeline_mode = #tpu.pipeline_mode<synchronous>, transform_indices = @transform_6, window_bounds = array<i64: 1, 128>}, {pipeline_mode = #tpu.pipeline_mode<synchronous>, transform_indices = @transform_7, window_bounds = array<i64: 1, 128>}, {pipeline_mode = #tpu.pipeline_mode<synchronous>, transform_indices = @transform_8, window_bounds = array<i64: 1, 128>}, {pipeline_mode = #tpu.pipeline_mode<synchronous>, transform_indices = @transform_9, window_bounds = array<i64: 1, 128>}, {pipeline_mode = #tpu.pipeline_mode<synchronous>, transform_indices = @transform_10, window_bounds = array<i64: 1, 128>}, {pipeline_mode = #tpu.pipeline_mode<synchronous>, transform_indices = @transform_11, window_bounds = array<i64: 128, 128>}, {pipeline_mode = #tpu.pipeline_mode<synchronous>, transform_indices = @transform_12, window_bounds = array<i64: 1, 128>}, {pipeline_mode = #tpu.pipeline_mode<synchronous>, transform_indices = @transform_13, window_bounds = array<i64: 128, 1>}, {pipeline_mode = #tpu.pipeline_mode<synchronous>, transform_indices = @transform_14, window_bounds = array<i64: 1, 1>}, {transform_indices = @transform_15, window_bounds = array<i64: 2048, 1>}]} {
    %get3A = arith.constant 0 : index
    %get3A_0 = arith.constant 0 : index
    %get3A_1 = vector.load %arg4[%get3A, %get3A_0] : memref<2048x1xf32, #tpu.memory_space<vmem>>, vector<2048x1xf32>
    %get3A_2 = arith.constant 0 : index
    %get3A_3 = arith.constant 0 : index
    %get3A_4 = vector.load %arg5[%get3A_2, %get3A_3] : memref<2048x1xf32, #tpu.memory_space<vmem>>, vector<2048x1xf32>
    %get3A_5 = arith.constant 0 : index
    %get3A_6 = arith.constant 0 : index
    %get3A_7 = vector.load %arg6[%get3A_5, %get3A_6] : memref<2048x1xf32, #tpu.memory_space<vmem>>, vector<2048x1xf32>
    %add3A = arith.addf %get3A_4, %get3A_7 : vector<2048x1xf32>
    %mul3A = arith.mulf %get3A_1, %add3A : vector<2048x1xf32>
    %get3A_8 = arith.constant 0 : index
    %get3A_9 = arith.constant 0 : index
    %get3A_10 = vector.load %arg1[%get3A_8, %get3A_9] : memref<2048x1xf32, #tpu.memory_space<vmem>>, vector<2048x1xf32>
    %get3A_11 = arith.constant 0 : index
    %get3A_12 = arith.constant 0 : index
    %get3A_13 = vector.load %arg7[%get3A_11, %get3A_12] : memref<1x128xf32, #tpu.memory_space<vmem>>, vector<1x128xf32>
    %mul3A_14 = vector.broadcast %get3A_10 : vector<2048x1xf32> to vector<2048x128xf32>
    %mul3A_15 = vector.broadcast %get3A_13 : vector<1x128xf32> to vector<2048x128xf32>
    %mul3A_16 = arith.mulf %mul3A_14, %mul3A_15 : vector<2048x128xf32>
    %get3A_17 = arith.constant 0 : index
    %get3A_18 = arith.constant 0 : index
    %get3A_19 = vector.load %arg2[%get3A_17, %get3A_18] : memref<2048x1xf32, #tpu.memory_space<vmem>>, vector<2048x1xf32>
    %get3A_20 = arith.constant 0 : index
    %get3A_21 = arith.constant 0 : index
    %get3A_22 = vector.load %arg8[%get3A_20, %get3A_21] : memref<1x128xf32, #tpu.memory_space<vmem>>, vector<1x128xf32>
    %mul3A_23 = vector.broadcast %get3A_19 : vector<2048x1xf32> to vector<2048x128xf32>
    %mul3A_24 = vector.broadcast %get3A_22 : vector<1x128xf32> to vector<2048x128xf32>
    %mul3A_25 = arith.mulf %mul3A_23, %mul3A_24 : vector<2048x128xf32>
    %add3A_26 = arith.addf %mul3A_16, %mul3A_25 : vector<2048x128xf32>
    %get3A_27 = arith.constant 0 : index
    %get3A_28 = arith.constant 0 : index
    %get3A_29 = vector.load %arg3[%get3A_27, %get3A_28] : memref<2048x1xf32, #tpu.memory_space<vmem>>, vector<2048x1xf32>
    %get3A_30 = arith.constant 0 : index
    %get3A_31 = arith.constant 0 : index
    %get3A_32 = vector.load %arg9[%get3A_30, %get3A_31] : memref<1x128xf32, #tpu.memory_space<vmem>>, vector<1x128xf32>
    %mul3A_33 = vector.broadcast %get3A_29 : vector<2048x1xf32> to vector<2048x128xf32>
    %mul3A_34 = vector.broadcast %get3A_32 : vector<1x128xf32> to vector<2048x128xf32>
    %mul3A_35 = arith.mulf %mul3A_33, %mul3A_34 : vector<2048x128xf32>
    %add3A_36 = arith.addf %add3A_26, %mul3A_35 : vector<2048x128xf32>
    %get3A_37 = arith.constant 0 : index
    %get3A_38 = arith.constant 0 : index
    %get3A_39 = vector.load %arg10[%get3A_37, %get3A_38] : memref<1x128xf32, #tpu.memory_space<vmem>>, vector<1x128xf32>
    %mul3A_40 = vector.broadcast %mul3A : vector<2048x1xf32> to vector<2048x128xf32>
    %mul3A_41 = vector.broadcast %get3A_39 : vector<1x128xf32> to vector<2048x128xf32>
    %mul3A_42 = arith.mulf %mul3A_40, %mul3A_41 : vector<2048x128xf32>
    %add3A_43 = arith.addf %add3A_36, %mul3A_42 : vector<2048x128xf32>
    %get3A_44 = arith.constant 0 : index
    %get3A_45 = arith.constant 0 : index
    %get3A_46 = vector.load %arg11[%get3A_44, %get3A_45] : memref<1x128xf32, #tpu.memory_space<vmem>>, vector<1x128xf32>
    %add3A_47 = vector.broadcast %get3A_46 : vector<1x128xf32> to vector<2048x128xf32>
    %add3A_48 = arith.addf %add3A_43, %add3A_47 : vector<2048x128xf32>
    %max3A = arith.constant 0.000000e+00 : f32
    %max3A_49 = vector.broadcast %max3A : f32 to vector<2048x128xf32>
    %max3A_50 = arith.maximumf %add3A_48, %max3A_49 : vector<2048x128xf32>
    %get3A_51 = arith.constant 0 : index
    %get3A_52 = arith.constant 0 : index
    %get3A_53 = vector.load %arg12[%get3A_51, %get3A_52] : memref<128x128xf32, #tpu.memory_space<vmem>>, vector<128x128xf32>
    %dot_general3A = arith.constant dense<0.000000e+00> : vector<2048x128xf32>
    %dot_general3A_54 = tpu.matmul %max3A_50, %get3A_53, %dot_general3A {dimension_numbers = #tpu.dot_dimension_numbers<[1], [1], [0], [0], [0, 0, 1, 0], [], []>, transpose_lhs_hint = false} : vector<2048x128xf32>, vector<128x128xf32>, vector<2048x128xf32> -> vector<2048x128xf32>
    %get3A_55 = arith.constant 0 : index
    %get3A_56 = arith.constant 0 : index
    %get3A_57 = vector.load %arg13[%get3A_55, %get3A_56] : memref<1x128xf32, #tpu.memory_space<vmem>>, vector<1x128xf32>
    %add3A_58 = vector.broadcast %get3A_57 : vector<1x128xf32> to vector<2048x128xf32>
    %add3A_59 = arith.addf %dot_general3A_54, %add3A_58 : vector<2048x128xf32>
    %max3A_60 = arith.constant 0.000000e+00 : f32
    %max3A_61 = vector.broadcast %max3A_60 : f32 to vector<2048x128xf32>
    %max3A_62 = arith.maximumf %add3A_59, %max3A_61 : vector<2048x128xf32>
    %get3A_63 = arith.constant 0 : index
    %get3A_64 = arith.constant 0 : index
    %get3A_65 = vector.load %arg14[%get3A_63, %get3A_64] : memref<128x1xf32, #tpu.memory_space<vmem>>, vector<128x1xf32>
    %dot_general3A_66 = arith.constant dense<0.000000e+00> : vector<2048x1xf32>
    %dot_general3A_67 = tpu.matmul %max3A_62, %get3A_65, %dot_general3A_66 {dimension_numbers = #tpu.dot_dimension_numbers<[1], [0], [0], [1], [0, 0, 1, 1], [], []>, transpose_lhs_hint = false} : vector<2048x128xf32>, vector<128x1xf32>, vector<2048x1xf32> -> vector<2048x1xf32>
    %get3A_68 = arith.constant 0 : index
    %get3A_69 = arith.constant 0 : index
    %get3A_70 = vector.load %arg15[%get3A_68, %get3A_69] : memref<1x1xf32, #tpu.memory_space<vmem>>, vector<1x1xf32>
    %add3A_71 = vector.broadcast %get3A_70 : vector<1x1xf32> to vector<2048x1xf32>
    %add3A_72 = arith.addf %dot_general3A_67, %add3A_71 : vector<2048x1xf32>
    %max3A_73 = arith.constant 0.000000e+00 : f32
    %max3A_74 = vector.broadcast %max3A_73 : f32 to vector<2048x1xf32>
    %max3A_75 = arith.maximumf %add3A_72, %max3A_74 : vector<2048x1xf32>
    %swap3A = arith.constant 0 : index
    %swap3A_76 = arith.constant 0 : index
    %swap3A_77 = vector.load %arg16[%swap3A, %swap3A_76] : memref<2048x1xf32, #tpu.memory_space<vmem>>, vector<2048x1xf32>
    tpu.vector_store %arg16[%swap3A, %swap3A_76], %max3A_75 {strides = array<i32>} : memref<2048x1xf32, #tpu.memory_space<vmem>>, vector<2048x1xf32>,
    return
  }
  func.func @transform_0(%arg0: i32) -> (i32, i32) {
    %c0_i32 = arith.constant 0 : i32
    %c0_i32_0 = arith.constant 0 : i32
    return %arg0, %c0_i32 : i32, i32
  }
  func.func @transform_1(%arg0: i32) -> (i32, i32) {
    %c0_i32 = arith.constant 0 : i32
    %c0_i32_0 = arith.constant 0 : i32
    return %arg0, %c0_i32 : i32, i32
  }
  func.func @transform_2(%arg0: i32) -> (i32, i32) {
    %c0_i32 = arith.constant 0 : i32
    %c0_i32_0 = arith.constant 0 : i32
    return %arg0, %c0_i32 : i32, i32
  }
  func.func @transform_3(%arg0: i32) -> (i32, i32) {
    %c0_i32 = arith.constant 0 : i32
    %c0_i32_0 = arith.constant 0 : i32
    return %arg0, %c0_i32 : i32, i32
  }
  func.func @transform_4(%arg0: i32) -> (i32, i32) {
    %c0_i32 = arith.constant 0 : i32
    %c0_i32_0 = arith.constant 0 : i32
    return %arg0, %c0_i32 : i32, i32
  }
  func.func @transform_5(%arg0: i32) -> (i32, i32) {
    %c0_i32 = arith.constant 0 : i32
    %c0_i32_0 = arith.constant 0 : i32
    return %arg0, %c0_i32 : i32, i32
  }
  func.func @transform_6(%arg0: i32) -> (i32, i32) {
    %c0_i32 = arith.constant 0 : i32
    %c0_i32_0 = arith.constant 0 : i32
    %c0_i32_1 = arith.constant 0 : i32
    return %c0_i32, %c0_i32_0 : i32, i32
  }
  func.func @transform_7(%arg0: i32) -> (i32, i32) {
    %c0_i32 = arith.constant 0 : i32
    %c0_i32_0 = arith.constant 0 : i32
    %c0_i32_1 = arith.constant 0 : i32
    return %c0_i32, %c0_i32_0 : i32, i32
  }
  func.func @transform_8(%arg0: i32) -> (i32, i32) {
    %c0_i32 = arith.constant 0 : i32
    %c0_i32_0 = arith.constant 0 : i32
    %c0_i32_1 = arith.constant 0 : i32
    return %c0_i32, %c0_i32_0 : i32, i32
  }
  func.func @transform_9(%arg0: i32) -> (i32, i32) {
    %c0_i32 = arith.constant 0 : i32
    %c0_i32_0 = arith.constant 0 : i32
    %c0_i32_1 = arith.constant 0 : i32
    return %c0_i32, %c0_i32_0 : i32, i32
  }
  func.func @transform_10(%arg0: i32) -> (i32, i32) {
    %c0_i32 = arith.constant 0 : i32
    %c0_i32_0 = arith.constant 0 : i32
    %c0_i32_1 = arith.constant 0 : i32
    return %c0_i32, %c0_i32_0 : i32, i32
  }
  func.func @transform_11(%arg0: i32) -> (i32, i32) {
    %c0_i32 = arith.constant 0 : i32
    %c0_i32_0 = arith.constant 0 : i32
    %c0_i32_1 = arith.constant 0 : i32
    return %c0_i32, %c0_i32_0 : i32, i32
  }
  func.func @transform_12(%arg0: i32) -> (i32, i32) {
    %c0_i32 = arith.constant 0 : i32
    %c0_i32_0 = arith.constant 0 : i32
    %c0_i32_1 = arith.constant 0 : i32
    return %c0_i32, %c0_i32_0 : i32, i32
  }
  func.func @transform_13(%arg0: i32) -> (i32, i32) {
    %c0_i32 = arith.constant 0 : i32
    %c0_i32_0 = arith.constant 0 : i32
    %c0_i32_1 = arith.constant 0 : i32
    return %c0_i32, %c0_i32_0 : i32, i32
  }
  func.func @transform_14(%arg0: i32) -> (i32, i32) {
    %c0_i32 = arith.constant 0 : i32
    %c0_i32_0 = arith.constant 0 : i32
    %c0_i32_1 = arith.constant 0 : i32
    return %c0_i32, %c0_i32_0 : i32, i32
  }
  func.func @transform_15(%arg0: i32) -> (i32, i32) {
    %c0_i32 = arith.constant 0 : i32
    %c0_i32_0 = arith.constant 0 : i32
    return %arg0, %c0_i32 : i32, i32
  }
}

</mosaic_0001>

<sc_bundles>
// kernel: kernel.10.cloned.1.call-start
scs
__scs_entry_jumppad:
0x0: {  	(pc) =	sbr.rel $0x88, $3  }
0x1: {  	(tag) =	ssettag $0x0;
	lr =	simm.s32 $0x1  }
0x2: {  	[smem:$0x3F95] =	sst lr;
	_ =	strace $0xD0000000  }
0x3: {  	_ = 	snop  }
0x4: {  	_ = 	snop  }
0x5: {  	_ = 	snop  }
0x6: {  	_ = 	snop  }
0x7: {  	_ = 	snop  }
__scs_overlays_trampoline_lowered:
0x8: {  	[smem:$0x3FA4] =	sst s0  }
0x9: {  	[smem:$0x3FA5] =	sst s1  }
0xa: {  	[smem:$0x3FA6] =	sst s2  }
0xb: {  	[smem:$0x3FA7] =	sst s3  }
0xc: {  	[smem:$0x3FA8] =	sst s4  }
0xd: {  	[smem:$0x3FA9] =	sst s5  }
0xe: {  	[smem:$0x3FAA] =	sst s6  }
0xf: {  	[smem:$0x3FAB] =	sst s7  }
0x10: {  	[smem:$0x3FAC] =	sst s8  }
0x11: {  	[smem:$0x3FAD] =	sst s9;
	s0 =	simm.s32 @!p0 $0x0  }
0x12: {  	s1 =	sld [smem:$0x3F93];
	s0 =	simm.s32 @p0 $0x1  }
0x13: {  	[smem:$0x3FAE] =	sst s0;
	s0 =	simm.s32 @!p1 $0x0  }
0x14: {  	s2 =	sld [smem:$0x3F92];
	s0 =	simm.s32 @p1 $0x1  }
0x15: {  	[smem:$0x3FAF] =	sst s0;
	s0 =	simm.s32 @!p2 $0x0  }
0x16: {  	s3 =	sld [smem:$0x3FDB];
	s0 =	simm.s32 @p2 $0x1  }
0x17: {  	s4 =	simm.s32 $0x1BF5;
	[smem:$0x3FB1] =	sst s0  }
0x18: {  	s0 =	sld [smem:$0x3F94];
	_ =	swait.ge [sflag:s4], $0x0  }
0x19: {  	s7 =	sld [smem:$0x3F95]  }
0x1a: {  	s8 =	sadd.s32 $0xFFFFE003, lr  }
0x1b: {  	s9 =	sadd.s32 $0xFFFFFEF7, lr;
	s5 =	simm.s32 $0xFFFFFFFF;
	p2 =	slt.u32 s8, $0xFFFFF086  }
0x1c: {  	p1 =	slt.u32 s9, $0xF7A;
	s5 =	simm.s32 @!p2 $0x0  }
0x1d: {  	s5 =	simm.s32 @p1 $0x1;
	p0 =	seq.s32 s7, s2  }
0x1e: {  	s7 =	smul.u32 @!p0 $0xF7A, s2;
	p2 =	seq.s32 @!p0 s5, $0x0  }
0x1f: {  	s9 =	smul.u32 $0xF7A, s1;
	s8 =	simm.s32 @!p0 $0x1BF5;
	p2 =	por !p2, p0  }
0x20: {  	[sflag:s8] =	ssyncset.s32 @!p0 $0xFFFFF086;
	s6 =	sadd.s32 @!p0 s3, s7;
	s7 =	simm.s32 @!p0 $0x108  }
0x21: {  	s3 =	sadd.s32 s3, s9;
	s6 =	sadd.s32 @!p0 $0x88, s6;
	s7 =	simm.s32 @p2 $0x1082  }
0x22: {  	[simem:s7], [sflag:s8] =	dma.local @!p0 [hbm:s6], $0xF7A  }
0x23: {  	s9 =	sor.u32 $0xD0000000, s2;
	s6 =	simm.s32 $0x108;
	_ =	swait.ge @!p0 [sflag:s8], $0x0  }
0x24: {  	s3 =	sadd.s32 $0x88, s3;
	s6 =	simm.s32 @!p1 $0x1082;
	[sflag:s4] =	ssyncset.s32 $0xFFFFF086  }
0x25: {  	[simem:s6], [sflag:s4] =	dma.local [hbm:s3], $0xF7A  }
0x26: {  	[smem:$0x3F95] =	sst s1;
	(tag) =	ssettag s2;
	_ =	strace s9  }
0x27: {  	s1 =	sld [smem:$0x3FA5]  }
0x28: {  	s2 =	sld [smem:$0x3FA6]  }
0x29: {  	s4 =	sld [smem:$0x3FA8]  }
0x2a: {  	p0 =	seq.s32 s5, $0x0;
	s5 =	sld [smem:$0x3FA9]  }
0x2b: {  	s6 =	sld [smem:$0x3FAA]  }
0x2c: {  	s7 =	sld [smem:$0x3FAB]  }
0x2d: {  	s3 =	simm.s32 $0x108;
	s8 =	sld [smem:$0x3FAC]  }
0x2e: {  	s3 =	simm.s32 @!p0 $0x1082;
	s9 =	sld [smem:$0x3FAD]  }
0x2f: {  	lr =	sadd.s32 s0, s3;
	s0 =	sld [smem:$0x3FA4]  }
0x30: {  	s3 =	sld [smem:$0x3FA7]  }
0x31: {  	[smem:$0x3FB0] =	sst s10  }
0x32: {  	s10 =	sld [smem:$0x3FAE];
	_ =	sdelay $0x3  }
0x33: {  	p0 =	seq.s32 s10, $0x1;
	s10 =	sld [smem:$0x3FB0];
	_ =	sdelay $0x3  }
0x34: {  	[smem:$0x3FB0] =	sst s10  }
0x35: {  	s10 =	sld [smem:$0x3FAF];
	_ =	sdelay $0x3  }
0x36: {  	p1 =	seq.s32 s10, $0x1;
	s10 =	sld [smem:$0x3FB0];
	_ =	sdelay $0x3  }
0x37: {  	[smem:$0x3FB0] =	sst s10  }
0x38: {  	s10 =	sld [smem:$0x3FB1]  }
0x39: {  	_ = 	snop;
	(pc) =	sbr.ind lr, $3  }
0x3a: {  	_ = 	snop  }
0x3b: {  	_ = 	snop  }
0x3c: {  	p2 =	seq.s32 s10, $0x1;
	s10 =	sld [smem:$0x3FB0]  }
0x3d: {  	_ =	shalt  }
0x3e: {  	_ =	shalt  }
0x3f: {  	_ =	shalt  }
0x40: {  	_ =	shalt  }
0x41: {  	_ =	shalt  }
0x42: {  	_ =	shalt  }
0x43: {  	_ =	shalt  }
0x44: {  	_ =	shalt  }
0x45: {  	_ =	shalt  }
0x46: {  	_ =	shalt  }
0x47: {  	_ =	shalt  }
0x48: {  	_ =	shalt  }
0x49: {  	_ =	shalt  }
0x4a: {  	_ =	shalt  }
0x4b: {  	_ =	shalt  }
0x4c: {  	_ =	shalt  }
0x4d: {  	_ =	shalt  }
0x4e: {  	_ =	shalt  }
0x4f: {  	_ =	shalt  }
0x50: {  	_ =	shalt  }
0x51: {  	_ =	shalt  }
0x52: {  	_ =	shalt  }
0x53: {  	_ =	shalt  }
0x54: {  	_ =	shalt  }
0x55: {  	_ =	shalt  }
0x56: {  	_ =	shalt  }
0x57: {  	_ =	shalt  }
0x58: {  	_ =	shalt  }
0x59: {  	_ =	shalt  }
0x5a: {  	_ =	shalt  }
0x5b: {  	_ =	shalt  }
0x5c: {  	_ =	shalt  }
0x5d: {  	_ =	shalt  }
0x5e: {  	_ =	shalt  }
0x5f: {  	_ =	shalt  }
0x60: {  	_ =	shalt  }
0x61: {  	_ =	shalt  }
0x62: {  	_ =	shalt  }
0x63: {  	_ =	shalt  }
0x64: {  	_ =	shalt  }
0x65: {  	_ =	shalt  }
0x66: {  	_ =	shalt  }
0x67: {  	_ =	shalt  }
0x68: {  	_ =	shalt  }
0x69: {  	_ =	shalt  }
0x6a: {  	_ =	shalt  }
0x6b: {  	_ =	shalt  }
0x6c: {  	_ =	shalt  }
0x6d: {  	_ =	shalt  }
0x6e: {  	_ =	shalt  }
0x6f: {  	_ =	shalt  }
0x70: {  	_ =	shalt  }
0x71: {  	_ =	shalt  }
0x72: {  	_ =	shalt  }
0x73: {  	_ =	shalt  }
0x74: {  	_ =	shalt  }
0x75: {  	_ =	shalt  }
0x76: {  	_ =	shalt  }
0x77: {  	_ =	shalt  }
0x78: {  	_ =	shalt  }
0x79: {  	_ =	shalt  }
0x7a: {  	_ =	shalt  }
0x7b: {  	_ =	shalt  }
0x7c: {  	_ =	shalt  }
0x7d: {  	_ =	shalt  }
0x7e: {  	_ =	shalt  }
0x7f: {  	_ =	shalt  }
0x80: {  	_ =	shalt  }
0x81: {  	_ =	shalt  }
0x82: {  	_ =	shalt  }
0x83: {  	_ =	shalt  }
0x84: {  	_ =	shalt  }
0x85: {  	_ =	shalt  }
0x86: {  	_ =	shalt  }
0x87: {  	_ =	shalt  }
.Lfunc_end0:
.L_simem_size_0:
called_computation.2_lowered:
.L_overlay_start_0:
0x88: {  	s2 =	sld [smem:$0x3FD9]  }
0x89: {  	s3 =	sld [smem:$0x3FFE];
	_ =	sdelay $0x1  }
0x8a: {  	s1 =	srdreg.scid  }
0x8b: {  	s0 =	sand.u32 $0x1, s1  }
0x8c: {  	s17 =	sshll.u32 s0, $0xA;
	s2 =	sadd.s32 s3, s2  }
0x8d: {  	s2 =	sadd.s32 s2, s17  }
0x8e: {  	[smem:$0x3FBC] =	sst s2  }
0x8f: {  	_ = 	snop  }
0x90: {  	s2 =	sld [smem:$0x3FC7];
	(tm) =	ssettm $0x1  }
0x91: {  	s18 =	sld [smem:$0x3FFB];
	_ =	sdelay $0x3  }
0x92: {  	_ =	strace s18  }
0x93: {  	s3 =	sld [smem:$0x3FFC];
	_ =	sdelay $0x3  }
0x94: {  	_ =	strace s3  }
0x95: {  	s3 =	sld [smem:$0x3FFD];
	_ =	sdelay $0x3  }
0x96: {  	_ =	strace s3  }
0x97: {  	_ =	strace $0x8FFFFFFF  }
0x98: {  	s19 =	sld [smem:$0x3FDB];
	_ =	sdelay $0x1  }
0x99: {  	s4 =	simm.s32 $_scs_section_size  }
0x9a: {  	s5 =	simm.s32 $_size__tile_overlayer_lowered;
	s6 =	simm.s32 $_tile_overlayer_lowered  }
0x9b: {  	s22 =	simm.s32 $0x1BFF;
	s21 =	sshll.u32 s6, $0x1;
	s3 =	sadd.s32 s4, s19  }
0x9c: {  	s7 =	simm.s32 $0x0;
	s20 =	sshll.u32 s5, $0x1;
	s5 =	sadd.s32 s21, s3  }
0x9d: {  	[timem:s7], [sflag:s22] =	dma.local [hbm:s5], s20  }
0x9e: {  	_ =	swait.ge [sflag:s22], s20  }
0x9f: {  	s4 =	ssub.s32 $0x0, s20;
	[sflag:s22] =	ssyncset.done $0x0  }
0xa0: {  	[sflag:s22] =	ssyncadd.s32 s4;
	_ =	sdelay $0x1  }
0xa1: {  	s23 =	simm.s32 $0x1B8B  }
0xa2: {  	_ =	swait.ge [sflag:s23], $0x1  }
0xa3: {  	[sflag:s23] =	ssyncset.done $0x0  }
0xa4: {  	s25 =	simm.s32 $0x1B8E;
	s24 =	sld [smem:$0x3FFE];
	[sflag:s23] =	ssyncadd.s32 $0xFFFFFFFF  }
0xa5: {  	s26 =	simm.s32 $execute0_lowered;
	[smem:$0x3FD2] =	sst s25  }
0xa6: {  	s5 =	sshll.u32 s26, $0x1;
	_ =	strace $0x8000004C;
	[dreg:$0x1] =	wrdreg $0xFFFFFFFF  }
0xa7: {  	s28 =	simm.s32 $_size_execute0_lowered;
	s3 =	sadd.s32 s3, s5;
	[dreg:$0x0] =	wrdreg $0x0  }
0xa8: {  	s5 =	sshll.u32 s28, $0x1;
	[dreg:$0x2] =	wrdreg s3  }
0xa9: {  	[dreg:$0x3] =	wrdreg s5  }
0xaa: {  	[dreg:$0x4] =	wrdreg $0xC0  }
0xab: {  	_ =	task [dreg:s7], $0x5FFFF  }
0xac: {  	[dreg:$0x1] =	wrdreg $0xFFFFFFFF  }
0xad: {  	[dreg:$0x0] =	wrdreg $0x60  }
0xae: {  	[dreg:$0x2] =	wrdreg s24  }
0xaf: {  	[dreg:$0x3] =	wrdreg s2  }
0xb0: {  	[dreg:$0x4] =	wrdreg $0x1C0000  }
0xb1: {  	[dreg:$0x5] =	wrdreg $0x9  }
0xb2: {  	_ =	task.clear_ibuf [dreg:s7], $0x6FFFF;
	_ =	strace $0x9000004C  }
0xb3: {  	s29 =	simm.s32 $0x9;
	_ =	strace $0x8000004E  }
0xb4: {  	_ =	swait.ge [sflag:s29], $0x1  }
0xb5: {  	[sflag:s29] =	ssyncadd.s32 $0xFFFFFFFF  }
0xb6: {  	_ =	strace $0x9000004E  }
0xb7: {  	_ =	sfence  }
0xb8: {  	s30 =	sld [smem:$0x0];
	_ =	sdelay $0x2  }
0xb9: {  	s31 =	sshll.u32 s1, $0xD;
	s1 =	sshrl.u32 s1, $0x2  }
0xba: {  	s3 =	sand.u32 $0x4000, s31;
	s1 =	sadd.s32 s1, s30  }
0xbb: {  	s0 =	sor.u32 s3, s0;
	s1 =	sshll.u32 s1, $0x11  }
0xbc: {  	s0 =	sor.u32 s1, s0  }
0xbd: {  	s0 =	sadd.s32 $0x8F2B, s0  }
0xbe: {  	[sflag:s0] =	ssyncadd.remote.s32 $0x1  }
0xbf: {  	_ =	sfence.sel $0xFFFF  }
0xc0: {  	[dreg:$0x0] =	wrdreg $0xFFFFFFFF;
	(pc) =	sbr.abs _section_cstart, $3  }
0xc1: {  	[dreg:$0x1] =	wrdreg $0xFFFFFFFF  }
0xc2: {  	_ =	task.clear_ibuf [dreg:s7], $0x2FFFF;
	_ =	strace $0x9FFFFFFF  }
0xc3: {  	(tm) =	ssettm $0x7FFFFFFF  }
tec
execute0_lowered:
.L_overlay_start_1:
0x0: {  	(tag) =	ssettag $0x1  }
0x1: {  	s0 =	rddreg [dreg:$0x0]  }
0x2: {  	s1 =	srdreg.scid;
	s2 =	rddreg [dreg:$0x1]  }
0x3: {  	s8 =	stileid.u32;
	s13 =	rddreg [dreg:$0x2]  }
0x4: {  	s4 =	simm.s32 $0x0;
	s21 =	simm.s32 $0x6;
	s22 =	simm.s32 $0x1900  }
0x5: {  	s28 =	simm.s32 $0x4;
	s29 =	simm.s32 $0x5;
	s30 =	simm.s32 $0x0  }
0x6: {  	s1 =	sand.u32 $0x1, s1;
	s3 =	smul.u32 $0x1900, s8;
	[smem:$0x7FF] =	sst s4  }
0x7: {  	s5 =	smul.u32 $0x19000, s1;
	_ =	strace $0x8000004D;
	s10 =	ssub.s32 $0x2, s1  }
0x8: {  	s23 =	sshll.u32 s1, $0x4;
	s17 =	smul.u32 $0x190000, s1;
	p0 =	sne.s32 s1, $0x0  }
0x9: {  	s7 =	sshrl.u32 s3, $0x3;
	s12 =	sshrl.u32 s10, $0x1;
	s15 =	sor.u32 s8, s23  }
0xa: {  	s5 =	sadd.s32 s3, s5;
	s11 =	sadd.s32 s7, s0;
	s9 =	smul.u32 $0x30D40, s15  }
0xb: {  	s19 =	ssub.s32 s10, s12;
	s12 =	sadd.s32 s3, s13;
	s20 =	smul.u32 $0x3200, s15  }
0xc: {  	s3 =	sadd.s32 s3, s17;
	s6 =	sshrl.u32 s5, $0x3;
	s24 =	sadd.s32 $0x1F7E00, s11  }
0xd: {  	s5 =	sadd.s32 $0x3E00, s0;
	s25 =	sadd.s32 $0x1FB000, s11;
	s26 =	sadd.s32 $0x18A800, s11  }
0xe: {  	s31 =	sadd.s32 $0x18DA00, s11;
	s3 =	sshrl.u32 s3, $0x3;
	[dreg:$0x4] =	wrdreg s24  }
0xf: {  	s19 =	smax.u32 s19, $0x1;
	s18 =	sadd.s32 s6, s0;
	[dreg:$0x5] =	wrdreg s25  }
0x10: {  	s6 =	sadd.s32 $0x1FE200, s0;
	s0 =	sadd.s32 $0x190C00, s0;
	[dreg:$0x6] =	wrdreg s26  }
0x11: {  	[dreg:$0x7] =	wrdreg s31;
	s16 =	sshrl.u32 s9, $0x3;
	s24 =	simm.s32 $0x19000  }
0x12: {  	s25 =	simm.s32 $0x1A000;
	s26 =	simm.s32 $0x3;
	s13 =	sadd.s32 s5, s16  }
0x13: {  	s14 =	sadd.s32 s2, s16;
	s16 =	sadd.s32 s6, s16;
	s17 =	sadd.s32 s0, s20  }
0x14: {  	v0 =	vimm.f32 $0.0e+00;
	s18 =	sadd.s32 $0x2C1800, s18;
	s20 =	sadd.s32 s3, s0;
	s15 =	sadd.s32 $0xC3500, s13  }
.LBB2_1:
0x15: {  	s0 =	rddreg [dreg:$0x4]  }
0x16: {  	[tilespmem:s4], [sflag:$0x6] =	stream.linear.gather [hbm4b:s0+s4], $0x1900, $0x38;
	[tilespmem:$0x1D900] =	vst v63  }
0x17: {  	_ =	swait.ge [sflag:s21], $0x1900  }
0x18: {  	[sflag:s21] =	ssyncset.done $0x0  }
0x19: {  	s23 =	rddreg [dreg:$0x5];
	[sflag:s21] =	ssyncadd.s32 $0xFFFFE700  }
0x1a: {  	[tilespmem:s22], [sflag:$0x6] =	stream.linear.gather [hbm4b:s23+s4], $0x1900, $0x38;
	[tilespmem:$0x1D900] =	vst v63  }
0x1b: {  	_ =	swait.ge [sflag:s21], $0x1900  }
0x1c: {  	[sflag:s21] =	ssyncset.done $0x0  }
0x1d: {  	s1 =	simm.s32 $0x3200;
	s31 =	rddreg [dreg:$0x6];
	[sflag:s21] =	ssyncadd.s32 $0xFFFFE700  }
0x1e: {  	[tilespmem:s1], [sflag:$0x6] =	stream.linear.gather [hbm4b:s31+s4], $0x1900, $0x38;
	[tilespmem:$0x1D900] =	vst v63  }
0x1f: {  	_ =	swait.ge [sflag:s21], $0x1900  }
0x20: {  	[sflag:s21] =	ssyncset.done $0x0  }
0x21: {  	s0 =	sand.u32 $0x1FF0, s4;
	[sflag:s21] =	ssyncadd.s32 $0xFFFFE700  }
0x22: {  	s3 =	simm.s32 $0x10;
	s1 =	simm.s32 $0x0;
	v1 =	vld [tilespmem:s0+$0x3200]  }
.LBB2_2:
0x23: {  	p1 =	sne.s32 s3, $0x18F0;
	v2 =	vld [tilespmem:s1+$0x0];
	_ =	sdelay $0x2  }
.Ltmp0:
0x24: {  	(pc) =	sbr.rel @p1 .LBB2_2-.Ltmp0, $4  }
0x25: {  	_ = 	snop  }
0x26: {  	v2 =	vmul.f32 v2, v1  }
0x27: {  	s23 =	sand.u32 $0x1FF0, s3  }
0x28: {  	s3 =	sadd.s32 $0x10, s3;
	s1 =	sadd.s32 $0x10, s1;
	v1 =	vld [tilespmem:s23+$0x3200];
	[tilespmem:s0+$0x1900] =	vst v2;
	s0 =	smov.u32 s23  }
0x29: {  	v2 =	vld [tilespmem:s1+$0x0];
	_ =	sdelay $0x4  }
0x2a: {  	v1 =	vmul.f32 v2, v1;
	_ =	sdelay $0x1  }
0x2b: {  	s1 =	rddreg [dreg:$0x7];
	[tilespmem:s0+$0x1900] =	vst v1;
	s0 =	simm.s32 @!p0 $0x0  }
0x2c: {  	[hbm4b:s1+s0] =	stream.linear.scatter @!p0 [tilespmem:s0], [sflag:$0x6], $0x1900, $0x38;
	[tilespmem:$0x1D900] =	vst v63  }
0x2d: {  	s0 =	simm.s32 @!p0 $0x6  }
0x2e: {  	_ =	swait.ge @!p0 [sflag:s0], $0x1900  }
0x2f: {  	[sflag:s0] =	ssyncset.done @!p0 $0x0  }
0x30: {  	[sflag:s0] =	ssyncadd.s32 @!p0 $0xFFFFE700  }
0x31: {  	[spmem:s12] =	stream.linear.scatter [tilespmem:s22], [sflag:$0x6], $0x1900, $0x38;
	[tilespmem:$0x1D900] =	vst v63  }
0x32: {  	_ =	swait.ge [sflag:s21], $0x1900  }
0x33: {  	[sflag:s21] =	ssyncset.done $0x0  }
0x34: {  	[sflag:s21] =	ssyncadd.s32 $0xFFFFE700  }
0x35: {  	[bflag:$0x0] =	sbarrier.arrive $0xFFFF  }
0x36: {  	s31 =	simm.s32 $0x0;
	s23 =	rddreg [dreg:$0x2]  }
0x37: {  	[tilespmem:s31], [sflag:$0x6] =	stream.linear.gather [spmem:s23], $0x19000, $0x38;
	[tilespmem:$0x1D900] =	vst v63  }
0x38: {  	_ =	swait.ge [sflag:s21], $0x19000  }
0x39: {  	[sflag:s21] =	ssyncset.done $0x0  }
0x3a: {  	[sflag:s21] =	ssyncadd.s32 $0xFFFE7000  }
0x3b: {  	[bflag:$0x0] =	sbarrier.arrive $0xFFFF  }
0x3c: {  	[tilespmem:s24], [sflag:$0x1] =	stream.linear.gather [hbm4b:s13+s31], $0x7D0, $0x38;
	[tilespmem:$0x1D900] =	vst v63  }
0x3d: {  	p1 =	por $0x0, $0x0  }
0x3e: {  	[tilespmem:s25], [sflag:$0x1] =	stream.linear.gather [hbm4b:s14+s31], $0x7D0, $0x38;
	[tilespmem:$0x1D900] =	vst v63  }
.LBB2_4:
0x3f: {  	s0 =	smov.u32 s31  }
0x40: {  	s31 =	sadd.s32 $0x1, s31;
	p2 =	seq.s32 s0, $0x63  }
0x41: {  	s1 =	sand.u32 $0x1, s0;
	s3 =	smul.u32 @!p2 $0x7D0, s31  }
0x42: {  	s23 =	sxor.u32 @!p2 $0x1, s1  }
0x43: {  	s7 =	smul.u32 @!p2 $0x7D0, s23;
	s3 =	sadd.s32 @!p2 s9, s3  }
0x44: {  	s11 =	simm.s32 @!p2 $0x0;
	s3 =	sshrl.u32 @!p2 s3, $0x3  }
0x45: {  	s23 =	sadd.s32 @!p2 $0x1, s23;
	s8 =	sor.u32 @!p2 $0x19000, s7;
	s10 =	sadd.s32 @!p2 s5, s3  }
0x46: {  	[tilespmem:s8], [sflag:s23] =	stream.linear.gather @!p2 [hbm4b:s10+s11], $0x7D0, $0x38;
	[tilespmem:$0x1D900] =	vst v63  }
0x47: {  	s7 =	sor.u32 @!p2 $0x1A000, s7;
	s3 =	sadd.s32 @!p2 s2, s3  }
0x48: {  	[tilespmem:s7], [sflag:s23] =	stream.linear.gather @!p2 [hbm4b:s3+s11], $0x7D0, $0x38;
	[tilespmem:$0x1D900] =	vst v63  }
0x49: {  	s10 =	sadd.s32 $0x1, s1;
	s7 =	simm.s32 $0x1  }
0x4a: {  	_ =	swait.ge [sflag:s10], $0x7D0;
	s7 =	simm.s32 @!p1 $0x0  }
0x4b: {  	[sflag:s10] =	ssyncset.done $0x0;
	s7 =	smul.u32 $0x1F40, s7  }
0x4c: {  	[sflag:s10] =	ssyncadd.s32 $0xFFFFF830  }
0x4d: {  	p2 =	slt.u32 s0, $0x2;
	_ =	swait.ge [sflag:s10], $0x7D0;
	s7 =	sshrl.u32 s7, $0x2  }
0x4e: {  	s0 =	smul.u32 $0x7D0, s0;
	[sflag:s10] =	ssyncset.done $0x0;
	s11 =	sadd.s32 $0x19040, s7  }
0x4f: {  	s8 =	sadd.s32 @!p2 $0x3, s1;
	[sflag:s10] =	ssyncadd.s32 $0xFFFFF830;
	v1 =	vmov s11  }
0x50: {  	s3 =	sadd.s32 s9, s0;
	_ =	swait.ge @!p2 [sflag:s8], $0x7D0  }
0x51: {  	s23 =	sor.u32 $0x1A000, s7;
	s7 =	sor.u32 $0x1B000, s7;
	[sflag:s8] =	ssyncset.done @!p2 $0x0  }
0x52: {  	s0 =	smul.u32 $0x7D0, s1;
	v2 =	vmov s23;
	v3 =	vmov s7;
	s23 =	simm.s32 $0x0;
	[sflag:s8] =	ssyncadd.s32 @!p2 $0xFFFFF830  }
.LBB2_5:
0x53: {  	s7 =	sshra.s32 s23, $0x2  }
0x54: {  	v4 =	vld.idx.msk [tilespmem:v1+s7+$0xFFFFFFC0 ss:$0x1], $0xffff;
	_ =	sdelay $0x6  }
0x55: {  	v5 =	vld.idx.msk [tilespmem:v2+s7+$0x0 ss:$0x1], $0xffff  }
0x56: {  	v4 =	vld.idx.msk [tilespmem:v4+s4+$0x0], $0xffff;
	_ =	sdelay $0x4  }
0x57: {  	v4 =	vmul.f32 v5, v4;
	_ =	sdelay $0x1  }
0x58: {  	[tilespmem:v3+s7+$0x0 ss:$0x1] =	vst.idx.msk $0xffff, v4  }
0x59: {  	v4 =	vld.idx.msk [tilespmem:v1+s7+$0xFFFFFFD0 ss:$0x1], $0xffff;
	_ =	sdelay $0x6  }
0x5a: {  	v5 =	vld.idx.msk [tilespmem:v2+s7+$0x10 ss:$0x1], $0xffff  }
0x5b: {  	v4 =	vld.idx.msk [tilespmem:v4+s4+$0x0], $0xffff;
	_ =	sdelay $0x4  }
0x5c: {  	v4 =	vmul.f32 v5, v4;
	_ =	sdelay $0x1  }
0x5d: {  	[tilespmem:v3+s7+$0x10 ss:$0x1] =	vst.idx.msk $0xffff, v4  }
0x5e: {  	v4 =	vld.idx.msk [tilespmem:v1+s7+$0xFFFFFFE0 ss:$0x1], $0xffff;
	_ =	sdelay $0x6  }
0x5f: {  	v5 =	vld.idx.msk [tilespmem:v2+s7+$0x20 ss:$0x1], $0xffff  }
0x60: {  	v4 =	vld.idx.msk [tilespmem:v4+s4+$0x0], $0xffff;
	_ =	sdelay $0x4  }
0x61: {  	v4 =	vmul.f32 v5, v4;
	_ =	sdelay $0x1  }
0x62: {  	[tilespmem:v3+s7+$0x20 ss:$0x1] =	vst.idx.msk $0xffff, v4  }
0x63: {  	v4 =	vld.idx.msk [tilespmem:v1+s7+$0xFFFFFFF0 ss:$0x1], $0xffff;
	_ =	sdelay $0x6  }
0x64: {  	v5 =	vld.idx.msk [tilespmem:v2+s7+$0x30 ss:$0x1], $0xffff  }
0x65: {  	v4 =	vld.idx.msk [tilespmem:v4+s4+$0x0], $0xffff;
	_ =	sdelay $0x4  }
0x66: {  	v4 =	vmul.f32 v5, v4;
	_ =	sdelay $0x1  }
0x67: {  	[tilespmem:v3+s7+$0x30 ss:$0x1] =	vst.idx.msk $0xffff, v4  }
0x68: {  	v4 =	vld.idx.msk [tilespmem:v1+s7+$0x0 ss:$0x1], $0xffff;
	_ =	sdelay $0x6  }
0x69: {  	v5 =	vld.idx.msk [tilespmem:v2+s7+$0x40 ss:$0x1], $0xffff  }
0x6a: {  	v4 =	vld.idx.msk [tilespmem:v4+s4+$0x0], $0xffff;
	_ =	sdelay $0x1  }
0x6b: {  	p2 =	sne.s32 s23, $0x1E00  }
.Ltmp1:
0x6c: {  	_ = 	snop;
	(pc) =	sbr.rel @p2 .LBB2_5-.Ltmp1, $3  }
0x6d: {  	_ = 	snop  }
0x6e: {  	v4 =	vmul.f32 v5, v4;
	_ =	sdelay $0x1  }
0x6f: {  	s23 =	sadd.s32 $0x140, s23;
	[tilespmem:v3+s7+$0x40 ss:$0x1] =	vst.idx.msk $0xffff, v4  }
0x70: {  	p2 =	sne.s32 s31, $0x64  }
.Ltmp2:
0x71: {  	_ = 	snop;
	(pc) =	sbr.rel @p2 .LBB2_4-.Ltmp2, $4  }
0x72: {  	_ = 	snop  }
0x73: {  	s3 =	sshrl.u32 s3, $0x3;
	s1 =	sadd.s32 $0x3, s1  }
0x74: {  	s0 =	sor.u32 $0x1B000, s0;
	p1 =	por !p1, !p1;
	s3 =	sadd.s32 s6, s3  }
0x75: {  	[hbm4b:s3+s4] =	stream.linear.scatter [tilespmem:s0], [sflag:s1], $0x7D0, $0x38;
	[tilespmem:$0x1D900] =	vst v63  }
0x76: {  	_ =	swait.ge [sflag:s26], $0x7D0  }
0x77: {  	[sflag:s26] =	ssyncset.done $0x0  }
0x78: {  	[sflag:s26] =	ssyncadd.s32 $0xFFFFF830  }
0x79: {  	_ =	swait.ge [sflag:s28], $0x7D0  }
0x7a: {  	[sflag:s28] =	ssyncset.done $0x0  }
0x7b: {  	s0 =	simm.s32 $0x0;
	s1 =	simm.s32 $0x200;
	[sflag:s28] =	ssyncadd.s32 $0xFFFFF830  }
.LBB2_8:
0x7c: {  	p1 =	sne.s32 s1, $0x63E00;
	[tilespmem:s0+$0x70] =	vst v0  }
0x7d: {  	[tilespmem:s0+$0x0] =	vst v0  }
0x7e: {  	[tilespmem:s0+$0x10] =	vst v0  }
.Ltmp3:
0x7f: {  	[tilespmem:s0+$0x20] =	vst v0;
	(pc) =	sbr.rel @p1 .LBB2_8-.Ltmp3, $4  }
0x80: {  	[tilespmem:s0+$0x30] =	vst v0  }
0x81: {  	[tilespmem:s0+$0x40] =	vst v0  }
0x82: {  	[tilespmem:s0+$0x50] =	vst v0  }
0x83: {  	[tilespmem:s0+$0x60] =	vst v0;
	s0 =	sshra.s32 s1, $0x2;
	s1 =	sadd.s32 $0x200, s1  }
0x84: {  	[tilespmem:s0+$0x70] =	vst v0  }
0x85: {  	[tilespmem:s0+$0x0] =	vst v0  }
0x86: {  	[tilespmem:s0+$0x10] =	vst v0  }
0x87: {  	[tilespmem:s0+$0x20] =	vst v0  }
0x88: {  	[tilespmem:s0+$0x30] =	vst v0  }
0x89: {  	[tilespmem:s0+$0x40] =	vst v0  }
0x8a: {  	[tilespmem:s0+$0x50] =	vst v0  }
0x8b: {  	[tilespmem:s0+$0x60] =	vst v0;
	s31 =	simm.s32 $0x0  }
0x8c: {  	[tilespmem:s24], [sflag:$0x1] =	stream.linear.gather [hbm4b:s15+s31], $0x7D0, $0x38;
	[tilespmem:$0x1D900] =	vst v63  }
0x8d: {  	p1 =	por $0x0, $0x0  }
0x8e: {  	[tilespmem:s25], [sflag:$0x1] =	stream.linear.gather [hbm4b:s16+s31], $0x7D0, $0x38;
	[tilespmem:$0x1D900] =	vst v63  }
.LBB2_11:
0x8f: {  	s0 =	smov.u32 s31  }
0x90: {  	s31 =	sadd.s32 $0x1, s31;
	p2 =	seq.s32 s0, $0x63  }
0x91: {  	s1 =	smul.u32 @!p2 $0x7D0, s31  }
0x92: {  	s0 =	sand.u32 $0x1, s0  }
0x93: {  	s3 =	sxor.u32 @!p2 $0x1, s0;
	s1 =	sadd.s32 @!p2 s9, s1  }
0x94: {  	s7 =	smul.u32 @!p2 $0x7D0, s3;
	s1 =	sshrl.u32 @!p2 s1, $0x3  }
0x95: {  	s11 =	simm.s32 @!p2 $0x0;
	s8 =	sadd.s32 @!p2 s5, s1  }
0x96: {  	s3 =	sadd.s32 @!p2 $0x1, s3;
	s10 =	sor.u32 @!p2 $0x19000, s7;
	s8 =	sadd.s32 @!p2 $0xC3500, s8  }
0x97: {  	[tilespmem:s10], [sflag:s3] =	stream.linear.gather @!p2 [hbm4b:s8+s11], $0x7D0, $0x38;
	[tilespmem:$0x1D900] =	vst v63  }
0x98: {  	s7 =	sor.u32 @!p2 $0x1A000, s7;
	s1 =	sadd.s32 @!p2 s6, s1  }
0x99: {  	[tilespmem:s7], [sflag:s3] =	stream.linear.gather @!p2 [hbm4b:s1+s11], $0x7D0, $0x38;
	[tilespmem:$0x1D900] =	vst v63  }
0x9a: {  	s1 =	simm.s32 $0x1  }
0x9b: {  	s1 =	simm.s32 @!p1 $0x0  }
0x9c: {  	s1 =	smul.u32 $0x1F40, s1;
	_ =	sdelay $0x1  }
0x9d: {  	s0 =	sadd.s32 $0x1, s0;
	s1 =	sshrl.u32 s1, $0x2  }
0x9e: {  	_ =	swait.ge [sflag:s0], $0x7D0;
	s23 =	sadd.s32 $0x19040, s1  }
0x9f: {  	[sflag:s0] =	ssyncset.done $0x0;
	s1 =	sor.u32 $0x1A000, s1;
	v1 =	vmov s23  }
0xa0: {  	[sflag:s0] =	ssyncadd.s32 $0xFFFFF830;
	v2 =	vmov s1  }
0xa1: {  	_ =	swait.ge [sflag:s0], $0x7D0  }
0xa2: {  	[sflag:s0] =	ssyncset.done $0x0  }
0xa3: {  	[sflag:s0] =	ssyncadd.s32 $0xFFFFF830;
	s1 =	simm.s32 $0x0;
	s0 =	simm.s32 $0x140  }
.LBB2_12:
0xa4: {  	p2 =	seq.s32 s0, $0x1E00;
	v3 =	vld.idx.msk [tilespmem:v1+s1+$0xFFFFFFC0 ss:$0x1], $0xffff  }
0xa5: {  	v4 =	vld.idx.msk [tilespmem:v2+s1+$0x0 ss:$0x1], $0xffff;
	_ =	sdelay $0x6  }
0xa6: {  	[tilespmem:v3+s4+$0x0] =	vst.idx.add.f32.msk $0xffff, v4  }
0xa7: {  	v3 =	vld.idx.msk [tilespmem:v1+s1+$0xFFFFFFD0 ss:$0x1], $0xffff;
	_ =	sdelay $0x1  }
0xa8: {  	v4 =	vld.idx.msk [tilespmem:v2+s1+$0x10 ss:$0x1], $0xffff;
	_ =	sdelay $0x5  }
0xa9: {  	[tilespmem:v3+s4+$0x0] =	vst.idx.add.f32.msk $0xffff, v4  }
0xaa: {  	v3 =	vld.idx.msk [tilespmem:v1+s1+$0xFFFFFFE0 ss:$0x1], $0xffff;
	_ =	sdelay $0x1  }
0xab: {  	v4 =	vld.idx.msk [tilespmem:v2+s1+$0x20 ss:$0x1], $0xffff;
	_ =	sdelay $0x5  }
0xac: {  	[tilespmem:v3+s4+$0x0] =	vst.idx.add.f32.msk $0xffff, v4  }
0xad: {  	v3 =	vld.idx.msk [tilespmem:v1+s1+$0xFFFFFFF0 ss:$0x1], $0xffff;
	_ =	sdelay $0x1  }
0xae: {  	v4 =	vld.idx.msk [tilespmem:v2+s1+$0x30 ss:$0x1], $0xffff;
	_ =	sdelay $0x5  }
0xaf: {  	[tilespmem:v3+s4+$0x0] =	vst.idx.add.f32.msk $0xffff, v4  }
0xb0: {  	v3 =	vld.idx.msk [tilespmem:v1+s1+$0x0 ss:$0x1], $0xffff  }
0xb1: {  	v4 =	vld.idx.msk [tilespmem:v2+s1+$0x40 ss:$0x1], $0xffff;
	_ =	sdelay $0x2  }
.Ltmp4:
0xb2: {  	(pc) =	sbr.rel @!p2 .LBB2_12-.Ltmp4, $2  }
0xb3: {  	_ =	sdelay $0x2  }
0xb4: {  	s1 =	sshra.s32 s0, $0x2;
	s0 =	sadd.s32 $0x140, s0;
	[tilespmem:v3+s4+$0x0] =	vst.idx.add.f32.msk $0xffff, v4  }
0xb5: {  	_ =	sdelay $0x3  }
0xb6: {  	v3 =	vld.idx.msk [tilespmem:v1+s1+$0xFFFFFFC0 ss:$0x1], $0xffff;
	_ =	sdelay $0x2  }
0xb7: {  	v4 =	vld.idx.msk [tilespmem:v2+s1+$0x0 ss:$0x1], $0xffff;
	_ =	sdelay $0x4  }
0xb8: {  	[tilespmem:v3+s4+$0x0] =	vst.idx.add.f32.msk $0xffff, v4  }
0xb9: {  	v3 =	vld.idx.msk [tilespmem:v1+s1+$0xFFFFFFD0 ss:$0x1], $0xffff;
	_ =	sdelay $0x2  }
0xba: {  	v4 =	vld.idx.msk [tilespmem:v2+s1+$0x10 ss:$0x1], $0xffff;
	_ =	sdelay $0x4  }
0xbb: {  	[tilespmem:v3+s4+$0x0] =	vst.idx.add.f32.msk $0xffff, v4  }
0xbc: {  	v3 =	vld.idx.msk [tilespmem:v1+s1+$0xFFFFFFE0 ss:$0x1], $0xffff;
	_ =	sdelay $0x2  }
0xbd: {  	v4 =	vld.idx.msk [tilespmem:v2+s1+$0x20 ss:$0x1], $0xffff;
	_ =	sdelay $0x4  }
0xbe: {  	[tilespmem:v3+s4+$0x0] =	vst.idx.add.f32.msk $0xffff, v4  }
0xbf: {  	v3 =	vld.idx.msk [tilespmem:v1+s1+$0xFFFFFFF0 ss:$0x1], $0xffff;
	_ =	sdelay $0x2  }
0xc0: {  	v4 =	vld.idx.msk [tilespmem:v2+s1+$0x30 ss:$0x1], $0xffff;
	_ =	sdelay $0x4  }
0xc1: {  	[tilespmem:v3+s4+$0x0] =	vst.idx.add.f32.msk $0xffff, v4  }
0xc2: {  	v1 =	vld.idx.msk [tilespmem:v1+s1+$0x0 ss:$0x1], $0xffff;
	_ =	sdelay $0x2  }
0xc3: {  	v2 =	vld.idx.msk [tilespmem:v2+s1+$0x40 ss:$0x1], $0xffff;
	_ =	sdelay $0x4  }
0xc4: {  	[tilespmem:v1+s4+$0x0] =	vst.idx.add.f32.msk $0xffff, v2  }
0xc5: {  	p2 =	seq.s32 s31, $0x64  }
.Ltmp5:
0xc6: {  	_ = 	snop;
	(pc) =	sbr.rel @!p2 .LBB2_11-.Ltmp5, $2  }
0xc7: {  	_ =	sdelay $0x2  }
0xc8: {  	p1 =	por !p1, !p1  }
0xc9: {  	s0 =	simm.s32 $0x0  }
0xca: {  	[hbm4b:s17+s0] =	stream.linear.scatter [tilespmem:s0], [sflag:$0x6], $0x19000, $0x38;
	[tilespmem:$0x1D900] =	vst v63  }
0xcb: {  	_ =	swait.ge [sflag:s21], $0x19000  }
0xcc: {  	[sflag:s21] =	ssyncset.done $0x0  }
0xcd: {  	s1 =	simm.s32 $0x3200;
	[sflag:s21] =	ssyncadd.s32 $0xFFFE7000  }
0xce: {  	s23 =	sadd.s32 $0x0, s20;
	s3 =	simm.s32 $0x1900;
	[bflag:$0x0] =	sbarrier.arrive $0xFFFF  }
.LBB2_15:
0xcf: {  	[tilespmem:s0], [sflag:$0x5] =	stream.linear.gather [hbm4b:s23+s4], $0x1900, $0x38;
	[tilespmem:$0x1D900] =	vst v63  }
0xd0: {  	s7 =	smov.u32 s1;
	s0 =	smov.u32 s3;
	p1 =	sne.s32 s1, $0x2EE00  }
.Ltmp6:
0xd1: {  	s1 =	sadd.s32 $0x3200, s1;
	(pc) =	sbr.rel @p1 .LBB2_15-.Ltmp6, $2  }
0xd2: {  	_ =	sdelay $0x2  }
0xd3: {  	s3 =	sadd.s32 $0x1900, s3;
	s23 =	sadd.s32 s7, s20  }
0xd4: {  	[tilespmem:s0], [sflag:$0x5] =	stream.linear.gather [hbm4b:s23+s4], $0x1900, $0x38;
	[tilespmem:$0x1D900] =	vst v63  }
0xd5: {  	_ =	swait.ge [sflag:s29], $0x1900  }
0xd6: {  	[sflag:s29] =	ssyncset.done $0x0  }
0xd7: {  	[sflag:s29] =	ssyncadd.s32 $0xFFFFE700  }
0xd8: {  	_ =	swait.ge [sflag:s29], $0x1900  }
0xd9: {  	[sflag:s29] =	ssyncset.done $0x0  }
0xda: {  	[sflag:s29] =	ssyncadd.s32 $0xFFFFE700  }
0xdb: {  	_ =	swait.ge [sflag:s29], $0x1900  }
0xdc: {  	[sflag:s29] =	ssyncset.done $0x0  }
0xdd: {  	[sflag:s29] =	ssyncadd.s32 $0xFFFFE700  }
0xde: {  	_ =	swait.ge [sflag:s29], $0x1900  }
0xdf: {  	[sflag:s29] =	ssyncset.done $0x0  }
0xe0: {  	[sflag:s29] =	ssyncadd.s32 $0xFFFFE700  }
0xe1: {  	_ =	swait.ge [sflag:s29], $0x1900  }
0xe2: {  	[sflag:s29] =	ssyncset.done $0x0  }
0xe3: {  	[sflag:s29] =	ssyncadd.s32 $0xFFFFE700  }
0xe4: {  	_ =	swait.ge [sflag:s29], $0x1900  }
0xe5: {  	[sflag:s29] =	ssyncset.done $0x0  }
0xe6: {  	[sflag:s29] =	ssyncadd.s32 $0xFFFFE700  }
0xe7: {  	_ =	swait.ge [sflag:s29], $0x1900  }
0xe8: {  	[sflag:s29] =	ssyncset.done $0x0  }
0xe9: {  	[sflag:s29] =	ssyncadd.s32 $0xFFFFE700  }
0xea: {  	_ =	swait.ge [sflag:s29], $0x1900  }
0xeb: {  	[sflag:s29] =	ssyncset.done $0x0  }
0xec: {  	[sflag:s29] =	ssyncadd.s32 $0xFFFFE700  }
0xed: {  	_ =	swait.ge [sflag:s29], $0x1900  }
0xee: {  	[sflag:s29] =	ssyncset.done $0x0  }
0xef: {  	[sflag:s29] =	ssyncadd.s32 $0xFFFFE700  }
0xf0: {  	_ =	swait.ge [sflag:s29], $0x1900  }
0xf1: {  	[sflag:s29] =	ssyncset.done $0x0  }
0xf2: {  	[sflag:s29] =	ssyncadd.s32 $0xFFFFE700  }
0xf3: {  	_ =	swait.ge [sflag:s29], $0x1900  }
0xf4: {  	[sflag:s29] =	ssyncset.done $0x0  }
0xf5: {  	[sflag:s29] =	ssyncadd.s32 $0xFFFFE700  }
0xf6: {  	_ =	swait.ge [sflag:s29], $0x1900  }
0xf7: {  	[sflag:s29] =	ssyncset.done $0x0  }
0xf8: {  	[sflag:s29] =	ssyncadd.s32 $0xFFFFE700  }
0xf9: {  	_ =	swait.ge [sflag:s29], $0x1900  }
0xfa: {  	[sflag:s29] =	ssyncset.done $0x0  }
0xfb: {  	[sflag:s29] =	ssyncadd.s32 $0xFFFFE700  }
0xfc: {  	_ =	swait.ge [sflag:s29], $0x1900  }
0xfd: {  	[sflag:s29] =	ssyncset.done $0x0  }
0xfe: {  	[sflag:s29] =	ssyncadd.s32 $0xFFFFE700  }
0xff: {  	_ =	swait.ge [sflag:s29], $0x1900  }
0x100: {  	[sflag:s29] =	ssyncset.done $0x0  }
0x101: {  	[sflag:s29] =	ssyncadd.s32 $0xFFFFE700  }
0x102: {  	_ =	swait.ge [sflag:s29], $0x1900  }
0x103: {  	s31 =	simm.s32 $0x0;
	[sflag:s29] =	ssyncset.done $0x0  }
0x104: {  	s0 =	sand.u32 $0x1FF0, s31;
	[sflag:s29] =	ssyncadd.s32 $0xFFFFE700  }
0x105: {  	v1 =	vld [tilespmem:s0+$0x1900]  }
0x106: {  	v2 =	vld [tilespmem:s31+$0x0]  }
0x107: {  	v3 =	vld [tilespmem:s0+$0x3200]  }
0x108: {  	v4 =	vld [tilespmem:s0+$0x4B00]  }
0x109: {  	v5 =	vld [tilespmem:s0+$0x6400]  }
0x10a: {  	v6 =	vld [tilespmem:s0+$0x7D00]  }
0x10b: {  	v7 =	vld [tilespmem:s0+$0x9600]  }
0x10c: {  	v8 =	vld [tilespmem:s0+$0xAF00]  }
0x10d: {  	v9 =	vld [tilespmem:s0+$0xC800]  }
0x10e: {  	v10 =	vld [tilespmem:s0+$0xE100]  }
0x10f: {  	v11 =	vld [tilespmem:s0+$0xFA00]  }
0x110: {  	v12 =	vld [tilespmem:s0+$0x11300]  }
0x111: {  	v13 =	vld [tilespmem:s0+$0x12C00]  }
0x112: {  	v14 =	vld [tilespmem:s0+$0x14500]  }
0x113: {  	s1 =	simm.s32 $0x10;
	v15 =	vld [tilespmem:s0+$0x15E00]  }
.LBB2_17:
0x114: {  	p1 =	sne.s32 s1, $0x18F0;
	v16 =	vld [tilespmem:s0+$0x17700];
	_ =	sdelay $0x1  }
0x115: {  	v1 =	vadd.f32 v1, v2;
	v2 =	vadd.f32 v4, v3  }
0x116: {  	v3 =	vadd.f32 v6, v5;
	v4 =	vadd.f32 v8, v7  }
0x117: {  	v5 =	vadd.f32 v10, v9;
	v6 =	vadd.f32 v12, v11  }
0x118: {  	v7 =	vadd.f32 v14, v13;
	v8 =	vadd.f32 v16, v15  }
0x119: {  	v1 =	vadd.f32 v2, v1;
	v2 =	vadd.f32 v4, v3  }
0x11a: {  	v3 =	vadd.f32 v6, v5;
	v4 =	vadd.f32 v8, v7;
	_ =	sdelay $0x1  }
0x11b: {  	v1 =	vadd.f32 v2, v1;
	v2 =	vadd.f32 v4, v3;
	_ =	sdelay $0x1  }
0x11c: {  	v1 =	vadd.f32 v2, v1;
	_ =	sdelay $0x1  }
0x11d: {  	s0 =	sand.u32 $0x1FF0, s1;
	[tilespmem:s31+$0x0] =	vst v1  }
0x11e: {  	s31 =	sadd.s32 $0x10, s31;
	v1 =	vld [tilespmem:s0+$0x1900]  }
0x11f: {  	v2 =	vld [tilespmem:s31+$0x0]  }
0x120: {  	v3 =	vld [tilespmem:s0+$0x3200]  }
0x121: {  	v4 =	vld [tilespmem:s0+$0x4B00]  }
0x122: {  	v5 =	vld [tilespmem:s0+$0x6400]  }
0x123: {  	v6 =	vld [tilespmem:s0+$0x7D00]  }
0x124: {  	v7 =	vld [tilespmem:s0+$0x9600]  }
0x125: {  	v8 =	vld [tilespmem:s0+$0xAF00]  }
0x126: {  	v9 =	vld [tilespmem:s0+$0xC800]  }
0x127: {  	v10 =	vld [tilespmem:s0+$0xE100]  }
.Ltmp7:
0x128: {  	v11 =	vld [tilespmem:s0+$0xFA00];
	(pc) =	sbr.rel @p1 .LBB2_17-.Ltmp7, $4  }
0x129: {  	v12 =	vld [tilespmem:s0+$0x11300]  }
0x12a: {  	v13 =	vld [tilespmem:s0+$0x12C00]  }
0x12b: {  	v14 =	vld [tilespmem:s0+$0x14500]  }
0x12c: {  	s1 =	sadd.s32 $0x10, s1;
	v15 =	vld [tilespmem:s0+$0x15E00]  }
0x12d: {  	v16 =	vld [tilespmem:s0+$0x17700];
	_ =	sdelay $0x1  }
0x12e: {  	v1 =	vadd.f32 v1, v2;
	v2 =	vadd.f32 v4, v3  }
0x12f: {  	v3 =	vadd.f32 v6, v5;
	v58 =	vadd.f32 v8, v7  }
0x130: {  	v59 =	vadd.f32 v10, v9;
	v60 =	vadd.f32 v12, v11  }
0x131: {  	v61 =	vadd.f32 v14, v13;
	v62 =	vadd.f32 v16, v15  }
0x132: {  	v1 =	vadd.f32 v2, v1;
	v2 =	vadd.f32 v58, v3  }
0x133: {  	v3 =	vadd.f32 v60, v59;
	v63 =	vadd.f32 v62, v61;
	_ =	sdelay $0x1  }
0x134: {  	v1 =	vadd.f32 v2, v1;
	v2 =	vadd.f32 v63, v3;
	_ =	sdelay $0x1  }
0x135: {  	s30 =	sadd.s32 $0x1, s30;
	v1 =	vadd.f32 v2, v1  }
0x136: {  	p1 =	sne.s32 s30, s19  }
.Ltmp8:
0x137: {  	[tilespmem:s31+$0x0] =	vst v1;
	(pc) =	sbr.rel @p1 .LBB2_1-.Ltmp8, $4  }
0x138: {  	[hbm4b:s18+s4] =	stream.linear.scatter [tilespmem:s4], [sflag:$0x6], $0x1900, $0x38;
	[tilespmem:$0x1D900] =	vst v63  }
0x139: {  	_ =	swait.ge [sflag:s21], $0x1900  }
0x13a: {  	[sflag:s21] =	ssyncset.done $0x0  }
0x13b: {  	[sflag:s21] =	ssyncadd.s32 $0xFFFFE700  }
0x13c: {  	_ =	sfence.sel $0x180000  }
0x13d: {  	[bflag:$0x0] =	sbarrier.arrive $0xFFFF  }
0x13e: {  	_ =	strace $0x9000004D  }
0x13f: {  	s0 =	stileid.u32;
	[bflag:$0x2] =	sbarrier.arrive $0xFFFF  }
0x140: {  	p0 =	sne.s32 s0, $0x0;
	s0 =	rddreg [dreg:$0x3]  }
0x141: {  	s0 =	sadd.s32 @!p0 $0x100000, s0  }
0x142: {  	[sflag:s0] =	ssyncadd.tile.s32 @!p0 $0x1;
	_ =	shalt  }
.Lfunc_end2:
_tile_overlayer_lowered:
.L_overlay_start_2:
0x143: {  	(tag) =	ssettag $0x2  }
0x144: {  	s0 =	rddreg [dreg:$0x0];
	s2 =	stileid.u32  }
0x145: {  	s1 =	rddreg [dreg:$0x1];
	p0 =	sne.s32 s2, $0x0  }
0x146: {  	s3 =	rddreg [dreg:$0x2];
	[bflag:$0x3] =	sbarrier.arrive $0xFFFF;
	s2 =	simm.s32 @!p0 $0x1C06  }
0x147: {  	[timem:s3], [sflag:s2] =	dma.local @!p0 [hbm:s0], s1  }
0x148: {  	s0 =	simm.s32 @!p0 $0x6  }
0x149: {  	_ =	swait.ge @!p0 [sflag:s0], s1  }
0x14a: {  	s1 =	ssub.s32 @!p0 $0x0, s1;
	[sflag:s0] =	ssyncset.done @!p0 $0x0  }
0x14b: {  	[sflag:s0] =	ssyncadd.s32 @!p0 s1  }
0x14c: {  	[bflag:$0x3] =	sbarrier.arrive $0xFFFF  }
0x14d: {  	_ =	shalt  }

// kernel: kernel.13.cloned.1.call-start
scs
__scs_entry_jumppad:
0x0: {  	(pc) =	sbr.rel $0x88, $3  }
0x1: {  	(tag) =	ssettag $0x0;
	lr =	simm.s32 $0x1  }
0x2: {  	[smem:$0x3F95] =	sst lr;
	_ =	strace $0xD0000000  }
0x3: {  	_ = 	snop  }
0x4: {  	_ = 	snop  }
0x5: {  	_ = 	snop  }
0x6: {  	_ = 	snop  }
0x7: {  	_ = 	snop  }
__scs_overlays_trampoline_lowered:
0x8: {  	[smem:$0x3FA4] =	sst s0  }
0x9: {  	[smem:$0x3FA5] =	sst s1  }
0xa: {  	[smem:$0x3FA6] =	sst s2  }
0xb: {  	[smem:$0x3FA7] =	sst s3  }
0xc: {  	[smem:$0x3FA8] =	sst s4  }
0xd: {  	[smem:$0x3FA9] =	sst s5  }
0xe: {  	[smem:$0x3FAA] =	sst s6  }
0xf: {  	[smem:$0x3FAB] =	sst s7  }
0x10: {  	[smem:$0x3FAC] =	sst s8  }
0x11: {  	[smem:$0x3FAD] =	sst s9;
	s0 =	simm.s32 @!p0 $0x0  }
0x12: {  	s1 =	sld [smem:$0x3F93];
	s0 =	simm.s32 @p0 $0x1  }
0x13: {  	[smem:$0x3FAE] =	sst s0;
	s0 =	simm.s32 @!p1 $0x0  }
0x14: {  	s2 =	sld [smem:$0x3F92];
	s0 =	simm.s32 @p1 $0x1  }
0x15: {  	[smem:$0x3FAF] =	sst s0;
	s0 =	simm.s32 @!p2 $0x0  }
0x16: {  	s3 =	sld [smem:$0x3FDB];
	s0 =	simm.s32 @p2 $0x1  }
0x17: {  	s4 =	simm.s32 $0x1BF5;
	[smem:$0x3FB1] =	sst s0  }
0x18: {  	s0 =	sld [smem:$0x3F94];
	_ =	swait.ge [sflag:s4], $0x0  }
0x19: {  	s7 =	sld [smem:$0x3F95]  }
0x1a: {  	s8 =	sadd.s32 $0xFFFFE003, lr  }
0x1b: {  	s9 =	sadd.s32 $0xFFFFFEF7, lr;
	s5 =	simm.s32 $0xFFFFFFFF;
	p2 =	slt.u32 s8, $0xFFFFF086  }
0x1c: {  	p1 =	slt.u32 s9, $0xF7A;
	s5 =	simm.s32 @!p2 $0x0  }
0x1d: {  	s5 =	simm.s32 @p1 $0x1;
	p0 =	seq.s32 s7, s2  }
0x1e: {  	s7 =	smul.u32 @!p0 $0xF7A, s2;
	p2 =	seq.s32 @!p0 s5, $0x0  }
0x1f: {  	s9 =	smul.u32 $0xF7A, s1;
	s8 =	simm.s32 @!p0 $0x1BF5;
	p2 =	por !p2, p0  }
0x20: {  	[sflag:s8] =	ssyncset.s32 @!p0 $0xFFFFF086;
	s6 =	sadd.s32 @!p0 s3, s7;
	s7 =	simm.s32 @!p0 $0x108  }
0x21: {  	s3 =	sadd.s32 s3, s9;
	s6 =	sadd.s32 @!p0 $0x88, s6;
	s7 =	simm.s32 @p2 $0x1082  }
0x22: {  	[simem:s7], [sflag:s8] =	dma.local @!p0 [hbm:s6], $0xF7A  }
0x23: {  	s9 =	sor.u32 $0xD0000000, s2;
	s6 =	simm.s32 $0x108;
	_ =	swait.ge @!p0 [sflag:s8], $0x0  }
0x24: {  	s3 =	sadd.s32 $0x88, s3;
	s6 =	simm.s32 @!p1 $0x1082;
	[sflag:s4] =	ssyncset.s32 $0xFFFFF086  }
0x25: {  	[simem:s6], [sflag:s4] =	dma.local [hbm:s3], $0xF7A  }
0x26: {  	[smem:$0x3F95] =	sst s1;
	(tag) =	ssettag s2;
	_ =	strace s9  }
0x27: {  	s1 =	sld [smem:$0x3FA5]  }
0x28: {  	s2 =	sld [smem:$0x3FA6]  }
0x29: {  	s4 =	sld [smem:$0x3FA8]  }
0x2a: {  	p0 =	seq.s32 s5, $0x0;
	s5 =	sld [smem:$0x3FA9]  }
0x2b: {  	s6 =	sld [smem:$0x3FAA]  }
0x2c: {  	s7 =	sld [smem:$0x3FAB]  }
0x2d: {  	s3 =	simm.s32 $0x108;
	s8 =	sld [smem:$0x3FAC]  }
0x2e: {  	s3 =	simm.s32 @!p0 $0x1082;
	s9 =	sld [smem:$0x3FAD]  }
0x2f: {  	lr =	sadd.s32 s0, s3;
	s0 =	sld [smem:$0x3FA4]  }
0x30: {  	s3 =	sld [smem:$0x3FA7]  }
0x31: {  	[smem:$0x3FB0] =	sst s10  }
0x32: {  	s10 =	sld [smem:$0x3FAE];
	_ =	sdelay $0x3  }
0x33: {  	p0 =	seq.s32 s10, $0x1;
	s10 =	sld [smem:$0x3FB0];
	_ =	sdelay $0x3  }
0x34: {  	[smem:$0x3FB0] =	sst s10  }
0x35: {  	s10 =	sld [smem:$0x3FAF];
	_ =	sdelay $0x3  }
0x36: {  	p1 =	seq.s32 s10, $0x1;
	s10 =	sld [smem:$0x3FB0];
	_ =	sdelay $0x3  }
0x37: {  	[smem:$0x3FB0] =	sst s10  }
0x38: {  	s10 =	sld [smem:$0x3FB1]  }
0x39: {  	_ = 	snop;
	(pc) =	sbr.ind lr, $3  }
0x3a: {  	_ = 	snop  }
0x3b: {  	_ = 	snop  }
0x3c: {  	p2 =	seq.s32 s10, $0x1;
	s10 =	sld [smem:$0x3FB0]  }
0x3d: {  	_ =	shalt  }
0x3e: {  	_ =	shalt  }
0x3f: {  	_ =	shalt  }
0x40: {  	_ =	shalt  }
0x41: {  	_ =	shalt  }
0x42: {  	_ =	shalt  }
0x43: {  	_ =	shalt  }
0x44: {  	_ =	shalt  }
0x45: {  	_ =	shalt  }
0x46: {  	_ =	shalt  }
0x47: {  	_ =	shalt  }
0x48: {  	_ =	shalt  }
0x49: {  	_ =	shalt  }
0x4a: {  	_ =	shalt  }
0x4b: {  	_ =	shalt  }
0x4c: {  	_ =	shalt  }
0x4d: {  	_ =	shalt  }
0x4e: {  	_ =	shalt  }
0x4f: {  	_ =	shalt  }
0x50: {  	_ =	shalt  }
0x51: {  	_ =	shalt  }
0x52: {  	_ =	shalt  }
0x53: {  	_ =	shalt  }
0x54: {  	_ =	shalt  }
0x55: {  	_ =	shalt  }
0x56: {  	_ =	shalt  }
0x57: {  	_ =	shalt  }
0x58: {  	_ =	shalt  }
0x59: {  	_ =	shalt  }
0x5a: {  	_ =	shalt  }
0x5b: {  	_ =	shalt  }
0x5c: {  	_ =	shalt  }
0x5d: {  	_ =	shalt  }
0x5e: {  	_ =	shalt  }
0x5f: {  	_ =	shalt  }
0x60: {  	_ =	shalt  }
0x61: {  	_ =	shalt  }
0x62: {  	_ =	shalt  }
0x63: {  	_ =	shalt  }
0x64: {  	_ =	shalt  }
0x65: {  	_ =	shalt  }
0x66: {  	_ =	shalt  }
0x67: {  	_ =	shalt  }
0x68: {  	_ =	shalt  }
0x69: {  	_ =	shalt  }
0x6a: {  	_ =	shalt  }
0x6b: {  	_ =	shalt  }
0x6c: {  	_ =	shalt  }
0x6d: {  	_ =	shalt  }
0x6e: {  	_ =	shalt  }
0x6f: {  	_ =	shalt  }
0x70: {  	_ =	shalt  }
0x71: {  	_ =	shalt  }
0x72: {  	_ =	shalt  }
0x73: {  	_ =	shalt  }
0x74: {  	_ =	shalt  }
0x75: {  	_ =	shalt  }
0x76: {  	_ =	shalt  }
0x77: {  	_ =	shalt  }
0x78: {  	_ =	shalt  }
0x79: {  	_ =	shalt  }
0x7a: {  	_ =	shalt  }
0x7b: {  	_ =	shalt  }
0x7c: {  	_ =	shalt  }
0x7d: {  	_ =	shalt  }
0x7e: {  	_ =	shalt  }
0x7f: {  	_ =	shalt  }
0x80: {  	_ =	shalt  }
0x81: {  	_ =	shalt  }
0x82: {  	_ =	shalt  }
0x83: {  	_ =	shalt  }
0x84: {  	_ =	shalt  }
0x85: {  	_ =	shalt  }
0x86: {  	_ =	shalt  }
0x87: {  	_ =	shalt  }
.Lfunc_end0:
.L_simem_size_0:
called_computation.3_lowered:
.L_overlay_start_0:
0x88: {  	s2 =	sld [smem:$0x3FD9]  }
0x89: {  	s3 =	sld [smem:$0x3FFE];
	_ =	sdelay $0x1  }
0x8a: {  	s1 =	srdreg.scid  }
0x8b: {  	s0 =	sand.u32 $0x1, s1  }
0x8c: {  	s17 =	sshll.u32 s0, $0xA;
	s2 =	sadd.s32 s3, s2  }
0x8d: {  	s2 =	sadd.s32 s2, s17  }
0x8e: {  	[smem:$0x3FBC] =	sst s2  }
0x8f: {  	_ = 	snop  }
0x90: {  	s2 =	sld [smem:$0x3FC7];
	(tm) =	ssettm $0x1  }
0x91: {  	s18 =	sld [smem:$0x3FFB];
	_ =	sdelay $0x3  }
0x92: {  	_ =	strace s18  }
0x93: {  	s3 =	sld [smem:$0x3FFC];
	_ =	sdelay $0x3  }
0x94: {  	_ =	strace s3  }
0x95: {  	s3 =	sld [smem:$0x3FFD];
	_ =	sdelay $0x3  }
0x96: {  	_ =	strace s3  }
0x97: {  	_ =	strace $0x8FFFFFFF  }
0x98: {  	s19 =	sld [smem:$0x3FDB];
	_ =	sdelay $0x1  }
0x99: {  	s4 =	simm.s32 $_scs_section_size  }
0x9a: {  	s5 =	simm.s32 $_size__tile_overlayer_lowered;
	s6 =	simm.s32 $_tile_overlayer_lowered  }
0x9b: {  	s22 =	simm.s32 $0x1BFF;
	s21 =	sshll.u32 s6, $0x1;
	s3 =	sadd.s32 s4, s19  }
0x9c: {  	s7 =	simm.s32 $0x0;
	s20 =	sshll.u32 s5, $0x1;
	s5 =	sadd.s32 s21, s3  }
0x9d: {  	[timem:s7], [sflag:s22] =	dma.local [hbm:s5], s20  }
0x9e: {  	_ =	swait.ge [sflag:s22], s20  }
0x9f: {  	s4 =	ssub.s32 $0x0, s20;
	[sflag:s22] =	ssyncset.done $0x0  }
0xa0: {  	[sflag:s22] =	ssyncadd.s32 s4;
	_ =	sdelay $0x1  }
0xa1: {  	s23 =	simm.s32 $0x1B8B  }
0xa2: {  	_ =	swait.ge [sflag:s23], $0x1  }
0xa3: {  	[sflag:s23] =	ssyncset.done $0x0  }
0xa4: {  	s25 =	simm.s32 $0x1B8E;
	s24 =	sld [smem:$0x3FFE];
	[sflag:s23] =	ssyncadd.s32 $0xFFFFFFFF  }
0xa5: {  	s26 =	simm.s32 $execute0_lowered;
	[smem:$0x3FD2] =	sst s25  }
0xa6: {  	s5 =	sshll.u32 s26, $0x1;
	_ =	strace $0x8000004F;
	[dreg:$0x1] =	wrdreg $0xFFFFFFFF  }
0xa7: {  	s28 =	simm.s32 $_size_execute0_lowered;
	s3 =	sadd.s32 s3, s5;
	[dreg:$0x0] =	wrdreg $0x0  }
0xa8: {  	s5 =	sshll.u32 s28, $0x1;
	[dreg:$0x2] =	wrdreg s3  }
0xa9: {  	[dreg:$0x3] =	wrdreg s5  }
0xaa: {  	[dreg:$0x4] =	wrdreg $0xC0  }
0xab: {  	_ =	task [dreg:s7], $0x5FFFF  }
0xac: {  	[dreg:$0x1] =	wrdreg $0xFFFFFFFF  }
0xad: {  	[dreg:$0x0] =	wrdreg $0x60  }
0xae: {  	[dreg:$0x2] =	wrdreg s24  }
0xaf: {  	[dreg:$0x3] =	wrdreg s2  }
0xb0: {  	[dreg:$0x4] =	wrdreg $0x1C0000  }
0xb1: {  	[dreg:$0x5] =	wrdreg $0x9  }
0xb2: {  	_ =	task.clear_ibuf [dreg:s7], $0x6FFFF;
	_ =	strace $0x9000004F  }
0xb3: {  	s29 =	simm.s32 $0x9;
	_ =	strace $0x80000051  }
0xb4: {  	_ =	swait.ge [sflag:s29], $0x1  }
0xb5: {  	[sflag:s29] =	ssyncadd.s32 $0xFFFFFFFF  }
0xb6: {  	_ =	strace $0x90000051  }
0xb7: {  	_ =	sfence  }
0xb8: {  	s30 =	sld [smem:$0x0];
	_ =	sdelay $0x2  }
0xb9: {  	s31 =	sshll.u32 s1, $0xD;
	s1 =	sshrl.u32 s1, $0x2  }
0xba: {  	s3 =	sand.u32 $0x4000, s31;
	s1 =	sadd.s32 s1, s30  }
0xbb: {  	s0 =	sor.u32 s3, s0;
	s1 =	sshll.u32 s1, $0x11  }
0xbc: {  	s0 =	sor.u32 s1, s0  }
0xbd: {  	s0 =	sadd.s32 $0x8F2B, s0  }
0xbe: {  	[sflag:s0] =	ssyncadd.remote.s32 $0x1  }
0xbf: {  	_ =	sfence.sel $0xFFFF  }
0xc0: {  	[dreg:$0x0] =	wrdreg $0xFFFFFFFF;
	(pc) =	sbr.abs _section_cstart, $3  }
0xc1: {  	[dreg:$0x1] =	wrdreg $0xFFFFFFFF  }
0xc2: {  	_ =	task.clear_ibuf [dreg:s7], $0x2FFFF;
	_ =	strace $0x9FFFFFFF  }
0xc3: {  	(tm) =	ssettm $0x7FFFFFFF  }
tec
execute0_lowered:
.L_overlay_start_1:
0x0: {  	(tag) =	ssettag $0x1  }
0x1: {  	s0 =	rddreg [dreg:$0x0]  }
0x2: {  	s1 =	srdreg.scid;
	s2 =	rddreg [dreg:$0x1]  }
0x3: {  	s8 =	stileid.u32;
	s13 =	rddreg [dreg:$0x2]  }
0x4: {  	s4 =	simm.s32 $0x0;
	s21 =	simm.s32 $0x6;
	s22 =	simm.s32 $0x1900  }
0x5: {  	s28 =	simm.s32 $0x4;
	s29 =	simm.s32 $0x5;
	s30 =	simm.s32 $0x0  }
0x6: {  	s1 =	sand.u32 $0x1, s1;
	s3 =	smul.u32 $0x1900, s8;
	[smem:$0x7FF] =	sst s4  }
0x7: {  	s5 =	smul.u32 $0x19000, s1;
	_ =	strace $0x80000050;
	s23 =	sshll.u32 s1, $0x4  }
0x8: {  	s10 =	ssub.s32 $0x2, s1;
	s17 =	smul.u32 $0x190000, s1;
	p0 =	sne.s32 s1, $0x0  }
0x9: {  	s7 =	sshrl.u32 s3, $0x3;
	s15 =	sor.u32 s8, s23;
	s12 =	sshrl.u32 s10, $0x1  }
0xa: {  	s5 =	sadd.s32 s3, s5;
	s11 =	sadd.s32 s7, s0;
	s9 =	smul.u32 $0x30D40, s15  }
0xb: {  	s19 =	ssub.s32 s10, s12;
	s12 =	sadd.s32 s3, s13;
	s20 =	smul.u32 $0x3200, s15  }
0xc: {  	s6 =	sshrl.u32 s5, $0x3;
	s5 =	sadd.s32 $0x3E00, s0;
	s24 =	sadd.s32 $0x2C1800, s11  }
0xd: {  	s3 =	sadd.s32 s3, s17;
	s25 =	sadd.s32 $0x2C4A00, s11;
	s26 =	sadd.s32 $0x18A800, s11  }
0xe: {  	s31 =	sadd.s32 $0x1F1A00, s11;
	s3 =	sshrl.u32 s3, $0x3;
	[dreg:$0x4] =	wrdreg s24  }
0xf: {  	s19 =	smax.u32 s19, $0x1;
	s18 =	sadd.s32 s6, s0;
	[dreg:$0x5] =	wrdreg s25  }
0x10: {  	s6 =	sadd.s32 $0x1F7E00, s0;
	s0 =	sadd.s32 $0x18DA00, s0;
	[dreg:$0x6] =	wrdreg s26  }
0x11: {  	[dreg:$0x7] =	wrdreg s31;
	s16 =	sshrl.u32 s9, $0x3;
	s24 =	simm.s32 $0x19000  }
0x12: {  	s25 =	simm.s32 $0x1A000;
	s26 =	simm.s32 $0x3;
	s13 =	sadd.s32 s5, s16  }
0x13: {  	s14 =	sadd.s32 s2, s16;
	s16 =	sadd.s32 s6, s16;
	s17 =	sadd.s32 s0, s20  }
0x14: {  	v0 =	vimm.f32 $0.0e+00;
	s18 =	sadd.s32 $0x2C7C00, s18;
	s20 =	sadd.s32 s3, s0;
	s15 =	sadd.s32 $0xC3500, s13  }
.LBB2_1:
0x15: {  	s0 =	rddreg [dreg:$0x4]  }
0x16: {  	[tilespmem:s4], [sflag:$0x6] =	stream.linear.gather [hbm4b:s0+s4], $0x1900, $0x38;
	[tilespmem:$0x1D900] =	vst v63  }
0x17: {  	_ =	swait.ge [sflag:s21], $0x1900  }
0x18: {  	[sflag:s21] =	ssyncset.done $0x0  }
0x19: {  	s23 =	rddreg [dreg:$0x5];
	[sflag:s21] =	ssyncadd.s32 $0xFFFFE700  }
0x1a: {  	[tilespmem:s22], [sflag:$0x6] =	stream.linear.gather [hbm4b:s23+s4], $0x1900, $0x38;
	[tilespmem:$0x1D900] =	vst v63  }
0x1b: {  	_ =	swait.ge [sflag:s21], $0x1900  }
0x1c: {  	[sflag:s21] =	ssyncset.done $0x0  }
0x1d: {  	s1 =	simm.s32 $0x3200;
	s31 =	rddreg [dreg:$0x6];
	[sflag:s21] =	ssyncadd.s32 $0xFFFFE700  }
0x1e: {  	[tilespmem:s1], [sflag:$0x6] =	stream.linear.gather [hbm4b:s31+s4], $0x1900, $0x38;
	[tilespmem:$0x1D900] =	vst v63  }
0x1f: {  	_ =	swait.ge [sflag:s21], $0x1900  }
0x20: {  	[sflag:s21] =	ssyncset.done $0x0  }
0x21: {  	[sflag:s21] =	ssyncadd.s32 $0xFFFFE700  }
0x22: {  	s0 =	sand.u32 $0x1FF0, s4;
	v1 =	vld [tilespmem:s4+$0x0]  }
0x23: {  	v2 =	vld [tilespmem:s0+$0x1900];
	_ =	sdelay $0x1  }
0x24: {  	v3 =	vld [tilespmem:s0+$0x3200];
	_ =	sdelay $0x2  }
0x25: {  	v1 =	vadd.f32 v2, v1;
	_ =	sdelay $0x1  }
0x26: {  	v1 =	vmul.f32 v1, v3;
	_ =	sdelay $0x1  }
0x27: {  	s3 =	simm.s32 $0x0;
	s1 =	simm.s32 $0x10;
	[tilespmem:s4+$0x0] =	vst v1;
	v1 =	vmul.f32 v1, v3  }
.LBB2_2:
0x28: {  	p1 =	sne.s32 s1, $0x18F0  }
0x29: {  	s3 =	sadd.s32 $0x10, s3;
	[tilespmem:s0+$0x1900] =	vst v1;
	s0 =	smov.u32 s1;
	s1 =	sadd.s32 $0x10, s1  }
0x2a: {  	s0 =	sand.u32 $0x1FF0, s0;
	v1 =	vld [tilespmem:s3+$0x0]  }
0x2b: {  	v2 =	vld [tilespmem:s0+$0x1900];
	_ =	sdelay $0x1  }
0x2c: {  	v3 =	vld [tilespmem:s0+$0x3200];
	_ =	sdelay $0x2  }
.Ltmp0:
0x2d: {  	v1 =	vadd.f32 v2, v1;
	(pc) =	sbr.rel @p1 .LBB2_2-.Ltmp0, $3  }
0x2e: {  	_ = 	snop  }
0x2f: {  	v1 =	vmul.f32 v1, v3;
	_ =	sdelay $0x1  }
0x30: {  	[tilespmem:s3+$0x0] =	vst v1;
	v1 =	vmul.f32 v1, v3  }
0x31: {  	_ = 	snop  }
0x32: {  	s1 =	rddreg [dreg:$0x7];
	[tilespmem:s0+$0x1900] =	vst v1;
	s0 =	simm.s32 @!p0 $0x0  }
0x33: {  	[hbm4b:s1+s0] =	stream.linear.scatter @!p0 [tilespmem:s0], [sflag:$0x6], $0x1900, $0x38;
	[tilespmem:$0x1D900] =	vst v63  }
0x34: {  	s0 =	simm.s32 @!p0 $0x6  }
0x35: {  	_ =	swait.ge @!p0 [sflag:s0], $0x1900  }
0x36: {  	[sflag:s0] =	ssyncset.done @!p0 $0x0  }
0x37: {  	[sflag:s0] =	ssyncadd.s32 @!p0 $0xFFFFE700  }
0x38: {  	[spmem:s12] =	stream.linear.scatter [tilespmem:s22], [sflag:$0x6], $0x1900, $0x38;
	[tilespmem:$0x1D900] =	vst v63  }
0x39: {  	_ =	swait.ge [sflag:s21], $0x1900  }
0x3a: {  	[sflag:s21] =	ssyncset.done $0x0  }
0x3b: {  	[sflag:s21] =	ssyncadd.s32 $0xFFFFE700  }
0x3c: {  	[bflag:$0x0] =	sbarrier.arrive $0xFFFF  }
0x3d: {  	s31 =	simm.s32 $0x0;
	s23 =	rddreg [dreg:$0x2]  }
0x3e: {  	[tilespmem:s31], [sflag:$0x6] =	stream.linear.gather [spmem:s23], $0x19000, $0x38;
	[tilespmem:$0x1D900] =	vst v63  }
0x3f: {  	_ =	swait.ge [sflag:s21], $0x19000  }
0x40: {  	[sflag:s21] =	ssyncset.done $0x0  }
0x41: {  	[sflag:s21] =	ssyncadd.s32 $0xFFFE7000  }
0x42: {  	[bflag:$0x0] =	sbarrier.arrive $0xFFFF  }
0x43: {  	[tilespmem:s24], [sflag:$0x1] =	stream.linear.gather [hbm4b:s13+s31], $0x7D0, $0x38;
	[tilespmem:$0x1D900] =	vst v63  }
0x44: {  	p1 =	por $0x0, $0x0  }
0x45: {  	[tilespmem:s25], [sflag:$0x1] =	stream.linear.gather [hbm4b:s14+s31], $0x7D0, $0x38;
	[tilespmem:$0x1D900] =	vst v63  }
.LBB2_4:
0x46: {  	s0 =	smov.u32 s31  }
0x47: {  	s31 =	sadd.s32 $0x1, s31;
	p2 =	seq.s32 s0, $0x63  }
0x48: {  	s1 =	sand.u32 $0x1, s0;
	s3 =	smul.u32 @!p2 $0x7D0, s31  }
0x49: {  	s23 =	sxor.u32 @!p2 $0x1, s1  }
0x4a: {  	s7 =	smul.u32 @!p2 $0x7D0, s23;
	s3 =	sadd.s32 @!p2 s9, s3  }
0x4b: {  	s11 =	simm.s32 @!p2 $0x0;
	s3 =	sshrl.u32 @!p2 s3, $0x3  }
0x4c: {  	s23 =	sadd.s32 @!p2 $0x1, s23;
	s8 =	sor.u32 @!p2 $0x19000, s7;
	s10 =	sadd.s32 @!p2 s5, s3  }
0x4d: {  	[tilespmem:s8], [sflag:s23] =	stream.linear.gather @!p2 [hbm4b:s10+s11], $0x7D0, $0x38;
	[tilespmem:$0x1D900] =	vst v63  }
0x4e: {  	s7 =	sor.u32 @!p2 $0x1A000, s7;
	s3 =	sadd.s32 @!p2 s2, s3  }
0x4f: {  	[tilespmem:s7], [sflag:s23] =	stream.linear.gather @!p2 [hbm4b:s3+s11], $0x7D0, $0x38;
	[tilespmem:$0x1D900] =	vst v63  }
0x50: {  	s10 =	sadd.s32 $0x1, s1;
	s7 =	simm.s32 $0x1  }
0x51: {  	_ =	swait.ge [sflag:s10], $0x7D0;
	s7 =	simm.s32 @!p1 $0x0  }
0x52: {  	[sflag:s10] =	ssyncset.done $0x0;
	s7 =	smul.u32 $0x1F40, s7  }
0x53: {  	[sflag:s10] =	ssyncadd.s32 $0xFFFFF830  }
0x54: {  	p2 =	slt.u32 s0, $0x2;
	_ =	swait.ge [sflag:s10], $0x7D0;
	s7 =	sshrl.u32 s7, $0x2  }
0x55: {  	s0 =	smul.u32 $0x7D0, s0;
	[sflag:s10] =	ssyncset.done $0x0;
	s11 =	sadd.s32 $0x19040, s7  }
0x56: {  	s8 =	sadd.s32 @!p2 $0x3, s1;
	[sflag:s10] =	ssyncadd.s32 $0xFFFFF830;
	v1 =	vmov s11  }
0x57: {  	s3 =	sadd.s32 s9, s0;
	_ =	swait.ge @!p2 [sflag:s8], $0x7D0  }
0x58: {  	s23 =	sor.u32 $0x1A000, s7;
	s7 =	sor.u32 $0x1B000, s7;
	[sflag:s8] =	ssyncset.done @!p2 $0x0  }
0x59: {  	s0 =	smul.u32 $0x7D0, s1;
	v2 =	vmov s23;
	v3 =	vmov s7;
	s23 =	simm.s32 $0x0;
	[sflag:s8] =	ssyncadd.s32 @!p2 $0xFFFFF830  }
.LBB2_5:
0x5a: {  	s7 =	sshra.s32 s23, $0x2  }
0x5b: {  	v4 =	vld.idx.msk [tilespmem:v1+s7+$0xFFFFFFC0 ss:$0x1], $0xffff;
	_ =	sdelay $0x6  }
0x5c: {  	v5 =	vld.idx.msk [tilespmem:v2+s7+$0x0 ss:$0x1], $0xffff  }
0x5d: {  	v4 =	vld.idx.msk [tilespmem:v4+s4+$0x0], $0xffff;
	_ =	sdelay $0x4  }
0x5e: {  	v4 =	vmul.f32 v5, v4;
	_ =	sdelay $0x1  }
0x5f: {  	[tilespmem:v3+s7+$0x0 ss:$0x1] =	vst.idx.msk $0xffff, v4  }
0x60: {  	v4 =	vld.idx.msk [tilespmem:v1+s7+$0xFFFFFFD0 ss:$0x1], $0xffff;
	_ =	sdelay $0x6  }
0x61: {  	v5 =	vld.idx.msk [tilespmem:v2+s7+$0x10 ss:$0x1], $0xffff  }
0x62: {  	v4 =	vld.idx.msk [tilespmem:v4+s4+$0x0], $0xffff;
	_ =	sdelay $0x4  }
0x63: {  	v4 =	vmul.f32 v5, v4;
	_ =	sdelay $0x1  }
0x64: {  	[tilespmem:v3+s7+$0x10 ss:$0x1] =	vst.idx.msk $0xffff, v4  }
0x65: {  	v4 =	vld.idx.msk [tilespmem:v1+s7+$0xFFFFFFE0 ss:$0x1], $0xffff;
	_ =	sdelay $0x6  }
0x66: {  	v5 =	vld.idx.msk [tilespmem:v2+s7+$0x20 ss:$0x1], $0xffff  }
0x67: {  	v4 =	vld.idx.msk [tilespmem:v4+s4+$0x0], $0xffff;
	_ =	sdelay $0x4  }
0x68: {  	v4 =	vmul.f32 v5, v4;
	_ =	sdelay $0x1  }
0x69: {  	[tilespmem:v3+s7+$0x20 ss:$0x1] =	vst.idx.msk $0xffff, v4  }
0x6a: {  	v4 =	vld.idx.msk [tilespmem:v1+s7+$0xFFFFFFF0 ss:$0x1], $0xffff;
	_ =	sdelay $0x6  }
0x6b: {  	v5 =	vld.idx.msk [tilespmem:v2+s7+$0x30 ss:$0x1], $0xffff  }
0x6c: {  	v4 =	vld.idx.msk [tilespmem:v4+s4+$0x0], $0xffff;
	_ =	sdelay $0x4  }
0x6d: {  	v4 =	vmul.f32 v5, v4;
	_ =	sdelay $0x1  }
0x6e: {  	[tilespmem:v3+s7+$0x30 ss:$0x1] =	vst.idx.msk $0xffff, v4  }
0x6f: {  	v4 =	vld.idx.msk [tilespmem:v1+s7+$0x0 ss:$0x1], $0xffff;
	_ =	sdelay $0x6  }
0x70: {  	v5 =	vld.idx.msk [tilespmem:v2+s7+$0x40 ss:$0x1], $0xffff  }
0x71: {  	v4 =	vld.idx.msk [tilespmem:v4+s4+$0x0], $0xffff;
	_ =	sdelay $0x1  }
0x72: {  	p2 =	sne.s32 s23, $0x1E00  }
.Ltmp1:
0x73: {  	_ = 	snop;
	(pc) =	sbr.rel @p2 .LBB2_5-.Ltmp1, $3  }
0x74: {  	_ = 	snop  }
0x75: {  	v4 =	vmul.f32 v5, v4;
	_ =	sdelay $0x1  }
0x76: {  	s23 =	sadd.s32 $0x140, s23;
	[tilespmem:v3+s7+$0x40 ss:$0x1] =	vst.idx.msk $0xffff, v4  }
0x77: {  	p2 =	sne.s32 s31, $0x64  }
.Ltmp2:
0x78: {  	_ = 	snop;
	(pc) =	sbr.rel @p2 .LBB2_4-.Ltmp2, $4  }
0x79: {  	_ = 	snop  }
0x7a: {  	s3 =	sshrl.u32 s3, $0x3;
	s1 =	sadd.s32 $0x3, s1  }
0x7b: {  	s0 =	sor.u32 $0x1B000, s0;
	p1 =	por !p1, !p1;
	s3 =	sadd.s32 s6, s3  }
0x7c: {  	[hbm4b:s3+s4] =	stream.linear.scatter [tilespmem:s0], [sflag:s1], $0x7D0, $0x38;
	[tilespmem:$0x1D900] =	vst v63  }
0x7d: {  	_ =	swait.ge [sflag:s26], $0x7D0  }
0x7e: {  	[sflag:s26] =	ssyncset.done $0x0  }
0x7f: {  	[sflag:s26] =	ssyncadd.s32 $0xFFFFF830  }
0x80: {  	_ =	swait.ge [sflag:s28], $0x7D0  }
0x81: {  	[sflag:s28] =	ssyncset.done $0x0  }
0x82: {  	s0 =	simm.s32 $0x0;
	s1 =	simm.s32 $0x200;
	[sflag:s28] =	ssyncadd.s32 $0xFFFFF830  }
.LBB2_8:
0x83: {  	p1 =	sne.s32 s1, $0x63E00;
	[tilespmem:s0+$0x70] =	vst v0  }
0x84: {  	[tilespmem:s0+$0x0] =	vst v0  }
0x85: {  	[tilespmem:s0+$0x10] =	vst v0  }
.Ltmp3:
0x86: {  	[tilespmem:s0+$0x20] =	vst v0;
	(pc) =	sbr.rel @p1 .LBB2_8-.Ltmp3, $4  }
0x87: {  	[tilespmem:s0+$0x30] =	vst v0  }
0x88: {  	[tilespmem:s0+$0x40] =	vst v0  }
0x89: {  	[tilespmem:s0+$0x50] =	vst v0  }
0x8a: {  	[tilespmem:s0+$0x60] =	vst v0;
	s0 =	sshra.s32 s1, $0x2;
	s1 =	sadd.s32 $0x200, s1  }
0x8b: {  	[tilespmem:s0+$0x70] =	vst v0  }
0x8c: {  	[tilespmem:s0+$0x0] =	vst v0  }
0x8d: {  	[tilespmem:s0+$0x10] =	vst v0  }
0x8e: {  	[tilespmem:s0+$0x20] =	vst v0  }
0x8f: {  	[tilespmem:s0+$0x30] =	vst v0  }
0x90: {  	[tilespmem:s0+$0x40] =	vst v0  }
0x91: {  	[tilespmem:s0+$0x50] =	vst v0  }
0x92: {  	[tilespmem:s0+$0x60] =	vst v0;
	s31 =	simm.s32 $0x0  }
0x93: {  	[tilespmem:s24], [sflag:$0x1] =	stream.linear.gather [hbm4b:s15+s31], $0x7D0, $0x38;
	[tilespmem:$0x1D900] =	vst v63  }
0x94: {  	p1 =	por $0x0, $0x0  }
0x95: {  	[tilespmem:s25], [sflag:$0x1] =	stream.linear.gather [hbm4b:s16+s31], $0x7D0, $0x38;
	[tilespmem:$0x1D900] =	vst v63  }
.LBB2_11:
0x96: {  	s0 =	smov.u32 s31  }
0x97: {  	s31 =	sadd.s32 $0x1, s31;
	p2 =	seq.s32 s0, $0x63  }
0x98: {  	s1 =	smul.u32 @!p2 $0x7D0, s31  }
0x99: {  	s0 =	sand.u32 $0x1, s0  }
0x9a: {  	s3 =	sxor.u32 @!p2 $0x1, s0;
	s1 =	sadd.s32 @!p2 s9, s1  }
0x9b: {  	s7 =	smul.u32 @!p2 $0x7D0, s3;
	s1 =	sshrl.u32 @!p2 s1, $0x3  }
0x9c: {  	s11 =	simm.s32 @!p2 $0x0;
	s8 =	sadd.s32 @!p2 s5, s1  }
0x9d: {  	s3 =	sadd.s32 @!p2 $0x1, s3;
	s10 =	sor.u32 @!p2 $0x19000, s7;
	s8 =	sadd.s32 @!p2 $0xC3500, s8  }
0x9e: {  	[tilespmem:s10], [sflag:s3] =	stream.linear.gather @!p2 [hbm4b:s8+s11], $0x7D0, $0x38;
	[tilespmem:$0x1D900] =	vst v63  }
0x9f: {  	s7 =	sor.u32 @!p2 $0x1A000, s7;
	s1 =	sadd.s32 @!p2 s6, s1  }
0xa0: {  	[tilespmem:s7], [sflag:s3] =	stream.linear.gather @!p2 [hbm4b:s1+s11], $0x7D0, $0x38;
	[tilespmem:$0x1D900] =	vst v63  }
0xa1: {  	s1 =	simm.s32 $0x1  }
0xa2: {  	s1 =	simm.s32 @!p1 $0x0  }
0xa3: {  	s1 =	smul.u32 $0x1F40, s1;
	_ =	sdelay $0x1  }
0xa4: {  	s0 =	sadd.s32 $0x1, s0;
	s1 =	sshrl.u32 s1, $0x2  }
0xa5: {  	_ =	swait.ge [sflag:s0], $0x7D0;
	s23 =	sadd.s32 $0x19040, s1  }
0xa6: {  	[sflag:s0] =	ssyncset.done $0x0;
	s1 =	sor.u32 $0x1A000, s1;
	v1 =	vmov s23  }
0xa7: {  	[sflag:s0] =	ssyncadd.s32 $0xFFFFF830;
	v2 =	vmov s1  }
0xa8: {  	_ =	swait.ge [sflag:s0], $0x7D0  }
0xa9: {  	[sflag:s0] =	ssyncset.done $0x0  }
0xaa: {  	[sflag:s0] =	ssyncadd.s32 $0xFFFFF830;
	s1 =	simm.s32 $0x0;
	s0 =	simm.s32 $0x140  }
.LBB2_12:
0xab: {  	p2 =	seq.s32 s0, $0x1E00;
	v3 =	vld.idx.msk [tilespmem:v1+s1+$0xFFFFFFC0 ss:$0x1], $0xffff  }
0xac: {  	v4 =	vld.idx.msk [tilespmem:v2+s1+$0x0 ss:$0x1], $0xffff;
	_ =	sdelay $0x6  }
0xad: {  	[tilespmem:v3+s4+$0x0] =	vst.idx.add.f32.msk $0xffff, v4  }
0xae: {  	v3 =	vld.idx.msk [tilespmem:v1+s1+$0xFFFFFFD0 ss:$0x1], $0xffff;
	_ =	sdelay $0x1  }
0xaf: {  	v4 =	vld.idx.msk [tilespmem:v2+s1+$0x10 ss:$0x1], $0xffff;
	_ =	sdelay $0x5  }
0xb0: {  	[tilespmem:v3+s4+$0x0] =	vst.idx.add.f32.msk $0xffff, v4  }
0xb1: {  	v3 =	vld.idx.msk [tilespmem:v1+s1+$0xFFFFFFE0 ss:$0x1], $0xffff;
	_ =	sdelay $0x1  }
0xb2: {  	v4 =	vld.idx.msk [tilespmem:v2+s1+$0x20 ss:$0x1], $0xffff;
	_ =	sdelay $0x5  }
0xb3: {  	[tilespmem:v3+s4+$0x0] =	vst.idx.add.f32.msk $0xffff, v4  }
0xb4: {  	v3 =	vld.idx.msk [tilespmem:v1+s1+$0xFFFFFFF0 ss:$0x1], $0xffff;
	_ =	sdelay $0x1  }
0xb5: {  	v4 =	vld.idx.msk [tilespmem:v2+s1+$0x30 ss:$0x1], $0xffff;
	_ =	sdelay $0x5  }
0xb6: {  	[tilespmem:v3+s4+$0x0] =	vst.idx.add.f32.msk $0xffff, v4  }
0xb7: {  	v3 =	vld.idx.msk [tilespmem:v1+s1+$0x0 ss:$0x1], $0xffff  }
0xb8: {  	v4 =	vld.idx.msk [tilespmem:v2+s1+$0x40 ss:$0x1], $0xffff;
	_ =	sdelay $0x2  }
.Ltmp4:
0xb9: {  	(pc) =	sbr.rel @!p2 .LBB2_12-.Ltmp4, $2  }
0xba: {  	_ =	sdelay $0x2  }
0xbb: {  	s1 =	sshra.s32 s0, $0x2;
	s0 =	sadd.s32 $0x140, s0;
	[tilespmem:v3+s4+$0x0] =	vst.idx.add.f32.msk $0xffff, v4  }
0xbc: {  	_ =	sdelay $0x3  }
0xbd: {  	v3 =	vld.idx.msk [tilespmem:v1+s1+$0xFFFFFFC0 ss:$0x1], $0xffff;
	_ =	sdelay $0x2  }
0xbe: {  	v4 =	vld.idx.msk [tilespmem:v2+s1+$0x0 ss:$0x1], $0xffff;
	_ =	sdelay $0x4  }
0xbf: {  	[tilespmem:v3+s4+$0x0] =	vst.idx.add.f32.msk $0xffff, v4  }
0xc0: {  	v3 =	vld.idx.msk [tilespmem:v1+s1+$0xFFFFFFD0 ss:$0x1], $0xffff;
	_ =	sdelay $0x2  }
0xc1: {  	v4 =	vld.idx.msk [tilespmem:v2+s1+$0x10 ss:$0x1], $0xffff;
	_ =	sdelay $0x4  }
0xc2: {  	[tilespmem:v3+s4+$0x0] =	vst.idx.add.f32.msk $0xffff, v4  }
0xc3: {  	v3 =	vld.idx.msk [tilespmem:v1+s1+$0xFFFFFFE0 ss:$0x1], $0xffff;
	_ =	sdelay $0x2  }
0xc4: {  	v4 =	vld.idx.msk [tilespmem:v2+s1+$0x20 ss:$0x1], $0xffff;
	_ =	sdelay $0x4  }
0xc5: {  	[tilespmem:v3+s4+$0x0] =	vst.idx.add.f32.msk $0xffff, v4  }
0xc6: {  	v3 =	vld.idx.msk [tilespmem:v1+s1+$0xFFFFFFF0 ss:$0x1], $0xffff;
	_ =	sdelay $0x2  }
0xc7: {  	v4 =	vld.idx.msk [tilespmem:v2+s1+$0x30 ss:$0x1], $0xffff;
	_ =	sdelay $0x4  }
0xc8: {  	[tilespmem:v3+s4+$0x0] =	vst.idx.add.f32.msk $0xffff, v4  }
0xc9: {  	v1 =	vld.idx.msk [tilespmem:v1+s1+$0x0 ss:$0x1], $0xffff;
	_ =	sdelay $0x2  }
0xca: {  	v2 =	vld.idx.msk [tilespmem:v2+s1+$0x40 ss:$0x1], $0xffff;
	_ =	sdelay $0x4  }
0xcb: {  	[tilespmem:v1+s4+$0x0] =	vst.idx.add.f32.msk $0xffff, v2  }
0xcc: {  	p2 =	seq.s32 s31, $0x64  }
.Ltmp5:
0xcd: {  	_ = 	snop;
	(pc) =	sbr.rel @!p2 .LBB2_11-.Ltmp5, $2  }
0xce: {  	_ =	sdelay $0x2  }
0xcf: {  	p1 =	por !p1, !p1  }
0xd0: {  	s0 =	simm.s32 $0x0  }
0xd1: {  	[hbm4b:s17+s0] =	stream.linear.scatter [tilespmem:s0], [sflag:$0x6], $0x19000, $0x38;
	[tilespmem:$0x1D900] =	vst v63  }
0xd2: {  	_ =	swait.ge [sflag:s21], $0x19000  }
0xd3: {  	[sflag:s21] =	ssyncset.done $0x0  }
0xd4: {  	s1 =	simm.s32 $0x3200;
	[sflag:s21] =	ssyncadd.s32 $0xFFFE7000  }
0xd5: {  	s23 =	sadd.s32 $0x0, s20;
	s3 =	simm.s32 $0x1900;
	[bflag:$0x0] =	sbarrier.arrive $0xFFFF  }
.LBB2_15:
0xd6: {  	[tilespmem:s0], [sflag:$0x5] =	stream.linear.gather [hbm4b:s23+s4], $0x1900, $0x38;
	[tilespmem:$0x1D900] =	vst v63  }
0xd7: {  	s7 =	smov.u32 s1;
	s0 =	smov.u32 s3;
	p1 =	sne.s32 s1, $0x2EE00  }
.Ltmp6:
0xd8: {  	s1 =	sadd.s32 $0x3200, s1;
	(pc) =	sbr.rel @p1 .LBB2_15-.Ltmp6, $2  }
0xd9: {  	_ =	sdelay $0x2  }
0xda: {  	s3 =	sadd.s32 $0x1900, s3;
	s23 =	sadd.s32 s7, s20  }
0xdb: {  	[tilespmem:s0], [sflag:$0x5] =	stream.linear.gather [hbm4b:s23+s4], $0x1900, $0x38;
	[tilespmem:$0x1D900] =	vst v63  }
0xdc: {  	_ =	swait.ge [sflag:s29], $0x1900  }
0xdd: {  	[sflag:s29] =	ssyncset.done $0x0  }
0xde: {  	[sflag:s29] =	ssyncadd.s32 $0xFFFFE700  }
0xdf: {  	_ =	swait.ge [sflag:s29], $0x1900  }
0xe0: {  	[sflag:s29] =	ssyncset.done $0x0  }
0xe1: {  	[sflag:s29] =	ssyncadd.s32 $0xFFFFE700  }
0xe2: {  	_ =	swait.ge [sflag:s29], $0x1900  }
0xe3: {  	[sflag:s29] =	ssyncset.done $0x0  }
0xe4: {  	[sflag:s29] =	ssyncadd.s32 $0xFFFFE700  }
0xe5: {  	_ =	swait.ge [sflag:s29], $0x1900  }
0xe6: {  	[sflag:s29] =	ssyncset.done $0x0  }
0xe7: {  	[sflag:s29] =	ssyncadd.s32 $0xFFFFE700  }
0xe8: {  	_ =	swait.ge [sflag:s29], $0x1900  }
0xe9: {  	[sflag:s29] =	ssyncset.done $0x0  }
0xea: {  	[sflag:s29] =	ssyncadd.s32 $0xFFFFE700  }
0xeb: {  	_ =	swait.ge [sflag:s29], $0x1900  }
0xec: {  	[sflag:s29] =	ssyncset.done $0x0  }
0xed: {  	[sflag:s29] =	ssyncadd.s32 $0xFFFFE700  }
0xee: {  	_ =	swait.ge [sflag:s29], $0x1900  }
0xef: {  	[sflag:s29] =	ssyncset.done $0x0  }
0xf0: {  	[sflag:s29] =	ssyncadd.s32 $0xFFFFE700  }
0xf1: {  	_ =	swait.ge [sflag:s29], $0x1900  }
0xf2: {  	[sflag:s29] =	ssyncset.done $0x0  }
0xf3: {  	[sflag:s29] =	ssyncadd.s32 $0xFFFFE700  }
0xf4: {  	_ =	swait.ge [sflag:s29], $0x1900  }
0xf5: {  	[sflag:s29] =	ssyncset.done $0x0  }
0xf6: {  	[sflag:s29] =	ssyncadd.s32 $0xFFFFE700  }
0xf7: {  	_ =	swait.ge [sflag:s29], $0x1900  }
0xf8: {  	[sflag:s29] =	ssyncset.done $0x0  }
0xf9: {  	[sflag:s29] =	ssyncadd.s32 $0xFFFFE700  }
0xfa: {  	_ =	swait.ge [sflag:s29], $0x1900  }
0xfb: {  	[sflag:s29] =	ssyncset.done $0x0  }
0xfc: {  	[sflag:s29] =	ssyncadd.s32 $0xFFFFE700  }
0xfd: {  	_ =	swait.ge [sflag:s29], $0x1900  }
0xfe: {  	[sflag:s29] =	ssyncset.done $0x0  }
0xff: {  	[sflag:s29] =	ssyncadd.s32 $0xFFFFE700  }
0x100: {  	_ =	swait.ge [sflag:s29], $0x1900  }
0x101: {  	[sflag:s29] =	ssyncset.done $0x0  }
0x102: {  	[sflag:s29] =	ssyncadd.s32 $0xFFFFE700  }
0x103: {  	_ =	swait.ge [sflag:s29], $0x1900  }
0x104: {  	[sflag:s29] =	ssyncset.done $0x0  }
0x105: {  	[sflag:s29] =	ssyncadd.s32 $0xFFFFE700  }
0x106: {  	_ =	swait.ge [sflag:s29], $0x1900  }
0x107: {  	[sflag:s29] =	ssyncset.done $0x0  }
0x108: {  	[sflag:s29] =	ssyncadd.s32 $0xFFFFE700  }
0x109: {  	_ =	swait.ge [sflag:s29], $0x1900  }
0x10a: {  	s31 =	simm.s32 $0x0;
	[sflag:s29] =	ssyncset.done $0x0  }
0x10b: {  	s0 =	sand.u32 $0x1FF0, s31;
	[sflag:s29] =	ssyncadd.s32 $0xFFFFE700  }
0x10c: {  	v1 =	vld [tilespmem:s0+$0x1900]  }
0x10d: {  	v2 =	vld [tilespmem:s31+$0x0]  }
0x10e: {  	v3 =	vld [tilespmem:s0+$0x3200]  }
0x10f: {  	v4 =	vld [tilespmem:s0+$0x4B00]  }
0x110: {  	v5 =	vld [tilespmem:s0+$0x6400]  }
0x111: {  	v6 =	vld [tilespmem:s0+$0x7D00]  }
0x112: {  	v7 =	vld [tilespmem:s0+$0x9600]  }
0x113: {  	v8 =	vld [tilespmem:s0+$0xAF00]  }
0x114: {  	v9 =	vld [tilespmem:s0+$0xC800]  }
0x115: {  	v10 =	vld [tilespmem:s0+$0xE100]  }
0x116: {  	v11 =	vld [tilespmem:s0+$0xFA00]  }
0x117: {  	v12 =	vld [tilespmem:s0+$0x11300]  }
0x118: {  	v13 =	vld [tilespmem:s0+$0x12C00]  }
0x119: {  	v14 =	vld [tilespmem:s0+$0x14500]  }
0x11a: {  	s1 =	simm.s32 $0x10;
	v15 =	vld [tilespmem:s0+$0x15E00]  }
.LBB2_17:
0x11b: {  	p1 =	sne.s32 s1, $0x18F0;
	v16 =	vld [tilespmem:s0+$0x17700];
	_ =	sdelay $0x1  }
0x11c: {  	v1 =	vadd.f32 v1, v2;
	v2 =	vadd.f32 v4, v3  }
0x11d: {  	v3 =	vadd.f32 v6, v5;
	v4 =	vadd.f32 v8, v7  }
0x11e: {  	v5 =	vadd.f32 v10, v9;
	v6 =	vadd.f32 v12, v11  }
0x11f: {  	v7 =	vadd.f32 v14, v13;
	v8 =	vadd.f32 v16, v15  }
0x120: {  	v1 =	vadd.f32 v2, v1;
	v2 =	vadd.f32 v4, v3  }
0x121: {  	v3 =	vadd.f32 v6, v5;
	v4 =	vadd.f32 v8, v7;
	_ =	sdelay $0x1  }
0x122: {  	v1 =	vadd.f32 v2, v1;
	v2 =	vadd.f32 v4, v3;
	_ =	sdelay $0x1  }
0x123: {  	v1 =	vadd.f32 v2, v1;
	_ =	sdelay $0x1  }
0x124: {  	s0 =	sand.u32 $0x1FF0, s1;
	[tilespmem:s31+$0x0] =	vst v1  }
0x125: {  	s31 =	sadd.s32 $0x10, s31;
	v1 =	vld [tilespmem:s0+$0x1900]  }
0x126: {  	v2 =	vld [tilespmem:s31+$0x0]  }
0x127: {  	v3 =	vld [tilespmem:s0+$0x3200]  }
0x128: {  	v4 =	vld [tilespmem:s0+$0x4B00]  }
0x129: {  	v5 =	vld [tilespmem:s0+$0x6400]  }
0x12a: {  	v6 =	vld [tilespmem:s0+$0x7D00]  }
0x12b: {  	v7 =	vld [tilespmem:s0+$0x9600]  }
0x12c: {  	v8 =	vld [tilespmem:s0+$0xAF00]  }
0x12d: {  	v9 =	vld [tilespmem:s0+$0xC800]  }
0x12e: {  	v10 =	vld [tilespmem:s0+$0xE100]  }
.Ltmp7:
0x12f: {  	v11 =	vld [tilespmem:s0+$0xFA00];
	(pc) =	sbr.rel @p1 .LBB2_17-.Ltmp7, $4  }
0x130: {  	v12 =	vld [tilespmem:s0+$0x11300]  }
0x131: {  	v13 =	vld [tilespmem:s0+$0x12C00]  }
0x132: {  	v14 =	vld [tilespmem:s0+$0x14500]  }
0x133: {  	s1 =	sadd.s32 $0x10, s1;
	v15 =	vld [tilespmem:s0+$0x15E00]  }
0x134: {  	v16 =	vld [tilespmem:s0+$0x17700];
	_ =	sdelay $0x1  }
0x135: {  	v1 =	vadd.f32 v1, v2;
	v2 =	vadd.f32 v4, v3  }
0x136: {  	v3 =	vadd.f32 v6, v5;
	v58 =	vadd.f32 v8, v7  }
0x137: {  	v59 =	vadd.f32 v10, v9;
	v60 =	vadd.f32 v12, v11  }
0x138: {  	v61 =	vadd.f32 v14, v13;
	v62 =	vadd.f32 v16, v15  }
0x139: {  	v1 =	vadd.f32 v2, v1;
	v2 =	vadd.f32 v58, v3  }
0x13a: {  	v3 =	vadd.f32 v60, v59;
	v63 =	vadd.f32 v62, v61;
	_ =	sdelay $0x1  }
0x13b: {  	v1 =	vadd.f32 v2, v1;
	v2 =	vadd.f32 v63, v3;
	_ =	sdelay $0x1  }
0x13c: {  	s30 =	sadd.s32 $0x1, s30;
	v1 =	vadd.f32 v2, v1  }
0x13d: {  	p1 =	sne.s32 s30, s19  }
.Ltmp8:
0x13e: {  	[tilespmem:s31+$0x0] =	vst v1;
	(pc) =	sbr.rel @p1 .LBB2_1-.Ltmp8, $4  }
0x13f: {  	[hbm4b:s18+s4] =	stream.linear.scatter [tilespmem:s4], [sflag:$0x6], $0x1900, $0x38;
	[tilespmem:$0x1D900] =	vst v63  }
0x140: {  	_ =	swait.ge [sflag:s21], $0x1900  }
0x141: {  	[sflag:s21] =	ssyncset.done $0x0  }
0x142: {  	[sflag:s21] =	ssyncadd.s32 $0xFFFFE700  }
0x143: {  	_ =	sfence.sel $0x180000  }
0x144: {  	[bflag:$0x0] =	sbarrier.arrive $0xFFFF  }
0x145: {  	_ =	strace $0x90000050  }
0x146: {  	s0 =	stileid.u32;
	[bflag:$0x2] =	sbarrier.arrive $0xFFFF  }
0x147: {  	p0 =	sne.s32 s0, $0x0;
	s0 =	rddreg [dreg:$0x3]  }
0x148: {  	s0 =	sadd.s32 @!p0 $0x100000, s0  }
0x149: {  	[sflag:s0] =	ssyncadd.tile.s32 @!p0 $0x1;
	_ =	shalt  }
.Lfunc_end2:
_tile_overlayer_lowered:
.L_overlay_start_2:
0x14a: {  	(tag) =	ssettag $0x2  }
0x14b: {  	s0 =	rddreg [dreg:$0x0];
	s2 =	stileid.u32  }
0x14c: {  	s1 =	rddreg [dreg:$0x1];
	p0 =	sne.s32 s2, $0x0  }
0x14d: {  	s3 =	rddreg [dreg:$0x2];
	[bflag:$0x3] =	sbarrier.arrive $0xFFFF;
	s2 =	simm.s32 @!p0 $0x1C06  }
0x14e: {  	[timem:s3], [sflag:s2] =	dma.local @!p0 [hbm:s0], s1  }
0x14f: {  	s0 =	simm.s32 @!p0 $0x6  }
0x150: {  	_ =	swait.ge @!p0 [sflag:s0], s1  }
0x151: {  	s1 =	ssub.s32 @!p0 $0x0, s1;
	[sflag:s0] =	ssyncset.done @!p0 $0x0  }
0x152: {  	[sflag:s0] =	ssyncadd.s32 @!p0 s1  }
0x153: {  	[bflag:$0x3] =	sbarrier.arrive $0xFFFF  }
0x154: {  	_ =	shalt  }

// kernel: kernel.16.cloned.1.call-start
scs
__scs_entry_jumppad:
0x0: {  	(pc) =	sbr.rel $0x88, $3  }
0x1: {  	(tag) =	ssettag $0x0;
	lr =	simm.s32 $0x1  }
0x2: {  	[smem:$0x3F95] =	sst lr;
	_ =	strace $0xD0000000  }
0x3: {  	_ = 	snop  }
0x4: {  	_ = 	snop  }
0x5: {  	_ = 	snop  }
0x6: {  	_ = 	snop  }
0x7: {  	_ = 	snop  }
__scs_overlays_trampoline_lowered:
0x8: {  	[smem:$0x3FA4] =	sst s0  }
0x9: {  	[smem:$0x3FA5] =	sst s1  }
0xa: {  	[smem:$0x3FA6] =	sst s2  }
0xb: {  	[smem:$0x3FA7] =	sst s3  }
0xc: {  	[smem:$0x3FA8] =	sst s4  }
0xd: {  	[smem:$0x3FA9] =	sst s5  }
0xe: {  	[smem:$0x3FAA] =	sst s6  }
0xf: {  	[smem:$0x3FAB] =	sst s7  }
0x10: {  	[smem:$0x3FAC] =	sst s8  }
0x11: {  	[smem:$0x3FAD] =	sst s9;
	s0 =	simm.s32 @!p0 $0x0  }
0x12: {  	s1 =	sld [smem:$0x3F93];
	s0 =	simm.s32 @p0 $0x1  }
0x13: {  	[smem:$0x3FAE] =	sst s0;
	s0 =	simm.s32 @!p1 $0x0  }
0x14: {  	s2 =	sld [smem:$0x3F92];
	s0 =	simm.s32 @p1 $0x1  }
0x15: {  	[smem:$0x3FAF] =	sst s0;
	s0 =	simm.s32 @!p2 $0x0  }
0x16: {  	s3 =	sld [smem:$0x3FDB];
	s0 =	simm.s32 @p2 $0x1  }
0x17: {  	s4 =	simm.s32 $0x1BF5;
	[smem:$0x3FB1] =	sst s0  }
0x18: {  	s0 =	sld [smem:$0x3F94];
	_ =	swait.ge [sflag:s4], $0x0  }
0x19: {  	s7 =	sld [smem:$0x3F95]  }
0x1a: {  	s8 =	sadd.s32 $0xFFFFE003, lr  }
0x1b: {  	s9 =	sadd.s32 $0xFFFFFEF7, lr;
	s5 =	simm.s32 $0xFFFFFFFF;
	p2 =	slt.u32 s8, $0xFFFFF086  }
0x1c: {  	p1 =	slt.u32 s9, $0xF7A;
	s5 =	simm.s32 @!p2 $0x0  }
0x1d: {  	s5 =	simm.s32 @p1 $0x1;
	p0 =	seq.s32 s7, s2  }
0x1e: {  	s7 =	smul.u32 @!p0 $0xF7A, s2;
	p2 =	seq.s32 @!p0 s5, $0x0  }
0x1f: {  	s9 =	smul.u32 $0xF7A, s1;
	s8 =	simm.s32 @!p0 $0x1BF5;
	p2 =	por !p2, p0  }
0x20: {  	[sflag:s8] =	ssyncset.s32 @!p0 $0xFFFFF086;
	s6 =	sadd.s32 @!p0 s3, s7;
	s7 =	simm.s32 @!p0 $0x108  }
0x21: {  	s3 =	sadd.s32 s3, s9;
	s6 =	sadd.s32 @!p0 $0x88, s6;
	s7 =	simm.s32 @p2 $0x1082  }
0x22: {  	[simem:s7], [sflag:s8] =	dma.local @!p0 [hbm:s6], $0xF7A  }
0x23: {  	s9 =	sor.u32 $0xD0000000, s2;
	s6 =	simm.s32 $0x108;
	_ =	swait.ge @!p0 [sflag:s8], $0x0  }
0x24: {  	s3 =	sadd.s32 $0x88, s3;
	s6 =	simm.s32 @!p1 $0x1082;
	[sflag:s4] =	ssyncset.s32 $0xFFFFF086  }
0x25: {  	[simem:s6], [sflag:s4] =	dma.local [hbm:s3], $0xF7A  }
0x26: {  	[smem:$0x3F95] =	sst s1;
	(tag) =	ssettag s2;
	_ =	strace s9  }
0x27: {  	s1 =	sld [smem:$0x3FA5]  }
0x28: {  	s2 =	sld [smem:$0x3FA6]  }
0x29: {  	s4 =	sld [smem:$0x3FA8]  }
0x2a: {  	p0 =	seq.s32 s5, $0x0;
	s5 =	sld [smem:$0x3FA9]  }
0x2b: {  	s6 =	sld [smem:$0x3FAA]  }
0x2c: {  	s7 =	sld [smem:$0x3FAB]  }
0x2d: {  	s3 =	simm.s32 $0x108;
	s8 =	sld [smem:$0x3FAC]  }
0x2e: {  	s3 =	simm.s32 @!p0 $0x1082;
	s9 =	sld [smem:$0x3FAD]  }
0x2f: {  	lr =	sadd.s32 s0, s3;
	s0 =	sld [smem:$0x3FA4]  }
0x30: {  	s3 =	sld [smem:$0x3FA7]  }
0x31: {  	[smem:$0x3FB0] =	sst s10  }
0x32: {  	s10 =	sld [smem:$0x3FAE];
	_ =	sdelay $0x3  }
0x33: {  	p0 =	seq.s32 s10, $0x1;
	s10 =	sld [smem:$0x3FB0];
	_ =	sdelay $0x3  }
0x34: {  	[smem:$0x3FB0] =	sst s10  }
0x35: {  	s10 =	sld [smem:$0x3FAF];
	_ =	sdelay $0x3  }
0x36: {  	p1 =	seq.s32 s10, $0x1;
	s10 =	sld [smem:$0x3FB0];
	_ =	sdelay $0x3  }
0x37: {  	[smem:$0x3FB0] =	sst s10  }
0x38: {  	s10 =	sld [smem:$0x3FB1]  }
0x39: {  	_ = 	snop;
	(pc) =	sbr.ind lr, $3  }
0x3a: {  	_ = 	snop  }
0x3b: {  	_ = 	snop  }
0x3c: {  	p2 =	seq.s32 s10, $0x1;
	s10 =	sld [smem:$0x3FB0]  }
0x3d: {  	_ =	shalt  }
0x3e: {  	_ =	shalt  }
0x3f: {  	_ =	shalt  }
0x40: {  	_ =	shalt  }
0x41: {  	_ =	shalt  }
0x42: {  	_ =	shalt  }
0x43: {  	_ =	shalt  }
0x44: {  	_ =	shalt  }
0x45: {  	_ =	shalt  }
0x46: {  	_ =	shalt  }
0x47: {  	_ =	shalt  }
0x48: {  	_ =	shalt  }
0x49: {  	_ =	shalt  }
0x4a: {  	_ =	shalt  }
0x4b: {  	_ =	shalt  }
0x4c: {  	_ =	shalt  }
0x4d: {  	_ =	shalt  }
0x4e: {  	_ =	shalt  }
0x4f: {  	_ =	shalt  }
0x50: {  	_ =	shalt  }
0x51: {  	_ =	shalt  }
0x52: {  	_ =	shalt  }
0x53: {  	_ =	shalt  }
0x54: {  	_ =	shalt  }
0x55: {  	_ =	shalt  }
0x56: {  	_ =	shalt  }
0x57: {  	_ =	shalt  }
0x58: {  	_ =	shalt  }
0x59: {  	_ =	shalt  }
0x5a: {  	_ =	shalt  }
0x5b: {  	_ =	shalt  }
0x5c: {  	_ =	shalt  }
0x5d: {  	_ =	shalt  }
0x5e: {  	_ =	shalt  }
0x5f: {  	_ =	shalt  }
0x60: {  	_ =	shalt  }
0x61: {  	_ =	shalt  }
0x62: {  	_ =	shalt  }
0x63: {  	_ =	shalt  }
0x64: {  	_ =	shalt  }
0x65: {  	_ =	shalt  }
0x66: {  	_ =	shalt  }
0x67: {  	_ =	shalt  }
0x68: {  	_ =	shalt  }
0x69: {  	_ =	shalt  }
0x6a: {  	_ =	shalt  }
0x6b: {  	_ =	shalt  }
0x6c: {  	_ =	shalt  }
0x6d: {  	_ =	shalt  }
0x6e: {  	_ =	shalt  }
0x6f: {  	_ =	shalt  }
0x70: {  	_ =	shalt  }
0x71: {  	_ =	shalt  }
0x72: {  	_ =	shalt  }
0x73: {  	_ =	shalt  }
0x74: {  	_ =	shalt  }
0x75: {  	_ =	shalt  }
0x76: {  	_ =	shalt  }
0x77: {  	_ =	shalt  }
0x78: {  	_ =	shalt  }
0x79: {  	_ =	shalt  }
0x7a: {  	_ =	shalt  }
0x7b: {  	_ =	shalt  }
0x7c: {  	_ =	shalt  }
0x7d: {  	_ =	shalt  }
0x7e: {  	_ =	shalt  }
0x7f: {  	_ =	shalt  }
0x80: {  	_ =	shalt  }
0x81: {  	_ =	shalt  }
0x82: {  	_ =	shalt  }
0x83: {  	_ =	shalt  }
0x84: {  	_ =	shalt  }
0x85: {  	_ =	shalt  }
0x86: {  	_ =	shalt  }
0x87: {  	_ =	shalt  }
.Lfunc_end0:
.L_simem_size_0:
called_computation.4_lowered:
.L_overlay_start_0:
0x88: {  	s2 =	sld [smem:$0x3FD9]  }
0x89: {  	s3 =	sld [smem:$0x3FFE];
	_ =	sdelay $0x1  }
0x8a: {  	s1 =	srdreg.scid  }
0x8b: {  	s0 =	sand.u32 $0x1, s1  }
0x8c: {  	s17 =	sshll.u32 s0, $0xA;
	s2 =	sadd.s32 s3, s2  }
0x8d: {  	s2 =	sadd.s32 s2, s17  }
0x8e: {  	[smem:$0x3FBC] =	sst s2  }
0x8f: {  	_ = 	snop  }
0x90: {  	s2 =	sld [smem:$0x3FC7];
	(tm) =	ssettm $0x1  }
0x91: {  	s18 =	sld [smem:$0x3FFB];
	_ =	sdelay $0x3  }
0x92: {  	_ =	strace s18  }
0x93: {  	s3 =	sld [smem:$0x3FFC];
	_ =	sdelay $0x3  }
0x94: {  	_ =	strace s3  }
0x95: {  	s3 =	sld [smem:$0x3FFD];
	_ =	sdelay $0x3  }
0x96: {  	_ =	strace s3  }
0x97: {  	_ =	strace $0x8FFFFFFF  }
0x98: {  	s19 =	sld [smem:$0x3FDB];
	_ =	sdelay $0x1  }
0x99: {  	s4 =	simm.s32 $_scs_section_size  }
0x9a: {  	s5 =	simm.s32 $_size__tile_overlayer_lowered;
	s6 =	simm.s32 $_tile_overlayer_lowered  }
0x9b: {  	s22 =	simm.s32 $0x1BFF;
	s21 =	sshll.u32 s6, $0x1;
	s3 =	sadd.s32 s4, s19  }
0x9c: {  	s7 =	simm.s32 $0x0;
	s20 =	sshll.u32 s5, $0x1;
	s5 =	sadd.s32 s21, s3  }
0x9d: {  	[timem:s7], [sflag:s22] =	dma.local [hbm:s5], s20  }
0x9e: {  	_ =	swait.ge [sflag:s22], s20  }
0x9f: {  	s4 =	ssub.s32 $0x0, s20;
	[sflag:s22] =	ssyncset.done $0x0  }
0xa0: {  	[sflag:s22] =	ssyncadd.s32 s4;
	_ =	sdelay $0x1  }
0xa1: {  	s23 =	simm.s32 $0x1B8B  }
0xa2: {  	_ =	swait.ge [sflag:s23], $0x1  }
0xa3: {  	[sflag:s23] =	ssyncset.done $0x0  }
0xa4: {  	s25 =	simm.s32 $0x1B8E;
	s24 =	sld [smem:$0x3FFE];
	[sflag:s23] =	ssyncadd.s32 $0xFFFFFFFF  }
0xa5: {  	s26 =	simm.s32 $execute0_lowered;
	[smem:$0x3FD2] =	sst s25  }
0xa6: {  	s5 =	sshll.u32 s26, $0x1;
	_ =	strace $0x80000052;
	[dreg:$0x1] =	wrdreg $0xFFFFFFFF  }
0xa7: {  	s28 =	simm.s32 $_size_execute0_lowered;
	s3 =	sadd.s32 s3, s5;
	[dreg:$0x0] =	wrdreg $0x0  }
0xa8: {  	s5 =	sshll.u32 s28, $0x1;
	[dreg:$0x2] =	wrdreg s3  }
0xa9: {  	[dreg:$0x3] =	wrdreg s5  }
0xaa: {  	[dreg:$0x4] =	wrdreg $0xC0  }
0xab: {  	_ =	task [dreg:s7], $0x5FFFF  }
0xac: {  	[dreg:$0x1] =	wrdreg $0xFFFFFFFF  }
0xad: {  	[dreg:$0x0] =	wrdreg $0x60  }
0xae: {  	[dreg:$0x2] =	wrdreg s24  }
0xaf: {  	[dreg:$0x3] =	wrdreg s2  }
0xb0: {  	[dreg:$0x4] =	wrdreg $0x1C0000  }
0xb1: {  	[dreg:$0x5] =	wrdreg $0x9  }
0xb2: {  	_ =	task.clear_ibuf [dreg:s7], $0x6FFFF;
	_ =	strace $0x90000052  }
0xb3: {  	s29 =	simm.s32 $0x9;
	_ =	strace $0x80000054  }
0xb4: {  	_ =	swait.ge [sflag:s29], $0x1  }
0xb5: {  	[sflag:s29] =	ssyncadd.s32 $0xFFFFFFFF  }
0xb6: {  	_ =	strace $0x90000054  }
0xb7: {  	_ =	sfence  }
0xb8: {  	s30 =	sld [smem:$0x0];
	_ =	sdelay $0x2  }
0xb9: {  	s31 =	sshll.u32 s1, $0xD;
	s1 =	sshrl.u32 s1, $0x2  }
0xba: {  	s3 =	sand.u32 $0x4000, s31;
	s1 =	sadd.s32 s1, s30  }
0xbb: {  	s0 =	sor.u32 s3, s0;
	s1 =	sshll.u32 s1, $0x11  }
0xbc: {  	s0 =	sor.u32 s1, s0  }
0xbd: {  	s0 =	sadd.s32 $0x8F2B, s0  }
0xbe: {  	[sflag:s0] =	ssyncadd.remote.s32 $0x1  }
0xbf: {  	_ =	sfence.sel $0xFFFF  }
0xc0: {  	[dreg:$0x0] =	wrdreg $0xFFFFFFFF;
	(pc) =	sbr.abs _section_cstart, $3  }
0xc1: {  	[dreg:$0x1] =	wrdreg $0xFFFFFFFF  }
0xc2: {  	_ =	task.clear_ibuf [dreg:s7], $0x2FFFF;
	_ =	strace $0x9FFFFFFF  }
0xc3: {  	(tm) =	ssettm $0x7FFFFFFF  }
tec
execute0_lowered:
.L_overlay_start_1:
0x0: {  	(tag) =	ssettag $0x1  }
0x1: {  	s0 =	rddreg [dreg:$0x0]  }
0x2: {  	s1 =	srdreg.scid;
	s2 =	rddreg [dreg:$0x1]  }
0x3: {  	s8 =	stileid.u32;
	s13 =	rddreg [dreg:$0x2]  }
0x4: {  	s4 =	simm.s32 $0x0;
	s21 =	simm.s32 $0x6;
	s22 =	simm.s32 $0x1900  }
0x5: {  	s28 =	simm.s32 $0x4;
	s29 =	simm.s32 $0x5;
	s30 =	simm.s32 $0x0  }
0x6: {  	s1 =	sand.u32 $0x1, s1;
	s3 =	smul.u32 $0x1900, s8;
	[smem:$0x7FF] =	sst s4  }
0x7: {  	s5 =	smul.u32 $0x19000, s1;
	_ =	strace $0x80000053;
	s23 =	sshll.u32 s1, $0x4  }
0x8: {  	s10 =	ssub.s32 $0x2, s1;
	s17 =	smul.u32 $0x190000, s1;
	p0 =	sne.s32 s1, $0x0  }
0x9: {  	s7 =	sshrl.u32 s3, $0x3;
	s15 =	sor.u32 s8, s23;
	s12 =	sshrl.u32 s10, $0x1  }
0xa: {  	s5 =	sadd.s32 s3, s5;
	s11 =	sadd.s32 s7, s0;
	s9 =	smul.u32 $0x30D40, s15  }
0xb: {  	s19 =	ssub.s32 s10, s12;
	s12 =	sadd.s32 s3, s13;
	s20 =	smul.u32 $0x3200, s15  }
0xc: {  	s6 =	sshrl.u32 s5, $0x3;
	s5 =	sadd.s32 $0x3E00, s0;
	s24 =	sadd.s32 $0x2C7C00, s11  }
0xd: {  	s3 =	sadd.s32 s3, s17;
	s25 =	sadd.s32 $0x2CAE00, s11;
	s26 =	sadd.s32 $0x18A800, s11  }
0xe: {  	s31 =	sadd.s32 $0x2C1800, s11;
	s3 =	sshrl.u32 s3, $0x3;
	[dreg:$0x4] =	wrdreg s24  }
0xf: {  	s19 =	smax.u32 s19, $0x1;
	s18 =	sadd.s32 s6, s0;
	[dreg:$0x5] =	wrdreg s25  }
0x10: {  	s6 =	sadd.s32 $0x1F7E00, s0;
	s0 =	sadd.s32 $0x18DA00, s0;
	[dreg:$0x6] =	wrdreg s26  }
0x11: {  	[dreg:$0x7] =	wrdreg s31;
	s16 =	sshrl.u32 s9, $0x3;
	s24 =	simm.s32 $0x19000  }
0x12: {  	s25 =	simm.s32 $0x1A000;
	s26 =	simm.s32 $0x3;
	s13 =	sadd.s32 s5, s16  }
0x13: {  	s14 =	sadd.s32 s2, s16;
	s16 =	sadd.s32 s6, s16;
	s17 =	sadd.s32 s0, s20  }
0x14: {  	v0 =	vimm.f32 $0.0e+00;
	s18 =	sadd.s32 $0x2BB400, s18;
	s20 =	sadd.s32 s3, s0;
	s15 =	sadd.s32 $0xC3500, s13  }
.LBB2_1:
0x15: {  	s0 =	rddreg [dreg:$0x4]  }
0x16: {  	[tilespmem:s4], [sflag:$0x6] =	stream.linear.gather [hbm4b:s0+s4], $0x1900, $0x38;
	[tilespmem:$0x1D900] =	vst v63  }
0x17: {  	_ =	swait.ge [sflag:s21], $0x1900  }
0x18: {  	[sflag:s21] =	ssyncset.done $0x0  }
0x19: {  	s23 =	rddreg [dreg:$0x5];
	[sflag:s21] =	ssyncadd.s32 $0xFFFFE700  }
0x1a: {  	[tilespmem:s22], [sflag:$0x6] =	stream.linear.gather [hbm4b:s23+s4], $0x1900, $0x38;
	[tilespmem:$0x1D900] =	vst v63  }
0x1b: {  	_ =	swait.ge [sflag:s21], $0x1900  }
0x1c: {  	[sflag:s21] =	ssyncset.done $0x0  }
0x1d: {  	s1 =	simm.s32 $0x3200;
	s31 =	rddreg [dreg:$0x6];
	[sflag:s21] =	ssyncadd.s32 $0xFFFFE700  }
0x1e: {  	[tilespmem:s1], [sflag:$0x6] =	stream.linear.gather [hbm4b:s31+s4], $0x1900, $0x38;
	[tilespmem:$0x1D900] =	vst v63  }
0x1f: {  	_ =	swait.ge [sflag:s21], $0x1900  }
0x20: {  	[sflag:s21] =	ssyncset.done $0x0  }
0x21: {  	[sflag:s21] =	ssyncadd.s32 $0xFFFFE700  }
0x22: {  	s0 =	sand.u32 $0x1FF0, s4;
	v1 =	vld [tilespmem:s4+$0x0]  }
0x23: {  	v2 =	vld [tilespmem:s0+$0x1900];
	_ =	sdelay $0x1  }
0x24: {  	v3 =	vld [tilespmem:s0+$0x3200];
	_ =	sdelay $0x2  }
0x25: {  	v1 =	vadd.f32 v2, v1;
	_ =	sdelay $0x1  }
0x26: {  	v1 =	vmul.f32 v1, v3;
	_ =	sdelay $0x1  }
0x27: {  	s3 =	simm.s32 $0x0;
	s1 =	simm.s32 $0x10;
	[tilespmem:s4+$0x0] =	vst v1;
	v1 =	vmul.f32 v1, v3  }
.LBB2_2:
0x28: {  	p1 =	sne.s32 s1, $0x18F0  }
0x29: {  	s3 =	sadd.s32 $0x10, s3;
	[tilespmem:s0+$0x1900] =	vst v1;
	s0 =	smov.u32 s1;
	s1 =	sadd.s32 $0x10, s1  }
0x2a: {  	s0 =	sand.u32 $0x1FF0, s0;
	v1 =	vld [tilespmem:s3+$0x0]  }
0x2b: {  	v2 =	vld [tilespmem:s0+$0x1900];
	_ =	sdelay $0x1  }
0x2c: {  	v3 =	vld [tilespmem:s0+$0x3200];
	_ =	sdelay $0x2  }
.Ltmp0:
0x2d: {  	v1 =	vadd.f32 v2, v1;
	(pc) =	sbr.rel @p1 .LBB2_2-.Ltmp0, $3  }
0x2e: {  	_ = 	snop  }
0x2f: {  	v1 =	vmul.f32 v1, v3;
	_ =	sdelay $0x1  }
0x30: {  	[tilespmem:s3+$0x0] =	vst v1;
	v1 =	vmul.f32 v1, v3  }
0x31: {  	_ = 	snop  }
0x32: {  	s1 =	rddreg [dreg:$0x7];
	[tilespmem:s0+$0x1900] =	vst v1;
	s0 =	simm.s32 @!p0 $0x0  }
0x33: {  	[hbm4b:s1+s0] =	stream.linear.scatter @!p0 [tilespmem:s0], [sflag:$0x6], $0x1900, $0x38;
	[tilespmem:$0x1D900] =	vst v63  }
0x34: {  	s0 =	simm.s32 @!p0 $0x6  }
0x35: {  	_ =	swait.ge @!p0 [sflag:s0], $0x1900  }
0x36: {  	[sflag:s0] =	ssyncset.done @!p0 $0x0  }
0x37: {  	[sflag:s0] =	ssyncadd.s32 @!p0 $0xFFFFE700  }
0x38: {  	[spmem:s12] =	stream.linear.scatter [tilespmem:s22], [sflag:$0x6], $0x1900, $0x38;
	[tilespmem:$0x1D900] =	vst v63  }
0x39: {  	_ =	swait.ge [sflag:s21], $0x1900  }
0x3a: {  	[sflag:s21] =	ssyncset.done $0x0  }
0x3b: {  	[sflag:s21] =	ssyncadd.s32 $0xFFFFE700  }
0x3c: {  	[bflag:$0x0] =	sbarrier.arrive $0xFFFF  }
0x3d: {  	s31 =	simm.s32 $0x0;
	s23 =	rddreg [dreg:$0x2]  }
0x3e: {  	[tilespmem:s31], [sflag:$0x6] =	stream.linear.gather [spmem:s23], $0x19000, $0x38;
	[tilespmem:$0x1D900] =	vst v63  }
0x3f: {  	_ =	swait.ge [sflag:s21], $0x19000  }
0x40: {  	[sflag:s21] =	ssyncset.done $0x0  }
0x41: {  	[sflag:s21] =	ssyncadd.s32 $0xFFFE7000  }
0x42: {  	[bflag:$0x0] =	sbarrier.arrive $0xFFFF  }
0x43: {  	[tilespmem:s24], [sflag:$0x1] =	stream.linear.gather [hbm4b:s13+s31], $0x7D0, $0x38;
	[tilespmem:$0x1D900] =	vst v63  }
0x44: {  	p1 =	por $0x0, $0x0  }
0x45: {  	[tilespmem:s25], [sflag:$0x1] =	stream.linear.gather [hbm4b:s14+s31], $0x7D0, $0x38;
	[tilespmem:$0x1D900] =	vst v63  }
.LBB2_4:
0x46: {  	s0 =	smov.u32 s31  }
0x47: {  	s31 =	sadd.s32 $0x1, s31;
	p2 =	seq.s32 s0, $0x63  }
0x48: {  	s1 =	sand.u32 $0x1, s0;
	s3 =	smul.u32 @!p2 $0x7D0, s31  }
0x49: {  	s23 =	sxor.u32 @!p2 $0x1, s1  }
0x4a: {  	s7 =	smul.u32 @!p2 $0x7D0, s23;
	s3 =	sadd.s32 @!p2 s9, s3  }
0x4b: {  	s11 =	simm.s32 @!p2 $0x0;
	s3 =	sshrl.u32 @!p2 s3, $0x3  }
0x4c: {  	s23 =	sadd.s32 @!p2 $0x1, s23;
	s8 =	sor.u32 @!p2 $0x19000, s7;
	s10 =	sadd.s32 @!p2 s5, s3  }
0x4d: {  	[tilespmem:s8], [sflag:s23] =	stream.linear.gather @!p2 [hbm4b:s10+s11], $0x7D0, $0x38;
	[tilespmem:$0x1D900] =	vst v63  }
0x4e: {  	s7 =	sor.u32 @!p2 $0x1A000, s7;
	s3 =	sadd.s32 @!p2 s2, s3  }
0x4f: {  	[tilespmem:s7], [sflag:s23] =	stream.linear.gather @!p2 [hbm4b:s3+s11], $0x7D0, $0x38;
	[tilespmem:$0x1D900] =	vst v63  }
0x50: {  	s10 =	sadd.s32 $0x1, s1;
	s7 =	simm.s32 $0x1  }
0x51: {  	_ =	swait.ge [sflag:s10], $0x7D0;
	s7 =	simm.s32 @!p1 $0x0  }
0x52: {  	[sflag:s10] =	ssyncset.done $0x0;
	s7 =	smul.u32 $0x1F40, s7  }
0x53: {  	[sflag:s10] =	ssyncadd.s32 $0xFFFFF830  }
0x54: {  	p2 =	slt.u32 s0, $0x2;
	_ =	swait.ge [sflag:s10], $0x7D0;
	s7 =	sshrl.u32 s7, $0x2  }
0x55: {  	s0 =	smul.u32 $0x7D0, s0;
	[sflag:s10] =	ssyncset.done $0x0;
	s11 =	sadd.s32 $0x19040, s7  }
0x56: {  	s8 =	sadd.s32 @!p2 $0x3, s1;
	[sflag:s10] =	ssyncadd.s32 $0xFFFFF830;
	v1 =	vmov s11  }
0x57: {  	s3 =	sadd.s32 s9, s0;
	_ =	swait.ge @!p2 [sflag:s8], $0x7D0  }
0x58: {  	s23 =	sor.u32 $0x1A000, s7;
	s7 =	sor.u32 $0x1B000, s7;
	[sflag:s8] =	ssyncset.done @!p2 $0x0  }
0x59: {  	s0 =	smul.u32 $0x7D0, s1;
	v2 =	vmov s23;
	v3 =	vmov s7;
	s23 =	simm.s32 $0x0;
	[sflag:s8] =	ssyncadd.s32 @!p2 $0xFFFFF830  }
.LBB2_5:
0x5a: {  	s7 =	sshra.s32 s23, $0x2  }
0x5b: {  	v4 =	vld.idx.msk [tilespmem:v1+s7+$0xFFFFFFC0 ss:$0x1], $0xffff;
	_ =	sdelay $0x6  }
0x5c: {  	v5 =	vld.idx.msk [tilespmem:v2+s7+$0x0 ss:$0x1], $0xffff  }
0x5d: {  	v4 =	vld.idx.msk [tilespmem:v4+s4+$0x0], $0xffff;
	_ =	sdelay $0x4  }
0x5e: {  	v4 =	vmul.f32 v5, v4;
	_ =	sdelay $0x1  }
0x5f: {  	[tilespmem:v3+s7+$0x0 ss:$0x1] =	vst.idx.msk $0xffff, v4  }
0x60: {  	v4 =	vld.idx.msk [tilespmem:v1+s7+$0xFFFFFFD0 ss:$0x1], $0xffff;
	_ =	sdelay $0x6  }
0x61: {  	v5 =	vld.idx.msk [tilespmem:v2+s7+$0x10 ss:$0x1], $0xffff  }
0x62: {  	v4 =	vld.idx.msk [tilespmem:v4+s4+$0x0], $0xffff;
	_ =	sdelay $0x4  }
0x63: {  	v4 =	vmul.f32 v5, v4;
	_ =	sdelay $0x1  }
0x64: {  	[tilespmem:v3+s7+$0x10 ss:$0x1] =	vst.idx.msk $0xffff, v4  }
0x65: {  	v4 =	vld.idx.msk [tilespmem:v1+s7+$0xFFFFFFE0 ss:$0x1], $0xffff;
	_ =	sdelay $0x6  }
0x66: {  	v5 =	vld.idx.msk [tilespmem:v2+s7+$0x20 ss:$0x1], $0xffff  }
0x67: {  	v4 =	vld.idx.msk [tilespmem:v4+s4+$0x0], $0xffff;
	_ =	sdelay $0x4  }
0x68: {  	v4 =	vmul.f32 v5, v4;
	_ =	sdelay $0x1  }
0x69: {  	[tilespmem:v3+s7+$0x20 ss:$0x1] =	vst.idx.msk $0xffff, v4  }
0x6a: {  	v4 =	vld.idx.msk [tilespmem:v1+s7+$0xFFFFFFF0 ss:$0x1], $0xffff;
	_ =	sdelay $0x6  }
0x6b: {  	v5 =	vld.idx.msk [tilespmem:v2+s7+$0x30 ss:$0x1], $0xffff  }
0x6c: {  	v4 =	vld.idx.msk [tilespmem:v4+s4+$0x0], $0xffff;
	_ =	sdelay $0x4  }
0x6d: {  	v4 =	vmul.f32 v5, v4;
	_ =	sdelay $0x1  }
0x6e: {  	[tilespmem:v3+s7+$0x30 ss:$0x1] =	vst.idx.msk $0xffff, v4  }
0x6f: {  	v4 =	vld.idx.msk [tilespmem:v1+s7+$0x0 ss:$0x1], $0xffff;
	_ =	sdelay $0x6  }
0x70: {  	v5 =	vld.idx.msk [tilespmem:v2+s7+$0x40 ss:$0x1], $0xffff  }
0x71: {  	v4 =	vld.idx.msk [tilespmem:v4+s4+$0x0], $0xffff;
	_ =	sdelay $0x1  }
0x72: {  	p2 =	sne.s32 s23, $0x1E00  }
.Ltmp1:
0x73: {  	_ = 	snop;
	(pc) =	sbr.rel @p2 .LBB2_5-.Ltmp1, $3  }
0x74: {  	_ = 	snop  }
0x75: {  	v4 =	vmul.f32 v5, v4;
	_ =	sdelay $0x1  }
0x76: {  	s23 =	sadd.s32 $0x140, s23;
	[tilespmem:v3+s7+$0x40 ss:$0x1] =	vst.idx.msk $0xffff, v4  }
0x77: {  	p2 =	sne.s32 s31, $0x64  }
.Ltmp2:
0x78: {  	_ = 	snop;
	(pc) =	sbr.rel @p2 .LBB2_4-.Ltmp2, $4  }
0x79: {  	_ = 	snop  }
0x7a: {  	s3 =	sshrl.u32 s3, $0x3;
	s1 =	sadd.s32 $0x3, s1  }
0x7b: {  	s0 =	sor.u32 $0x1B000, s0;
	p1 =	por !p1, !p1;
	s3 =	sadd.s32 s6, s3  }
0x7c: {  	[hbm4b:s3+s4] =	stream.linear.scatter [tilespmem:s0], [sflag:s1], $0x7D0, $0x38;
	[tilespmem:$0x1D900] =	vst v63  }
0x7d: {  	_ =	swait.ge [sflag:s26], $0x7D0  }
0x7e: {  	[sflag:s26] =	ssyncset.done $0x0  }
0x7f: {  	[sflag:s26] =	ssyncadd.s32 $0xFFFFF830  }
0x80: {  	_ =	swait.ge [sflag:s28], $0x7D0  }
0x81: {  	[sflag:s28] =	ssyncset.done $0x0  }
0x82: {  	s0 =	simm.s32 $0x0;
	s1 =	simm.s32 $0x200;
	[sflag:s28] =	ssyncadd.s32 $0xFFFFF830  }
.LBB2_8:
0x83: {  	p1 =	sne.s32 s1, $0x63E00;
	[tilespmem:s0+$0x70] =	vst v0  }
0x84: {  	[tilespmem:s0+$0x0] =	vst v0  }
0x85: {  	[tilespmem:s0+$0x10] =	vst v0  }
.Ltmp3:
0x86: {  	[tilespmem:s0+$0x20] =	vst v0;
	(pc) =	sbr.rel @p1 .LBB2_8-.Ltmp3, $4  }
0x87: {  	[tilespmem:s0+$0x30] =	vst v0  }
0x88: {  	[tilespmem:s0+$0x40] =	vst v0  }
0x89: {  	[tilespmem:s0+$0x50] =	vst v0  }
0x8a: {  	[tilespmem:s0+$0x60] =	vst v0;
	s0 =	sshra.s32 s1, $0x2;
	s1 =	sadd.s32 $0x200, s1  }
0x8b: {  	[tilespmem:s0+$0x70] =	vst v0  }
0x8c: {  	[tilespmem:s0+$0x0] =	vst v0  }
0x8d: {  	[tilespmem:s0+$0x10] =	vst v0  }
0x8e: {  	[tilespmem:s0+$0x20] =	vst v0  }
0x8f: {  	[tilespmem:s0+$0x30] =	vst v0  }
0x90: {  	[tilespmem:s0+$0x40] =	vst v0  }
0x91: {  	[tilespmem:s0+$0x50] =	vst v0  }
0x92: {  	[tilespmem:s0+$0x60] =	vst v0;
	s31 =	simm.s32 $0x0  }
0x93: {  	[tilespmem:s24], [sflag:$0x1] =	stream.linear.gather [hbm4b:s15+s31], $0x7D0, $0x38;
	[tilespmem:$0x1D900] =	vst v63  }
0x94: {  	p1 =	por $0x0, $0x0  }
0x95: {  	[tilespmem:s25], [sflag:$0x1] =	stream.linear.gather [hbm4b:s16+s31], $0x7D0, $0x38;
	[tilespmem:$0x1D900] =	vst v63  }
.LBB2_11:
0x96: {  	s0 =	smov.u32 s31  }
0x97: {  	s31 =	sadd.s32 $0x1, s31;
	p2 =	seq.s32 s0, $0x63  }
0x98: {  	s1 =	smul.u32 @!p2 $0x7D0, s31  }
0x99: {  	s0 =	sand.u32 $0x1, s0  }
0x9a: {  	s3 =	sxor.u32 @!p2 $0x1, s0;
	s1 =	sadd.s32 @!p2 s9, s1  }
0x9b: {  	s7 =	smul.u32 @!p2 $0x7D0, s3;
	s1 =	sshrl.u32 @!p2 s1, $0x3  }
0x9c: {  	s11 =	simm.s32 @!p2 $0x0;
	s8 =	sadd.s32 @!p2 s5, s1  }
0x9d: {  	s3 =	sadd.s32 @!p2 $0x1, s3;
	s10 =	sor.u32 @!p2 $0x19000, s7;
	s8 =	sadd.s32 @!p2 $0xC3500, s8  }
0x9e: {  	[tilespmem:s10], [sflag:s3] =	stream.linear.gather @!p2 [hbm4b:s8+s11], $0x7D0, $0x38;
	[tilespmem:$0x1D900] =	vst v63  }
0x9f: {  	s7 =	sor.u32 @!p2 $0x1A000, s7;
	s1 =	sadd.s32 @!p2 s6, s1  }
0xa0: {  	[tilespmem:s7], [sflag:s3] =	stream.linear.gather @!p2 [hbm4b:s1+s11], $0x7D0, $0x38;
	[tilespmem:$0x1D900] =	vst v63  }
0xa1: {  	s1 =	simm.s32 $0x1  }
0xa2: {  	s1 =	simm.s32 @!p1 $0x0  }
0xa3: {  	s1 =	smul.u32 $0x1F40, s1;
	_ =	sdelay $0x1  }
0xa4: {  	s0 =	sadd.s32 $0x1, s0;
	s1 =	sshrl.u32 s1, $0x2  }
0xa5: {  	_ =	swait.ge [sflag:s0], $0x7D0;
	s23 =	sadd.s32 $0x19040, s1  }
0xa6: {  	[sflag:s0] =	ssyncset.done $0x0;
	s1 =	sor.u32 $0x1A000, s1;
	v1 =	vmov s23  }
0xa7: {  	[sflag:s0] =	ssyncadd.s32 $0xFFFFF830;
	v2 =	vmov s1  }
0xa8: {  	_ =	swait.ge [sflag:s0], $0x7D0  }
0xa9: {  	[sflag:s0] =	ssyncset.done $0x0  }
0xaa: {  	[sflag:s0] =	ssyncadd.s32 $0xFFFFF830;
	s1 =	simm.s32 $0x0;
	s0 =	simm.s32 $0x140  }
.LBB2_12:
0xab: {  	p2 =	seq.s32 s0, $0x1E00;
	v3 =	vld.idx.msk [tilespmem:v1+s1+$0xFFFFFFC0 ss:$0x1], $0xffff  }
0xac: {  	v4 =	vld.idx.msk [tilespmem:v2+s1+$0x0 ss:$0x1], $0xffff;
	_ =	sdelay $0x6  }
0xad: {  	[tilespmem:v3+s4+$0x0] =	vst.idx.add.f32.msk $0xffff, v4  }
0xae: {  	v3 =	vld.idx.msk [tilespmem:v1+s1+$0xFFFFFFD0 ss:$0x1], $0xffff;
	_ =	sdelay $0x1  }
0xaf: {  	v4 =	vld.idx.msk [tilespmem:v2+s1+$0x10 ss:$0x1], $0xffff;
	_ =	sdelay $0x5  }
0xb0: {  	[tilespmem:v3+s4+$0x0] =	vst.idx.add.f32.msk $0xffff, v4  }
0xb1: {  	v3 =	vld.idx.msk [tilespmem:v1+s1+$0xFFFFFFE0 ss:$0x1], $0xffff;
	_ =	sdelay $0x1  }
0xb2: {  	v4 =	vld.idx.msk [tilespmem:v2+s1+$0x20 ss:$0x1], $0xffff;
	_ =	sdelay $0x5  }
0xb3: {  	[tilespmem:v3+s4+$0x0] =	vst.idx.add.f32.msk $0xffff, v4  }
0xb4: {  	v3 =	vld.idx.msk [tilespmem:v1+s1+$0xFFFFFFF0 ss:$0x1], $0xffff;
	_ =	sdelay $0x1  }
0xb5: {  	v4 =	vld.idx.msk [tilespmem:v2+s1+$0x30 ss:$0x1], $0xffff;
	_ =	sdelay $0x5  }
0xb6: {  	[tilespmem:v3+s4+$0x0] =	vst.idx.add.f32.msk $0xffff, v4  }
0xb7: {  	v3 =	vld.idx.msk [tilespmem:v1+s1+$0x0 ss:$0x1], $0xffff  }
0xb8: {  	v4 =	vld.idx.msk [tilespmem:v2+s1+$0x40 ss:$0x1], $0xffff;
	_ =	sdelay $0x2  }
.Ltmp4:
0xb9: {  	(pc) =	sbr.rel @!p2 .LBB2_12-.Ltmp4, $2  }
0xba: {  	_ =	sdelay $0x2  }
0xbb: {  	s1 =	sshra.s32 s0, $0x2;
	s0 =	sadd.s32 $0x140, s0;
	[tilespmem:v3+s4+$0x0] =	vst.idx.add.f32.msk $0xffff, v4  }
0xbc: {  	_ =	sdelay $0x3  }
0xbd: {  	v3 =	vld.idx.msk [tilespmem:v1+s1+$0xFFFFFFC0 ss:$0x1], $0xffff;
	_ =	sdelay $0x2  }
0xbe: {  	v4 =	vld.idx.msk [tilespmem:v2+s1+$0x0 ss:$0x1], $0xffff;
	_ =	sdelay $0x4  }
0xbf: {  	[tilespmem:v3+s4+$0x0] =	vst.idx.add.f32.msk $0xffff, v4  }
0xc0: {  	v3 =	vld.idx.msk [tilespmem:v1+s1+$0xFFFFFFD0 ss:$0x1], $0xffff;
	_ =	sdelay $0x2  }
0xc1: {  	v4 =	vld.idx.msk [tilespmem:v2+s1+$0x10 ss:$0x1], $0xffff;
	_ =	sdelay $0x4  }
0xc2: {  	[tilespmem:v3+s4+$0x0] =	vst.idx.add.f32.msk $0xffff, v4  }
0xc3: {  	v3 =	vld.idx.msk [tilespmem:v1+s1+$0xFFFFFFE0 ss:$0x1], $0xffff;
	_ =	sdelay $0x2  }
0xc4: {  	v4 =	vld.idx.msk [tilespmem:v2+s1+$0x20 ss:$0x1], $0xffff;
	_ =	sdelay $0x4  }
0xc5: {  	[tilespmem:v3+s4+$0x0] =	vst.idx.add.f32.msk $0xffff, v4  }
0xc6: {  	v3 =	vld.idx.msk [tilespmem:v1+s1+$0xFFFFFFF0 ss:$0x1], $0xffff;
	_ =	sdelay $0x2  }
0xc7: {  	v4 =	vld.idx.msk [tilespmem:v2+s1+$0x30 ss:$0x1], $0xffff;
	_ =	sdelay $0x4  }
0xc8: {  	[tilespmem:v3+s4+$0x0] =	vst.idx.add.f32.msk $0xffff, v4  }
0xc9: {  	v1 =	vld.idx.msk [tilespmem:v1+s1+$0x0 ss:$0x1], $0xffff;
	_ =	sdelay $0x2  }
0xca: {  	v2 =	vld.idx.msk [tilespmem:v2+s1+$0x40 ss:$0x1], $0xffff;
	_ =	sdelay $0x4  }
0xcb: {  	[tilespmem:v1+s4+$0x0] =	vst.idx.add.f32.msk $0xffff, v2  }
0xcc: {  	p2 =	seq.s32 s31, $0x64  }
.Ltmp5:
0xcd: {  	_ = 	snop;
	(pc) =	sbr.rel @!p2 .LBB2_11-.Ltmp5, $2  }
0xce: {  	_ =	sdelay $0x2  }
0xcf: {  	p1 =	por !p1, !p1  }
0xd0: {  	s0 =	simm.s32 $0x0  }
0xd1: {  	[hbm4b:s17+s0] =	stream.linear.scatter [tilespmem:s0], [sflag:$0x6], $0x19000, $0x38;
	[tilespmem:$0x1D900] =	vst v63  }
0xd2: {  	_ =	swait.ge [sflag:s21], $0x19000  }
0xd3: {  	[sflag:s21] =	ssyncset.done $0x0  }
0xd4: {  	s1 =	simm.s32 $0x3200;
	[sflag:s21] =	ssyncadd.s32 $0xFFFE7000  }
0xd5: {  	s23 =	sadd.s32 $0x0, s20;
	s3 =	simm.s32 $0x1900;
	[bflag:$0x0] =	sbarrier.arrive $0xFFFF  }
.LBB2_15:
0xd6: {  	[tilespmem:s0], [sflag:$0x5] =	stream.linear.gather [hbm4b:s23+s4], $0x1900, $0x38;
	[tilespmem:$0x1D900] =	vst v63  }
0xd7: {  	s7 =	smov.u32 s1;
	s0 =	smov.u32 s3;
	p1 =	sne.s32 s1, $0x2EE00  }
.Ltmp6:
0xd8: {  	s1 =	sadd.s32 $0x3200, s1;
	(pc) =	sbr.rel @p1 .LBB2_15-.Ltmp6, $2  }
0xd9: {  	_ =	sdelay $0x2  }
0xda: {  	s3 =	sadd.s32 $0x1900, s3;
	s23 =	sadd.s32 s7, s20  }
0xdb: {  	[tilespmem:s0], [sflag:$0x5] =	stream.linear.gather [hbm4b:s23+s4], $0x1900, $0x38;
	[tilespmem:$0x1D900] =	vst v63  }
0xdc: {  	_ =	swait.ge [sflag:s29], $0x1900  }
0xdd: {  	[sflag:s29] =	ssyncset.done $0x0  }
0xde: {  	[sflag:s29] =	ssyncadd.s32 $0xFFFFE700  }
0xdf: {  	_ =	swait.ge [sflag:s29], $0x1900  }
0xe0: {  	[sflag:s29] =	ssyncset.done $0x0  }
0xe1: {  	[sflag:s29] =	ssyncadd.s32 $0xFFFFE700  }
0xe2: {  	_ =	swait.ge [sflag:s29], $0x1900  }
0xe3: {  	[sflag:s29] =	ssyncset.done $0x0  }
0xe4: {  	[sflag:s29] =	ssyncadd.s32 $0xFFFFE700  }
0xe5: {  	_ =	swait.ge [sflag:s29], $0x1900  }
0xe6: {  	[sflag:s29] =	ssyncset.done $0x0  }
0xe7: {  	[sflag:s29] =	ssyncadd.s32 $0xFFFFE700  }
0xe8: {  	_ =	swait.ge [sflag:s29], $0x1900  }
0xe9: {  	[sflag:s29] =	ssyncset.done $0x0  }
0xea: {  	[sflag:s29] =	ssyncadd.s32 $0xFFFFE700  }
0xeb: {  	_ =	swait.ge [sflag:s29], $0x1900  }
0xec: {  	[sflag:s29] =	ssyncset.done $0x0  }
0xed: {  	[sflag:s29] =	ssyncadd.s32 $0xFFFFE700  }
0xee: {  	_ =	swait.ge [sflag:s29], $0x1900  }
0xef: {  	[sflag:s29] =	ssyncset.done $0x0  }
0xf0: {  	[sflag:s29] =	ssyncadd.s32 $0xFFFFE700  }
0xf1: {  	_ =	swait.ge [sflag:s29], $0x1900  }
0xf2: {  	[sflag:s29] =	ssyncset.done $0x0  }
0xf3: {  	[sflag:s29] =	ssyncadd.s32 $0xFFFFE700  }
0xf4: {  	_ =	swait.ge [sflag:s29], $0x1900  }
0xf5: {  	[sflag:s29] =	ssyncset.done $0x0  }
0xf6: {  	[sflag:s29] =	ssyncadd.s32 $0xFFFFE700  }
0xf7: {  	_ =	swait.ge [sflag:s29], $0x1900  }
0xf8: {  	[sflag:s29] =	ssyncset.done $0x0  }
0xf9: {  	[sflag:s29] =	ssyncadd.s32 $0xFFFFE700  }
0xfa: {  	_ =	swait.ge [sflag:s29], $0x1900  }
0xfb: {  	[sflag:s29] =	ssyncset.done $0x0  }
0xfc: {  	[sflag:s29] =	ssyncadd.s32 $0xFFFFE700  }
0xfd: {  	_ =	swait.ge [sflag:s29], $0x1900  }
0xfe: {  	[sflag:s29] =	ssyncset.done $0x0  }
0xff: {  	[sflag:s29] =	ssyncadd.s32 $0xFFFFE700  }
0x100: {  	_ =	swait.ge [sflag:s29], $0x1900  }
0x101: {  	[sflag:s29] =	ssyncset.done $0x0  }
0x102: {  	[sflag:s29] =	ssyncadd.s32 $0xFFFFE700  }
0x103: {  	_ =	swait.ge [sflag:s29], $0x1900  }
0x104: {  	[sflag:s29] =	ssyncset.done $0x0  }
0x105: {  	[sflag:s29] =	ssyncadd.s32 $0xFFFFE700  }
0x106: {  	_ =	swait.ge [sflag:s29], $0x1900  }
0x107: {  	[sflag:s29] =	ssyncset.done $0x0  }
0x108: {  	[sflag:s29] =	ssyncadd.s32 $0xFFFFE700  }
0x109: {  	_ =	swait.ge [sflag:s29], $0x1900  }
0x10a: {  	s31 =	simm.s32 $0x0;
	[sflag:s29] =	ssyncset.done $0x0  }
0x10b: {  	s0 =	sand.u32 $0x1FF0, s31;
	[sflag:s29] =	ssyncadd.s32 $0xFFFFE700  }
0x10c: {  	v1 =	vld [tilespmem:s0+$0x1900]  }
0x10d: {  	v2 =	vld [tilespmem:s31+$0x0]  }
0x10e: {  	v3 =	vld [tilespmem:s0+$0x3200]  }
0x10f: {  	v4 =	vld [tilespmem:s0+$0x4B00]  }
0x110: {  	v5 =	vld [tilespmem:s0+$0x6400]  }
0x111: {  	v6 =	vld [tilespmem:s0+$0x7D00]  }
0x112: {  	v7 =	vld [tilespmem:s0+$0x9600]  }
0x113: {  	v8 =	vld [tilespmem:s0+$0xAF00]  }
0x114: {  	v9 =	vld [tilespmem:s0+$0xC800]  }
0x115: {  	v10 =	vld [tilespmem:s0+$0xE100]  }
0x116: {  	v11 =	vld [tilespmem:s0+$0xFA00]  }
0x117: {  	v12 =	vld [tilespmem:s0+$0x11300]  }
0x118: {  	v13 =	vld [tilespmem:s0+$0x12C00]  }
0x119: {  	v14 =	vld [tilespmem:s0+$0x14500]  }
0x11a: {  	s1 =	simm.s32 $0x10;
	v15 =	vld [tilespmem:s0+$0x15E00]  }
.LBB2_17:
0x11b: {  	p1 =	sne.s32 s1, $0x18F0;
	v16 =	vld [tilespmem:s0+$0x17700];
	_ =	sdelay $0x1  }
0x11c: {  	v1 =	vadd.f32 v1, v2;
	v2 =	vadd.f32 v4, v3  }
0x11d: {  	v3 =	vadd.f32 v6, v5;
	v4 =	vadd.f32 v8, v7  }
0x11e: {  	v5 =	vadd.f32 v10, v9;
	v6 =	vadd.f32 v12, v11  }
0x11f: {  	v7 =	vadd.f32 v14, v13;
	v8 =	vadd.f32 v16, v15  }
0x120: {  	v1 =	vadd.f32 v2, v1;
	v2 =	vadd.f32 v4, v3  }
0x121: {  	v3 =	vadd.f32 v6, v5;
	v4 =	vadd.f32 v8, v7;
	_ =	sdelay $0x1  }
0x122: {  	v1 =	vadd.f32 v2, v1;
	v2 =	vadd.f32 v4, v3;
	_ =	sdelay $0x1  }
0x123: {  	v1 =	vadd.f32 v2, v1;
	_ =	sdelay $0x1  }
0x124: {  	s0 =	sand.u32 $0x1FF0, s1;
	[tilespmem:s31+$0x0] =	vst v1  }
0x125: {  	s31 =	sadd.s32 $0x10, s31;
	v1 =	vld [tilespmem:s0+$0x1900]  }
0x126: {  	v2 =	vld [tilespmem:s31+$0x0]  }
0x127: {  	v3 =	vld [tilespmem:s0+$0x3200]  }
0x128: {  	v4 =	vld [tilespmem:s0+$0x4B00]  }
0x129: {  	v5 =	vld [tilespmem:s0+$0x6400]  }
0x12a: {  	v6 =	vld [tilespmem:s0+$0x7D00]  }
0x12b: {  	v7 =	vld [tilespmem:s0+$0x9600]  }
0x12c: {  	v8 =	vld [tilespmem:s0+$0xAF00]  }
0x12d: {  	v9 =	vld [tilespmem:s0+$0xC800]  }
0x12e: {  	v10 =	vld [tilespmem:s0+$0xE100]  }
.Ltmp7:
0x12f: {  	v11 =	vld [tilespmem:s0+$0xFA00];
	(pc) =	sbr.rel @p1 .LBB2_17-.Ltmp7, $4  }
0x130: {  	v12 =	vld [tilespmem:s0+$0x11300]  }
0x131: {  	v13 =	vld [tilespmem:s0+$0x12C00]  }
0x132: {  	v14 =	vld [tilespmem:s0+$0x14500]  }
0x133: {  	s1 =	sadd.s32 $0x10, s1;
	v15 =	vld [tilespmem:s0+$0x15E00]  }
0x134: {  	v16 =	vld [tilespmem:s0+$0x17700];
	_ =	sdelay $0x1  }
0x135: {  	v1 =	vadd.f32 v1, v2;
	v2 =	vadd.f32 v4, v3  }
0x136: {  	v3 =	vadd.f32 v6, v5;
	v58 =	vadd.f32 v8, v7  }
0x137: {  	v59 =	vadd.f32 v10, v9;
	v60 =	vadd.f32 v12, v11  }
0x138: {  	v61 =	vadd.f32 v14, v13;
	v62 =	vadd.f32 v16, v15  }
0x139: {  	v1 =	vadd.f32 v2, v1;
	v2 =	vadd.f32 v58, v3  }
0x13a: {  	v3 =	vadd.f32 v60, v59;
	v63 =	vadd.f32 v62, v61;
	_ =	sdelay $0x1  }
0x13b: {  	v1 =	vadd.f32 v2, v1;
	v2 =	vadd.f32 v63, v3;
	_ =	sdelay $0x1  }
0x13c: {  	s30 =	sadd.s32 $0x1, s30;
	v1 =	vadd.f32 v2, v1  }
0x13d: {  	p1 =	sne.s32 s30, s19  }
.Ltmp8:
0x13e: {  	[tilespmem:s31+$0x0] =	vst v1;
	(pc) =	sbr.rel @p1 .LBB2_1-.Ltmp8, $4  }
0x13f: {  	[hbm4b:s18+s4] =	stream.linear.scatter [tilespmem:s4], [sflag:$0x6], $0x1900, $0x38;
	[tilespmem:$0x1D900] =	vst v63  }
0x140: {  	_ =	swait.ge [sflag:s21], $0x1900  }
0x141: {  	[sflag:s21] =	ssyncset.done $0x0  }
0x142: {  	[sflag:s21] =	ssyncadd.s32 $0xFFFFE700  }
0x143: {  	_ =	sfence.sel $0x180000  }
0x144: {  	[bflag:$0x0] =	sbarrier.arrive $0xFFFF  }
0x145: {  	_ =	strace $0x90000053  }
0x146: {  	s0 =	stileid.u32;
	[bflag:$0x2] =	sbarrier.arrive $0xFFFF  }
0x147: {  	p0 =	sne.s32 s0, $0x0;
	s0 =	rddreg [dreg:$0x3]  }
0x148: {  	s0 =	sadd.s32 @!p0 $0x100000, s0  }
0x149: {  	[sflag:s0] =	ssyncadd.tile.s32 @!p0 $0x1;
	_ =	shalt  }
.Lfunc_end2:
_tile_overlayer_lowered:
.L_overlay_start_2:
0x14a: {  	(tag) =	ssettag $0x2  }
0x14b: {  	s0 =	rddreg [dreg:$0x0];
	s2 =	stileid.u32  }
0x14c: {  	s1 =	rddreg [dreg:$0x1];
	p0 =	sne.s32 s2, $0x0  }
0x14d: {  	s3 =	rddreg [dreg:$0x2];
	[bflag:$0x3] =	sbarrier.arrive $0xFFFF;
	s2 =	simm.s32 @!p0 $0x1C06  }
0x14e: {  	[timem:s3], [sflag:s2] =	dma.local @!p0 [hbm:s0], s1  }
0x14f: {  	s0 =	simm.s32 @!p0 $0x6  }
0x150: {  	_ =	swait.ge @!p0 [sflag:s0], s1  }
0x151: {  	s1 =	ssub.s32 @!p0 $0x0, s1;
	[sflag:s0] =	ssyncset.done @!p0 $0x0  }
0x152: {  	[sflag:s0] =	ssyncadd.s32 @!p0 s1  }
0x153: {  	[bflag:$0x3] =	sbarrier.arrive $0xFFFF  }
0x154: {  	_ =	shalt  }

// kernel: kernel.7.cloned.1.call-start
scs
__scs_entry_jumppad:
0x0: {  	(pc) =	sbr.rel $0x88, $3  }
0x1: {  	(tag) =	ssettag $0x0;
	lr =	simm.s32 $0x1  }
0x2: {  	[smem:$0x3F95] =	sst lr;
	_ =	strace $0xD0000000  }
0x3: {  	_ = 	snop  }
0x4: {  	_ = 	snop  }
0x5: {  	_ = 	snop  }
0x6: {  	_ = 	snop  }
0x7: {  	_ = 	snop  }
__scs_overlays_trampoline_lowered:
0x8: {  	[smem:$0x3FA4] =	sst s0  }
0x9: {  	[smem:$0x3FA5] =	sst s1  }
0xa: {  	[smem:$0x3FA6] =	sst s2  }
0xb: {  	[smem:$0x3FA7] =	sst s3  }
0xc: {  	[smem:$0x3FA8] =	sst s4  }
0xd: {  	[smem:$0x3FA9] =	sst s5  }
0xe: {  	[smem:$0x3FAA] =	sst s6  }
0xf: {  	[smem:$0x3FAB] =	sst s7  }
0x10: {  	[smem:$0x3FAC] =	sst s8  }
0x11: {  	[smem:$0x3FAD] =	sst s9;
	s0 =	simm.s32 @!p0 $0x0  }
0x12: {  	s1 =	sld [smem:$0x3F93];
	s0 =	simm.s32 @p0 $0x1  }
0x13: {  	[smem:$0x3FAE] =	sst s0;
	s0 =	simm.s32 @!p1 $0x0  }
0x14: {  	s2 =	sld [smem:$0x3F92];
	s0 =	simm.s32 @p1 $0x1  }
0x15: {  	[smem:$0x3FAF] =	sst s0;
	s0 =	simm.s32 @!p2 $0x0  }
0x16: {  	s3 =	sld [smem:$0x3FDB];
	s0 =	simm.s32 @p2 $0x1  }
0x17: {  	s4 =	simm.s32 $0x1BF5;
	[smem:$0x3FB1] =	sst s0  }
0x18: {  	s0 =	sld [smem:$0x3F94];
	_ =	swait.ge [sflag:s4], $0x0  }
0x19: {  	s7 =	sld [smem:$0x3F95]  }
0x1a: {  	s8 =	sadd.s32 $0xFFFFE003, lr  }
0x1b: {  	s9 =	sadd.s32 $0xFFFFFEF7, lr;
	s5 =	simm.s32 $0xFFFFFFFF;
	p2 =	slt.u32 s8, $0xFFFFF086  }
0x1c: {  	p1 =	slt.u32 s9, $0xF7A;
	s5 =	simm.s32 @!p2 $0x0  }
0x1d: {  	s5 =	simm.s32 @p1 $0x1;
	p0 =	seq.s32 s7, s2  }
0x1e: {  	s7 =	smul.u32 @!p0 $0xF7A, s2;
	p2 =	seq.s32 @!p0 s5, $0x0  }
0x1f: {  	s9 =	smul.u32 $0xF7A, s1;
	s8 =	simm.s32 @!p0 $0x1BF5;
	p2 =	por !p2, p0  }
0x20: {  	[sflag:s8] =	ssyncset.s32 @!p0 $0xFFFFF086;
	s6 =	sadd.s32 @!p0 s3, s7;
	s7 =	simm.s32 @!p0 $0x108  }
0x21: {  	s3 =	sadd.s32 s3, s9;
	s6 =	sadd.s32 @!p0 $0x88, s6;
	s7 =	simm.s32 @p2 $0x1082  }
0x22: {  	[simem:s7], [sflag:s8] =	dma.local @!p0 [hbm:s6], $0xF7A  }
0x23: {  	s9 =	sor.u32 $0xD0000000, s2;
	s6 =	simm.s32 $0x108;
	_ =	swait.ge @!p0 [sflag:s8], $0x0  }
0x24: {  	s3 =	sadd.s32 $0x88, s3;
	s6 =	simm.s32 @!p1 $0x1082;
	[sflag:s4] =	ssyncset.s32 $0xFFFFF086  }
0x25: {  	[simem:s6], [sflag:s4] =	dma.local [hbm:s3], $0xF7A  }
0x26: {  	[smem:$0x3F95] =	sst s1;
	(tag) =	ssettag s2;
	_ =	strace s9  }
0x27: {  	s1 =	sld [smem:$0x3FA5]  }
0x28: {  	s2 =	sld [smem:$0x3FA6]  }
0x29: {  	s4 =	sld [smem:$0x3FA8]  }
0x2a: {  	p0 =	seq.s32 s5, $0x0;
	s5 =	sld [smem:$0x3FA9]  }
0x2b: {  	s6 =	sld [smem:$0x3FAA]  }
0x2c: {  	s7 =	sld [smem:$0x3FAB]  }
0x2d: {  	s3 =	simm.s32 $0x108;
	s8 =	sld [smem:$0x3FAC]  }
0x2e: {  	s3 =	simm.s32 @!p0 $0x1082;
	s9 =	sld [smem:$0x3FAD]  }
0x2f: {  	lr =	sadd.s32 s0, s3;
	s0 =	sld [smem:$0x3FA4]  }
0x30: {  	s3 =	sld [smem:$0x3FA7]  }
0x31: {  	[smem:$0x3FB0] =	sst s10  }
0x32: {  	s10 =	sld [smem:$0x3FAE];
	_ =	sdelay $0x3  }
0x33: {  	p0 =	seq.s32 s10, $0x1;
	s10 =	sld [smem:$0x3FB0];
	_ =	sdelay $0x3  }
0x34: {  	[smem:$0x3FB0] =	sst s10  }
0x35: {  	s10 =	sld [smem:$0x3FAF];
	_ =	sdelay $0x3  }
0x36: {  	p1 =	seq.s32 s10, $0x1;
	s10 =	sld [smem:$0x3FB0];
	_ =	sdelay $0x3  }
0x37: {  	[smem:$0x3FB0] =	sst s10  }
0x38: {  	s10 =	sld [smem:$0x3FB1]  }
0x39: {  	_ = 	snop;
	(pc) =	sbr.ind lr, $3  }
0x3a: {  	_ = 	snop  }
0x3b: {  	_ = 	snop  }
0x3c: {  	p2 =	seq.s32 s10, $0x1;
	s10 =	sld [smem:$0x3FB0]  }
0x3d: {  	_ =	shalt  }
0x3e: {  	_ =	shalt  }
0x3f: {  	_ =	shalt  }
0x40: {  	_ =	shalt  }
0x41: {  	_ =	shalt  }
0x42: {  	_ =	shalt  }
0x43: {  	_ =	shalt  }
0x44: {  	_ =	shalt  }
0x45: {  	_ =	shalt  }
0x46: {  	_ =	shalt  }
0x47: {  	_ =	shalt  }
0x48: {  	_ =	shalt  }
0x49: {  	_ =	shalt  }
0x4a: {  	_ =	shalt  }
0x4b: {  	_ =	shalt  }
0x4c: {  	_ =	shalt  }
0x4d: {  	_ =	shalt  }
0x4e: {  	_ =	shalt  }
0x4f: {  	_ =	shalt  }
0x50: {  	_ =	shalt  }
0x51: {  	_ =	shalt  }
0x52: {  	_ =	shalt  }
0x53: {  	_ =	shalt  }
0x54: {  	_ =	shalt  }
0x55: {  	_ =	shalt  }
0x56: {  	_ =	shalt  }
0x57: {  	_ =	shalt  }
0x58: {  	_ =	shalt  }
0x59: {  	_ =	shalt  }
0x5a: {  	_ =	shalt  }
0x5b: {  	_ =	shalt  }
0x5c: {  	_ =	shalt  }
0x5d: {  	_ =	shalt  }
0x5e: {  	_ =	shalt  }
0x5f: {  	_ =	shalt  }
0x60: {  	_ =	shalt  }
0x61: {  	_ =	shalt  }
0x62: {  	_ =	shalt  }
0x63: {  	_ =	shalt  }
0x64: {  	_ =	shalt  }
0x65: {  	_ =	shalt  }
0x66: {  	_ =	shalt  }
0x67: {  	_ =	shalt  }
0x68: {  	_ =	shalt  }
0x69: {  	_ =	shalt  }
0x6a: {  	_ =	shalt  }
0x6b: {  	_ =	shalt  }
0x6c: {  	_ =	shalt  }
0x6d: {  	_ =	shalt  }
0x6e: {  	_ =	shalt  }
0x6f: {  	_ =	shalt  }
0x70: {  	_ =	shalt  }
0x71: {  	_ =	shalt  }
0x72: {  	_ =	shalt  }
0x73: {  	_ =	shalt  }
0x74: {  	_ =	shalt  }
0x75: {  	_ =	shalt  }
0x76: {  	_ =	shalt  }
0x77: {  	_ =	shalt  }
0x78: {  	_ =	shalt  }
0x79: {  	_ =	shalt  }
0x7a: {  	_ =	shalt  }
0x7b: {  	_ =	shalt  }
0x7c: {  	_ =	shalt  }
0x7d: {  	_ =	shalt  }
0x7e: {  	_ =	shalt  }
0x7f: {  	_ =	shalt  }
0x80: {  	_ =	shalt  }
0x81: {  	_ =	shalt  }
0x82: {  	_ =	shalt  }
0x83: {  	_ =	shalt  }
0x84: {  	_ =	shalt  }
0x85: {  	_ =	shalt  }
0x86: {  	_ =	shalt  }
0x87: {  	_ =	shalt  }
.Lfunc_end0:
.L_simem_size_0:
called_computation.1_lowered:
.L_overlay_start_0:
0x88: {  	s2 =	sld [smem:$0x3FD9]  }
0x89: {  	s3 =	sld [smem:$0x3FFE];
	_ =	sdelay $0x1  }
0x8a: {  	s1 =	srdreg.scid  }
0x8b: {  	s0 =	sand.u32 $0x1, s1  }
0x8c: {  	s17 =	sshll.u32 s0, $0xA;
	s2 =	sadd.s32 s3, s2  }
0x8d: {  	s2 =	sadd.s32 s2, s17  }
0x8e: {  	[smem:$0x3FBC] =	sst s2  }
0x8f: {  	_ = 	snop  }
0x90: {  	s2 =	sld [smem:$0x3FC7];
	(tm) =	ssettm $0x1  }
0x91: {  	s18 =	sld [smem:$0x3FFB];
	_ =	sdelay $0x3  }
0x92: {  	_ =	strace s18  }
0x93: {  	s3 =	sld [smem:$0x3FFC];
	_ =	sdelay $0x3  }
0x94: {  	_ =	strace s3  }
0x95: {  	s3 =	sld [smem:$0x3FFD];
	_ =	sdelay $0x3  }
0x96: {  	_ =	strace s3  }
0x97: {  	_ =	strace $0x8FFFFFFF  }
0x98: {  	s19 =	sld [smem:$0x3FDB];
	_ =	sdelay $0x1  }
0x99: {  	s4 =	simm.s32 $_scs_section_size  }
0x9a: {  	s5 =	simm.s32 $_size__tile_overlayer_lowered;
	s6 =	simm.s32 $_tile_overlayer_lowered  }
0x9b: {  	s22 =	simm.s32 $0x1BFF;
	s21 =	sshll.u32 s6, $0x1;
	s3 =	sadd.s32 s4, s19  }
0x9c: {  	s7 =	simm.s32 $0x0;
	s20 =	sshll.u32 s5, $0x1;
	s5 =	sadd.s32 s21, s3  }
0x9d: {  	[timem:s7], [sflag:s22] =	dma.local [hbm:s5], s20  }
0x9e: {  	_ =	swait.ge [sflag:s22], s20  }
0x9f: {  	s4 =	ssub.s32 $0x0, s20;
	[sflag:s22] =	ssyncset.done $0x0  }
0xa0: {  	[sflag:s22] =	ssyncadd.s32 s4;
	_ =	sdelay $0x1  }
0xa1: {  	s23 =	simm.s32 $0x1B8B  }
0xa2: {  	_ =	swait.ge [sflag:s23], $0x1  }
0xa3: {  	[sflag:s23] =	ssyncset.done $0x0  }
0xa4: {  	s25 =	simm.s32 $0x1B8E;
	s24 =	sld [smem:$0x3FFE];
	[sflag:s23] =	ssyncadd.s32 $0xFFFFFFFF  }
0xa5: {  	s26 =	simm.s32 $execute0_lowered;
	[smem:$0x3FD2] =	sst s25  }
0xa6: {  	s5 =	sshll.u32 s26, $0x1;
	_ =	strace $0x80000049;
	[dreg:$0x1] =	wrdreg $0xFFFFFFFF  }
0xa7: {  	s28 =	simm.s32 $_size_execute0_lowered;
	s3 =	sadd.s32 s3, s5;
	[dreg:$0x0] =	wrdreg $0x0  }
0xa8: {  	s5 =	sshll.u32 s28, $0x1;
	[dreg:$0x2] =	wrdreg s3  }
0xa9: {  	[dreg:$0x3] =	wrdreg s5  }
0xaa: {  	[dreg:$0x4] =	wrdreg $0xC0  }
0xab: {  	_ =	task [dreg:s7], $0x5FFFF  }
0xac: {  	[dreg:$0x1] =	wrdreg $0xFFFFFFFF  }
0xad: {  	[dreg:$0x0] =	wrdreg $0x60  }
0xae: {  	[dreg:$0x2] =	wrdreg s24  }
0xaf: {  	[dreg:$0x3] =	wrdreg s2  }
0xb0: {  	[dreg:$0x4] =	wrdreg $0x9  }
0xb1: {  	_ =	task.clear_ibuf [dreg:s7], $0x5FFFF;
	_ =	strace $0x90000049  }
0xb2: {  	s29 =	simm.s32 $0x9;
	_ =	strace $0x8000004B  }
0xb3: {  	_ =	swait.ge [sflag:s29], $0x1  }
0xb4: {  	[sflag:s29] =	ssyncadd.s32 $0xFFFFFFFF  }
0xb5: {  	_ =	strace $0x9000004B  }
0xb6: {  	_ =	sfence  }
0xb7: {  	s30 =	sld [smem:$0x0];
	_ =	sdelay $0x2  }
0xb8: {  	s31 =	sshll.u32 s1, $0xD;
	s1 =	sshrl.u32 s1, $0x2  }
0xb9: {  	s3 =	sand.u32 $0x4000, s31;
	s1 =	sadd.s32 s1, s30  }
0xba: {  	s0 =	sor.u32 s3, s0;
	s1 =	sshll.u32 s1, $0x11  }
0xbb: {  	s0 =	sor.u32 s1, s0  }
0xbc: {  	s0 =	sadd.s32 $0x8F2B, s0  }
0xbd: {  	[sflag:s0] =	ssyncadd.remote.s32 $0x1  }
0xbe: {  	_ =	sfence.sel $0xFFFF  }
0xbf: {  	[dreg:$0x0] =	wrdreg $0xFFFFFFFF;
	(pc) =	sbr.abs _section_cstart, $3  }
0xc0: {  	[dreg:$0x1] =	wrdreg $0xFFFFFFFF  }
0xc1: {  	_ =	task.clear_ibuf [dreg:s7], $0x2FFFF;
	_ =	strace $0x9FFFFFFF  }
0xc2: {  	(tm) =	ssettm $0x7FFFFFFF  }
0xc3: {  	_ =	shalt  }
tec
execute0_lowered:
.L_overlay_start_1:
0x0: {  	(tag) =	ssettag $0x1  }
0x1: {  	s1 =	srdreg.scid;
	s6 =	rddreg [dreg:$0x0]  }
0x2: {  	s0 =	stileid.u32;
	s2 =	rddreg [dreg:$0x1]  }
0x3: {  	s3 =	simm.s32 $0x0;
	s7 =	sand.u32 $0x1, s1;
	s1 =	rddreg [dreg:$0x2]  }
0x4: {  	s9 =	smul.u32 $0x1900, s0;
	[smem:$0x7FF] =	sst s3  }
0x5: {  	s16 =	sadd.s32 $0x18A800, s6;
	s4 =	smul.u32 $0x19000, s7;
	s5 =	sshll.u32 s7, $0x4  }
0x6: {  	_ =	strace $0x8000004A;
	s11 =	ssub.s32 $0x2, s7;
	s15 =	smul.u32 $0x190000, s7  }
0x7: {  	s8 =	sor.u32 s0, s5;
	s5 =	sadd.s32 $0x3E00, s6;
	s4 =	sadd.s32 s9, s4  }
0x8: {  	s13 =	sshrl.u32 s11, $0x1;
	s10 =	sshrl.u32 s4, $0x3;
	s4 =	smul.u32 $0x30D40, s8  }
0x9: {  	s11 =	ssub.s32 s11, s13;
	s30 =	sadd.s32 s9, s15;
	s8 =	smul.u32 $0x3200, s8  }
0xa: {  	s13 =	simm.s32 $0x1A000;
	s15 =	simm.s32 $0x3;
	s31 =	sshrl.u32 s30, $0x3  }
0xb: {  	s10 =	sadd.s32 s10, s6;
	s12 =	sshrl.u32 s4, $0x3;
	s8 =	sadd.s32 s16, s8  }
0xc: {  	s9 =	sadd.s32 $0x1EE800, s10;
	s10 =	smax.u32 s11, $0x1;
	s11 =	sadd.s32 s31, s16  }
0xd: {  	s16 =	simm.s32 $0x0;
	s14 =	sadd.s32 s5, s12;
	s7 =	sadd.s32 s2, s12  }
0xe: {  	v0 =	vimm.f32 $0.0e+00;
	s12 =	simm.s32 $0x19000;
	s6 =	sadd.s32 $0xC3500, s14;
	s14 =	simm.s32 $0x4  }
.LBB2_1:
0xf: {  	s17 =	simm.s32 $0x0;
	s18 =	simm.s32 $0x200  }
.LBB2_2:
0x10: {  	p0 =	sne.s32 s18, $0x63E00;
	[tilespmem:s17+$0x70] =	vst v0  }
0x11: {  	[tilespmem:s17+$0x0] =	vst v0  }
0x12: {  	[tilespmem:s17+$0x10] =	vst v0  }
.Ltmp0:
0x13: {  	[tilespmem:s17+$0x20] =	vst v0;
	(pc) =	sbr.rel @p0 .LBB2_2-.Ltmp0, $4  }
0x14: {  	[tilespmem:s17+$0x30] =	vst v0  }
0x15: {  	[tilespmem:s17+$0x40] =	vst v0  }
0x16: {  	[tilespmem:s17+$0x50] =	vst v0  }
0x17: {  	[tilespmem:s17+$0x60] =	vst v0;
	s17 =	sshra.s32 s18, $0x2;
	s18 =	sadd.s32 $0x200, s18  }
0x18: {  	[tilespmem:s17+$0x70] =	vst v0  }
0x19: {  	[tilespmem:s17+$0x0] =	vst v0  }
0x1a: {  	[tilespmem:s17+$0x10] =	vst v0  }
0x1b: {  	[tilespmem:s17+$0x20] =	vst v0  }
0x1c: {  	[tilespmem:s17+$0x30] =	vst v0  }
0x1d: {  	[tilespmem:s17+$0x40] =	vst v0  }
0x1e: {  	[tilespmem:s17+$0x50] =	vst v0  }
0x1f: {  	[tilespmem:s17+$0x60] =	vst v0;
	s17 =	simm.s32 $0x0  }
0x20: {  	[tilespmem:s12], [sflag:$0x1] =	stream.linear.gather [hbm4b:s6+s17], $0x7D0, $0x38;
	[tilespmem:$0x1B000] =	vst v63  }
0x21: {  	p0 =	por $0x0, $0x0  }
0x22: {  	[tilespmem:s13], [sflag:$0x1] =	stream.linear.gather [hbm4b:s7+s17], $0x7D0, $0x38;
	[tilespmem:$0x1B000] =	vst v63  }
.LBB2_5:
0x23: {  	s18 =	smov.u32 s17  }
0x24: {  	s17 =	sadd.s32 $0x1, s17;
	p1 =	seq.s32 s18, $0x63  }
0x25: {  	s19 =	smul.u32 @!p1 $0x7D0, s17  }
0x26: {  	s18 =	sand.u32 $0x1, s18  }
0x27: {  	s20 =	sxor.u32 @!p1 $0x1, s18;
	s19 =	sadd.s32 @!p1 s4, s19  }
0x28: {  	s21 =	smul.u32 @!p1 $0x7D0, s20;
	s19 =	sshrl.u32 @!p1 s19, $0x3  }
0x29: {  	s24 =	simm.s32 @!p1 $0x0;
	s22 =	sadd.s32 @!p1 s5, s19  }
0x2a: {  	s20 =	sadd.s32 @!p1 $0x1, s20;
	s23 =	sor.u32 @!p1 $0x19000, s21;
	s22 =	sadd.s32 @!p1 $0xC3500, s22  }
0x2b: {  	[tilespmem:s23], [sflag:s20] =	stream.linear.gather @!p1 [hbm4b:s22+s24], $0x7D0, $0x38;
	[tilespmem:$0x1B000] =	vst v63  }
0x2c: {  	s21 =	sor.u32 @!p1 $0x1A000, s21;
	s19 =	sadd.s32 @!p1 s2, s19  }
0x2d: {  	[tilespmem:s21], [sflag:s20] =	stream.linear.gather @!p1 [hbm4b:s19+s24], $0x7D0, $0x38;
	[tilespmem:$0x1B000] =	vst v63  }
0x2e: {  	s19 =	simm.s32 $0x1  }
0x2f: {  	s19 =	simm.s32 @!p0 $0x0  }
0x30: {  	s19 =	smul.u32 $0x1F40, s19;
	_ =	sdelay $0x1  }
0x31: {  	s18 =	sadd.s32 $0x1, s18;
	s19 =	sshrl.u32 s19, $0x2  }
0x32: {  	_ =	swait.ge [sflag:s18], $0x7D0;
	s31 =	sadd.s32 $0x19040, s19  }
0x33: {  	[sflag:s18] =	ssyncset.done $0x0;
	s19 =	sor.u32 $0x1A000, s19;
	v1 =	vmov s31  }
0x34: {  	[sflag:s18] =	ssyncadd.s32 $0xFFFFF830;
	v2 =	vmov s19  }
0x35: {  	_ =	swait.ge [sflag:s18], $0x7D0  }
0x36: {  	[sflag:s18] =	ssyncset.done $0x0  }
0x37: {  	[sflag:s18] =	ssyncadd.s32 $0xFFFFF830;
	s18 =	simm.s32 $0x0;
	s19 =	simm.s32 $0x140  }
.LBB2_6:
0x38: {  	p1 =	seq.s32 s19, $0x1E00;
	v3 =	vld.idx.msk [tilespmem:v1+s18+$0xFFFFFFC0 ss:$0x1], $0xffff  }
0x39: {  	v4 =	vld.idx.msk [tilespmem:v2+s18+$0x0 ss:$0x1], $0xffff;
	_ =	sdelay $0x6  }
0x3a: {  	[tilespmem:v3+s3+$0x0] =	vst.idx.add.f32.msk $0xffff, v4  }
0x3b: {  	v3 =	vld.idx.msk [tilespmem:v1+s18+$0xFFFFFFD0 ss:$0x1], $0xffff;
	_ =	sdelay $0x1  }
0x3c: {  	v4 =	vld.idx.msk [tilespmem:v2+s18+$0x10 ss:$0x1], $0xffff;
	_ =	sdelay $0x5  }
0x3d: {  	[tilespmem:v3+s3+$0x0] =	vst.idx.add.f32.msk $0xffff, v4  }
0x3e: {  	v3 =	vld.idx.msk [tilespmem:v1+s18+$0xFFFFFFE0 ss:$0x1], $0xffff;
	_ =	sdelay $0x1  }
0x3f: {  	v4 =	vld.idx.msk [tilespmem:v2+s18+$0x20 ss:$0x1], $0xffff;
	_ =	sdelay $0x5  }
0x40: {  	[tilespmem:v3+s3+$0x0] =	vst.idx.add.f32.msk $0xffff, v4  }
0x41: {  	v3 =	vld.idx.msk [tilespmem:v1+s18+$0xFFFFFFF0 ss:$0x1], $0xffff;
	_ =	sdelay $0x1  }
0x42: {  	v4 =	vld.idx.msk [tilespmem:v2+s18+$0x30 ss:$0x1], $0xffff;
	_ =	sdelay $0x5  }
0x43: {  	[tilespmem:v3+s3+$0x0] =	vst.idx.add.f32.msk $0xffff, v4  }
0x44: {  	v3 =	vld.idx.msk [tilespmem:v1+s18+$0x0 ss:$0x1], $0xffff  }
0x45: {  	v4 =	vld.idx.msk [tilespmem:v2+s18+$0x40 ss:$0x1], $0xffff;
	_ =	sdelay $0x2  }
.Ltmp1:
0x46: {  	(pc) =	sbr.rel @!p1 .LBB2_6-.Ltmp1, $2  }
0x47: {  	_ =	sdelay $0x2  }
0x48: {  	s18 =	sshra.s32 s19, $0x2;
	s19 =	sadd.s32 $0x140, s19;
	[tilespmem:v3+s3+$0x0] =	vst.idx.add.f32.msk $0xffff, v4  }
0x49: {  	_ =	sdelay $0x3  }
0x4a: {  	v3 =	vld.idx.msk [tilespmem:v1+s18+$0xFFFFFFC0 ss:$0x1], $0xffff;
	_ =	sdelay $0x2  }
0x4b: {  	v4 =	vld.idx.msk [tilespmem:v2+s18+$0x0 ss:$0x1], $0xffff;
	_ =	sdelay $0x4  }
0x4c: {  	[tilespmem:v3+s3+$0x0] =	vst.idx.add.f32.msk $0xffff, v4  }
0x4d: {  	v3 =	vld.idx.msk [tilespmem:v1+s18+$0xFFFFFFD0 ss:$0x1], $0xffff;
	_ =	sdelay $0x2  }
0x4e: {  	v4 =	vld.idx.msk [tilespmem:v2+s18+$0x10 ss:$0x1], $0xffff;
	_ =	sdelay $0x4  }
0x4f: {  	[tilespmem:v3+s3+$0x0] =	vst.idx.add.f32.msk $0xffff, v4  }
0x50: {  	v3 =	vld.idx.msk [tilespmem:v1+s18+$0xFFFFFFE0 ss:$0x1], $0xffff;
	_ =	sdelay $0x2  }
0x51: {  	v4 =	vld.idx.msk [tilespmem:v2+s18+$0x20 ss:$0x1], $0xffff;
	_ =	sdelay $0x4  }
0x52: {  	[tilespmem:v3+s3+$0x0] =	vst.idx.add.f32.msk $0xffff, v4  }
0x53: {  	v3 =	vld.idx.msk [tilespmem:v1+s18+$0xFFFFFFF0 ss:$0x1], $0xffff;
	_ =	sdelay $0x2  }
0x54: {  	v4 =	vld.idx.msk [tilespmem:v2+s18+$0x30 ss:$0x1], $0xffff;
	_ =	sdelay $0x4  }
0x55: {  	[tilespmem:v3+s3+$0x0] =	vst.idx.add.f32.msk $0xffff, v4  }
0x56: {  	v1 =	vld.idx.msk [tilespmem:v1+s18+$0x0 ss:$0x1], $0xffff;
	_ =	sdelay $0x2  }
0x57: {  	v2 =	vld.idx.msk [tilespmem:v2+s18+$0x40 ss:$0x1], $0xffff;
	_ =	sdelay $0x4  }
0x58: {  	[tilespmem:v1+s3+$0x0] =	vst.idx.add.f32.msk $0xffff, v2  }
0x59: {  	p1 =	seq.s32 s17, $0x64  }
.Ltmp2:
0x5a: {  	_ = 	snop;
	(pc) =	sbr.rel @!p1 .LBB2_5-.Ltmp2, $2  }
0x5b: {  	_ =	sdelay $0x2  }
0x5c: {  	p0 =	por !p0, !p0  }
0x5d: {  	s17 =	simm.s32 $0x0  }
0x5e: {  	[hbm4b:s8+s17] =	stream.linear.scatter [tilespmem:s17], [sflag:$0x4], $0x19000, $0x38;
	[tilespmem:$0x1B000] =	vst v63  }
0x5f: {  	_ =	swait.ge [sflag:s14], $0x19000  }
0x60: {  	[sflag:s14] =	ssyncset.done $0x0  }
0x61: {  	s18 =	simm.s32 $0x3200;
	[sflag:s14] =	ssyncadd.s32 $0xFFFE7000  }
0x62: {  	s20 =	sadd.s32 $0x0, s11;
	s19 =	simm.s32 $0x1900;
	[bflag:$0x0] =	sbarrier.arrive $0xFFFF  }
.LBB2_9:
0x63: {  	[tilespmem:s17], [sflag:$0x3] =	stream.linear.gather [hbm4b:s20+s3], $0x1900, $0x38;
	[tilespmem:$0x1B000] =	vst v63  }
0x64: {  	s20 =	smov.u32 s18;
	s17 =	smov.u32 s19;
	p0 =	sne.s32 s18, $0x2EE00  }
.Ltmp3:
0x65: {  	s18 =	sadd.s32 $0x3200, s18;
	(pc) =	sbr.rel @p0 .LBB2_9-.Ltmp3, $2  }
0x66: {  	_ =	sdelay $0x2  }
0x67: {  	s19 =	sadd.s32 $0x1900, s19;
	s20 =	sadd.s32 s20, s11  }
0x68: {  	[tilespmem:s17], [sflag:$0x3] =	stream.linear.gather [hbm4b:s20+s3], $0x1900, $0x38;
	[tilespmem:$0x1B000] =	vst v63  }
0x69: {  	_ =	swait.ge [sflag:s15], $0x1900  }
0x6a: {  	[sflag:s15] =	ssyncset.done $0x0  }
0x6b: {  	[sflag:s15] =	ssyncadd.s32 $0xFFFFE700  }
0x6c: {  	_ =	swait.ge [sflag:s15], $0x1900  }
0x6d: {  	[sflag:s15] =	ssyncset.done $0x0  }
0x6e: {  	[sflag:s15] =	ssyncadd.s32 $0xFFFFE700  }
0x6f: {  	_ =	swait.ge [sflag:s15], $0x1900  }
0x70: {  	[sflag:s15] =	ssyncset.done $0x0  }
0x71: {  	[sflag:s15] =	ssyncadd.s32 $0xFFFFE700  }
0x72: {  	_ =	swait.ge [sflag:s15], $0x1900  }
0x73: {  	[sflag:s15] =	ssyncset.done $0x0  }
0x74: {  	[sflag:s15] =	ssyncadd.s32 $0xFFFFE700  }
0x75: {  	_ =	swait.ge [sflag:s15], $0x1900  }
0x76: {  	[sflag:s15] =	ssyncset.done $0x0  }
0x77: {  	[sflag:s15] =	ssyncadd.s32 $0xFFFFE700  }
0x78: {  	_ =	swait.ge [sflag:s15], $0x1900  }
0x79: {  	[sflag:s15] =	ssyncset.done $0x0  }
0x7a: {  	[sflag:s15] =	ssyncadd.s32 $0xFFFFE700  }
0x7b: {  	_ =	swait.ge [sflag:s15], $0x1900  }
0x7c: {  	[sflag:s15] =	ssyncset.done $0x0  }
0x7d: {  	[sflag:s15] =	ssyncadd.s32 $0xFFFFE700  }
0x7e: {  	_ =	swait.ge [sflag:s15], $0x1900  }
0x7f: {  	[sflag:s15] =	ssyncset.done $0x0  }
0x80: {  	[sflag:s15] =	ssyncadd.s32 $0xFFFFE700  }
0x81: {  	_ =	swait.ge [sflag:s15], $0x1900  }
0x82: {  	[sflag:s15] =	ssyncset.done $0x0  }
0x83: {  	[sflag:s15] =	ssyncadd.s32 $0xFFFFE700  }
0x84: {  	_ =	swait.ge [sflag:s15], $0x1900  }
0x85: {  	[sflag:s15] =	ssyncset.done $0x0  }
0x86: {  	[sflag:s15] =	ssyncadd.s32 $0xFFFFE700  }
0x87: {  	_ =	swait.ge [sflag:s15], $0x1900  }
0x88: {  	[sflag:s15] =	ssyncset.done $0x0  }
0x89: {  	[sflag:s15] =	ssyncadd.s32 $0xFFFFE700  }
0x8a: {  	_ =	swait.ge [sflag:s15], $0x1900  }
0x8b: {  	[sflag:s15] =	ssyncset.done $0x0  }
0x8c: {  	[sflag:s15] =	ssyncadd.s32 $0xFFFFE700  }
0x8d: {  	_ =	swait.ge [sflag:s15], $0x1900  }
0x8e: {  	[sflag:s15] =	ssyncset.done $0x0  }
0x8f: {  	[sflag:s15] =	ssyncadd.s32 $0xFFFFE700  }
0x90: {  	_ =	swait.ge [sflag:s15], $0x1900  }
0x91: {  	[sflag:s15] =	ssyncset.done $0x0  }
0x92: {  	[sflag:s15] =	ssyncadd.s32 $0xFFFFE700  }
0x93: {  	_ =	swait.ge [sflag:s15], $0x1900  }
0x94: {  	[sflag:s15] =	ssyncset.done $0x0  }
0x95: {  	[sflag:s15] =	ssyncadd.s32 $0xFFFFE700  }
0x96: {  	_ =	swait.ge [sflag:s15], $0x1900  }
0x97: {  	s17 =	simm.s32 $0x0;
	[sflag:s15] =	ssyncset.done $0x0  }
0x98: {  	s19 =	sand.u32 $0x1FF0, s17;
	[sflag:s15] =	ssyncadd.s32 $0xFFFFE700  }
0x99: {  	v1 =	vld [tilespmem:s19+$0x1900]  }
0x9a: {  	v2 =	vld [tilespmem:s17+$0x0]  }
0x9b: {  	v3 =	vld [tilespmem:s19+$0x3200]  }
0x9c: {  	v4 =	vld [tilespmem:s19+$0x4B00]  }
0x9d: {  	v5 =	vld [tilespmem:s19+$0x6400]  }
0x9e: {  	v6 =	vld [tilespmem:s19+$0x7D00]  }
0x9f: {  	v7 =	vld [tilespmem:s19+$0x9600]  }
0xa0: {  	v8 =	vld [tilespmem:s19+$0xAF00]  }
0xa1: {  	v9 =	vld [tilespmem:s19+$0xC800]  }
0xa2: {  	v10 =	vld [tilespmem:s19+$0xE100]  }
0xa3: {  	v11 =	vld [tilespmem:s19+$0xFA00]  }
0xa4: {  	v12 =	vld [tilespmem:s19+$0x11300]  }
0xa5: {  	v13 =	vld [tilespmem:s19+$0x12C00]  }
0xa6: {  	v14 =	vld [tilespmem:s19+$0x14500]  }
0xa7: {  	s18 =	simm.s32 $0x10;
	v15 =	vld [tilespmem:s19+$0x15E00]  }
.LBB2_11:
0xa8: {  	p0 =	sne.s32 s18, $0x18F0;
	v16 =	vld [tilespmem:s19+$0x17700];
	_ =	sdelay $0x1  }
0xa9: {  	v1 =	vadd.f32 v1, v2;
	v2 =	vadd.f32 v4, v3  }
0xaa: {  	v3 =	vadd.f32 v6, v5;
	v4 =	vadd.f32 v8, v7  }
0xab: {  	v5 =	vadd.f32 v10, v9;
	v6 =	vadd.f32 v12, v11  }
0xac: {  	v7 =	vadd.f32 v14, v13;
	v8 =	vadd.f32 v16, v15  }
0xad: {  	v1 =	vadd.f32 v2, v1;
	v2 =	vadd.f32 v4, v3  }
0xae: {  	v3 =	vadd.f32 v6, v5;
	v4 =	vadd.f32 v8, v7;
	_ =	sdelay $0x1  }
0xaf: {  	v1 =	vadd.f32 v2, v1;
	v2 =	vadd.f32 v4, v3;
	_ =	sdelay $0x1  }
0xb0: {  	v1 =	vadd.f32 v2, v1;
	_ =	sdelay $0x1  }
0xb1: {  	s19 =	sand.u32 $0x1FF0, s18;
	[tilespmem:s17+$0x0] =	vst v1  }
0xb2: {  	s17 =	sadd.s32 $0x10, s17;
	v1 =	vld [tilespmem:s19+$0x1900]  }
0xb3: {  	v2 =	vld [tilespmem:s17+$0x0]  }
0xb4: {  	v3 =	vld [tilespmem:s19+$0x3200]  }
0xb5: {  	v4 =	vld [tilespmem:s19+$0x4B00]  }
0xb6: {  	v5 =	vld [tilespmem:s19+$0x6400]  }
0xb7: {  	v6 =	vld [tilespmem:s19+$0x7D00]  }
0xb8: {  	v7 =	vld [tilespmem:s19+$0x9600]  }
0xb9: {  	v8 =	vld [tilespmem:s19+$0xAF00]  }
0xba: {  	v9 =	vld [tilespmem:s19+$0xC800]  }
0xbb: {  	v10 =	vld [tilespmem:s19+$0xE100]  }
.Ltmp4:
0xbc: {  	v11 =	vld [tilespmem:s19+$0xFA00];
	(pc) =	sbr.rel @p0 .LBB2_11-.Ltmp4, $4  }
0xbd: {  	v12 =	vld [tilespmem:s19+$0x11300]  }
0xbe: {  	v13 =	vld [tilespmem:s19+$0x12C00]  }
0xbf: {  	v14 =	vld [tilespmem:s19+$0x14500]  }
0xc0: {  	s18 =	sadd.s32 $0x10, s18;
	v15 =	vld [tilespmem:s19+$0x15E00]  }
0xc1: {  	v16 =	vld [tilespmem:s19+$0x17700];
	_ =	sdelay $0x1  }
0xc2: {  	v1 =	vadd.f32 v1, v2;
	v2 =	vadd.f32 v4, v3  }
0xc3: {  	v3 =	vadd.f32 v6, v5;
	v58 =	vadd.f32 v8, v7  }
0xc4: {  	v59 =	vadd.f32 v10, v9;
	v60 =	vadd.f32 v12, v11  }
0xc5: {  	v61 =	vadd.f32 v14, v13;
	v62 =	vadd.f32 v16, v15  }
0xc6: {  	v1 =	vadd.f32 v2, v1;
	v2 =	vadd.f32 v58, v3  }
0xc7: {  	v3 =	vadd.f32 v60, v59;
	v63 =	vadd.f32 v62, v61;
	_ =	sdelay $0x1  }
0xc8: {  	v1 =	vadd.f32 v2, v1;
	v2 =	vadd.f32 v63, v3;
	_ =	sdelay $0x1  }
0xc9: {  	s16 =	sadd.s32 $0x1, s16;
	v1 =	vadd.f32 v2, v1  }
0xca: {  	p0 =	sne.s32 s16, s10  }
.Ltmp5:
0xcb: {  	[tilespmem:s17+$0x0] =	vst v1;
	(pc) =	sbr.rel @p0 .LBB2_1-.Ltmp5, $4  }
0xcc: {  	[hbm4b:s9+s3] =	stream.linear.scatter [tilespmem:s3], [sflag:$0x4], $0x1900, $0x38;
	[tilespmem:$0x1B000] =	vst v63  }
0xcd: {  	_ =	swait.ge [sflag:s14], $0x1900  }
0xce: {  	[sflag:s14] =	ssyncset.done $0x0  }
0xcf: {  	[sflag:s14] =	ssyncadd.s32 $0xFFFFE700  }
0xd0: {  	_ =	sfence.sel $0x180000  }
0xd1: {  	[bflag:$0x0] =	sbarrier.arrive $0xFFFF  }
0xd2: {  	p0 =	sne.s32 s0, $0x0;
	_ =	strace $0x9000004A  }
0xd3: {  	s0 =	sadd.s32 @!p0 $0x100000, s1;
	[bflag:$0x2] =	sbarrier.arrive $0xFFFF  }
0xd4: {  	[sflag:s0] =	ssyncadd.tile.s32 @!p0 $0x1;
	_ =	shalt  }
.Lfunc_end2:
_tile_overlayer_lowered:
.L_overlay_start_2:
0xd5: {  	(tag) =	ssettag $0x2  }
0xd6: {  	s0 =	rddreg [dreg:$0x0];
	s2 =	stileid.u32  }
0xd7: {  	s1 =	rddreg [dreg:$0x1];
	p0 =	sne.s32 s2, $0x0  }
0xd8: {  	s3 =	rddreg [dreg:$0x2];
	[bflag:$0x3] =	sbarrier.arrive $0xFFFF;
	s2 =	simm.s32 @!p0 $0x1C04  }
0xd9: {  	[timem:s3], [sflag:s2] =	dma.local @!p0 [hbm:s0], s1  }
0xda: {  	s0 =	simm.s32 @!p0 $0x4  }
0xdb: {  	_ =	swait.ge @!p0 [sflag:s0], s1  }
0xdc: {  	s1 =	ssub.s32 @!p0 $0x0, s1;
	[sflag:s0] =	ssyncset.done @!p0 $0x0  }
0xdd: {  	[sflag:s0] =	ssyncadd.s32 @!p0 s1  }
0xde: {  	[bflag:$0x3] =	sbarrier.arrive $0xFFFF  }
0xdf: {  	_ =	shalt  }

// kernel: sparse-core-data-format-call.cloned.1.call-start
scs
called_computation_lowered:
.L_overlay_start_0:
0x0: {  	s2 =	sld [smem:$0x3FD9]  }
0x1: {  	s3 =	sld [smem:$0x3FFE];
	_ =	sdelay $0x1  }
0x2: {  	s1 =	srdreg.scid  }
0x3: {  	s0 =	sand.u32 $0x1, s1  }
0x4: {  	s18 =	sshll.u32 s0, $0xA;
	s2 =	sadd.s32 s3, s2  }
0x5: {  	s2 =	sadd.s32 s2, s18  }
0x6: {  	[smem:$0x3FBC] =	sst s2  }
0x7: {  	_ = 	snop  }
0x8: {  	s2 =	sld [smem:$0x3FC8];
	(tm) =	ssettm $0x1  }
0x9: {  	s19 =	sld [smem:$0x3FFB];
	_ =	sdelay $0x3  }
0xa: {  	_ =	strace s19  }
0xb: {  	s3 =	sld [smem:$0x3FFC];
	_ =	sdelay $0x3  }
0xc: {  	_ =	strace s3  }
0xd: {  	s3 =	sld [smem:$0x3FFD];
	_ =	sdelay $0x3  }
0xe: {  	_ =	strace s3  }
0xf: {  	_ =	strace $0x8FFFFFFF  }
0x10: {  	s20 =	sld [smem:$0x3FDB];
	_ =	sdelay $0x1  }
0x11: {  	s4 =	simm.s32 $_scs_section_size  }
0x12: {  	s5 =	simm.s32 $_size__tile_overlayer_lowered;
	s6 =	simm.s32 $_tile_overlayer_lowered  }
0x13: {  	s23 =	simm.s32 $0x1BFF;
	s22 =	sshll.u32 s6, $0x1;
	s3 =	sadd.s32 s4, s20  }
0x14: {  	s7 =	simm.s32 $0x0;
	s21 =	sshll.u32 s5, $0x1;
	s5 =	sadd.s32 s22, s3  }
0x15: {  	[timem:s7], [sflag:s23] =	dma.local [hbm:s5], s21  }
0x16: {  	_ =	swait.ge [sflag:s23], s21  }
0x17: {  	s4 =	ssub.s32 $0x0, s21;
	[sflag:s23] =	ssyncset.done $0x0  }
0x18: {  	[sflag:s23] =	ssyncadd.s32 s4;
	_ =	sdelay $0x1  }
0x19: {  	s24 =	simm.s32 $0x1B8B  }
0x1a: {  	_ =	swait.ge [sflag:s24], $0x1  }
0x1b: {  	[sflag:s24] =	ssyncset.done $0x0  }
0x1c: {  	s26 =	simm.s32 $0x1B8E;
	s25 =	sld [smem:$0x3FFE];
	[sflag:s24] =	ssyncadd.s32 $0xFFFFFFFF  }
0x1d: {  	s27 =	simm.s32 $execute0_lowered;
	[smem:$0x3FD2] =	sst s26  }
0x1e: {  	s5 =	sshll.u32 s27, $0x1;
	_ =	strace $0x80000046;
	[dreg:$0x1] =	wrdreg $0xFFFFFFFF  }
0x1f: {  	s28 =	simm.s32 $_size_execute0_lowered;
	s3 =	sadd.s32 s3, s5;
	[dreg:$0x0] =	wrdreg $0x0  }
0x20: {  	s5 =	sshll.u32 s28, $0x1;
	[dreg:$0x2] =	wrdreg s3  }
0x21: {  	[dreg:$0x3] =	wrdreg s5  }
0x22: {  	[dreg:$0x4] =	wrdreg $0xC0  }
0x23: {  	_ =	task [dreg:s7], $0x5FFFF  }
0x24: {  	[dreg:$0x1] =	wrdreg $0xFFFFFFFF  }
0x25: {  	[dreg:$0x0] =	wrdreg $0x60  }
0x26: {  	[dreg:$0x2] =	wrdreg s2  }
0x27: {  	[dreg:$0x3] =	wrdreg s25  }
0x28: {  	[dreg:$0x4] =	wrdreg $0x9  }
0x29: {  	_ =	task.clear_ibuf [dreg:s7], $0x5FFFF;
	_ =	strace $0x90000046  }
0x2a: {  	s29 =	simm.s32 $0x9;
	_ =	strace $0x80000048  }
0x2b: {  	_ =	swait.ge [sflag:s29], $0x1  }
0x2c: {  	[sflag:s29] =	ssyncadd.s32 $0xFFFFFFFF  }
0x2d: {  	_ =	strace $0x90000048  }
0x2e: {  	_ =	sfence  }
0x2f: {  	s30 =	sld [smem:$0x0];
	_ =	sdelay $0x2  }
0x30: {  	s31 =	sshll.u32 s1, $0xD;
	s1 =	sshrl.u32 s1, $0x2  }
0x31: {  	s3 =	sand.u32 $0x4000, s31;
	s1 =	sadd.s32 s1, s30  }
0x32: {  	s0 =	sor.u32 s3, s0;
	s1 =	sshll.u32 s1, $0x11  }
0x33: {  	s0 =	sor.u32 s1, s0  }
0x34: {  	s0 =	sadd.s32 $0x8F2B, s0  }
0x35: {  	[sflag:s0] =	ssyncadd.remote.s32 $0x1  }
0x36: {  	_ =	sfence.sel $0xFFFF  }
0x37: {  	[dreg:$0x0] =	wrdreg $0xFFFFFFFF;
	(pc) =	sbr.abs _section_cstart, $3  }
0x38: {  	[dreg:$0x1] =	wrdreg $0xFFFFFFFF  }
0x39: {  	_ =	task.clear_ibuf [dreg:s7], $0x2FFFF;
	_ =	strace $0x9FFFFFFF  }
0x3a: {  	(tm) =	ssettm $0x7FFFFFFF  }
0x3b: {  	_ =	shalt  }
tec
execute0_lowered:
.L_overlay_start_1:
0x0: {  	(tag) =	ssettag $0x1  }
0x1: {  	s0 =	stileid.u32;
	s7 =	rddreg [dreg:$0x0]  }
0x2: {  	s1 =	srdreg.scid;
	s4 =	rddreg [dreg:$0x1]  }
0x3: {  	s30 =	simm.s32 $0x2;
	s10 =	simm.s32 $0x0;
	s14 =	simm.s32 $0x0  }
0x4: {  	s15 =	simm.s32 $0x0;
	s11 =	simm.s32 $0x0;
	s13 =	simm.s32 $0x0  }
0x5: {  	s2 =	sand.u32 $0x1, s1;
	s3 =	sshll.u32 s0, $0x7;
	s1 =	rddreg [dreg:$0x2]  }
0x6: {  	_ =	strace $0x80000047;
	s5 =	ssub.s32 $0xC300, s3;
	s6 =	ssub.s32 $0x2, s2  }
.Ltmp0:
0x7: {  	s5 =	sshrl.u32 s5, $0xB;
	s8 =	sshrl.u32 s6, $0x1;
	(pc) =	sbr.rel .LBB1_1-.Ltmp0, $4  }
0x8: {  	s4 =	sadd.s32 $0x3E00, s4;
	s9 =	sadd.s32 $0x1, s5;
	s6 =	ssub.s32 s6, s8  }
0x9: {  	s31 =	sshll.u32 s2, $0x4;
	s5 =	simm.s32 $0x1;
	s6 =	smul.u32 s9, s6  }
0xa: {  	s12 =	smov.u32 s3;
	s7 =	sadd.s32 s7, s31;
	[sflag:s5] =	ssyncpa.u1 $0x0  }
0xb: {  	s9 =	simm.s32 $0x0;
	[sflag:s30] =	ssyncpa.u1 $0x0;
	s8 =	sadd.s32 $0x1, s6  }
.LBB1_4:
0xc: {  	s21 =	simm.s32 $0x0  }
.LBB1_8:
0xd: {  	_ =	sdelay $0x3  }
0xe: {  	v6 =	vld [tilespmem:s18+$0xFFFFFFC0];
	[tilespmem:v0+s20+$0x30 ss:$0x1] =	vst.idx.msk @p0 $0xffff, v2  }
0xf: {  	v58 =	vld [tilespmem:s18+$0xFFFFFFD0];
	[tilespmem:v0+s20+$0x40 ss:$0x1] =	vst.idx.msk @p0 $0xffff, v3;
	s21 =	sadd.s32 @p0 $0x80, s21  }
0x10: {  	v59 =	vld [tilespmem:s18+$0xFFFFFFE0];
	[tilespmem:v0+s20+$0x50 ss:$0x1] =	vst.idx.msk @p0 $0xffff, v5;
	s19 =	smov.u32 @p0 s21  }
0x11: {  	v60 =	vld [tilespmem:s18+$0xFFFFFFF0];
	[tilespmem:v0+s20+$0x60 ss:$0x1] =	vst.idx.msk @p0 $0xffff, v4;
	s19 =	sand.u32 $0x3F80, s19  }
0x12: {  	v61 =	vld [tilespmem:s18+$0x0];
	[tilespmem:v0+s19+$0x70 ss:$0x1] =	vst.idx.msk $0xffff, v1  }
0x13: {  	v62 =	vld [tilespmem:s18+$0x10];
	[tilespmem:v0+s19+$0x0 ss:$0x1] =	vst.idx.msk $0xffff, v6  }
0x14: {  	v63 =	vld [tilespmem:s18+$0x20];
	[tilespmem:v0+s19+$0x10 ss:$0x1] =	vst.idx.msk $0xffff, v58  }
0x15: {  	[tilespmem:v0+s19+$0x20 ss:$0x1] =	vst.idx.msk $0xffff, v59  }
0x16: {  	[tilespmem:v0+s19+$0x30 ss:$0x1] =	vst.idx.msk $0xffff, v60  }
0x17: {  	[tilespmem:v0+s19+$0x40 ss:$0x1] =	vst.idx.msk $0xffff, v61  }
0x18: {  	[tilespmem:v0+s19+$0x50 ss:$0x1] =	vst.idx.msk $0xffff, v62  }
0x19: {  	[tilespmem:v0+s19+$0x60 ss:$0x1] =	vst.idx.msk $0xffff, v63  }
.LBB1_9:
0x1a: {  	s18 =	sand.u32 $0x1FFFFFF, s11  }
0x1b: {  	s19 =	smulhi.u32 $0x14F8B59, s18;
	_ =	sdelay $0x1  }
0x1c: {  	s19 =	sshrl.u32 s19, $0x8  }
0x1d: {  	s19 =	smul.u32 $0xC350, s19  }
0x1e: {  	s15 =	smul.u32 $0xC3500, s15  }
0x1f: {  	s18 =	ssub.s32 s18, s19  }
0x20: {  	s15 =	sadd.s32 s4, s15;
	s18 =	sshll.u32 s18, $0x4  }
0x21: {  	s15 =	sadd.s32 s18, s15  }
0x22: {  	[hbm4b:s15+s9] =	stream.linear.scatter [tilespmem:s17], [sflag:$0x2], s16, $0x38;
	[tilespmem:$0x10000] =	vst v63  }
.LBB1_10:
0x23: {  	p0 =	slt.u32 s13, $0x2  }
0x24: {  	p1 =	sgt.s32 @!p0 s14, $0xC2D0  }
0x25: {  	s15 =	smov.u32 s14;
	s16 =	sshra.s32 @!p0 s14, $0x1F;
	p1 =	por !p1, p0  }
0x26: {  	s14 =	sand.u32 @!p0 s16, s14;
	s15 =	simm.s32 @p1 $0xC2D0  }
0x27: {  	s14 =	ssub.s32 @!p0 s15, s14  }
0x28: {  	s14 =	sadd.s32 @!p0 $0xFFFF3D30, s14  }
0x29: {  	s15 =	sshll.u32 @!p0 s14, $0x7  }
0x2a: {  	p1 =	sgt.s32 @!p0 s14, $0x7F;
	s14 =	ssub.s32 @!p0 $0x4000, s15  }
0x2b: {  	s16 =	sadd.s32 $0x800, s12;
	p1 =	por !p1, p0;
	s14 =	sand.u32 @!p0 $0x3FFFFF80, s14  }
0x2c: {  	s14 =	simm.s32 @!p1 $0x0;
	p1 =	sgt.s32 s16, $0xC34F  }
0x2d: {  	s16 =	smov.u32 @p1 s3;
	p1 =	sne.s32 s13, s8  }
.Ltmp1:
0x2e: {  	_ = 	snop;
	(pc) =	sbr.rel @!p1 .LBB1_11-.Ltmp1, $4  }
0x2f: {  	s10 =	sadd.s32 $0x4000, s10;
	s15 =	simm.s32 @!p0 $0x2  }
0x30: {  	_ =	swait.ge @!p0 [sflag:s15], s14;
	s17 =	ssub.s32 @!p0 $0x0, s14;
	s14 =	smov.u32 s11  }
0x31: {  	s13 =	sadd.s32 $0x1, s13;
	s11 =	smov.u32 s12;
	[sflag:s15] =	ssyncset.done @!p0 $0x0  }
0x32: {  	s12 =	smov.u32 s16;
	[sflag:s15] =	ssyncadd.s32 @!p0 s17;
	s15 =	smov.u32 s2  }
.LBB1_1:
0x33: {  	p0 =	sge.u32 s13, s6  }
0x34: {  	p1 =	sgt.s32 @!p0 s12, $0xC2D0  }
0x35: {  	s16 =	smov.u32 s12;
	s17 =	sshra.s32 @!p0 s12, $0x1F;
	p1 =	por !p1, p0  }
0x36: {  	s17 =	sand.u32 @!p0 s17, s12;
	s16 =	simm.s32 @p1 $0xC2D0  }
0x37: {  	s16 =	ssub.s32 @!p0 s16, s17  }
0x38: {  	s31 =	sadd.s32 $0xFFFFFFFF, s13;
	s18 =	sxor.u32 @!p0 $0xFFFFFFFF, s13;
	s16 =	sadd.s32 @!p0 $0xFFFF3D30, s16  }
0x39: {  	s19 =	simm.s32 @!p0 $0x80;
	s20 =	simm.s32 @!p0 $0x100;
	s17 =	sshll.u32 @!p0 s16, $0x7  }
0x3a: {  	p1 =	sgt.s32 @!p0 s16, $0x7F;
	s16 =	ssub.s32 @!p0 $0x4000, s17;
	s17 =	sshll.u32 @!p0 s18, $0xE  }
0x3b: {  	p1 =	por !p1, p0;
	s18 =	sshll.u32 @!p0 s12, $0x5;
	s16 =	sand.u32 @!p0 $0x3FFFFF80, s16  }
0x3c: {  	s17 =	sand.u32 @!p0 $0x4000, s17;
	s18 =	sadd.s32 @!p0 s18, s7;
	s16 =	simm.s32 @!p1 $0x0  }
0x3d: {  	[tilespmem:s17], [sflag:$0x1] =	stream.strided.gather @!p0 [hbm4b:s18+s19], s16, s20, s19, $0x38;
	[tilespmem:$0x10000] =	vst v63  }
0x3e: {  	p0 =	sge.u32 s31, s6  }
.Ltmp2:
0x3f: {  	_ = 	snop;
	(pc) =	sbr.rel @p0 .LBB1_10-.Ltmp2, $1  }
0x40: {  	_ =	sdelay $0x3  }
0x41: {  	p0 =	sgt.s32 s11, $0xC2D0;
	s16 =	smov.u32 s11;
	s17 =	sshra.s32 s11, $0x1F  }
0x42: {  	s16 =	simm.s32 @!p0 $0xC2D0;
	s17 =	sand.u32 s17, s11  }
0x43: {  	s16 =	ssub.s32 s16, s17  }
0x44: {  	s16 =	sadd.s32 $0xFFFF3D30, s16  }
0x45: {  	s30 =	sshll.u32 s16, $0x7  }
0x46: {  	s17 =	ssub.s32 $0x4000, s30  }
0x47: {  	p0 =	sgt.s32 s16, $0x7F;
	s16 =	sand.u32 $0x3FFFFF80, s17;
	s17 =	sadd.s32 $0x80, s11  }
0x48: {  	s16 =	simm.s32 @p0 $0x0;
	p0 =	slt.s32 s17, $0xC350  }
0x49: {  	s17 =	simm.s32 @!p0 $0xC350  }
0x4a: {  	s20 =	ssub.s32 s17, s11  }
0x4b: {  	p0 =	slt.s32 s20, $0x1  }
.Ltmp3:
0x4c: {  	_ = 	snop;
	(pc) =	sbr.rel @p0 .LBB1_9-.Ltmp3, $4  }
0x4d: {  	_ = 	snop  }
0x4e: {  	s19 =	sshll.u32 s13, $0xE;
	_ =	swait.ge [sflag:s5], s16  }
0x4f: {  	s31 =	sand.u32 $0x4000, s19;
	s18 =	ssub.s32 $0x0, s16;
	[sflag:s5] =	ssyncset.done $0x0  }
0x50: {  	s17 =	sor.u32 $0x8000, s31;
	[sflag:s5] =	ssyncadd.s32 s18  }
0x51: {  	p1 =	sne.s32 s20, $0x1  }
.Ltmp4:
0x52: {  	v0 =	vmov s17;
	(pc) =	sbr.rel @!p1 .LBB1_4-.Ltmp4, $4  }
0x53: {  	_ = 	snop  }
0x54: {  	s18 =	sand.u32 $0x4000, s10  }
0x55: {  	s18 =	sor.u32 $0x40, s18  }
0x56: {  	s19 =	simm.s32 $0x0;
	s21 =	sadd.s32 $0xFFFFFFFF, s20;
	p0 =	por $0x0, $0x0;
	v1 =	vld [tilespmem:s18+$0x30]  }
0x57: {  	v4 =	vld [tilespmem:s18+$0xFFFFFFC0]  }
0x58: {  	v6 =	vld [tilespmem:s18+$0xFFFFFFD0]  }
0x59: {  	v7 =	vld [tilespmem:s18+$0xFFFFFFE0];
	p1 =	sne.s32 s21, $0x1  }
.Ltmp5:
0x5a: {  	v2 =	vld [tilespmem:s18+$0xFFFFFFF0];
	s20 =	sand.u32 $0x3F80, s19;
	(pc) =	sbr.rel @!p1 .LBB1_6-.Ltmp5, $4  }
0x5b: {  	v3 =	vld [tilespmem:s18+$0x0];
	[tilespmem:v0+s20+$0x70 ss:$0x1] =	vst.idx.msk $0xffff, v1  }
0x5c: {  	v5 =	vld [tilespmem:s18+$0x10];
	[tilespmem:v0+s20+$0x0 ss:$0x1] =	vst.idx.msk $0xffff, v4  }
0x5d: {  	v4 =	vld [tilespmem:s18+$0x20];
	[tilespmem:v0+s20+$0x10 ss:$0x1] =	vst.idx.msk $0xffff, v6;
	s18 =	sadd.s32 $0x80, s18  }
0x5e: {  	s22 =	sadd.s32 $0xFFFFFFFF, s21;
	p0 =	por $0x1, $0x1;
	s21 =	simm.s32 $0x0;
	[tilespmem:v0+s20+$0x20 ss:$0x1] =	vst.idx.msk $0xffff, v7;
	v1 =	vld [tilespmem:s18+$0x30]  }
.LBB1_7:
0x5f: {  	p1 =	sne.s32 s22, $0x1;
	v6 =	vld [tilespmem:s18+$0xFFFFFFC0];
	[tilespmem:v0+s20+$0x30 ss:$0x1] =	vst.idx.msk $0xffff, v2  }
0x60: {  	v7 =	vld [tilespmem:s18+$0xFFFFFFD0];
	[tilespmem:v0+s20+$0x40 ss:$0x1] =	vst.idx.msk $0xffff, v3  }
0x61: {  	s21 =	sadd.s32 $0x80, s21;
	v8 =	vld [tilespmem:s18+$0xFFFFFFE0];
	[tilespmem:v0+s20+$0x50 ss:$0x1] =	vst.idx.msk $0xffff, v5  }
.Ltmp6:
0x62: {  	v2 =	vld [tilespmem:s18+$0xFFFFFFF0];
	[tilespmem:v0+s20+$0x60 ss:$0x1] =	vst.idx.msk $0xffff, v4;
	s20 =	sand.u32 $0x3F80, s21;
	(pc) =	sbr.rel @p1 .LBB1_7-.Ltmp6, $4  }
0x63: {  	v3 =	vld [tilespmem:s18+$0x0];
	[tilespmem:v0+s20+$0x70 ss:$0x1] =	vst.idx.msk $0xffff, v1  }
0x64: {  	[tilespmem:v0+s20+$0x0 ss:$0x1] =	vst.idx.msk $0xffff, v6;
	v5 =	vld [tilespmem:s18+$0x10]  }
0x65: {  	[tilespmem:v0+s20+$0x10 ss:$0x1] =	vst.idx.msk $0xffff, v7;
	v4 =	vld [tilespmem:s18+$0x20];
	s18 =	sadd.s32 $0x80, s18  }
0x66: {  	s22 =	sadd.s32 $0xFFFFFFFF, s22;
	v1 =	vld [tilespmem:s18+$0x30];
	[tilespmem:v0+s20+$0x20 ss:$0x1] =	vst.idx.msk $0xffff, v8  }
.Ltmp7:
0x67: {  	_ = 	snop;
	(pc) =	sbr.rel .LBB1_8-.Ltmp7, $1  }
0x68: {  	_ =	sdelay $0x3  }
.LBB1_6:
.Ltmp8:
0x69: {  	(pc) =	sbr.rel .LBB1_8-.Ltmp8, $2  }
0x6a: {  	_ =	sdelay $0x2  }
0x6b: {  	s21 =	simm.s32 $0x0  }
.LBB1_11:
0x6c: {  	_ =	sfence.sel $0x180000  }
0x6d: {  	s2 =	simm.s32 $0x1;
	[bflag:$0x0] =	sbarrier.arrive $0xFFFF  }
0x6e: {  	s31 =	simm.s32 $0x2;
	[sflag:s2] =	ssyncpa.u1 $0x1  }
0x6f: {  	[sflag:s31] =	ssyncpa.u1 $0x1  }
0x70: {  	p0 =	sne.s32 s0, $0x0;
	_ =	strace $0x90000047  }
0x71: {  	s0 =	sadd.s32 @!p0 $0x100000, s1;
	[bflag:$0x2] =	sbarrier.arrive $0xFFFF  }
0x72: {  	[sflag:s0] =	ssyncadd.tile.s32 @!p0 $0x1;
	_ =	shalt  }
.Lfunc_end1:
_tile_overlayer_lowered:
.L_overlay_start_2:
0x73: {  	(tag) =	ssettag $0x2  }
0x74: {  	s0 =	rddreg [dreg:$0x0];
	s2 =	stileid.u32  }
0x75: {  	s1 =	rddreg [dreg:$0x1];
	p0 =	sne.s32 s2, $0x0  }
0x76: {  	s3 =	rddreg [dreg:$0x2];
	[bflag:$0x3] =	sbarrier.arrive $0xFFFF;
	s2 =	simm.s32 @!p0 $0x1C01  }
0x77: {  	[timem:s3], [sflag:s2] =	dma.local @!p0 [hbm:s0], s1  }
0x78: {  	s0 =	simm.s32 @!p0 $0x1  }
0x79: {  	_ =	swait.ge @!p0 [sflag:s0], s1  }
0x7a: {  	s1 =	ssub.s32 @!p0 $0x0, s1;
	[sflag:s0] =	ssyncset.done @!p0 $0x0  }
0x7b: {  	[sflag:s0] =	ssyncadd.s32 @!p0 s1  }
0x7c: {  	[bflag:$0x3] =	sbarrier.arrive $0xFFFF  }
0x7d: {  	_ =	shalt  }

</sc_bundles>
